<compile_context>
chip_gen: v7x
topology: tpu7x:2x2x1
jax: 0.10.2.dev20260603
libtpu: 0.0.44.dev20260713+nightly
codegen_flags: <defaults>
</compile_context>

<pallas_src>
import jax
import jax.numpy as jnp
from jax import lax
from jax.experimental import pallas as pl
from jax.experimental.pallas import tpu as pltpu
from jax.experimental.pallas import tpu_sc as plsc

B = 8192
T = 65536
D = 192
INNER = 384
NUM = 14
TILE = 256
GRID = B // TILE
W = 128

ST_OFF = 65


def _gelu(x):
    return 0.5 * x * (1.0 + jax.lax.erf(x / jnp.sqrt(2.0).astype(x.dtype)))


def _tc_body(bnd_ref, bid_ref, nf_ref,
             cm_ref, cc_ref, ccd_ref, cef_ref, c5_ref, csn_ref,
             bemb_ref, tm_ref, tc_ref, tcd_ref, tef_ref, t5_ref, tsn_ref,
             w1_ref, b1_ref, w2_ref, b2_ref, lng_ref, lnb_ref,
             wo1_ref, bo1_ref, wo2_ref, bo2_ref,
             out_ref):
    f32 = jnp.float32

    bnd = bnd_ref[0]
    rows = (jax.lax.broadcasted_iota(jnp.int32, (TILE, 1), 0)
            + pl.program_id(0) * TILE)
    m0 = jnp.logical_and(rows >= bnd[0], rows <= bnd[1]).astype(f32)
    m1 = jnp.logical_and(rows >= bnd[2], rows <= bnd[3]).astype(f32)

    def csum(cref):
        return cref[0] * m0 + cref[1] * m1

    s5 = csum(c5_ref)
    c = jnp.sum(s5[:, ST_OFF:ST_OFF + 7], axis=-1, keepdims=True)

    pooled = jnp.dot(s5, t5_ref[...], preferred_element_type=f32)
    pooled += jnp.dot(csum(csn_ref), tsn_ref[...], preferred_element_type=f32)

    def msum129(cref, tref):
        cs = csum(cref)
        main = jnp.dot(cs, tref[0:128, :], preferred_element_type=f32)
        over = c - jnp.sum(cs, axis=-1, keepdims=True)
        return main + over * tref[128:129, :]

    pooled += msum129(cm_ref, tm_ref)
    pooled += msum129(cc_ref, tc_ref)
    pooled += msum129(ccd_ref, tcd_ref)
    pooled += msum129(cef_ref, tef_ref)

    pooled = jnp.where(c > 0.0, pooled / jnp.maximum(c, 1.0), 0.0)

    bid = bid_ref[0, 0, :]
    oh = (bid[:, None] == jax.lax.broadcasted_iota(jnp.int32, (TILE, 9), 1))
    base = jnp.dot(oh.astype(f32), bemb_ref[...], preferred_element_type=f32)

    nf = nf_ref[...]
    h1 = _gelu(jnp.dot(nf, w1_ref[...], preferred_element_type=f32) + b1_ref[...])
    num = jnp.dot(h1, w2_ref[...], preferred_element_type=f32) + b2_ref[...]

    combined = base + pooled + num

    m = jnp.mean(combined, axis=-1, keepdims=True)
    v = jnp.mean((combined - m) ** 2, axis=-1, keepdims=True)
    h = (combined - m) * jax.lax.rsqrt(v + 1e-5) * lng_ref[...] + lnb_ref[...]

    h2 = _gelu(jnp.dot(h, wo1_ref[...], preferred_element_type=f32) + bo1_ref[...])
    out_ref[...] = jnp.dot(h2, wo2_ref[...], preferred_element_type=f32) + bo2_ref[...]


def _tile_spec():
    return pl.BlockSpec((2, TILE, W), lambda i: (0, i, 0))


def _full_spec(shape):
    nd = len(shape)
    return pl.BlockSpec(shape, lambda i, _n=nd: (0,) * _n)


@jax.jit
def _tc_fused(bnd_tc, base_ids, numeric, counts, bemb_p,
              tm, tcap, tcd, tef, t5, tsn,
              W1, b1, W2, b2, ln_g, ln_b, Wo1, bo1, Wo2, bo2):
    cm, cc, ccd, cef, c5, csn = counts
    bid3 = base_ids.reshape(GRID, 1, TILE)
    in_specs = [
        _full_spec((1, 128)),
        pl.BlockSpec((1, 1, TILE), lambda i: (i, 0, 0)),
        pl.BlockSpec((TILE, NUM), lambda i: (i, 0)),
        _tile_spec(), _tile_spec(), _tile_spec(),
        _tile_spec(), _tile_spec(), _tile_spec(),
        _full_spec((9, D)),
        _full_spec((129, D)), _full_spec((129, D)), _full_spec((129, D)),
        _full_spec((129, D)),
        _full_spec((W, D)), _full_spec((W, D)),
        _full_spec((NUM, INNER)), _full_spec((INNER,)),
        _full_spec((INNER, D)), _full_spec((D,)),
        _full_spec((D,)), _full_spec((D,)),
        _full_spec((D, INNER)), _full_spec((INNER,)),
        _full_spec((INNER, D)), _full_spec((D,)),
    ]
    return pl.pallas_call(
        _tc_body,
        grid=(GRID,),
        in_specs=in_specs,
        out_specs=pl.BlockSpec((TILE, D), lambda i: (i, 0)),
        out_shape=jax.ShapeDtypeStruct((B, D), jnp.float32),
    )(bnd_tc, bid3, numeric, cm, cc, ccd, cef, c5, csn, bemb_p,
      tm, tcap, tcd, tef, t5, tsn,
      W1, b1, W2, b2, ln_g, ln_b, Wo1, bo1, Wo2, bo2)



NC = 2
NS = 16
NW = NC * NS
CHUNK = T // NW
SEGS_PER_SUB = B // NS
STRIPE = SEGS_PER_SUB * W
GARB = B * W
_ZWORDS = 4096


def _sc_hist_body(bnd_hbm, seg_hbm,
                  m_hbm, c_hbm, cd_hbm, ef_hbm, e_hbm, st_hbm, sn_hbm,
                  o_m, o_c, o_cd, o_ef, o_5, o_sn,
                  shared, seg_v, ids_v, idx_v, ones_v, zeros_v, bnd_v):
    cid = lax.axis_index("c")
    sid = lax.axis_index("s")
    wid = cid * NS + sid
    base = wid * CHUNK

    zero16 = jnp.zeros((16,), jnp.float32)

    def zinit(i, carry):
        zeros_v[pl.ds(i * 16, 16)] = zero16
        return carry

    lax.fori_loop(0, _ZWORDS // 16, zinit, 0)
    for k in range(8):
        ones_v[pl.ds(k * 16, 16)] = jnp.ones((16,), jnp.float32)

    pltpu.sync_copy(seg_hbm.at[pl.ds(base, CHUNK)], seg_v)

    pltpu.sync_copy(bnd_hbm.at[pl.ds(cid * 16, 16)], bnd_v)
    bv = bnd_v[pl.ds(0, 16)]
    lo = bv[0]
    hi = bv[1]
    row0 = sid * SEGS_PER_SUB
    active = jnp.logical_and(row0 <= hi, row0 + SEGS_PER_SUB > lo)

    passes = (
        ((m_hbm, 0, True),), ((c_hbm, 0, True),), ((cd_hbm, 0, True),),
        ((ef_hbm, 0, True),),
        ((e_hbm, 0, False), (st_hbm, ST_OFF, False)),
        ((sn_hbm, 0, False),),
    )
    outs = (o_m, o_c, o_cd, o_ef, o_5, o_sn)

    for sub, out_ref in zip(passes, outs):
        def zbody(i, carry):
            pltpu.sync_copy(zeros_v,
                            shared.at[pl.ds(sid * STRIPE + i * _ZWORDS, _ZWORDS)])
            return carry

        @pl.when(active)
        def _zero():
            lax.fori_loop(0, STRIPE // _ZWORDS, zbody, 0)

        plsc.subcore_barrier()

        for ids_hbm, off, ovf in sub:
            pltpu.sync_copy(ids_hbm.at[pl.ds(base, CHUNK)], ids_v)

            def jbody(j, carry, _off=off, _ovf=ovf):
                for k in range(8):
                    o = j * 128 + k * 16
                    s16 = seg_v[pl.ds(o, 16)]
                    i16 = ids_v[pl.ds(o, 16)]
                    flat = s16 * W + (i16 + _off)
                    if _ovf:
                        flat = jnp.where(i16 < W, flat, GARB)
                    idx_v[j, pl.ds(k * 16, 16)] = flat
                return carry

            lax.fori_loop(0, 16, jbody, 0)

            def sbody(j, carry):
                pltpu.sync_copy(ones_v, shared.at[idx_v.at[j]], add=True)
                return carry

            lax.fori_loop(0, 16, sbody, 0)

        plsc.subcore_barrier()

        @pl.when(active)
        def _write(_out=out_ref):
            pltpu.sync_copy(shared.at[pl.ds(sid * STRIPE, STRIPE)],
                            _out.at[pl.ds(cid * (B * W) + sid * STRIPE, STRIPE)])


@jax.jit
def _sc_hist(bnd, seg, m, c, cd, ef, e, st, sn):
    mesh = plsc.VectorSubcoreMesh(core_axis_name="c", subcore_axis_name="s")
    f = pl.kernel(
        _sc_hist_body,
        out_type=[jax.ShapeDtypeStruct((NC * B * W,), jnp.float32)
                  for _ in range(6)],
        mesh=mesh,
        scratch_types=[
            pltpu.VMEM_SHARED((B * W + 128,), jnp.float32),
            pltpu.VMEM((CHUNK,), jnp.int32),
            pltpu.VMEM((CHUNK,), jnp.int32),
            pltpu.VMEM((16, 128), jnp.int32),
            pltpu.VMEM((128,), jnp.float32),
            pltpu.VMEM((_ZWORDS,), jnp.float32),
            pltpu.VMEM((16,), jnp.int32),
        ],
    )
    outs = f(bnd, seg, m, c, cd, ef, e, st, sn)
    return tuple(o.reshape(NC, B, W) for o in outs)


def kernel(base_ids, movement_ids, capture_ids, hook_event_ids, condition_ids,
           effect_ids, state_name_ids, state_type_ids, segment_ids,
           numeric_features, base_emb, movement_emb, capture_emb, event_emb,
           condition_emb, effect_emb, sname_emb, stype_emb,
           W1, b1, W2, b2, ln_g, ln_b, Wo1, bo1, Wo2, bo2):
    i32 = jnp.int32
    seg = segment_ids.astype(i32)
    ends = seg[jnp.array([0, T // 2 - 1, T // 2, T - 1])]
    bnd_sc = jnp.zeros((NC, 16), i32).at[0, 0:2].set(ends[0:2]) \
        .at[1, 0:2].set(ends[2:4]).reshape(NC * 16)
    bnd_tc = jnp.zeros((1, 128), i32).at[0, 0:4].set(ends)
    counts = _sc_hist(bnd_sc, seg, movement_ids.astype(i32),
                      capture_ids.astype(i32),
                      condition_ids.astype(i32), effect_ids.astype(i32),
                      hook_event_ids.astype(i32), state_type_ids.astype(i32),
                      state_name_ids.astype(i32))
    t5 = jnp.zeros((W, D), jnp.float32).at[0:65].set(event_emb) \
        .at[ST_OFF:ST_OFF + 7].set(stype_emb)
    tsn = jnp.zeros((W, D), jnp.float32).at[0:65].set(sname_emb)
    return _tc_fused(bnd_tc, base_ids.astype(i32), numeric_features, counts,
                     base_emb, movement_emb, capture_emb, condition_emb,
                     effect_emb, t5, tsn, W1, b1, W2, b2, ln_g, ln_b,
                     Wo1, bo1, Wo2, bo2)

# --- scband reference (transcript-rebuilt; emitter-appended) ---
"""Pipeline reference for scband-dslfeature-encoder-35321811042987 (READ-ONLY COPY).

The authoritative reference and input builder live on the scoring server;
editing this copy changes nothing except your own understanding.
"""

import jax, jax.numpy as jnp
import numpy as np

B = 8192
T = 65536
D = 192
INNER = 384
NUM = 14

def _ln(x, g, b):
    m = jnp.mean(x, axis=-1, keepdims=True)
    v = jnp.var(x, axis=-1, keepdims=True)
    return (x - m) / jnp.sqrt(v + 1e-5) * g + b

def _pool(table, ids, seg):
    vals = jnp.take(table, ids, axis=0)
    s = jax.ops.segment_sum(vals, seg, num_segments=B)
    c = jax.ops.segment_sum(jnp.ones((ids.shape[0],), jnp.float32), seg, num_segments=B)
    return jnp.where(c[:, None] > 0.0, s / jnp.maximum(c, 1.0)[:, None], 0.0)

def setup_inputs(seed: int = 0):
    key = jax.random.key(seed)
    ks = jax.random.split(key, 32)
    inp = {}
    inp["base_ids"] = jax.random.randint(ks[0], (B,), 0, 9)
    inp["movement_ids"] = jax.random.randint(ks[1], (T,), 0, 129)
    inp["capture_ids"] = jax.random.randint(ks[2], (T,), 0, 129)
    inp["hook_event_ids"] = jax.random.randint(ks[3], (T,), 0, 65)
    inp["condition_ids"] = jax.random.randint(ks[4], (T,), 0, 129)
    inp["effect_ids"] = jax.random.randint(ks[5], (T,), 0, 129)
    inp["state_name_ids"] = jax.random.randint(ks[6], (T,), 0, 65)
    inp["state_type_ids"] = jax.random.randint(ks[7], (T,), 0, 7)
    inp["segment_ids"] = jnp.sort(jax.random.randint(ks[8], (T,), 0, B))
    inp["numeric_features"] = jax.random.normal(ks[9], (B, NUM), dtype=jnp.float32)
    inp["base_emb"] = jax.random.normal(ks[10], (9, D), dtype=jnp.float32) * 0.02
    inp["movement_emb"] = jax.random.normal(ks[11], (129, D), dtype=jnp.float32) * 0.02
    inp["capture_emb"] = jax.random.normal(ks[12], (129, D), dtype=jnp.float32) * 0.02
    inp["event_emb"] = jax.random.normal(ks[13], (65, D), dtype=jnp.float32) * 0.02
    inp["condition_emb"] = jax.random.normal(ks[14], (129, D), dtype=jnp.float32) * 0.02
    inp["effect_emb"] = jax.random.normal(ks[15], (129, D), dtype=jnp.float32) * 0.02
    inp["sname_emb"] = jax.random.normal(ks[16], (65, D), dtype=jnp.float32) * 0.02
    inp["stype_emb"] = jax.random.normal(ks[17], (7, D), dtype=jnp.float32) * 0.02
    inp["W1"] = jax.random.normal(ks[18], (NUM, INNER), dtype=jnp.float32) * 0.05
    inp["b1"] = jnp.zeros((INNER,), jnp.float32)
    inp["W2"] = jax.random.normal(ks[19], (INNER, D), dtype=jnp.float32) * 0.05
    inp["b2"] = jnp.zeros((D,), jnp.float32)
    inp["ln_g"] = jnp.ones((D,), jnp.float32)
    inp["ln_b"] = jnp.zeros((D,), jnp.float32)
    inp["Wo1"] = jax.random.normal(ks[20], (D, INNER), dtype=jnp.float32) * 0.05
    inp["bo1"] = jnp.zeros((INNER,), jnp.float32)
    inp["Wo2"] = jax.random.normal(ks[21], (INNER, D), dtype=jnp.float32) * 0.05
    inp["bo2"] = jnp.zeros((D,), jnp.float32)
    return inp

def reference(base_ids, movement_ids, capture_ids, hook_event_ids, condition_ids, effect_ids, state_name_ids, state_type_ids, segment_ids, numeric_features, base_emb, movement_emb, capture_emb, event_emb, condition_emb, effect_emb, sname_emb, stype_emb, W1, b1, W2, b2, ln_g, ln_b, Wo1, bo1, Wo2, bo2):
    combined = jnp.take(base_emb, base_ids, axis=0)
    combined = combined + _pool(movement_emb, movement_ids, segment_ids)
    combined = combined + _pool(capture_emb, capture_ids, segment_ids)
    combined = combined + _pool(event_emb, hook_event_ids, segment_ids)
    combined = combined + _pool(condition_emb, condition_ids, segment_ids)
    combined = combined + _pool(effect_emb, effect_ids, segment_ids)
    combined = combined + _pool(sname_emb, state_name_ids, segment_ids)
    combined = combined + _pool(stype_emb, state_type_ids, segment_ids)
    num = jax.nn.gelu(numeric_features @ W1 + b1, approximate=False) @ W2 + b2
    combined = combined + num
    h = _ln(combined, ln_g, ln_b)
    out = jax.nn.gelu(h @ Wo1 + bo1, approximate=False) @ Wo2 + bo2
    return out

if __name__ == "__main__":
    import jax
    _d = setup_inputs()
    print(jax.jit(kernel)(*tuple(_d.values())))

</pallas_src>

<mosaic_0001>
#map = affine_map<(d0, d1) -> (0)>
module attributes {stable_mosaic.version = 14 : i64} {
  func.func @_sc_hist_body(%arg0: i32, %arg1: i32, %arg2: memref<32xi32, #tpu.memory_space<hbm>>, %arg3: memref<65536xi32, #tpu.memory_space<hbm>>, %arg4: memref<65536xi32, #tpu.memory_space<hbm>>, %arg5: memref<65536xi32, #tpu.memory_space<hbm>>, %arg6: memref<65536xi32, #tpu.memory_space<hbm>>, %arg7: memref<65536xi32, #tpu.memory_space<hbm>>, %arg8: memref<65536xi32, #tpu.memory_space<hbm>>, %arg9: memref<65536xi32, #tpu.memory_space<hbm>>, %arg10: memref<65536xi32, #tpu.memory_space<hbm>>, %arg11: memref<2097152xf32, #tpu.memory_space<hbm>>, %arg12: memref<2097152xf32, #tpu.memory_space<hbm>>, %arg13: memref<2097152xf32, #tpu.memory_space<hbm>>, %arg14: memref<2097152xf32, #tpu.memory_space<hbm>>, %arg15: memref<2097152xf32, #tpu.memory_space<hbm>>, %arg16: memref<2097152xf32, #tpu.memory_space<hbm>>, %arg17: memref<1048704xf32, #tpu.memory_space<vmem_shared>>, %arg18: memref<2048xi32, #tpu.memory_space<vmem>>, %arg19: memref<2048xi32, #tpu.memory_space<vmem>>, %arg20: memref<16x128xi32, #tpu.memory_space<vmem>>, %arg21: memref<128xf32, #tpu.memory_space<vmem>>, %arg22: memref<4096xf32, #tpu.memory_space<vmem>>, %arg23: memref<16xi32, #tpu.memory_space<vmem>>) attributes {dimension_semantics = [#tpu.dimension_semantics<core_parallel>, #tpu.dimension_semantics<subcore_parallel>], iteration_bounds = array<i64: 2, 16>, scalar_prefetch = 0 : i64, scratch_operands = 7 : i64, tpu.core_type = #tpu.core_type<sc_vector_subcore>, window_params = [{transform_indices = #map}, {transform_indices = #map}, {transform_indices = #map}, {transform_indices = #map}, {transform_indices = #map}, {transform_indices = #map}, {transform_indices = #map}, {transform_indices = #map}, {transform_indices = #map}, {transform_indices = #map}, {transform_indices = #map}, {transform_indices = #map}, {transform_indices = #map}, {transform_indices = #map}, {transform_indices = #map}]} {
    %mul3A = arith.constant 16 : i32
    %mul3A_0 = arith.muli %arg0, %mul3A : i32
    %add3A = arith.addi %mul3A_0, %arg1 : i32
    %mul3A_1 = arith.constant 2048 : i32
    %mul3A_2 = arith.muli %add3A, %mul3A_1 : i32
    %broadcast_in_dim3A = arith.constant 0.000000e+00 : f32
    %broadcast_in_dim3A_3 = vector.broadcast %broadcast_in_dim3A : f32 to vector<16xf32>
    %scan3A = arith.constant 0 : i32
    %scan3A_4 = arith.constant 0 : i32
    %scan3A_5 = arith.constant 256 : i32
    %scan3A_6 = arith.addi %scan3A_4, %scan3A_5 : i32
    %scan3A_7 = arith.constant 1 : i32
    scf.for %scan3A_195 = %scan3A_4 to %scan3A_6 step %scan3A_7  : i32 {
      %mul3A_196 = arith.constant 16 : i32
      %mul3A_197 = arith.muli %scan3A_195, %mul3A_196 : i32
      %swap3A_198 = arith.index_cast %mul3A_197 : i32 to index
      %swap3A_199 = tpu.vector_load %arg22[%swap3A_198] {strides = array<i32>} : memref<4096xf32, #tpu.memory_space<vmem>>, vector<16xf32>,
      %swap3A_200 = vector.shape_cast %swap3A_199 : vector<16xf32> to vector<16xf32>
      %swap3A_201 = vector.shape_cast %broadcast_in_dim3A_3 : vector<16xf32> to vector<16xf32>
      tpu.vector_store %arg22[%swap3A_198], %swap3A_201 {strides = array<i32>} : memref<4096xf32, #tpu.memory_space<vmem>>, vector<16xf32>,
    }
    %scan3A_8 = arith.constant 256 : i32
    %broadcast_in_dim3A_9 = arith.constant 1.000000e+00 : f32
    %broadcast_in_dim3A_10 = vector.broadcast %broadcast_in_dim3A_9 : f32 to vector<16xf32>
    %swap3A = arith.constant 0 : index
    %swap3A_11 = tpu.vector_load %arg21[%swap3A] {strides = array<i32>} : memref<128xf32, #tpu.memory_space<vmem>>, vector<16xf32>,
    %swap3A_12 = vector.shape_cast %swap3A_11 : vector<16xf32> to vector<16xf32>
    %swap3A_13 = vector.shape_cast %broadcast_in_dim3A_10 : vector<16xf32> to vector<16xf32>
    tpu.vector_store %arg21[%swap3A], %swap3A_13 {strides = array<i32>} : memref<128xf32, #tpu.memory_space<vmem>>, vector<16xf32>,
    %broadcast_in_dim3A_14 = arith.constant 1.000000e+00 : f32
    %broadcast_in_dim3A_15 = vector.broadcast %broadcast_in_dim3A_14 : f32 to vector<16xf32>
    %swap3A_16 = arith.constant 16 : index
    %swap3A_17 = tpu.vector_load %arg21[%swap3A_16] {strides = array<i32>} : memref<128xf32, #tpu.memory_space<vmem>>, vector<16xf32>,
    %swap3A_18 = vector.shape_cast %swap3A_17 : vector<16xf32> to vector<16xf32>
    %swap3A_19 = vector.shape_cast %broadcast_in_dim3A_15 : vector<16xf32> to vector<16xf32>
    tpu.vector_store %arg21[%swap3A_16], %swap3A_19 {strides = array<i32>} : memref<128xf32, #tpu.memory_space<vmem>>, vector<16xf32>,
    %broadcast_in_dim3A_20 = arith.constant 1.000000e+00 : f32
    %broadcast_in_dim3A_21 = vector.broadcast %broadcast_in_dim3A_20 : f32 to vector<16xf32>
    %swap3A_22 = arith.constant 32 : index
    %swap3A_23 = tpu.vector_load %arg21[%swap3A_22] {strides = array<i32>} : memref<128xf32, #tpu.memory_space<vmem>>, vector<16xf32>,
    %swap3A_24 = vector.shape_cast %swap3A_23 : vector<16xf32> to vector<16xf32>
    %swap3A_25 = vector.shape_cast %broadcast_in_dim3A_21 : vector<16xf32> to vector<16xf32>
    tpu.vector_store %arg21[%swap3A_22], %swap3A_25 {strides = array<i32>} : memref<128xf32, #tpu.memory_space<vmem>>, vector<16xf32>,
    %broadcast_in_dim3A_26 = arith.constant 1.000000e+00 : f32
    %broadcast_in_dim3A_27 = vector.broadcast %broadcast_in_dim3A_26 : f32 to vector<16xf32>
    %swap3A_28 = arith.constant 48 : index
    %swap3A_29 = tpu.vector_load %arg21[%swap3A_28] {strides = array<i32>} : memref<128xf32, #tpu.memory_space<vmem>>, vector<16xf32>,
    %swap3A_30 = vector.shape_cast %swap3A_29 : vector<16xf32> to vector<16xf32>
    %swap3A_31 = vector.shape_cast %broadcast_in_dim3A_27 : vector<16xf32> to vector<16xf32>
    tpu.vector_store %arg21[%swap3A_28], %swap3A_31 {strides = array<i32>} : memref<128xf32, #tpu.memory_space<vmem>>, vector<16xf32>,
    %broadcast_in_dim3A_32 = arith.constant 1.000000e+00 : f32
    %broadcast_in_dim3A_33 = vector.broadcast %broadcast_in_dim3A_32 : f32 to vector<16xf32>
    %swap3A_34 = arith.constant 64 : index
    %swap3A_35 = tpu.vector_load %arg21[%swap3A_34] {strides = array<i32>} : memref<128xf32, #tpu.memory_space<vmem>>, vector<16xf32>,
    %swap3A_36 = vector.shape_cast %swap3A_35 : vector<16xf32> to vector<16xf32>
    %swap3A_37 = vector.shape_cast %broadcast_in_dim3A_33 : vector<16xf32> to vector<16xf32>
    tpu.vector_store %arg21[%swap3A_34], %swap3A_37 {strides = array<i32>} : memref<128xf32, #tpu.memory_space<vmem>>, vector<16xf32>,
    %broadcast_in_dim3A_38 = arith.constant 1.000000e+00 : f32
    %broadcast_in_dim3A_39 = vector.broadcast %broadcast_in_dim3A_38 : f32 to vector<16xf32>
    %swap3A_40 = arith.constant 80 : index
    %swap3A_41 = tpu.vector_load %arg21[%swap3A_40] {strides = array<i32>} : memref<128xf32, #tpu.memory_space<vmem>>, vector<16xf32>,
    %swap3A_42 = vector.shape_cast %swap3A_41 : vector<16xf32> to vector<16xf32>
    %swap3A_43 = vector.shape_cast %broadcast_in_dim3A_39 : vector<16xf32> to vector<16xf32>
    tpu.vector_store %arg21[%swap3A_40], %swap3A_43 {strides = array<i32>} : memref<128xf32, #tpu.memory_space<vmem>>, vector<16xf32>,
    %broadcast_in_dim3A_44 = arith.constant 1.000000e+00 : f32
    %broadcast_in_dim3A_45 = vector.broadcast %broadcast_in_dim3A_44 : f32 to vector<16xf32>
    %swap3A_46 = arith.constant 96 : index
    %swap3A_47 = tpu.vector_load %arg21[%swap3A_46] {strides = array<i32>} : memref<128xf32, #tpu.memory_space<vmem>>, vector<16xf32>,
    %swap3A_48 = vector.shape_cast %swap3A_47 : vector<16xf32> to vector<16xf32>
    %swap3A_49 = vector.shape_cast %broadcast_in_dim3A_45 : vector<16xf32> to vector<16xf32>
    tpu.vector_store %arg21[%swap3A_46], %swap3A_49 {strides = array<i32>} : memref<128xf32, #tpu.memory_space<vmem>>, vector<16xf32>,
    %broadcast_in_dim3A_50 = arith.constant 1.000000e+00 : f32
    %broadcast_in_dim3A_51 = vector.broadcast %broadcast_in_dim3A_50 : f32 to vector<16xf32>
    %swap3A_52 = arith.constant 112 : index
    %swap3A_53 = tpu.vector_load %arg21[%swap3A_52] {strides = array<i32>} : memref<128xf32, #tpu.memory_space<vmem>>, vector<16xf32>,
    %swap3A_54 = vector.shape_cast %swap3A_53 : vector<16xf32> to vector<16xf32>
    %swap3A_55 = vector.shape_cast %broadcast_in_dim3A_51 : vector<16xf32> to vector<16xf32>
    tpu.vector_store %arg21[%swap3A_52], %swap3A_55 {strides = array<i32>} : memref<128xf32, #tpu.memory_space<vmem>>, vector<16xf32>,
    "tpu.region"() ({
      %run_scoped3A = tpu.sem_alloc : memref<!tpu.dma_semaphore, #tpu.memory_space<semaphore_mem>>
      %dma_start3A = tpu.memref_slice %arg3[%mul3A_2] : memref<65536xi32, #tpu.memory_space<hbm>> -> memref<2048xi32, #tpu.memory_space<hbm>>
      %dma_start3A_195 = tpu.memref_slice %arg3[%mul3A_2] : memref<65536xi32, #tpu.memory_space<hbm>> -> memref<2048xi32, #tpu.memory_space<hbm>>
      tpu.enqueue_dma source(%dma_start3A_195 : memref<2048xi32, #tpu.memory_space<hbm>>) target(%arg18 : memref<2048xi32, #tpu.memory_space<vmem>>) target_semaphore(%run_scoped3A : memref<!tpu.dma_semaphore, #tpu.memory_space<semaphore_mem>>)
      %dma_wait3A = tpu.memref_slice %arg3[%mul3A_2] : memref<65536xi32, #tpu.memory_space<hbm>> -> memref<2048xi32, #tpu.memory_space<hbm>>
      %dma_wait3A_196 = tpu.memref_slice %arg3[%mul3A_2] : memref<65536xi32, #tpu.memory_space<hbm>> -> memref<2048xi32, #tpu.memory_space<hbm>>
      tpu.wait_dma2 semaphore(%run_scoped3A : memref<!tpu.dma_semaphore, #tpu.memory_space<semaphore_mem>>) src(%dma_wait3A_196 : memref<2048xi32, #tpu.memory_space<hbm>>) dst(%arg18 : memref<2048xi32, #tpu.memory_space<vmem>>)
      tpu.yield
    }) : () -> ()
    %mul3A_56 = arith.constant 16 : i32
    %mul3A_57 = arith.muli %arg0, %mul3A_56 : i32
    "tpu.region"() ({
      %run_scoped3A = tpu.sem_alloc : memref<!tpu.dma_semaphore, #tpu.memory_space<semaphore_mem>>
      %dma_start3A = tpu.memref_slice %arg2[%mul3A_57] : memref<32xi32, #tpu.memory_space<hbm>> -> memref<16xi32, #tpu.memory_space<hbm>>
      %dma_start3A_195 = tpu.memref_slice %arg2[%mul3A_57] : memref<32xi32, #tpu.memory_space<hbm>> -> memref<16xi32, #tpu.memory_space<hbm>>
      tpu.enqueue_dma source(%dma_start3A_195 : memref<16xi32, #tpu.memory_space<hbm>>) target(%arg23 : memref<16xi32, #tpu.memory_space<vmem>>) target_semaphore(%run_scoped3A : memref<!tpu.dma_semaphore, #tpu.memory_space<semaphore_mem>>)
      %dma_wait3A = tpu.memref_slice %arg2[%mul3A_57] : memref<32xi32, #tpu.memory_space<hbm>> -> memref<16xi32, #tpu.memory_space<hbm>>
      %dma_wait3A_196 = tpu.memref_slice %arg2[%mul3A_57] : memref<32xi32, #tpu.memory_space<hbm>> -> memref<16xi32, #tpu.memory_space<hbm>>
      tpu.wait_dma2 semaphore(%run_scoped3A : memref<!tpu.dma_semaphore, #tpu.memory_space<semaphore_mem>>) src(%dma_wait3A_196 : memref<16xi32, #tpu.memory_space<hbm>>) dst(%arg23 : memref<16xi32, #tpu.memory_space<vmem>>)
      tpu.yield
    }) : () -> ()
    %get3A = arith.constant 0 : index
    %get3A_58 = tpu.vector_load %arg23[%get3A] {strides = array<i32>} : memref<16xi32, #tpu.memory_space<vmem>>, vector<16xi32>,
    %get3A_59 = vector.shape_cast %get3A_58 : vector<16xi32> to vector<16xi32>
    %slice3A = vector.extract_strided_slice %get3A_59 {offsets = [0], sizes = [1], strides = [1]} : vector<16xi32> to vector<1xi32>
    %squeeze3A = vector.extract %slice3A[0] : i32 from vector<1xi32>
    %slice3A_60 = vector.extract_strided_slice %get3A_59 {offsets = [1], sizes = [1], strides = [1]} : vector<16xi32> to vector<1xi32>
    %squeeze3A_61 = vector.extract %slice3A_60[0] : i32 from vector<1xi32>
    %mul3A_62 = arith.constant 512 : i32
    %mul3A_63 = arith.muli %arg1, %mul3A_62 : i32
    %le3A = arith.cmpi sle, %mul3A_63, %squeeze3A_61 : i32
    %add3A_64 = arith.constant 512 : i32
    %add3A_65 = arith.addi %mul3A_63, %add3A_64 : i32
    %gt3A = arith.cmpi sgt, %add3A_65, %squeeze3A : i32
    %and3A = arith.andi %le3A, %gt3A : i1
    %convert_element_type3A = arith.extui %and3A : i1 to i32
    %cond3A = arith.constant 0 : i32
    %cond3A_66 = arith.cmpi ne, %convert_element_type3A, %cond3A : i32
    scf.if %cond3A_66 {
      %scan3A_195 = arith.constant 0 : i32
      %scan3A_196 = arith.constant 0 : i32
      %scan3A_197 = arith.constant 16 : i32
      %scan3A_198 = arith.addi %scan3A_196, %scan3A_197 : i32
      %scan3A_199 = arith.constant 1 : i32
      scf.for %scan3A_201 = %scan3A_196 to %scan3A_198 step %scan3A_199  : i32 {
        %mul3A_202 = arith.constant 65536 : i32
        %mul3A_203 = arith.muli %arg1, %mul3A_202 : i32
        %mul3A_204 = arith.constant 4096 : i32
        %mul3A_205 = arith.muli %scan3A_201, %mul3A_204 : i32
        %add3A_206 = arith.addi %mul3A_203, %mul3A_205 : i32
        "tpu.region"() ({
          %run_scoped3A = tpu.sem_alloc : memref<!tpu.dma_semaphore, #tpu.memory_space<semaphore_mem>>
          %dma_start3A = tpu.memref_slice %arg17[%add3A_206] : memref<1048704xf32, #tpu.memory_space<vmem_shared>> -> memref<4096xf32, #tpu.memory_space<vmem_shared>>
          %dma_start3A_207 = tpu.memref_slice %arg17[%add3A_206] : memref<1048704xf32, #tpu.memory_space<vmem_shared>> -> memref<4096xf32, #tpu.memory_space<vmem_shared>>
          tpu.enqueue_dma source(%arg22 : memref<4096xf32, #tpu.memory_space<vmem>>) target(%dma_start3A_207 : memref<4096xf32, #tpu.memory_space<vmem_shared>>) target_semaphore(%run_scoped3A : memref<!tpu.dma_semaphore, #tpu.memory_space<semaphore_mem>>)
          %dma_wait3A = tpu.memref_slice %arg17[%add3A_206] : memref<1048704xf32, #tpu.memory_space<vmem_shared>> -> memref<4096xf32, #tpu.memory_space<vmem_shared>>
          %dma_wait3A_208 = tpu.memref_slice %arg17[%add3A_206] : memref<1048704xf32, #tpu.memory_space<vmem_shared>> -> memref<4096xf32, #tpu.memory_space<vmem_shared>>
          tpu.wait_dma2 semaphore(%run_scoped3A : memref<!tpu.dma_semaphore, #tpu.memory_space<semaphore_mem>>) src(%arg22 : memref<4096xf32, #tpu.memory_space<vmem>>) dst(%dma_wait3A_208 : memref<4096xf32, #tpu.memory_space<vmem_shared>>)
          tpu.yield
        }) : () -> ()
      }
      %scan3A_200 = arith.constant 16 : i32
    } else {
    }
    %barrier3A = arith.constant 0 : index
    tpu.barrier barrier_id(%barrier3A)
    "tpu.region"() ({
      %run_scoped3A = tpu.sem_alloc : memref<!tpu.dma_semaphore, #tpu.memory_space<semaphore_mem>>
      %dma_start3A = tpu.memref_slice %arg4[%mul3A_2] : memref<65536xi32, #tpu.memory_space<hbm>> -> memref<2048xi32, #tpu.memory_space<hbm>>
      %dma_start3A_195 = tpu.memref_slice %arg4[%mul3A_2] : memref<65536xi32, #tpu.memory_space<hbm>> -> memref<2048xi32, #tpu.memory_space<hbm>>
      tpu.enqueue_dma source(%dma_start3A_195 : memref<2048xi32, #tpu.memory_space<hbm>>) target(%arg19 : memref<2048xi32, #tpu.memory_space<vmem>>) target_semaphore(%run_scoped3A : memref<!tpu.dma_semaphore, #tpu.memory_space<semaphore_mem>>)
      %dma_wait3A = tpu.memref_slice %arg4[%mul3A_2] : memref<65536xi32, #tpu.memory_space<hbm>> -> memref<2048xi32, #tpu.memory_space<hbm>>
      %dma_wait3A_196 = tpu.memref_slice %arg4[%mul3A_2] : memref<65536xi32, #tpu.memory_space<hbm>> -> memref<2048xi32, #tpu.memory_space<hbm>>
      tpu.wait_dma2 semaphore(%run_scoped3A : memref<!tpu.dma_semaphore, #tpu.memory_space<semaphore_mem>>) src(%dma_wait3A_196 : memref<2048xi32, #tpu.memory_space<hbm>>) dst(%arg19 : memref<2048xi32, #tpu.memory_space<vmem>>)
      tpu.yield
    }) : () -> ()
    %scan3A_67 = arith.constant 0 : i32
    %scan3A_68 = arith.constant 0 : i32
    %scan3A_69 = arith.constant 16 : i32
    %scan3A_70 = arith.addi %scan3A_68, %scan3A_69 : i32
    %scan3A_71 = arith.constant 1 : i32
    scf.for %scan3A_195 = %scan3A_68 to %scan3A_70 step %scan3A_71  : i32 {
      %mul3A_196 = arith.constant 128 : i32
      %mul3A_197 = arith.muli %scan3A_195, %mul3A_196 : i32
      %add3A_198 = arith.constant 0 : i32
      %add3A_199 = arith.addi %mul3A_197, %add3A_198 : i32
      %get3A_200 = arith.index_cast %add3A_199 : i32 to index
      %get3A_201 = tpu.vector_load %arg18[%get3A_200] {strides = array<i32>} : memref<2048xi32, #tpu.memory_space<vmem>>, vector<16xi32>,
      %get3A_202 = vector.shape_cast %get3A_201 : vector<16xi32> to vector<16xi32>
      %get3A_203 = arith.index_cast %add3A_199 : i32 to index
      %get3A_204 = tpu.vector_load %arg19[%get3A_203] {strides = array<i32>} : memref<2048xi32, #tpu.memory_space<vmem>>, vector<16xi32>,
      %get3A_205 = vector.shape_cast %get3A_204 : vector<16xi32> to vector<16xi32>
      %mul3A_206 = arith.constant 128 : i32
      %mul3A_207 = vector.broadcast %mul3A_206 : i32 to vector<16xi32>
      %mul3A_208 = arith.muli %get3A_202, %mul3A_207 : vector<16xi32>
      %add3A_209 = arith.constant 0 : i32
      %add3A_210 = vector.broadcast %add3A_209 : i32 to vector<16xi32>
      %add3A_211 = arith.addi %get3A_205, %add3A_210 : vector<16xi32>
      %add3A_212 = arith.addi %mul3A_208, %add3A_211 : vector<16xi32>
      %lt3A = arith.constant 128 : i32
      %lt3A_213 = vector.broadcast %lt3A : i32 to vector<16xi32>
      %lt3A_214 = arith.cmpi slt, %get3A_205, %lt3A_213 : vector<16xi32>
      %jit3A = arith.constant 1048576 : i32
      %broadcast_in_dim3A_215 = vector.broadcast %jit3A : i32 to vector<16xi32>
      %select_n3A = arith.select %lt3A_214, %add3A_212, %broadcast_in_dim3A_215 : vector<16xi1>, vector<16xi32>
      %swap3A_216 = arith.index_cast %scan3A_195 : i32 to index
      %swap3A_217 = arith.constant 0 : index
      %swap3A_218 = tpu.vector_load %arg20[%swap3A_216, %swap3A_217] {strides = array<i32>} : memref<16x128xi32, #tpu.memory_space<vmem>>, vector<1x16xi32>,
      %swap3A_219 = vector.shape_cast %swap3A_218 : vector<1x16xi32> to vector<16xi32>
      %swap3A_220 = vector.shape_cast %select_n3A : vector<16xi32> to vector<1x16xi32>
      tpu.vector_store %arg20[%swap3A_216, %swap3A_217], %swap3A_220 {strides = array<i32>} : memref<16x128xi32, #tpu.memory_space<vmem>>, vector<1x16xi32>,
      %mul3A_221 = arith.constant 128 : i32
      %mul3A_222 = arith.muli %scan3A_195, %mul3A_221 : i32
      %add3A_223 = arith.constant 16 : i32
      %add3A_224 = arith.addi %mul3A_222, %add3A_223 : i32
      %get3A_225 = arith.index_cast %add3A_224 : i32 to index
      %get3A_226 = tpu.vector_load %arg18[%get3A_225] {strides = array<i32>} : memref<2048xi32, #tpu.memory_space<vmem>>, vector<16xi32>,
      %get3A_227 = vector.shape_cast %get3A_226 : vector<16xi32> to vector<16xi32>
      %get3A_228 = arith.index_cast %add3A_224 : i32 to index
      %get3A_229 = tpu.vector_load %arg19[%get3A_228] {strides = array<i32>} : memref<2048xi32, #tpu.memory_space<vmem>>, vector<16xi32>,
      %get3A_230 = vector.shape_cast %get3A_229 : vector<16xi32> to vector<16xi32>
      %mul3A_231 = arith.constant 128 : i32
      %mul3A_232 = vector.broadcast %mul3A_231 : i32 to vector<16xi32>
      %mul3A_233 = arith.muli %get3A_227, %mul3A_232 : vector<16xi32>
      %add3A_234 = arith.constant 0 : i32
      %add3A_235 = vector.broadcast %add3A_234 : i32 to vector<16xi32>
      %add3A_236 = arith.addi %get3A_230, %add3A_235 : vector<16xi32>
      %add3A_237 = arith.addi %mul3A_233, %add3A_236 : vector<16xi32>
      %lt3A_238 = arith.constant 128 : i32
      %lt3A_239 = vector.broadcast %lt3A_238 : i32 to vector<16xi32>
      %lt3A_240 = arith.cmpi slt, %get3A_230, %lt3A_239 : vector<16xi32>
      %jit3A_241 = arith.constant 1048576 : i32
      %broadcast_in_dim3A_242 = vector.broadcast %jit3A_241 : i32 to vector<16xi32>
      %select_n3A_243 = arith.select %lt3A_240, %add3A_237, %broadcast_in_dim3A_242 : vector<16xi1>, vector<16xi32>
      %swap3A_244 = arith.index_cast %scan3A_195 : i32 to index
      %swap3A_245 = arith.constant 16 : index
      %swap3A_246 = tpu.vector_load %arg20[%swap3A_244, %swap3A_245] {strides = array<i32>} : memref<16x128xi32, #tpu.memory_space<vmem>>, vector<1x16xi32>,
      %swap3A_247 = vector.shape_cast %swap3A_246 : vector<1x16xi32> to vector<16xi32>
      %swap3A_248 = vector.shape_cast %select_n3A_243 : vector<16xi32> to vector<1x16xi32>
      tpu.vector_store %arg20[%swap3A_244, %swap3A_245], %swap3A_248 {strides = array<i32>} : memref<16x128xi32, #tpu.memory_space<vmem>>, vector<1x16xi32>,
      %mul3A_249 = arith.constant 128 : i32
      %mul3A_250 = arith.muli %scan3A_195, %mul3A_249 : i32
      %add3A_251 = arith.constant 32 : i32
      %add3A_252 = arith.addi %mul3A_250, %add3A_251 : i32
      %get3A_253 = arith.index_cast %add3A_252 : i32 to index
      %get3A_254 = tpu.vector_load %arg18[%get3A_253] {strides = array<i32>} : memref<2048xi32, #tpu.memory_space<vmem>>, vector<16xi32>,
      %get3A_255 = vector.shape_cast %get3A_254 : vector<16xi32> to vector<16xi32>
      %get3A_256 = arith.index_cast %add3A_252 : i32 to index
      %get3A_257 = tpu.vector_load %arg19[%get3A_256] {strides = array<i32>} : memref<2048xi32, #tpu.memory_space<vmem>>, vector<16xi32>,
      %get3A_258 = vector.shape_cast %get3A_257 : vector<16xi32> to vector<16xi32>
      %mul3A_259 = arith.constant 128 : i32
      %mul3A_260 = vector.broadcast %mul3A_259 : i32 to vector<16xi32>
      %mul3A_261 = arith.muli %get3A_255, %mul3A_260 : vector<16xi32>
      %add3A_262 = arith.constant 0 : i32
      %add3A_263 = vector.broadcast %add3A_262 : i32 to vector<16xi32>
      %add3A_264 = arith.addi %get3A_258, %add3A_263 : vector<16xi32>
      %add3A_265 = arith.addi %mul3A_261, %add3A_264 : vector<16xi32>
      %lt3A_266 = arith.constant 128 : i32
      %lt3A_267 = vector.broadcast %lt3A_266 : i32 to vector<16xi32>
      %lt3A_268 = arith.cmpi slt, %get3A_258, %lt3A_267 : vector<16xi32>
      %jit3A_269 = arith.constant 1048576 : i32
      %broadcast_in_dim3A_270 = vector.broadcast %jit3A_269 : i32 to vector<16xi32>
      %select_n3A_271 = arith.select %lt3A_268, %add3A_265, %broadcast_in_dim3A_270 : vector<16xi1>, vector<16xi32>
      %swap3A_272 = arith.index_cast %scan3A_195 : i32 to index
      %swap3A_273 = arith.constant 32 : index
      %swap3A_274 = tpu.vector_load %arg20[%swap3A_272, %swap3A_273] {strides = array<i32>} : memref<16x128xi32, #tpu.memory_space<vmem>>, vector<1x16xi32>,
      %swap3A_275 = vector.shape_cast %swap3A_274 : vector<1x16xi32> to vector<16xi32>
      %swap3A_276 = vector.shape_cast %select_n3A_271 : vector<16xi32> to vector<1x16xi32>
      tpu.vector_store %arg20[%swap3A_272, %swap3A_273], %swap3A_276 {strides = array<i32>} : memref<16x128xi32, #tpu.memory_space<vmem>>, vector<1x16xi32>,
      %mul3A_277 = arith.constant 128 : i32
      %mul3A_278 = arith.muli %scan3A_195, %mul3A_277 : i32
      %add3A_279 = arith.constant 48 : i32
      %add3A_280 = arith.addi %mul3A_278, %add3A_279 : i32
      %get3A_281 = arith.index_cast %add3A_280 : i32 to index
      %get3A_282 = tpu.vector_load %arg18[%get3A_281] {strides = array<i32>} : memref<2048xi32, #tpu.memory_space<vmem>>, vector<16xi32>,
      %get3A_283 = vector.shape_cast %get3A_282 : vector<16xi32> to vector<16xi32>
      %get3A_284 = arith.index_cast %add3A_280 : i32 to index
      %get3A_285 = tpu.vector_load %arg19[%get3A_284] {strides = array<i32>} : memref<2048xi32, #tpu.memory_space<vmem>>, vector<16xi32>,
      %get3A_286 = vector.shape_cast %get3A_285 : vector<16xi32> to vector<16xi32>
      %mul3A_287 = arith.constant 128 : i32
      %mul3A_288 = vector.broadcast %mul3A_287 : i32 to vector<16xi32>
      %mul3A_289 = arith.muli %get3A_283, %mul3A_288 : vector<16xi32>
      %add3A_290 = arith.constant 0 : i32
      %add3A_291 = vector.broadcast %add3A_290 : i32 to vector<16xi32>
      %add3A_292 = arith.addi %get3A_286, %add3A_291 : vector<16xi32>
      %add3A_293 = arith.addi %mul3A_289, %add3A_292 : vector<16xi32>
      %lt3A_294 = arith.constant 128 : i32
      %lt3A_295 = vector.broadcast %lt3A_294 : i32 to vector<16xi32>
      %lt3A_296 = arith.cmpi slt, %get3A_286, %lt3A_295 : vector<16xi32>
      %jit3A_297 = arith.constant 1048576 : i32
      %broadcast_in_dim3A_298 = vector.broadcast %jit3A_297 : i32 to vector<16xi32>
      %select_n3A_299 = arith.select %lt3A_296, %add3A_293, %broadcast_in_dim3A_298 : vector<16xi1>, vector<16xi32>
      %swap3A_300 = arith.index_cast %scan3A_195 : i32 to index
      %swap3A_301 = arith.constant 48 : index
      %swap3A_302 = tpu.vector_load %arg20[%swap3A_300, %swap3A_301] {strides = array<i32>} : memref<16x128xi32, #tpu.memory_space<vmem>>, vector<1x16xi32>,
      %swap3A_303 = vector.shape_cast %swap3A_302 : vector<1x16xi32> to vector<16xi32>
      %swap3A_304 = vector.shape_cast %select_n3A_299 : vector<16xi32> to vector<1x16xi32>
      tpu.vector_store %arg20[%swap3A_300, %swap3A_301], %swap3A_304 {strides = array<i32>} : memref<16x128xi32, #tpu.memory_space<vmem>>, vector<1x16xi32>,
      %mul3A_305 = arith.constant 128 : i32
      %mul3A_306 = arith.muli %scan3A_195, %mul3A_305 : i32
      %add3A_307 = arith.constant 64 : i32
      %add3A_308 = arith.addi %mul3A_306, %add3A_307 : i32
      %get3A_309 = arith.index_cast %add3A_308 : i32 to index
      %get3A_310 = tpu.vector_load %arg18[%get3A_309] {strides = array<i32>} : memref<2048xi32, #tpu.memory_space<vmem>>, vector<16xi32>,
      %get3A_311 = vector.shape_cast %get3A_310 : vector<16xi32> to vector<16xi32>
      %get3A_312 = arith.index_cast %add3A_308 : i32 to index
      %get3A_313 = tpu.vector_load %arg19[%get3A_312] {strides = array<i32>} : memref<2048xi32, #tpu.memory_space<vmem>>, vector<16xi32>,
      %get3A_314 = vector.shape_cast %get3A_313 : vector<16xi32> to vector<16xi32>
      %mul3A_315 = arith.constant 128 : i32
      %mul3A_316 = vector.broadcast %mul3A_315 : i32 to vector<16xi32>
      %mul3A_317 = arith.muli %get3A_311, %mul3A_316 : vector<16xi32>
      %add3A_318 = arith.constant 0 : i32
      %add3A_319 = vector.broadcast %add3A_318 : i32 to vector<16xi32>
      %add3A_320 = arith.addi %get3A_314, %add3A_319 : vector<16xi32>
      %add3A_321 = arith.addi %mul3A_317, %add3A_320 : vector<16xi32>
      %lt3A_322 = arith.constant 128 : i32
      %lt3A_323 = vector.broadcast %lt3A_322 : i32 to vector<16xi32>
      %lt3A_324 = arith.cmpi slt, %get3A_314, %lt3A_323 : vector<16xi32>
      %jit3A_325 = arith.constant 1048576 : i32
      %broadcast_in_dim3A_326 = vector.broadcast %jit3A_325 : i32 to vector<16xi32>
      %select_n3A_327 = arith.select %lt3A_324, %add3A_321, %broadcast_in_dim3A_326 : vector<16xi1>, vector<16xi32>
      %swap3A_328 = arith.index_cast %scan3A_195 : i32 to index
      %swap3A_329 = arith.constant 64 : index
      %swap3A_330 = tpu.vector_load %arg20[%swap3A_328, %swap3A_329] {strides = array<i32>} : memref<16x128xi32, #tpu.memory_space<vmem>>, vector<1x16xi32>,
      %swap3A_331 = vector.shape_cast %swap3A_330 : vector<1x16xi32> to vector<16xi32>
      %swap3A_332 = vector.shape_cast %select_n3A_327 : vector<16xi32> to vector<1x16xi32>
      tpu.vector_store %arg20[%swap3A_328, %swap3A_329], %swap3A_332 {strides = array<i32>} : memref<16x128xi32, #tpu.memory_space<vmem>>, vector<1x16xi32>,
      %mul3A_333 = arith.constant 128 : i32
      %mul3A_334 = arith.muli %scan3A_195, %mul3A_333 : i32
      %add3A_335 = arith.constant 80 : i32
      %add3A_336 = arith.addi %mul3A_334, %add3A_335 : i32
      %get3A_337 = arith.index_cast %add3A_336 : i32 to index
      %get3A_338 = tpu.vector_load %arg18[%get3A_337] {strides = array<i32>} : memref<2048xi32, #tpu.memory_space<vmem>>, vector<16xi32>,
      %get3A_339 = vector.shape_cast %get3A_338 : vector<16xi32> to vector<16xi32>
      %get3A_340 = arith.index_cast %add3A_336 : i32 to index
      %get3A_341 = tpu.vector_load %arg19[%get3A_340] {strides = array<i32>} : memref<2048xi32, #tpu.memory_space<vmem>>, vector<16xi32>,
      %get3A_342 = vector.shape_cast %get3A_341 : vector<16xi32> to vector<16xi32>
      %mul3A_343 = arith.constant 128 : i32
      %mul3A_344 = vector.broadcast %mul3A_343 : i32 to vector<16xi32>
      %mul3A_345 = arith.muli %get3A_339, %mul3A_344 : vector<16xi32>
      %add3A_346 = arith.constant 0 : i32
      %add3A_347 = vector.broadcast %add3A_346 : i32 to vector<16xi32>
      %add3A_348 = arith.addi %get3A_342, %add3A_347 : vector<16xi32>
      %add3A_349 = arith.addi %mul3A_345, %add3A_348 : vector<16xi32>
      %lt3A_350 = arith.constant 128 : i32
      %lt3A_351 = vector.broadcast %lt3A_350 : i32 to vector<16xi32>
      %lt3A_352 = arith.cmpi slt, %get3A_342, %lt3A_351 : vector<16xi32>
      %jit3A_353 = arith.constant 1048576 : i32
      %broadcast_in_dim3A_354 = vector.broadcast %jit3A_353 : i32 to vector<16xi32>
      %select_n3A_355 = arith.select %lt3A_352, %add3A_349, %broadcast_in_dim3A_354 : vector<16xi1>, vector<16xi32>
      %swap3A_356 = arith.index_cast %scan3A_195 : i32 to index
      %swap3A_357 = arith.constant 80 : index
      %swap3A_358 = tpu.vector_load %arg20[%swap3A_356, %swap3A_357] {strides = array<i32>} : memref<16x128xi32, #tpu.memory_space<vmem>>, vector<1x16xi32>,
      %swap3A_359 = vector.shape_cast %swap3A_358 : vector<1x16xi32> to vector<16xi32>
      %swap3A_360 = vector.shape_cast %select_n3A_355 : vector<16xi32> to vector<1x16xi32>
      tpu.vector_store %arg20[%swap3A_356, %swap3A_357], %swap3A_360 {strides = array<i32>} : memref<16x128xi32, #tpu.memory_space<vmem>>, vector<1x16xi32>,
      %mul3A_361 = arith.constant 128 : i32
      %mul3A_362 = arith.muli %scan3A_195, %mul3A_361 : i32
      %add3A_363 = arith.constant 96 : i32
      %add3A_364 = arith.addi %mul3A_362, %add3A_363 : i32
      %get3A_365 = arith.index_cast %add3A_364 : i32 to index
      %get3A_366 = tpu.vector_load %arg18[%get3A_365] {strides = array<i32>} : memref<2048xi32, #tpu.memory_space<vmem>>, vector<16xi32>,
      %get3A_367 = vector.shape_cast %get3A_366 : vector<16xi32> to vector<16xi32>
      %get3A_368 = arith.index_cast %add3A_364 : i32 to index
      %get3A_369 = tpu.vector_load %arg19[%get3A_368] {strides = array<i32>} : memref<2048xi32, #tpu.memory_space<vmem>>, vector<16xi32>,
      %get3A_370 = vector.shape_cast %get3A_369 : vector<16xi32> to vector<16xi32>
      %mul3A_371 = arith.constant 128 : i32
      %mul3A_372 = vector.broadcast %mul3A_371 : i32 to vector<16xi32>
      %mul3A_373 = arith.muli %get3A_367, %mul3A_372 : vector<16xi32>
      %add3A_374 = arith.constant 0 : i32
      %add3A_375 = vector.broadcast %add3A_374 : i32 to vector<16xi32>
      %add3A_376 = arith.addi %get3A_370, %add3A_375 : vector<16xi32>
      %add3A_377 = arith.addi %mul3A_373, %add3A_376 : vector<16xi32>
      %lt3A_378 = arith.constant 128 : i32
      %lt3A_379 = vector.broadcast %lt3A_378 : i32 to vector<16xi32>
      %lt3A_380 = arith.cmpi slt, %get3A_370, %lt3A_379 : vector<16xi32>
      %jit3A_381 = arith.constant 1048576 : i32
      %broadcast_in_dim3A_382 = vector.broadcast %jit3A_381 : i32 to vector<16xi32>
      %select_n3A_383 = arith.select %lt3A_380, %add3A_377, %broadcast_in_dim3A_382 : vector<16xi1>, vector<16xi32>
      %swap3A_384 = arith.index_cast %scan3A_195 : i32 to index
      %swap3A_385 = arith.constant 96 : index
      %swap3A_386 = tpu.vector_load %arg20[%swap3A_384, %swap3A_385] {strides = array<i32>} : memref<16x128xi32, #tpu.memory_space<vmem>>, vector<1x16xi32>,
      %swap3A_387 = vector.shape_cast %swap3A_386 : vector<1x16xi32> to vector<16xi32>
      %swap3A_388 = vector.shape_cast %select_n3A_383 : vector<16xi32> to vector<1x16xi32>
      tpu.vector_store %arg20[%swap3A_384, %swap3A_385], %swap3A_388 {strides = array<i32>} : memref<16x128xi32, #tpu.memory_space<vmem>>, vector<1x16xi32>,
      %mul3A_389 = arith.constant 128 : i32
      %mul3A_390 = arith.muli %scan3A_195, %mul3A_389 : i32
      %add3A_391 = arith.constant 112 : i32
      %add3A_392 = arith.addi %mul3A_390, %add3A_391 : i32
      %get3A_393 = arith.index_cast %add3A_392 : i32 to index
      %get3A_394 = tpu.vector_load %arg18[%get3A_393] {strides = array<i32>} : memref<2048xi32, #tpu.memory_space<vmem>>, vector<16xi32>,
      %get3A_395 = vector.shape_cast %get3A_394 : vector<16xi32> to vector<16xi32>
      %get3A_396 = arith.index_cast %add3A_392 : i32 to index
      %get3A_397 = tpu.vector_load %arg19[%get3A_396] {strides = array<i32>} : memref<2048xi32, #tpu.memory_space<vmem>>, vector<16xi32>,
      %get3A_398 = vector.shape_cast %get3A_397 : vector<16xi32> to vector<16xi32>
      %mul3A_399 = arith.constant 128 : i32
      %mul3A_400 = vector.broadcast %mul3A_399 : i32 to vector<16xi32>
      %mul3A_401 = arith.muli %get3A_395, %mul3A_400 : vector<16xi32>
      %add3A_402 = arith.constant 0 : i32
      %add3A_403 = vector.broadcast %add3A_402 : i32 to vector<16xi32>
      %add3A_404 = arith.addi %get3A_398, %add3A_403 : vector<16xi32>
      %add3A_405 = arith.addi %mul3A_401, %add3A_404 : vector<16xi32>
      %lt3A_406 = arith.constant 128 : i32
      %lt3A_407 = vector.broadcast %lt3A_406 : i32 to vector<16xi32>
      %lt3A_408 = arith.cmpi slt, %get3A_398, %lt3A_407 : vector<16xi32>
      %jit3A_409 = arith.constant 1048576 : i32
      %broadcast_in_dim3A_410 = vector.broadcast %jit3A_409 : i32 to vector<16xi32>
      %select_n3A_411 = arith.select %lt3A_408, %add3A_405, %broadcast_in_dim3A_410 : vector<16xi1>, vector<16xi32>
      %swap3A_412 = arith.index_cast %scan3A_195 : i32 to index
      %swap3A_413 = arith.constant 112 : index
      %swap3A_414 = tpu.vector_load %arg20[%swap3A_412, %swap3A_413] {strides = array<i32>} : memref<16x128xi32, #tpu.memory_space<vmem>>, vector<1x16xi32>,
      %swap3A_415 = vector.shape_cast %swap3A_414 : vector<1x16xi32> to vector<16xi32>
      %swap3A_416 = vector.shape_cast %select_n3A_411 : vector<16xi32> to vector<1x16xi32>
      tpu.vector_store %arg20[%swap3A_412, %swap3A_413], %swap3A_416 {strides = array<i32>} : memref<16x128xi32, #tpu.memory_space<vmem>>, vector<1x16xi32>,
    }
    %scan3A_72 = arith.constant 16 : i32
    %scan3A_73 = arith.constant 0 : i32
    %scan3A_74 = arith.constant 0 : i32
    %scan3A_75 = arith.constant 16 : i32
    %scan3A_76 = arith.addi %scan3A_74, %scan3A_75 : i32
    %scan3A_77 = arith.constant 1 : i32
    scf.for %scan3A_195 = %scan3A_74 to %scan3A_76 step %scan3A_77  : i32 {
      "tpu.region"() ({
        %run_scoped3A = tpu.sem_alloc : memref<!tpu.dma_semaphore, #tpu.memory_space<semaphore_mem>>
        %dma_start3A = arith.constant 0 : i32
        %dma_start3A_196 = tpu.memref_slice %arg20[%scan3A_195, %dma_start3A] : memref<16x128xi32, #tpu.memory_space<vmem>> -> memref<1x128xi32, #tpu.memory_space<vmem>>
        %dma_start3A_197 = tpu.memref_squeeze %dma_start3A_196 : memref<1x128xi32, #tpu.memory_space<vmem>> -> memref<128xi32, #tpu.memory_space<vmem>>
        %dma_start3A_198 = arith.constant 0 : i32
        %dma_start3A_199 = tpu.memref_slice %arg17[%dma_start3A_198] : memref<1048704xf32, #tpu.memory_space<vmem_shared>> -> memref<1048704xf32, #tpu.memory_space<vmem_shared>>
        tpu.enqueue_indirect_dma source(%arg21 : memref<128xf32, #tpu.memory_space<vmem>>) target(%dma_start3A_199 : memref<1048704xf32, #tpu.memory_space<vmem_shared>>) offsets(%dma_start3A_197 : memref<128xi32, #tpu.memory_space<vmem>>) semaphore(%run_scoped3A : memref<!tpu.dma_semaphore, #tpu.memory_space<semaphore_mem>>) {add = true}
        %dma_wait3A = arith.constant 0 : i32
        %dma_wait3A_200 = tpu.memref_slice %arg20[%scan3A_195, %dma_wait3A] : memref<16x128xi32, #tpu.memory_space<vmem>> -> memref<1x128xi32, #tpu.memory_space<vmem>>
        %dma_wait3A_201 = tpu.memref_squeeze %dma_wait3A_200 : memref<1x128xi32, #tpu.memory_space<vmem>> -> memref<128xi32, #tpu.memory_space<vmem>>
        %dma_wait3A_202 = arith.constant 0 : i32
        %dma_wait3A_203 = tpu.memref_slice %arg17[%dma_wait3A_202] : memref<1048704xf32, #tpu.memory_space<vmem_shared>> -> memref<1048704xf32, #tpu.memory_space<vmem_shared>>
        tpu.wait_indirect_dma semaphore(%run_scoped3A : memref<!tpu.dma_semaphore, #tpu.memory_space<semaphore_mem>>) src(%arg21 : memref<128xf32, #tpu.memory_space<vmem>>) dst(%dma_wait3A_203 : memref<1048704xf32, #tpu.memory_space<vmem_shared>>)
        tpu.yield
      }) : () -> ()
    }
    %scan3A_78 = arith.constant 16 : i32
    %barrier3A_79 = arith.constant 0 : index
    tpu.barrier barrier_id(%barrier3A_79)
    %convert_element_type3A_80 = arith.extui %and3A : i1 to i32
    %cond3A_81 = arith.constant 0 : i32
    %cond3A_82 = arith.cmpi ne, %convert_element_type3A_80, %cond3A_81 : i32
    scf.if %cond3A_82 {
      %mul3A_195 = arith.constant 65536 : i32
      %mul3A_196 = arith.muli %arg1, %mul3A_195 : i32
      %mul3A_197 = arith.constant 1048576 : i32
      %mul3A_198 = arith.muli %arg0, %mul3A_197 : i32
      %mul3A_199 = arith.constant 65536 : i32
      %mul3A_200 = arith.muli %arg1, %mul3A_199 : i32
      %add3A_201 = arith.addi %mul3A_198, %mul3A_200 : i32
      "tpu.region"() ({
        %run_scoped3A = tpu.sem_alloc : memref<!tpu.dma_semaphore, #tpu.memory_space<semaphore_mem>>
        %dma_start3A = tpu.memref_slice %arg11[%add3A_201] : memref<2097152xf32, #tpu.memory_space<hbm>> -> memref<65536xf32, #tpu.memory_space<hbm>>
        %dma_start3A_202 = tpu.memref_slice %arg17[%mul3A_196] : memref<1048704xf32, #tpu.memory_space<vmem_shared>> -> memref<65536xf32, #tpu.memory_space<vmem_shared>>
        tpu.enqueue_dma source(%dma_start3A_202 : memref<65536xf32, #tpu.memory_space<vmem_shared>>) target(%dma_start3A : memref<65536xf32, #tpu.memory_space<hbm>>) target_semaphore(%run_scoped3A : memref<!tpu.dma_semaphore, #tpu.memory_space<semaphore_mem>>)
        %dma_wait3A = tpu.memref_slice %arg11[%add3A_201] : memref<2097152xf32, #tpu.memory_space<hbm>> -> memref<65536xf32, #tpu.memory_space<hbm>>
        %dma_wait3A_203 = tpu.memref_slice %arg17[%mul3A_196] : memref<1048704xf32, #tpu.memory_space<vmem_shared>> -> memref<65536xf32, #tpu.memory_space<vmem_shared>>
        tpu.wait_dma2 semaphore(%run_scoped3A : memref<!tpu.dma_semaphore, #tpu.memory_space<semaphore_mem>>) src(%dma_wait3A_203 : memref<65536xf32, #tpu.memory_space<vmem_shared>>) dst(%dma_wait3A : memref<65536xf32, #tpu.memory_space<hbm>>)
        tpu.yield
      }) : () -> ()
    } else {
    }
    %convert_element_type3A_83 = arith.extui %and3A : i1 to i32
    %cond3A_84 = arith.constant 0 : i32
    %cond3A_85 = arith.cmpi ne, %convert_element_type3A_83, %cond3A_84 : i32
    scf.if %cond3A_85 {
      %scan3A_195 = arith.constant 0 : i32
      %scan3A_196 = arith.constant 0 : i32
      %scan3A_197 = arith.constant 16 : i32
      %scan3A_198 = arith.addi %scan3A_196, %scan3A_197 : i32
      %scan3A_199 = arith.constant 1 : i32
      scf.for %scan3A_201 = %scan3A_196 to %scan3A_198 step %scan3A_199  : i32 {
        %mul3A_202 = arith.constant 65536 : i32
        %mul3A_203 = arith.muli %arg1, %mul3A_202 : i32
        %mul3A_204 = arith.constant 4096 : i32
        %mul3A_205 = arith.muli %scan3A_201, %mul3A_204 : i32
        %add3A_206 = arith.addi %mul3A_203, %mul3A_205 : i32
        "tpu.region"() ({
          %run_scoped3A = tpu.sem_alloc : memref<!tpu.dma_semaphore, #tpu.memory_space<semaphore_mem>>
          %dma_start3A = tpu.memref_slice %arg17[%add3A_206] : memref<1048704xf32, #tpu.memory_space<vmem_shared>> -> memref<4096xf32, #tpu.memory_space<vmem_shared>>
          %dma_start3A_207 = tpu.memref_slice %arg17[%add3A_206] : memref<1048704xf32, #tpu.memory_space<vmem_shared>> -> memref<4096xf32, #tpu.memory_space<vmem_shared>>
          tpu.enqueue_dma source(%arg22 : memref<4096xf32, #tpu.memory_space<vmem>>) target(%dma_start3A_207 : memref<4096xf32, #tpu.memory_space<vmem_shared>>) target_semaphore(%run_scoped3A : memref<!tpu.dma_semaphore, #tpu.memory_space<semaphore_mem>>)
          %dma_wait3A = tpu.memref_slice %arg17[%add3A_206] : memref<1048704xf32, #tpu.memory_space<vmem_shared>> -> memref<4096xf32, #tpu.memory_space<vmem_shared>>
          %dma_wait3A_208 = tpu.memref_slice %arg17[%add3A_206] : memref<1048704xf32, #tpu.memory_space<vmem_shared>> -> memref<4096xf32, #tpu.memory_space<vmem_shared>>
          tpu.wait_dma2 semaphore(%run_scoped3A : memref<!tpu.dma_semaphore, #tpu.memory_space<semaphore_mem>>) src(%arg22 : memref<4096xf32, #tpu.memory_space<vmem>>) dst(%dma_wait3A_208 : memref<4096xf32, #tpu.memory_space<vmem_shared>>)
          tpu.yield
        }) : () -> ()
      }
      %scan3A_200 = arith.constant 16 : i32
    } else {
    }
    %barrier3A_86 = arith.constant 0 : index
    tpu.barrier barrier_id(%barrier3A_86)
    "tpu.region"() ({
      %run_scoped3A = tpu.sem_alloc : memref<!tpu.dma_semaphore, #tpu.memory_space<semaphore_mem>>
      %dma_start3A = tpu.memref_slice %arg5[%mul3A_2] : memref<65536xi32, #tpu.memory_space<hbm>> -> memref<2048xi32, #tpu.memory_space<hbm>>
      %dma_start3A_195 = tpu.memref_slice %arg5[%mul3A_2] : memref<65536xi32, #tpu.memory_space<hbm>> -> memref<2048xi32, #tpu.memory_space<hbm>>
      tpu.enqueue_dma source(%dma_start3A_195 : memref<2048xi32, #tpu.memory_space<hbm>>) target(%arg19 : memref<2048xi32, #tpu.memory_space<vmem>>) target_semaphore(%run_scoped3A : memref<!tpu.dma_semaphore, #tpu.memory_space<semaphore_mem>>)
      %dma_wait3A = tpu.memref_slice %arg5[%mul3A_2] : memref<65536xi32, #tpu.memory_space<hbm>> -> memref<2048xi32, #tpu.memory_space<hbm>>
      %dma_wait3A_196 = tpu.memref_slice %arg5[%mul3A_2] : memref<65536xi32, #tpu.memory_space<hbm>> -> memref<2048xi32, #tpu.memory_space<hbm>>
      tpu.wait_dma2 semaphore(%run_scoped3A : memref<!tpu.dma_semaphore, #tpu.memory_space<semaphore_mem>>) src(%dma_wait3A_196 : memref<2048xi32, #tpu.memory_space<hbm>>) dst(%arg19 : memref<2048xi32, #tpu.memory_space<vmem>>)
      tpu.yield
    }) : () -> ()
    %scan3A_87 = arith.constant 0 : i32
    %scan3A_88 = arith.constant 0 : i32
    %scan3A_89 = arith.constant 16 : i32
    %scan3A_90 = arith.addi %scan3A_88, %scan3A_89 : i32
    %scan3A_91 = arith.constant 1 : i32
    scf.for %scan3A_195 = %scan3A_88 to %scan3A_90 step %scan3A_91  : i32 {
      %mul3A_196 = arith.constant 128 : i32
      %mul3A_197 = arith.muli %scan3A_195, %mul3A_196 : i32
      %add3A_198 = arith.constant 0 : i32
      %add3A_199 = arith.addi %mul3A_197, %add3A_198 : i32
      %get3A_200 = arith.index_cast %add3A_199 : i32 to index
      %get3A_201 = tpu.vector_load %arg18[%get3A_200] {strides = array<i32>} : memref<2048xi32, #tpu.memory_space<vmem>>, vector<16xi32>,
      %get3A_202 = vector.shape_cast %get3A_201 : vector<16xi32> to vector<16xi32>
      %get3A_203 = arith.index_cast %add3A_199 : i32 to index
      %get3A_204 = tpu.vector_load %arg19[%get3A_203] {strides = array<i32>} : memref<2048xi32, #tpu.memory_space<vmem>>, vector<16xi32>,
      %get3A_205 = vector.shape_cast %get3A_204 : vector<16xi32> to vector<16xi32>
      %mul3A_206 = arith.constant 128 : i32
      %mul3A_207 = vector.broadcast %mul3A_206 : i32 to vector<16xi32>
      %mul3A_208 = arith.muli %get3A_202, %mul3A_207 : vector<16xi32>
      %add3A_209 = arith.constant 0 : i32
      %add3A_210 = vector.broadcast %add3A_209 : i32 to vector<16xi32>
      %add3A_211 = arith.addi %get3A_205, %add3A_210 : vector<16xi32>
      %add3A_212 = arith.addi %mul3A_208, %add3A_211 : vector<16xi32>
      %lt3A = arith.constant 128 : i32
      %lt3A_213 = vector.broadcast %lt3A : i32 to vector<16xi32>
      %lt3A_214 = arith.cmpi slt, %get3A_205, %lt3A_213 : vector<16xi32>
      %jit3A = arith.constant 1048576 : i32
      %broadcast_in_dim3A_215 = vector.broadcast %jit3A : i32 to vector<16xi32>
      %select_n3A = arith.select %lt3A_214, %add3A_212, %broadcast_in_dim3A_215 : vector<16xi1>, vector<16xi32>
      %swap3A_216 = arith.index_cast %scan3A_195 : i32 to index
      %swap3A_217 = arith.constant 0 : index
      %swap3A_218 = tpu.vector_load %arg20[%swap3A_216, %swap3A_217] {strides = array<i32>} : memref<16x128xi32, #tpu.memory_space<vmem>>, vector<1x16xi32>,
      %swap3A_219 = vector.shape_cast %swap3A_218 : vector<1x16xi32> to vector<16xi32>
      %swap3A_220 = vector.shape_cast %select_n3A : vector<16xi32> to vector<1x16xi32>
      tpu.vector_store %arg20[%swap3A_216, %swap3A_217], %swap3A_220 {strides = array<i32>} : memref<16x128xi32, #tpu.memory_space<vmem>>, vector<1x16xi32>,
      %mul3A_221 = arith.constant 128 : i32
      %mul3A_222 = arith.muli %scan3A_195, %mul3A_221 : i32
      %add3A_223 = arith.constant 16 : i32
      %add3A_224 = arith.addi %mul3A_222, %add3A_223 : i32
      %get3A_225 = arith.index_cast %add3A_224 : i32 to index
      %get3A_226 = tpu.vector_load %arg18[%get3A_225] {strides = array<i32>} : memref<2048xi32, #tpu.memory_space<vmem>>, vector<16xi32>,
      %get3A_227 = vector.shape_cast %get3A_226 : vector<16xi32> to vector<16xi32>
      %get3A_228 = arith.index_cast %add3A_224 : i32 to index
      %get3A_229 = tpu.vector_load %arg19[%get3A_228] {strides = array<i32>} : memref<2048xi32, #tpu.memory_space<vmem>>, vector<16xi32>,
      %get3A_230 = vector.shape_cast %get3A_229 : vector<16xi32> to vector<16xi32>
      %mul3A_231 = arith.constant 128 : i32
      %mul3A_232 = vector.broadcast %mul3A_231 : i32 to vector<16xi32>
      %mul3A_233 = arith.muli %get3A_227, %mul3A_232 : vector<16xi32>
      %add3A_234 = arith.constant 0 : i32
      %add3A_235 = vector.broadcast %add3A_234 : i32 to vector<16xi32>
      %add3A_236 = arith.addi %get3A_230, %add3A_235 : vector<16xi32>
      %add3A_237 = arith.addi %mul3A_233, %add3A_236 : vector<16xi32>
      %lt3A_238 = arith.constant 128 : i32
      %lt3A_239 = vector.broadcast %lt3A_238 : i32 to vector<16xi32>
      %lt3A_240 = arith.cmpi slt, %get3A_230, %lt3A_239 : vector<16xi32>
      %jit3A_241 = arith.constant 1048576 : i32
      %broadcast_in_dim3A_242 = vector.broadcast %jit3A_241 : i32 to vector<16xi32>
      %select_n3A_243 = arith.select %lt3A_240, %add3A_237, %broadcast_in_dim3A_242 : vector<16xi1>, vector<16xi32>
      %swap3A_244 = arith.index_cast %scan3A_195 : i32 to index
      %swap3A_245 = arith.constant 16 : index
      %swap3A_246 = tpu.vector_load %arg20[%swap3A_244, %swap3A_245] {strides = array<i32>} : memref<16x128xi32, #tpu.memory_space<vmem>>, vector<1x16xi32>,
      %swap3A_247 = vector.shape_cast %swap3A_246 : vector<1x16xi32> to vector<16xi32>
      %swap3A_248 = vector.shape_cast %select_n3A_243 : vector<16xi32> to vector<1x16xi32>
      tpu.vector_store %arg20[%swap3A_244, %swap3A_245], %swap3A_248 {strides = array<i32>} : memref<16x128xi32, #tpu.memory_space<vmem>>, vector<1x16xi32>,
      %mul3A_249 = arith.constant 128 : i32
      %mul3A_250 = arith.muli %scan3A_195, %mul3A_249 : i32
      %add3A_251 = arith.constant 32 : i32
      %add3A_252 = arith.addi %mul3A_250, %add3A_251 : i32
      %get3A_253 = arith.index_cast %add3A_252 : i32 to index
      %get3A_254 = tpu.vector_load %arg18[%get3A_253] {strides = array<i32>} : memref<2048xi32, #tpu.memory_space<vmem>>, vector<16xi32>,
      %get3A_255 = vector.shape_cast %get3A_254 : vector<16xi32> to vector<16xi32>
      %get3A_256 = arith.index_cast %add3A_252 : i32 to index
      %get3A_257 = tpu.vector_load %arg19[%get3A_256] {strides = array<i32>} : memref<2048xi32, #tpu.memory_space<vmem>>, vector<16xi32>,
      %get3A_258 = vector.shape_cast %get3A_257 : vector<16xi32> to vector<16xi32>
      %mul3A_259 = arith.constant 128 : i32
      %mul3A_260 = vector.broadcast %mul3A_259 : i32 to vector<16xi32>
      %mul3A_261 = arith.muli %get3A_255, %mul3A_260 : vector<16xi32>
      %add3A_262 = arith.constant 0 : i32
      %add3A_263 = vector.broadcast %add3A_262 : i32 to vector<16xi32>
      %add3A_264 = arith.addi %get3A_258, %add3A_263 : vector<16xi32>
      %add3A_265 = arith.addi %mul3A_261, %add3A_264 : vector<16xi32>
      %lt3A_266 = arith.constant 128 : i32
      %lt3A_267 = vector.broadcast %lt3A_266 : i32 to vector<16xi32>
      %lt3A_268 = arith.cmpi slt, %get3A_258, %lt3A_267 : vector<16xi32>
      %jit3A_269 = arith.constant 1048576 : i32
      %broadcast_in_dim3A_270 = vector.broadcast %jit3A_269 : i32 to vector<16xi32>
      %select_n3A_271 = arith.select %lt3A_268, %add3A_265, %broadcast_in_dim3A_270 : vector<16xi1>, vector<16xi32>
      %swap3A_272 = arith.index_cast %scan3A_195 : i32 to index
      %swap3A_273 = arith.constant 32 : index
      %swap3A_274 = tpu.vector_load %arg20[%swap3A_272, %swap3A_273] {strides = array<i32>} : memref<16x128xi32, #tpu.memory_space<vmem>>, vector<1x16xi32>,
      %swap3A_275 = vector.shape_cast %swap3A_274 : vector<1x16xi32> to vector<16xi32>
      %swap3A_276 = vector.shape_cast %select_n3A_271 : vector<16xi32> to vector<1x16xi32>
      tpu.vector_store %arg20[%swap3A_272, %swap3A_273], %swap3A_276 {strides = array<i32>} : memref<16x128xi32, #tpu.memory_space<vmem>>, vector<1x16xi32>,
      %mul3A_277 = arith.constant 128 : i32
      %mul3A_278 = arith.muli %scan3A_195, %mul3A_277 : i32
      %add3A_279 = arith.constant 48 : i32
      %add3A_280 = arith.addi %mul3A_278, %add3A_279 : i32
      %get3A_281 = arith.index_cast %add3A_280 : i32 to index
      %get3A_282 = tpu.vector_load %arg18[%get3A_281] {strides = array<i32>} : memref<2048xi32, #tpu.memory_space<vmem>>, vector<16xi32>,
      %get3A_283 = vector.shape_cast %get3A_282 : vector<16xi32> to vector<16xi32>
      %get3A_284 = arith.index_cast %add3A_280 : i32 to index
      %get3A_285 = tpu.vector_load %arg19[%get3A_284] {strides = array<i32>} : memref<2048xi32, #tpu.memory_space<vmem>>, vector<16xi32>,
      %get3A_286 = vector.shape_cast %get3A_285 : vector<16xi32> to vector<16xi32>
      %mul3A_287 = arith.constant 128 : i32
      %mul3A_288 = vector.broadcast %mul3A_287 : i32 to vector<16xi32>
      %mul3A_289 = arith.muli %get3A_283, %mul3A_288 : vector<16xi32>
      %add3A_290 = arith.constant 0 : i32
      %add3A_291 = vector.broadcast %add3A_290 : i32 to vector<16xi32>
      %add3A_292 = arith.addi %get3A_286, %add3A_291 : vector<16xi32>
      %add3A_293 = arith.addi %mul3A_289, %add3A_292 : vector<16xi32>
      %lt3A_294 = arith.constant 128 : i32
      %lt3A_295 = vector.broadcast %lt3A_294 : i32 to vector<16xi32>
      %lt3A_296 = arith.cmpi slt, %get3A_286, %lt3A_295 : vector<16xi32>
      %jit3A_297 = arith.constant 1048576 : i32
      %broadcast_in_dim3A_298 = vector.broadcast %jit3A_297 : i32 to vector<16xi32>
      %select_n3A_299 = arith.select %lt3A_296, %add3A_293, %broadcast_in_dim3A_298 : vector<16xi1>, vector<16xi32>
      %swap3A_300 = arith.index_cast %scan3A_195 : i32 to index
      %swap3A_301 = arith.constant 48 : index
      %swap3A_302 = tpu.vector_load %arg20[%swap3A_300, %swap3A_301] {strides = array<i32>} : memref<16x128xi32, #tpu.memory_space<vmem>>, vector<1x16xi32>,
      %swap3A_303 = vector.shape_cast %swap3A_302 : vector<1x16xi32> to vector<16xi32>
      %swap3A_304 = vector.shape_cast %select_n3A_299 : vector<16xi32> to vector<1x16xi32>
      tpu.vector_store %arg20[%swap3A_300, %swap3A_301], %swap3A_304 {strides = array<i32>} : memref<16x128xi32, #tpu.memory_space<vmem>>, vector<1x16xi32>,
      %mul3A_305 = arith.constant 128 : i32
      %mul3A_306 = arith.muli %scan3A_195, %mul3A_305 : i32
      %add3A_307 = arith.constant 64 : i32
      %add3A_308 = arith.addi %mul3A_306, %add3A_307 : i32
      %get3A_309 = arith.index_cast %add3A_308 : i32 to index
      %get3A_310 = tpu.vector_load %arg18[%get3A_309] {strides = array<i32>} : memref<2048xi32, #tpu.memory_space<vmem>>, vector<16xi32>,
      %get3A_311 = vector.shape_cast %get3A_310 : vector<16xi32> to vector<16xi32>
      %get3A_312 = arith.index_cast %add3A_308 : i32 to index
      %get3A_313 = tpu.vector_load %arg19[%get3A_312] {strides = array<i32>} : memref<2048xi32, #tpu.memory_space<vmem>>, vector<16xi32>,
      %get3A_314 = vector.shape_cast %get3A_313 : vector<16xi32> to vector<16xi32>
      %mul3A_315 = arith.constant 128 : i32
      %mul3A_316 = vector.broadcast %mul3A_315 : i32 to vector<16xi32>
      %mul3A_317 = arith.muli %get3A_311, %mul3A_316 : vector<16xi32>
      %add3A_318 = arith.constant 0 : i32
      %add3A_319 = vector.broadcast %add3A_318 : i32 to vector<16xi32>
      %add3A_320 = arith.addi %get3A_314, %add3A_319 : vector<16xi32>
      %add3A_321 = arith.addi %mul3A_317, %add3A_320 : vector<16xi32>
      %lt3A_322 = arith.constant 128 : i32
      %lt3A_323 = vector.broadcast %lt3A_322 : i32 to vector<16xi32>
      %lt3A_324 = arith.cmpi slt, %get3A_314, %lt3A_323 : vector<16xi32>
      %jit3A_325 = arith.constant 1048576 : i32
      %broadcast_in_dim3A_326 = vector.broadcast %jit3A_325 : i32 to vector<16xi32>
      %select_n3A_327 = arith.select %lt3A_324, %add3A_321, %broadcast_in_dim3A_326 : vector<16xi1>, vector<16xi32>
      %swap3A_328 = arith.index_cast %scan3A_195 : i32 to index
      %swap3A_329 = arith.constant 64 : index
      %swap3A_330 = tpu.vector_load %arg20[%swap3A_328, %swap3A_329] {strides = array<i32>} : memref<16x128xi32, #tpu.memory_space<vmem>>, vector<1x16xi32>,
      %swap3A_331 = vector.shape_cast %swap3A_330 : vector<1x16xi32> to vector<16xi32>
      %swap3A_332 = vector.shape_cast %select_n3A_327 : vector<16xi32> to vector<1x16xi32>
      tpu.vector_store %arg20[%swap3A_328, %swap3A_329], %swap3A_332 {strides = array<i32>} : memref<16x128xi32, #tpu.memory_space<vmem>>, vector<1x16xi32>,
      %mul3A_333 = arith.constant 128 : i32
      %mul3A_334 = arith.muli %scan3A_195, %mul3A_333 : i32
      %add3A_335 = arith.constant 80 : i32
      %add3A_336 = arith.addi %mul3A_334, %add3A_335 : i32
      %get3A_337 = arith.index_cast %add3A_336 : i32 to index
      %get3A_338 = tpu.vector_load %arg18[%get3A_337] {strides = array<i32>} : memref<2048xi32, #tpu.memory_space<vmem>>, vector<16xi32>,
      %get3A_339 = vector.shape_cast %get3A_338 : vector<16xi32> to vector<16xi32>
      %get3A_340 = arith.index_cast %add3A_336 : i32 to index
      %get3A_341 = tpu.vector_load %arg19[%get3A_340] {strides = array<i32>} : memref<2048xi32, #tpu.memory_space<vmem>>, vector<16xi32>,
      %get3A_342 = vector.shape_cast %get3A_341 : vector<16xi32> to vector<16xi32>
      %mul3A_343 = arith.constant 128 : i32
      %mul3A_344 = vector.broadcast %mul3A_343 : i32 to vector<16xi32>
      %mul3A_345 = arith.muli %get3A_339, %mul3A_344 : vector<16xi32>
      %add3A_346 = arith.constant 0 : i32
      %add3A_347 = vector.broadcast %add3A_346 : i32 to vector<16xi32>
      %add3A_348 = arith.addi %get3A_342, %add3A_347 : vector<16xi32>
      %add3A_349 = arith.addi %mul3A_345, %add3A_348 : vector<16xi32>
      %lt3A_350 = arith.constant 128 : i32
      %lt3A_351 = vector.broadcast %lt3A_350 : i32 to vector<16xi32>
      %lt3A_352 = arith.cmpi slt, %get3A_342, %lt3A_351 : vector<16xi32>
      %jit3A_353 = arith.constant 1048576 : i32
      %broadcast_in_dim3A_354 = vector.broadcast %jit3A_353 : i32 to vector<16xi32>
      %select_n3A_355 = arith.select %lt3A_352, %add3A_349, %broadcast_in_dim3A_354 : vector<16xi1>, vector<16xi32>
      %swap3A_356 = arith.index_cast %scan3A_195 : i32 to index
      %swap3A_357 = arith.constant 80 : index
      %swap3A_358 = tpu.vector_load %arg20[%swap3A_356, %swap3A_357] {strides = array<i32>} : memref<16x128xi32, #tpu.memory_space<vmem>>, vector<1x16xi32>,
      %swap3A_359 = vector.shape_cast %swap3A_358 : vector<1x16xi32> to vector<16xi32>
      %swap3A_360 = vector.shape_cast %select_n3A_355 : vector<16xi32> to vector<1x16xi32>
      tpu.vector_store %arg20[%swap3A_356, %swap3A_357], %swap3A_360 {strides = array<i32>} : memref<16x128xi32, #tpu.memory_space<vmem>>, vector<1x16xi32>,
      %mul3A_361 = arith.constant 128 : i32
      %mul3A_362 = arith.muli %scan3A_195, %mul3A_361 : i32
      %add3A_363 = arith.constant 96 : i32
      %add3A_364 = arith.addi %mul3A_362, %add3A_363 : i32
      %get3A_365 = arith.index_cast %add3A_364 : i32 to index
      %get3A_366 = tpu.vector_load %arg18[%get3A_365] {strides = array<i32>} : memref<2048xi32, #tpu.memory_space<vmem>>, vector<16xi32>,
      %get3A_367 = vector.shape_cast %get3A_366 : vector<16xi32> to vector<16xi32>
      %get3A_368 = arith.index_cast %add3A_364 : i32 to index
      %get3A_369 = tpu.vector_load %arg19[%get3A_368] {strides = array<i32>} : memref<2048xi32, #tpu.memory_space<vmem>>, vector<16xi32>,
      %get3A_370 = vector.shape_cast %get3A_369 : vector<16xi32> to vector<16xi32>
      %mul3A_371 = arith.constant 128 : i32
      %mul3A_372 = vector.broadcast %mul3A_371 : i32 to vector<16xi32>
      %mul3A_373 = arith.muli %get3A_367, %mul3A_372 : vector<16xi32>
      %add3A_374 = arith.constant 0 : i32
      %add3A_375 = vector.broadcast %add3A_374 : i32 to vector<16xi32>
      %add3A_376 = arith.addi %get3A_370, %add3A_375 : vector<16xi32>
      %add3A_377 = arith.addi %mul3A_373, %add3A_376 : vector<16xi32>
      %lt3A_378 = arith.constant 128 : i32
      %lt3A_379 = vector.broadcast %lt3A_378 : i32 to vector<16xi32>
      %lt3A_380 = arith.cmpi slt, %get3A_370, %lt3A_379 : vector<16xi32>
      %jit3A_381 = arith.constant 1048576 : i32
      %broadcast_in_dim3A_382 = vector.broadcast %jit3A_381 : i32 to vector<16xi32>
      %select_n3A_383 = arith.select %lt3A_380, %add3A_377, %broadcast_in_dim3A_382 : vector<16xi1>, vector<16xi32>
      %swap3A_384 = arith.index_cast %scan3A_195 : i32 to index
      %swap3A_385 = arith.constant 96 : index
      %swap3A_386 = tpu.vector_load %arg20[%swap3A_384, %swap3A_385] {strides = array<i32>} : memref<16x128xi32, #tpu.memory_space<vmem>>, vector<1x16xi32>,
      %swap3A_387 = vector.shape_cast %swap3A_386 : vector<1x16xi32> to vector<16xi32>
      %swap3A_388 = vector.shape_cast %select_n3A_383 : vector<16xi32> to vector<1x16xi32>
      tpu.vector_store %arg20[%swap3A_384, %swap3A_385], %swap3A_388 {strides = array<i32>} : memref<16x128xi32, #tpu.memory_space<vmem>>, vector<1x16xi32>,
      %mul3A_389 = arith.constant 128 : i32
      %mul3A_390 = arith.muli %scan3A_195, %mul3A_389 : i32
      %add3A_391 = arith.constant 112 : i32
      %add3A_392 = arith.addi %mul3A_390, %add3A_391 : i32
      %get3A_393 = arith.index_cast %add3A_392 : i32 to index
      %get3A_394 = tpu.vector_load %arg18[%get3A_393] {strides = array<i32>} : memref<2048xi32, #tpu.memory_space<vmem>>, vector<16xi32>,
      %get3A_395 = vector.shape_cast %get3A_394 : vector<16xi32> to vector<16xi32>
      %get3A_396 = arith.index_cast %add3A_392 : i32 to index
      %get3A_397 = tpu.vector_load %arg19[%get3A_396] {strides = array<i32>} : memref<2048xi32, #tpu.memory_space<vmem>>, vector<16xi32>,
      %get3A_398 = vector.shape_cast %get3A_397 : vector<16xi32> to vector<16xi32>
      %mul3A_399 = arith.constant 128 : i32
      %mul3A_400 = vector.broadcast %mul3A_399 : i32 to vector<16xi32>
      %mul3A_401 = arith.muli %get3A_395, %mul3A_400 : vector<16xi32>
      %add3A_402 = arith.constant 0 : i32
      %add3A_403 = vector.broadcast %add3A_402 : i32 to vector<16xi32>
      %add3A_404 = arith.addi %get3A_398, %add3A_403 : vector<16xi32>
      %add3A_405 = arith.addi %mul3A_401, %add3A_404 : vector<16xi32>
      %lt3A_406 = arith.constant 128 : i32
      %lt3A_407 = vector.broadcast %lt3A_406 : i32 to vector<16xi32>
      %lt3A_408 = arith.cmpi slt, %get3A_398, %lt3A_407 : vector<16xi32>
      %jit3A_409 = arith.constant 1048576 : i32
      %broadcast_in_dim3A_410 = vector.broadcast %jit3A_409 : i32 to vector<16xi32>
      %select_n3A_411 = arith.select %lt3A_408, %add3A_405, %broadcast_in_dim3A_410 : vector<16xi1>, vector<16xi32>
      %swap3A_412 = arith.index_cast %scan3A_195 : i32 to index
      %swap3A_413 = arith.constant 112 : index
      %swap3A_414 = tpu.vector_load %arg20[%swap3A_412, %swap3A_413] {strides = array<i32>} : memref<16x128xi32, #tpu.memory_space<vmem>>, vector<1x16xi32>,
      %swap3A_415 = vector.shape_cast %swap3A_414 : vector<1x16xi32> to vector<16xi32>
      %swap3A_416 = vector.shape_cast %select_n3A_411 : vector<16xi32> to vector<1x16xi32>
      tpu.vector_store %arg20[%swap3A_412, %swap3A_413], %swap3A_416 {strides = array<i32>} : memref<16x128xi32, #tpu.memory_space<vmem>>, vector<1x16xi32>,
    }
    %scan3A_92 = arith.constant 16 : i32
    %scan3A_93 = arith.constant 0 : i32
    %scan3A_94 = arith.constant 0 : i32
    %scan3A_95 = arith.constant 16 : i32
    %scan3A_96 = arith.addi %scan3A_94, %scan3A_95 : i32
    %scan3A_97 = arith.constant 1 : i32
    scf.for %scan3A_195 = %scan3A_94 to %scan3A_96 step %scan3A_97  : i32 {
      "tpu.region"() ({
        %run_scoped3A = tpu.sem_alloc : memref<!tpu.dma_semaphore, #tpu.memory_space<semaphore_mem>>
        %dma_start3A = arith.constant 0 : i32
        %dma_start3A_196 = tpu.memref_slice %arg20[%scan3A_195, %dma_start3A] : memref<16x128xi32, #tpu.memory_space<vmem>> -> memref<1x128xi32, #tpu.memory_space<vmem>>
        %dma_start3A_197 = tpu.memref_squeeze %dma_start3A_196 : memref<1x128xi32, #tpu.memory_space<vmem>> -> memref<128xi32, #tpu.memory_space<vmem>>
        %dma_start3A_198 = arith.constant 0 : i32
        %dma_start3A_199 = tpu.memref_slice %arg17[%dma_start3A_198] : memref<1048704xf32, #tpu.memory_space<vmem_shared>> -> memref<1048704xf32, #tpu.memory_space<vmem_shared>>
        tpu.enqueue_indirect_dma source(%arg21 : memref<128xf32, #tpu.memory_space<vmem>>) target(%dma_start3A_199 : memref<1048704xf32, #tpu.memory_space<vmem_shared>>) offsets(%dma_start3A_197 : memref<128xi32, #tpu.memory_space<vmem>>) semaphore(%run_scoped3A : memref<!tpu.dma_semaphore, #tpu.memory_space<semaphore_mem>>) {add = true}
        %dma_wait3A = arith.constant 0 : i32
        %dma_wait3A_200 = tpu.memref_slice %arg20[%scan3A_195, %dma_wait3A] : memref<16x128xi32, #tpu.memory_space<vmem>> -> memref<1x128xi32, #tpu.memory_space<vmem>>
        %dma_wait3A_201 = tpu.memref_squeeze %dma_wait3A_200 : memref<1x128xi32, #tpu.memory_space<vmem>> -> memref<128xi32, #tpu.memory_space<vmem>>
        %dma_wait3A_202 = arith.constant 0 : i32
        %dma_wait3A_203 = tpu.memref_slice %arg17[%dma_wait3A_202] : memref<1048704xf32, #tpu.memory_space<vmem_shared>> -> memref<1048704xf32, #tpu.memory_space<vmem_shared>>
        tpu.wait_indirect_dma semaphore(%run_scoped3A : memref<!tpu.dma_semaphore, #tpu.memory_space<semaphore_mem>>) src(%arg21 : memref<128xf32, #tpu.memory_space<vmem>>) dst(%dma_wait3A_203 : memref<1048704xf32, #tpu.memory_space<vmem_shared>>)
        tpu.yield
      }) : () -> ()
    }
    %scan3A_98 = arith.constant 16 : i32
    %barrier3A_99 = arith.constant 0 : index
    tpu.barrier barrier_id(%barrier3A_99)
    %convert_element_type3A_100 = arith.extui %and3A : i1 to i32
    %cond3A_101 = arith.constant 0 : i32
    %cond3A_102 = arith.cmpi ne, %convert_element_type3A_100, %cond3A_101 : i32
    scf.if %cond3A_102 {
      %mul3A_195 = arith.constant 65536 : i32
      %mul3A_196 = arith.muli %arg1, %mul3A_195 : i32
      %mul3A_197 = arith.constant 1048576 : i32
      %mul3A_198 = arith.muli %arg0, %mul3A_197 : i32
      %mul3A_199 = arith.constant 65536 : i32
      %mul3A_200 = arith.muli %arg1, %mul3A_199 : i32
      %add3A_201 = arith.addi %mul3A_198, %mul3A_200 : i32
      "tpu.region"() ({
        %run_scoped3A = tpu.sem_alloc : memref<!tpu.dma_semaphore, #tpu.memory_space<semaphore_mem>>
        %dma_start3A = tpu.memref_slice %arg12[%add3A_201] : memref<2097152xf32, #tpu.memory_space<hbm>> -> memref<65536xf32, #tpu.memory_space<hbm>>
        %dma_start3A_202 = tpu.memref_slice %arg17[%mul3A_196] : memref<1048704xf32, #tpu.memory_space<vmem_shared>> -> memref<65536xf32, #tpu.memory_space<vmem_shared>>
        tpu.enqueue_dma source(%dma_start3A_202 : memref<65536xf32, #tpu.memory_space<vmem_shared>>) target(%dma_start3A : memref<65536xf32, #tpu.memory_space<hbm>>) target_semaphore(%run_scoped3A : memref<!tpu.dma_semaphore, #tpu.memory_space<semaphore_mem>>)
        %dma_wait3A = tpu.memref_slice %arg12[%add3A_201] : memref<2097152xf32, #tpu.memory_space<hbm>> -> memref<65536xf32, #tpu.memory_space<hbm>>
        %dma_wait3A_203 = tpu.memref_slice %arg17[%mul3A_196] : memref<1048704xf32, #tpu.memory_space<vmem_shared>> -> memref<65536xf32, #tpu.memory_space<vmem_shared>>
        tpu.wait_dma2 semaphore(%run_scoped3A : memref<!tpu.dma_semaphore, #tpu.memory_space<semaphore_mem>>) src(%dma_wait3A_203 : memref<65536xf32, #tpu.memory_space<vmem_shared>>) dst(%dma_wait3A : memref<65536xf32, #tpu.memory_space<hbm>>)
        tpu.yield
      }) : () -> ()
    } else {
    }
    %convert_element_type3A_103 = arith.extui %and3A : i1 to i32
    %cond3A_104 = arith.constant 0 : i32
    %cond3A_105 = arith.cmpi ne, %convert_element_type3A_103, %cond3A_104 : i32
    scf.if %cond3A_105 {
      %scan3A_195 = arith.constant 0 : i32
      %scan3A_196 = arith.constant 0 : i32
      %scan3A_197 = arith.constant 16 : i32
      %scan3A_198 = arith.addi %scan3A_196, %scan3A_197 : i32
      %scan3A_199 = arith.constant 1 : i32
      scf.for %scan3A_201 = %scan3A_196 to %scan3A_198 step %scan3A_199  : i32 {
        %mul3A_202 = arith.constant 65536 : i32
        %mul3A_203 = arith.muli %arg1, %mul3A_202 : i32
        %mul3A_204 = arith.constant 4096 : i32
        %mul3A_205 = arith.muli %scan3A_201, %mul3A_204 : i32
        %add3A_206 = arith.addi %mul3A_203, %mul3A_205 : i32
        "tpu.region"() ({
          %run_scoped3A = tpu.sem_alloc : memref<!tpu.dma_semaphore, #tpu.memory_space<semaphore_mem>>
          %dma_start3A = tpu.memref_slice %arg17[%add3A_206] : memref<1048704xf32, #tpu.memory_space<vmem_shared>> -> memref<4096xf32, #tpu.memory_space<vmem_shared>>
          %dma_start3A_207 = tpu.memref_slice %arg17[%add3A_206] : memref<1048704xf32, #tpu.memory_space<vmem_shared>> -> memref<4096xf32, #tpu.memory_space<vmem_shared>>
          tpu.enqueue_dma source(%arg22 : memref<4096xf32, #tpu.memory_space<vmem>>) target(%dma_start3A_207 : memref<4096xf32, #tpu.memory_space<vmem_shared>>) target_semaphore(%run_scoped3A : memref<!tpu.dma_semaphore, #tpu.memory_space<semaphore_mem>>)
          %dma_wait3A = tpu.memref_slice %arg17[%add3A_206] : memref<1048704xf32, #tpu.memory_space<vmem_shared>> -> memref<4096xf32, #tpu.memory_space<vmem_shared>>
          %dma_wait3A_208 = tpu.memref_slice %arg17[%add3A_206] : memref<1048704xf32, #tpu.memory_space<vmem_shared>> -> memref<4096xf32, #tpu.memory_space<vmem_shared>>
          tpu.wait_dma2 semaphore(%run_scoped3A : memref<!tpu.dma_semaphore, #tpu.memory_space<semaphore_mem>>) src(%arg22 : memref<4096xf32, #tpu.memory_space<vmem>>) dst(%dma_wait3A_208 : memref<4096xf32, #tpu.memory_space<vmem_shared>>)
          tpu.yield
        }) : () -> ()
      }
      %scan3A_200 = arith.constant 16 : i32
    } else {
    }
    %barrier3A_106 = arith.constant 0 : index
    tpu.barrier barrier_id(%barrier3A_106)
    "tpu.region"() ({
      %run_scoped3A = tpu.sem_alloc : memref<!tpu.dma_semaphore, #tpu.memory_space<semaphore_mem>>
      %dma_start3A = tpu.memref_slice %arg6[%mul3A_2] : memref<65536xi32, #tpu.memory_space<hbm>> -> memref<2048xi32, #tpu.memory_space<hbm>>
      %dma_start3A_195 = tpu.memref_slice %arg6[%mul3A_2] : memref<65536xi32, #tpu.memory_space<hbm>> -> memref<2048xi32, #tpu.memory_space<hbm>>
      tpu.enqueue_dma source(%dma_start3A_195 : memref<2048xi32, #tpu.memory_space<hbm>>) target(%arg19 : memref<2048xi32, #tpu.memory_space<vmem>>) target_semaphore(%run_scoped3A : memref<!tpu.dma_semaphore, #tpu.memory_space<semaphore_mem>>)
      %dma_wait3A = tpu.memref_slice %arg6[%mul3A_2] : memref<65536xi32, #tpu.memory_space<hbm>> -> memref<2048xi32, #tpu.memory_space<hbm>>
      %dma_wait3A_196 = tpu.memref_slice %arg6[%mul3A_2] : memref<65536xi32, #tpu.memory_space<hbm>> -> memref<2048xi32, #tpu.memory_space<hbm>>
      tpu.wait_dma2 semaphore(%run_scoped3A : memref<!tpu.dma_semaphore, #tpu.memory_space<semaphore_mem>>) src(%dma_wait3A_196 : memref<2048xi32, #tpu.memory_space<hbm>>) dst(%arg19 : memref<2048xi32, #tpu.memory_space<vmem>>)
      tpu.yield
    }) : () -> ()
    %scan3A_107 = arith.constant 0 : i32
    %scan3A_108 = arith.constant 0 : i32
    %scan3A_109 = arith.constant 16 : i32
    %scan3A_110 = arith.addi %scan3A_108, %scan3A_109 : i32
    %scan3A_111 = arith.constant 1 : i32
    scf.for %scan3A_195 = %scan3A_108 to %scan3A_110 step %scan3A_111  : i32 {
      %mul3A_196 = arith.constant 128 : i32
      %mul3A_197 = arith.muli %scan3A_195, %mul3A_196 : i32
      %add3A_198 = arith.constant 0 : i32
      %add3A_199 = arith.addi %mul3A_197, %add3A_198 : i32
      %get3A_200 = arith.index_cast %add3A_199 : i32 to index
      %get3A_201 = tpu.vector_load %arg18[%get3A_200] {strides = array<i32>} : memref<2048xi32, #tpu.memory_space<vmem>>, vector<16xi32>,
      %get3A_202 = vector.shape_cast %get3A_201 : vector<16xi32> to vector<16xi32>
      %get3A_203 = arith.index_cast %add3A_199 : i32 to index
      %get3A_204 = tpu.vector_load %arg19[%get3A_203] {strides = array<i32>} : memref<2048xi32, #tpu.memory_space<vmem>>, vector<16xi32>,
      %get3A_205 = vector.shape_cast %get3A_204 : vector<16xi32> to vector<16xi32>
      %mul3A_206 = arith.constant 128 : i32
      %mul3A_207 = vector.broadcast %mul3A_206 : i32 to vector<16xi32>
      %mul3A_208 = arith.muli %get3A_202, %mul3A_207 : vector<16xi32>
      %add3A_209 = arith.constant 0 : i32
      %add3A_210 = vector.broadcast %add3A_209 : i32 to vector<16xi32>
      %add3A_211 = arith.addi %get3A_205, %add3A_210 : vector<16xi32>
      %add3A_212 = arith.addi %mul3A_208, %add3A_211 : vector<16xi32>
      %lt3A = arith.constant 128 : i32
      %lt3A_213 = vector.broadcast %lt3A : i32 to vector<16xi32>
      %lt3A_214 = arith.cmpi slt, %get3A_205, %lt3A_213 : vector<16xi32>
      %jit3A = arith.constant 1048576 : i32
      %broadcast_in_dim3A_215 = vector.broadcast %jit3A : i32 to vector<16xi32>
      %select_n3A = arith.select %lt3A_214, %add3A_212, %broadcast_in_dim3A_215 : vector<16xi1>, vector<16xi32>
      %swap3A_216 = arith.index_cast %scan3A_195 : i32 to index
      %swap3A_217 = arith.constant 0 : index
      %swap3A_218 = tpu.vector_load %arg20[%swap3A_216, %swap3A_217] {strides = array<i32>} : memref<16x128xi32, #tpu.memory_space<vmem>>, vector<1x16xi32>,
      %swap3A_219 = vector.shape_cast %swap3A_218 : vector<1x16xi32> to vector<16xi32>
      %swap3A_220 = vector.shape_cast %select_n3A : vector<16xi32> to vector<1x16xi32>
      tpu.vector_store %arg20[%swap3A_216, %swap3A_217], %swap3A_220 {strides = array<i32>} : memref<16x128xi32, #tpu.memory_space<vmem>>, vector<1x16xi32>,
      %mul3A_221 = arith.constant 128 : i32
      %mul3A_222 = arith.muli %scan3A_195, %mul3A_221 : i32
      %add3A_223 = arith.constant 16 : i32
      %add3A_224 = arith.addi %mul3A_222, %add3A_223 : i32
      %get3A_225 = arith.index_cast %add3A_224 : i32 to index
      %get3A_226 = tpu.vector_load %arg18[%get3A_225] {strides = array<i32>} : memref<2048xi32, #tpu.memory_space<vmem>>, vector<16xi32>,
      %get3A_227 = vector.shape_cast %get3A_226 : vector<16xi32> to vector<16xi32>
      %get3A_228 = arith.index_cast %add3A_224 : i32 to index
      %get3A_229 = tpu.vector_load %arg19[%get3A_228] {strides = array<i32>} : memref<2048xi32, #tpu.memory_space<vmem>>, vector<16xi32>,
      %get3A_230 = vector.shape_cast %get3A_229 : vector<16xi32> to vector<16xi32>
      %mul3A_231 = arith.constant 128 : i32
      %mul3A_232 = vector.broadcast %mul3A_231 : i32 to vector<16xi32>
      %mul3A_233 = arith.muli %get3A_227, %mul3A_232 : vector<16xi32>
      %add3A_234 = arith.constant 0 : i32
      %add3A_235 = vector.broadcast %add3A_234 : i32 to vector<16xi32>
      %add3A_236 = arith.addi %get3A_230, %add3A_235 : vector<16xi32>
      %add3A_237 = arith.addi %mul3A_233, %add3A_236 : vector<16xi32>
      %lt3A_238 = arith.constant 128 : i32
      %lt3A_239 = vector.broadcast %lt3A_238 : i32 to vector<16xi32>
      %lt3A_240 = arith.cmpi slt, %get3A_230, %lt3A_239 : vector<16xi32>
      %jit3A_241 = arith.constant 1048576 : i32
      %broadcast_in_dim3A_242 = vector.broadcast %jit3A_241 : i32 to vector<16xi32>
      %select_n3A_243 = arith.select %lt3A_240, %add3A_237, %broadcast_in_dim3A_242 : vector<16xi1>, vector<16xi32>
      %swap3A_244 = arith.index_cast %scan3A_195 : i32 to index
      %swap3A_245 = arith.constant 16 : index
      %swap3A_246 = tpu.vector_load %arg20[%swap3A_244, %swap3A_245] {strides = array<i32>} : memref<16x128xi32, #tpu.memory_space<vmem>>, vector<1x16xi32>,
      %swap3A_247 = vector.shape_cast %swap3A_246 : vector<1x16xi32> to vector<16xi32>
      %swap3A_248 = vector.shape_cast %select_n3A_243 : vector<16xi32> to vector<1x16xi32>
      tpu.vector_store %arg20[%swap3A_244, %swap3A_245], %swap3A_248 {strides = array<i32>} : memref<16x128xi32, #tpu.memory_space<vmem>>, vector<1x16xi32>,
      %mul3A_249 = arith.constant 128 : i32
      %mul3A_250 = arith.muli %scan3A_195, %mul3A_249 : i32
      %add3A_251 = arith.constant 32 : i32
      %add3A_252 = arith.addi %mul3A_250, %add3A_251 : i32
      %get3A_253 = arith.index_cast %add3A_252 : i32 to index
      %get3A_254 = tpu.vector_load %arg18[%get3A_253] {strides = array<i32>} : memref<2048xi32, #tpu.memory_space<vmem>>, vector<16xi32>,
      %get3A_255 = vector.shape_cast %get3A_254 : vector<16xi32> to vector<16xi32>
      %get3A_256 = arith.index_cast %add3A_252 : i32 to index
      %get3A_257 = tpu.vector_load %arg19[%get3A_256] {strides = array<i32>} : memref<2048xi32, #tpu.memory_space<vmem>>, vector<16xi32>,
      %get3A_258 = vector.shape_cast %get3A_257 : vector<16xi32> to vector<16xi32>
      %mul3A_259 = arith.constant 128 : i32
      %mul3A_260 = vector.broadcast %mul3A_259 : i32 to vector<16xi32>
      %mul3A_261 = arith.muli %get3A_255, %mul3A_260 : vector<16xi32>
      %add3A_262 = arith.constant 0 : i32
      %add3A_263 = vector.broadcast %add3A_262 : i32 to vector<16xi32>
      %add3A_264 = arith.addi %get3A_258, %add3A_263 : vector<16xi32>
      %add3A_265 = arith.addi %mul3A_261, %add3A_264 : vector<16xi32>
      %lt3A_266 = arith.constant 128 : i32
      %lt3A_267 = vector.broadcast %lt3A_266 : i32 to vector<16xi32>
      %lt3A_268 = arith.cmpi slt, %get3A_258, %lt3A_267 : vector<16xi32>
      %jit3A_269 = arith.constant 1048576 : i32
      %broadcast_in_dim3A_270 = vector.broadcast %jit3A_269 : i32 to vector<16xi32>
      %select_n3A_271 = arith.select %lt3A_268, %add3A_265, %broadcast_in_dim3A_270 : vector<16xi1>, vector<16xi32>
      %swap3A_272 = arith.index_cast %scan3A_195 : i32 to index
      %swap3A_273 = arith.constant 32 : index
      %swap3A_274 = tpu.vector_load %arg20[%swap3A_272, %swap3A_273] {strides = array<i32>} : memref<16x128xi32, #tpu.memory_space<vmem>>, vector<1x16xi32>,
      %swap3A_275 = vector.shape_cast %swap3A_274 : vector<1x16xi32> to vector<16xi32>
      %swap3A_276 = vector.shape_cast %select_n3A_271 : vector<16xi32> to vector<1x16xi32>
      tpu.vector_store %arg20[%swap3A_272, %swap3A_273], %swap3A_276 {strides = array<i32>} : memref<16x128xi32, #tpu.memory_space<vmem>>, vector<1x16xi32>,
      %mul3A_277 = arith.constant 128 : i32
      %mul3A_278 = arith.muli %scan3A_195, %mul3A_277 : i32
      %add3A_279 = arith.constant 48 : i32
      %add3A_280 = arith.addi %mul3A_278, %add3A_279 : i32
      %get3A_281 = arith.index_cast %add3A_280 : i32 to index
      %get3A_282 = tpu.vector_load %arg18[%get3A_281] {strides = array<i32>} : memref<2048xi32, #tpu.memory_space<vmem>>, vector<16xi32>,
      %get3A_283 = vector.shape_cast %get3A_282 : vector<16xi32> to vector<16xi32>
      %get3A_284 = arith.index_cast %add3A_280 : i32 to index
      %get3A_285 = tpu.vector_load %arg19[%get3A_284] {strides = array<i32>} : memref<2048xi32, #tpu.memory_space<vmem>>, vector<16xi32>,
      %get3A_286 = vector.shape_cast %get3A_285 : vector<16xi32> to vector<16xi32>
      %mul3A_287 = arith.constant 128 : i32
      %mul3A_288 = vector.broadcast %mul3A_287 : i32 to vector<16xi32>
      %mul3A_289 = arith.muli %get3A_283, %mul3A_288 : vector<16xi32>
      %add3A_290 = arith.constant 0 : i32
      %add3A_291 = vector.broadcast %add3A_290 : i32 to vector<16xi32>
      %add3A_292 = arith.addi %get3A_286, %add3A_291 : vector<16xi32>
      %add3A_293 = arith.addi %mul3A_289, %add3A_292 : vector<16xi32>
      %lt3A_294 = arith.constant 128 : i32
      %lt3A_295 = vector.broadcast %lt3A_294 : i32 to vector<16xi32>
      %lt3A_296 = arith.cmpi slt, %get3A_286, %lt3A_295 : vector<16xi32>
      %jit3A_297 = arith.constant 1048576 : i32
      %broadcast_in_dim3A_298 = vector.broadcast %jit3A_297 : i32 to vector<16xi32>
      %select_n3A_299 = arith.select %lt3A_296, %add3A_293, %broadcast_in_dim3A_298 : vector<16xi1>, vector<16xi32>
      %swap3A_300 = arith.index_cast %scan3A_195 : i32 to index
      %swap3A_301 = arith.constant 48 : index
      %swap3A_302 = tpu.vector_load %arg20[%swap3A_300, %swap3A_301] {strides = array<i32>} : memref<16x128xi32, #tpu.memory_space<vmem>>, vector<1x16xi32>,
      %swap3A_303 = vector.shape_cast %swap3A_302 : vector<1x16xi32> to vector<16xi32>
      %swap3A_304 = vector.shape_cast %select_n3A_299 : vector<16xi32> to vector<1x16xi32>
      tpu.vector_store %arg20[%swap3A_300, %swap3A_301], %swap3A_304 {strides = array<i32>} : memref<16x128xi32, #tpu.memory_space<vmem>>, vector<1x16xi32>,
      %mul3A_305 = arith.constant 128 : i32
      %mul3A_306 = arith.muli %scan3A_195, %mul3A_305 : i32
      %add3A_307 = arith.constant 64 : i32
      %add3A_308 = arith.addi %mul3A_306, %add3A_307 : i32
      %get3A_309 = arith.index_cast %add3A_308 : i32 to index
      %get3A_310 = tpu.vector_load %arg18[%get3A_309] {strides = array<i32>} : memref<2048xi32, #tpu.memory_space<vmem>>, vector<16xi32>,
      %get3A_311 = vector.shape_cast %get3A_310 : vector<16xi32> to vector<16xi32>
      %get3A_312 = arith.index_cast %add3A_308 : i32 to index
      %get3A_313 = tpu.vector_load %arg19[%get3A_312] {strides = array<i32>} : memref<2048xi32, #tpu.memory_space<vmem>>, vector<16xi32>,
      %get3A_314 = vector.shape_cast %get3A_313 : vector<16xi32> to vector<16xi32>
      %mul3A_315 = arith.constant 128 : i32
      %mul3A_316 = vector.broadcast %mul3A_315 : i32 to vector<16xi32>
      %mul3A_317 = arith.muli %get3A_311, %mul3A_316 : vector<16xi32>
      %add3A_318 = arith.constant 0 : i32
      %add3A_319 = vector.broadcast %add3A_318 : i32 to vector<16xi32>
      %add3A_320 = arith.addi %get3A_314, %add3A_319 : vector<16xi32>
      %add3A_321 = arith.addi %mul3A_317, %add3A_320 : vector<16xi32>
      %lt3A_322 = arith.constant 128 : i32
      %lt3A_323 = vector.broadcast %lt3A_322 : i32 to vector<16xi32>
      %lt3A_324 = arith.cmpi slt, %get3A_314, %lt3A_323 : vector<16xi32>
      %jit3A_325 = arith.constant 1048576 : i32
      %broadcast_in_dim3A_326 = vector.broadcast %jit3A_325 : i32 to vector<16xi32>
      %select_n3A_327 = arith.select %lt3A_324, %add3A_321, %broadcast_in_dim3A_326 : vector<16xi1>, vector<16xi32>
      %swap3A_328 = arith.index_cast %scan3A_195 : i32 to index
      %swap3A_329 = arith.constant 64 : index
      %swap3A_330 = tpu.vector_load %arg20[%swap3A_328, %swap3A_329] {strides = array<i32>} : memref<16x128xi32, #tpu.memory_space<vmem>>, vector<1x16xi32>,
      %swap3A_331 = vector.shape_cast %swap3A_330 : vector<1x16xi32> to vector<16xi32>
      %swap3A_332 = vector.shape_cast %select_n3A_327 : vector<16xi32> to vector<1x16xi32>
      tpu.vector_store %arg20[%swap3A_328, %swap3A_329], %swap3A_332 {strides = array<i32>} : memref<16x128xi32, #tpu.memory_space<vmem>>, vector<1x16xi32>,
      %mul3A_333 = arith.constant 128 : i32
      %mul3A_334 = arith.muli %scan3A_195, %mul3A_333 : i32
      %add3A_335 = arith.constant 80 : i32
      %add3A_336 = arith.addi %mul3A_334, %add3A_335 : i32
      %get3A_337 = arith.index_cast %add3A_336 : i32 to index
      %get3A_338 = tpu.vector_load %arg18[%get3A_337] {strides = array<i32>} : memref<2048xi32, #tpu.memory_space<vmem>>, vector<16xi32>,
      %get3A_339 = vector.shape_cast %get3A_338 : vector<16xi32> to vector<16xi32>
      %get3A_340 = arith.index_cast %add3A_336 : i32 to index
      %get3A_341 = tpu.vector_load %arg19[%get3A_340] {strides = array<i32>} : memref<2048xi32, #tpu.memory_space<vmem>>, vector<16xi32>,
      %get3A_342 = vector.shape_cast %get3A_341 : vector<16xi32> to vector<16xi32>
      %mul3A_343 = arith.constant 128 : i32
      %mul3A_344 = vector.broadcast %mul3A_343 : i32 to vector<16xi32>
      %mul3A_345 = arith.muli %get3A_339, %mul3A_344 : vector<16xi32>
      %add3A_346 = arith.constant 0 : i32
      %add3A_347 = vector.broadcast %add3A_346 : i32 to vector<16xi32>
      %add3A_348 = arith.addi %get3A_342, %add3A_347 : vector<16xi32>
      %add3A_349 = arith.addi %mul3A_345, %add3A_348 : vector<16xi32>
      %lt3A_350 = arith.constant 128 : i32
      %lt3A_351 = vector.broadcast %lt3A_350 : i32 to vector<16xi32>
      %lt3A_352 = arith.cmpi slt, %get3A_342, %lt3A_351 : vector<16xi32>
      %jit3A_353 = arith.constant 1048576 : i32
      %broadcast_in_dim3A_354 = vector.broadcast %jit3A_353 : i32 to vector<16xi32>
      %select_n3A_355 = arith.select %lt3A_352, %add3A_349, %broadcast_in_dim3A_354 : vector<16xi1>, vector<16xi32>
      %swap3A_356 = arith.index_cast %scan3A_195 : i32 to index
      %swap3A_357 = arith.constant 80 : index
      %swap3A_358 = tpu.vector_load %arg20[%swap3A_356, %swap3A_357] {strides = array<i32>} : memref<16x128xi32, #tpu.memory_space<vmem>>, vector<1x16xi32>,
      %swap3A_359 = vector.shape_cast %swap3A_358 : vector<1x16xi32> to vector<16xi32>
      %swap3A_360 = vector.shape_cast %select_n3A_355 : vector<16xi32> to vector<1x16xi32>
      tpu.vector_store %arg20[%swap3A_356, %swap3A_357], %swap3A_360 {strides = array<i32>} : memref<16x128xi32, #tpu.memory_space<vmem>>, vector<1x16xi32>,
      %mul3A_361 = arith.constant 128 : i32
      %mul3A_362 = arith.muli %scan3A_195, %mul3A_361 : i32
      %add3A_363 = arith.constant 96 : i32
      %add3A_364 = arith.addi %mul3A_362, %add3A_363 : i32
      %get3A_365 = arith.index_cast %add3A_364 : i32 to index
      %get3A_366 = tpu.vector_load %arg18[%get3A_365] {strides = array<i32>} : memref<2048xi32, #tpu.memory_space<vmem>>, vector<16xi32>,
      %get3A_367 = vector.shape_cast %get3A_366 : vector<16xi32> to vector<16xi32>
      %get3A_368 = arith.index_cast %add3A_364 : i32 to index
      %get3A_369 = tpu.vector_load %arg19[%get3A_368] {strides = array<i32>} : memref<2048xi32, #tpu.memory_space<vmem>>, vector<16xi32>,
      %get3A_370 = vector.shape_cast %get3A_369 : vector<16xi32> to vector<16xi32>
      %mul3A_371 = arith.constant 128 : i32
      %mul3A_372 = vector.broadcast %mul3A_371 : i32 to vector<16xi32>
      %mul3A_373 = arith.muli %get3A_367, %mul3A_372 : vector<16xi32>
      %add3A_374 = arith.constant 0 : i32
      %add3A_375 = vector.broadcast %add3A_374 : i32 to vector<16xi32>
      %add3A_376 = arith.addi %get3A_370, %add3A_375 : vector<16xi32>
      %add3A_377 = arith.addi %mul3A_373, %add3A_376 : vector<16xi32>
      %lt3A_378 = arith.constant 128 : i32
      %lt3A_379 = vector.broadcast %lt3A_378 : i32 to vector<16xi32>
      %lt3A_380 = arith.cmpi slt, %get3A_370, %lt3A_379 : vector<16xi32>
      %jit3A_381 = arith.constant 1048576 : i32
      %broadcast_in_dim3A_382 = vector.broadcast %jit3A_381 : i32 to vector<16xi32>
      %select_n3A_383 = arith.select %lt3A_380, %add3A_377, %broadcast_in_dim3A_382 : vector<16xi1>, vector<16xi32>
      %swap3A_384 = arith.index_cast %scan3A_195 : i32 to index
      %swap3A_385 = arith.constant 96 : index
      %swap3A_386 = tpu.vector_load %arg20[%swap3A_384, %swap3A_385] {strides = array<i32>} : memref<16x128xi32, #tpu.memory_space<vmem>>, vector<1x16xi32>,
      %swap3A_387 = vector.shape_cast %swap3A_386 : vector<1x16xi32> to vector<16xi32>
      %swap3A_388 = vector.shape_cast %select_n3A_383 : vector<16xi32> to vector<1x16xi32>
      tpu.vector_store %arg20[%swap3A_384, %swap3A_385], %swap3A_388 {strides = array<i32>} : memref<16x128xi32, #tpu.memory_space<vmem>>, vector<1x16xi32>,
      %mul3A_389 = arith.constant 128 : i32
      %mul3A_390 = arith.muli %scan3A_195, %mul3A_389 : i32
      %add3A_391 = arith.constant 112 : i32
      %add3A_392 = arith.addi %mul3A_390, %add3A_391 : i32
      %get3A_393 = arith.index_cast %add3A_392 : i32 to index
      %get3A_394 = tpu.vector_load %arg18[%get3A_393] {strides = array<i32>} : memref<2048xi32, #tpu.memory_space<vmem>>, vector<16xi32>,
      %get3A_395 = vector.shape_cast %get3A_394 : vector<16xi32> to vector<16xi32>
      %get3A_396 = arith.index_cast %add3A_392 : i32 to index
      %get3A_397 = tpu.vector_load %arg19[%get3A_396] {strides = array<i32>} : memref<2048xi32, #tpu.memory_space<vmem>>, vector<16xi32>,
      %get3A_398 = vector.shape_cast %get3A_397 : vector<16xi32> to vector<16xi32>
      %mul3A_399 = arith.constant 128 : i32
      %mul3A_400 = vector.broadcast %mul3A_399 : i32 to vector<16xi32>
      %mul3A_401 = arith.muli %get3A_395, %mul3A_400 : vector<16xi32>
      %add3A_402 = arith.constant 0 : i32
      %add3A_403 = vector.broadcast %add3A_402 : i32 to vector<16xi32>
      %add3A_404 = arith.addi %get3A_398, %add3A_403 : vector<16xi32>
      %add3A_405 = arith.addi %mul3A_401, %add3A_404 : vector<16xi32>
      %lt3A_406 = arith.constant 128 : i32
      %lt3A_407 = vector.broadcast %lt3A_406 : i32 to vector<16xi32>
      %lt3A_408 = arith.cmpi slt, %get3A_398, %lt3A_407 : vector<16xi32>
      %jit3A_409 = arith.constant 1048576 : i32
      %broadcast_in_dim3A_410 = vector.broadcast %jit3A_409 : i32 to vector<16xi32>
      %select_n3A_411 = arith.select %lt3A_408, %add3A_405, %broadcast_in_dim3A_410 : vector<16xi1>, vector<16xi32>
      %swap3A_412 = arith.index_cast %scan3A_195 : i32 to index
      %swap3A_413 = arith.constant 112 : index
      %swap3A_414 = tpu.vector_load %arg20[%swap3A_412, %swap3A_413] {strides = array<i32>} : memref<16x128xi32, #tpu.memory_space<vmem>>, vector<1x16xi32>,
      %swap3A_415 = vector.shape_cast %swap3A_414 : vector<1x16xi32> to vector<16xi32>
      %swap3A_416 = vector.shape_cast %select_n3A_411 : vector<16xi32> to vector<1x16xi32>
      tpu.vector_store %arg20[%swap3A_412, %swap3A_413], %swap3A_416 {strides = array<i32>} : memref<16x128xi32, #tpu.memory_space<vmem>>, vector<1x16xi32>,
    }
    %scan3A_112 = arith.constant 16 : i32
    %scan3A_113 = arith.constant 0 : i32
    %scan3A_114 = arith.constant 0 : i32
    %scan3A_115 = arith.constant 16 : i32
    %scan3A_116 = arith.addi %scan3A_114, %scan3A_115 : i32
    %scan3A_117 = arith.constant 1 : i32
    scf.for %scan3A_195 = %scan3A_114 to %scan3A_116 step %scan3A_117  : i32 {
      "tpu.region"() ({
        %run_scoped3A = tpu.sem_alloc : memref<!tpu.dma_semaphore, #tpu.memory_space<semaphore_mem>>
        %dma_start3A = arith.constant 0 : i32
        %dma_start3A_196 = tpu.memref_slice %arg20[%scan3A_195, %dma_start3A] : memref<16x128xi32, #tpu.memory_space<vmem>> -> memref<1x128xi32, #tpu.memory_space<vmem>>
        %dma_start3A_197 = tpu.memref_squeeze %dma_start3A_196 : memref<1x128xi32, #tpu.memory_space<vmem>> -> memref<128xi32, #tpu.memory_space<vmem>>
        %dma_start3A_198 = arith.constant 0 : i32
        %dma_start3A_199 = tpu.memref_slice %arg17[%dma_start3A_198] : memref<1048704xf32, #tpu.memory_space<vmem_shared>> -> memref<1048704xf32, #tpu.memory_space<vmem_shared>>
        tpu.enqueue_indirect_dma source(%arg21 : memref<128xf32, #tpu.memory_space<vmem>>) target(%dma_start3A_199 : memref<1048704xf32, #tpu.memory_space<vmem_shared>>) offsets(%dma_start3A_197 : memref<128xi32, #tpu.memory_space<vmem>>) semaphore(%run_scoped3A : memref<!tpu.dma_semaphore, #tpu.memory_space<semaphore_mem>>) {add = true}
        %dma_wait3A = arith.constant 0 : i32
        %dma_wait3A_200 = tpu.memref_slice %arg20[%scan3A_195, %dma_wait3A] : memref<16x128xi32, #tpu.memory_space<vmem>> -> memref<1x128xi32, #tpu.memory_space<vmem>>
        %dma_wait3A_201 = tpu.memref_squeeze %dma_wait3A_200 : memref<1x128xi32, #tpu.memory_space<vmem>> -> memref<128xi32, #tpu.memory_space<vmem>>
        %dma_wait3A_202 = arith.constant 0 : i32
        %dma_wait3A_203 = tpu.memref_slice %arg17[%dma_wait3A_202] : memref<1048704xf32, #tpu.memory_space<vmem_shared>> -> memref<1048704xf32, #tpu.memory_space<vmem_shared>>
        tpu.wait_indirect_dma semaphore(%run_scoped3A : memref<!tpu.dma_semaphore, #tpu.memory_space<semaphore_mem>>) src(%arg21 : memref<128xf32, #tpu.memory_space<vmem>>) dst(%dma_wait3A_203 : memref<1048704xf32, #tpu.memory_space<vmem_shared>>)
        tpu.yield
      }) : () -> ()
    }
    %scan3A_118 = arith.constant 16 : i32
    %barrier3A_119 = arith.constant 0 : index
    tpu.barrier barrier_id(%barrier3A_119)
    %convert_element_type3A_120 = arith.extui %and3A : i1 to i32
    %cond3A_121 = arith.constant 0 : i32
    %cond3A_122 = arith.cmpi ne, %convert_element_type3A_120, %cond3A_121 : i32
    scf.if %cond3A_122 {
      %mul3A_195 = arith.constant 65536 : i32
      %mul3A_196 = arith.muli %arg1, %mul3A_195 : i32
      %mul3A_197 = arith.constant 1048576 : i32
      %mul3A_198 = arith.muli %arg0, %mul3A_197 : i32
      %mul3A_199 = arith.constant 65536 : i32
      %mul3A_200 = arith.muli %arg1, %mul3A_199 : i32
      %add3A_201 = arith.addi %mul3A_198, %mul3A_200 : i32
      "tpu.region"() ({
        %run_scoped3A = tpu.sem_alloc : memref<!tpu.dma_semaphore, #tpu.memory_space<semaphore_mem>>
        %dma_start3A = tpu.memref_slice %arg13[%add3A_201] : memref<2097152xf32, #tpu.memory_space<hbm>> -> memref<65536xf32, #tpu.memory_space<hbm>>
        %dma_start3A_202 = tpu.memref_slice %arg17[%mul3A_196] : memref<1048704xf32, #tpu.memory_space<vmem_shared>> -> memref<65536xf32, #tpu.memory_space<vmem_shared>>
        tpu.enqueue_dma source(%dma_start3A_202 : memref<65536xf32, #tpu.memory_space<vmem_shared>>) target(%dma_start3A : memref<65536xf32, #tpu.memory_space<hbm>>) target_semaphore(%run_scoped3A : memref<!tpu.dma_semaphore, #tpu.memory_space<semaphore_mem>>)
        %dma_wait3A = tpu.memref_slice %arg13[%add3A_201] : memref<2097152xf32, #tpu.memory_space<hbm>> -> memref<65536xf32, #tpu.memory_space<hbm>>
        %dma_wait3A_203 = tpu.memref_slice %arg17[%mul3A_196] : memref<1048704xf32, #tpu.memory_space<vmem_shared>> -> memref<65536xf32, #tpu.memory_space<vmem_shared>>
        tpu.wait_dma2 semaphore(%run_scoped3A : memref<!tpu.dma_semaphore, #tpu.memory_space<semaphore_mem>>) src(%dma_wait3A_203 : memref<65536xf32, #tpu.memory_space<vmem_shared>>) dst(%dma_wait3A : memref<65536xf32, #tpu.memory_space<hbm>>)
        tpu.yield
      }) : () -> ()
    } else {
    }
    %convert_element_type3A_123 = arith.extui %and3A : i1 to i32
    %cond3A_124 = arith.constant 0 : i32
    %cond3A_125 = arith.cmpi ne, %convert_element_type3A_123, %cond3A_124 : i32
    scf.if %cond3A_125 {
      %scan3A_195 = arith.constant 0 : i32
      %scan3A_196 = arith.constant 0 : i32
      %scan3A_197 = arith.constant 16 : i32
      %scan3A_198 = arith.addi %scan3A_196, %scan3A_197 : i32
      %scan3A_199 = arith.constant 1 : i32
      scf.for %scan3A_201 = %scan3A_196 to %scan3A_198 step %scan3A_199  : i32 {
        %mul3A_202 = arith.constant 65536 : i32
        %mul3A_203 = arith.muli %arg1, %mul3A_202 : i32
        %mul3A_204 = arith.constant 4096 : i32
        %mul3A_205 = arith.muli %scan3A_201, %mul3A_204 : i32
        %add3A_206 = arith.addi %mul3A_203, %mul3A_205 : i32
        "tpu.region"() ({
          %run_scoped3A = tpu.sem_alloc : memref<!tpu.dma_semaphore, #tpu.memory_space<semaphore_mem>>
          %dma_start3A = tpu.memref_slice %arg17[%add3A_206] : memref<1048704xf32, #tpu.memory_space<vmem_shared>> -> memref<4096xf32, #tpu.memory_space<vmem_shared>>
          %dma_start3A_207 = tpu.memref_slice %arg17[%add3A_206] : memref<1048704xf32, #tpu.memory_space<vmem_shared>> -> memref<4096xf32, #tpu.memory_space<vmem_shared>>
          tpu.enqueue_dma source(%arg22 : memref<4096xf32, #tpu.memory_space<vmem>>) target(%dma_start3A_207 : memref<4096xf32, #tpu.memory_space<vmem_shared>>) target_semaphore(%run_scoped3A : memref<!tpu.dma_semaphore, #tpu.memory_space<semaphore_mem>>)
          %dma_wait3A = tpu.memref_slice %arg17[%add3A_206] : memref<1048704xf32, #tpu.memory_space<vmem_shared>> -> memref<4096xf32, #tpu.memory_space<vmem_shared>>
          %dma_wait3A_208 = tpu.memref_slice %arg17[%add3A_206] : memref<1048704xf32, #tpu.memory_space<vmem_shared>> -> memref<4096xf32, #tpu.memory_space<vmem_shared>>
          tpu.wait_dma2 semaphore(%run_scoped3A : memref<!tpu.dma_semaphore, #tpu.memory_space<semaphore_mem>>) src(%arg22 : memref<4096xf32, #tpu.memory_space<vmem>>) dst(%dma_wait3A_208 : memref<4096xf32, #tpu.memory_space<vmem_shared>>)
          tpu.yield
        }) : () -> ()
      }
      %scan3A_200 = arith.constant 16 : i32
    } else {
    }
    %barrier3A_126 = arith.constant 0 : index
    tpu.barrier barrier_id(%barrier3A_126)
    "tpu.region"() ({
      %run_scoped3A = tpu.sem_alloc : memref<!tpu.dma_semaphore, #tpu.memory_space<semaphore_mem>>
      %dma_start3A = tpu.memref_slice %arg7[%mul3A_2] : memref<65536xi32, #tpu.memory_space<hbm>> -> memref<2048xi32, #tpu.memory_space<hbm>>
      %dma_start3A_195 = tpu.memref_slice %arg7[%mul3A_2] : memref<65536xi32, #tpu.memory_space<hbm>> -> memref<2048xi32, #tpu.memory_space<hbm>>
      tpu.enqueue_dma source(%dma_start3A_195 : memref<2048xi32, #tpu.memory_space<hbm>>) target(%arg19 : memref<2048xi32, #tpu.memory_space<vmem>>) target_semaphore(%run_scoped3A : memref<!tpu.dma_semaphore, #tpu.memory_space<semaphore_mem>>)
      %dma_wait3A = tpu.memref_slice %arg7[%mul3A_2] : memref<65536xi32, #tpu.memory_space<hbm>> -> memref<2048xi32, #tpu.memory_space<hbm>>
      %dma_wait3A_196 = tpu.memref_slice %arg7[%mul3A_2] : memref<65536xi32, #tpu.memory_space<hbm>> -> memref<2048xi32, #tpu.memory_space<hbm>>
      tpu.wait_dma2 semaphore(%run_scoped3A : memref<!tpu.dma_semaphore, #tpu.memory_space<semaphore_mem>>) src(%dma_wait3A_196 : memref<2048xi32, #tpu.memory_space<hbm>>) dst(%arg19 : memref<2048xi32, #tpu.memory_space<vmem>>)
      tpu.yield
    }) : () -> ()
    %scan3A_127 = arith.constant 0 : i32
    %scan3A_128 = arith.constant 0 : i32
    %scan3A_129 = arith.constant 16 : i32
    %scan3A_130 = arith.addi %scan3A_128, %scan3A_129 : i32
    %scan3A_131 = arith.constant 1 : i32
    scf.for %scan3A_195 = %scan3A_128 to %scan3A_130 step %scan3A_131  : i32 {
      %mul3A_196 = arith.constant 128 : i32
      %mul3A_197 = arith.muli %scan3A_195, %mul3A_196 : i32
      %add3A_198 = arith.constant 0 : i32
      %add3A_199 = arith.addi %mul3A_197, %add3A_198 : i32
      %get3A_200 = arith.index_cast %add3A_199 : i32 to index
      %get3A_201 = tpu.vector_load %arg18[%get3A_200] {strides = array<i32>} : memref<2048xi32, #tpu.memory_space<vmem>>, vector<16xi32>,
      %get3A_202 = vector.shape_cast %get3A_201 : vector<16xi32> to vector<16xi32>
      %get3A_203 = arith.index_cast %add3A_199 : i32 to index
      %get3A_204 = tpu.vector_load %arg19[%get3A_203] {strides = array<i32>} : memref<2048xi32, #tpu.memory_space<vmem>>, vector<16xi32>,
      %get3A_205 = vector.shape_cast %get3A_204 : vector<16xi32> to vector<16xi32>
      %mul3A_206 = arith.constant 128 : i32
      %mul3A_207 = vector.broadcast %mul3A_206 : i32 to vector<16xi32>
      %mul3A_208 = arith.muli %get3A_202, %mul3A_207 : vector<16xi32>
      %add3A_209 = arith.constant 0 : i32
      %add3A_210 = vector.broadcast %add3A_209 : i32 to vector<16xi32>
      %add3A_211 = arith.addi %get3A_205, %add3A_210 : vector<16xi32>
      %add3A_212 = arith.addi %mul3A_208, %add3A_211 : vector<16xi32>
      %lt3A = arith.constant 128 : i32
      %lt3A_213 = vector.broadcast %lt3A : i32 to vector<16xi32>
      %lt3A_214 = arith.cmpi slt, %get3A_205, %lt3A_213 : vector<16xi32>
      %jit3A = arith.constant 1048576 : i32
      %broadcast_in_dim3A_215 = vector.broadcast %jit3A : i32 to vector<16xi32>
      %select_n3A = arith.select %lt3A_214, %add3A_212, %broadcast_in_dim3A_215 : vector<16xi1>, vector<16xi32>
      %swap3A_216 = arith.index_cast %scan3A_195 : i32 to index
      %swap3A_217 = arith.constant 0 : index
      %swap3A_218 = tpu.vector_load %arg20[%swap3A_216, %swap3A_217] {strides = array<i32>} : memref<16x128xi32, #tpu.memory_space<vmem>>, vector<1x16xi32>,
      %swap3A_219 = vector.shape_cast %swap3A_218 : vector<1x16xi32> to vector<16xi32>
      %swap3A_220 = vector.shape_cast %select_n3A : vector<16xi32> to vector<1x16xi32>
      tpu.vector_store %arg20[%swap3A_216, %swap3A_217], %swap3A_220 {strides = array<i32>} : memref<16x128xi32, #tpu.memory_space<vmem>>, vector<1x16xi32>,
      %mul3A_221 = arith.constant 128 : i32
      %mul3A_222 = arith.muli %scan3A_195, %mul3A_221 : i32
      %add3A_223 = arith.constant 16 : i32
      %add3A_224 = arith.addi %mul3A_222, %add3A_223 : i32
      %get3A_225 = arith.index_cast %add3A_224 : i32 to index
      %get3A_226 = tpu.vector_load %arg18[%get3A_225] {strides = array<i32>} : memref<2048xi32, #tpu.memory_space<vmem>>, vector<16xi32>,
      %get3A_227 = vector.shape_cast %get3A_226 : vector<16xi32> to vector<16xi32>
      %get3A_228 = arith.index_cast %add3A_224 : i32 to index
      %get3A_229 = tpu.vector_load %arg19[%get3A_228] {strides = array<i32>} : memref<2048xi32, #tpu.memory_space<vmem>>, vector<16xi32>,
      %get3A_230 = vector.shape_cast %get3A_229 : vector<16xi32> to vector<16xi32>
      %mul3A_231 = arith.constant 128 : i32
      %mul3A_232 = vector.broadcast %mul3A_231 : i32 to vector<16xi32>
      %mul3A_233 = arith.muli %get3A_227, %mul3A_232 : vector<16xi32>
      %add3A_234 = arith.constant 0 : i32
      %add3A_235 = vector.broadcast %add3A_234 : i32 to vector<16xi32>
      %add3A_236 = arith.addi %get3A_230, %add3A_235 : vector<16xi32>
      %add3A_237 = arith.addi %mul3A_233, %add3A_236 : vector<16xi32>
      %lt3A_238 = arith.constant 128 : i32
      %lt3A_239 = vector.broadcast %lt3A_238 : i32 to vector<16xi32>
      %lt3A_240 = arith.cmpi slt, %get3A_230, %lt3A_239 : vector<16xi32>
      %jit3A_241 = arith.constant 1048576 : i32
      %broadcast_in_dim3A_242 = vector.broadcast %jit3A_241 : i32 to vector<16xi32>
      %select_n3A_243 = arith.select %lt3A_240, %add3A_237, %broadcast_in_dim3A_242 : vector<16xi1>, vector<16xi32>
      %swap3A_244 = arith.index_cast %scan3A_195 : i32 to index
      %swap3A_245 = arith.constant 16 : index
      %swap3A_246 = tpu.vector_load %arg20[%swap3A_244, %swap3A_245] {strides = array<i32>} : memref<16x128xi32, #tpu.memory_space<vmem>>, vector<1x16xi32>,
      %swap3A_247 = vector.shape_cast %swap3A_246 : vector<1x16xi32> to vector<16xi32>
      %swap3A_248 = vector.shape_cast %select_n3A_243 : vector<16xi32> to vector<1x16xi32>
      tpu.vector_store %arg20[%swap3A_244, %swap3A_245], %swap3A_248 {strides = array<i32>} : memref<16x128xi32, #tpu.memory_space<vmem>>, vector<1x16xi32>,
      %mul3A_249 = arith.constant 128 : i32
      %mul3A_250 = arith.muli %scan3A_195, %mul3A_249 : i32
      %add3A_251 = arith.constant 32 : i32
      %add3A_252 = arith.addi %mul3A_250, %add3A_251 : i32
      %get3A_253 = arith.index_cast %add3A_252 : i32 to index
      %get3A_254 = tpu.vector_load %arg18[%get3A_253] {strides = array<i32>} : memref<2048xi32, #tpu.memory_space<vmem>>, vector<16xi32>,
      %get3A_255 = vector.shape_cast %get3A_254 : vector<16xi32> to vector<16xi32>
      %get3A_256 = arith.index_cast %add3A_252 : i32 to index
      %get3A_257 = tpu.vector_load %arg19[%get3A_256] {strides = array<i32>} : memref<2048xi32, #tpu.memory_space<vmem>>, vector<16xi32>,
      %get3A_258 = vector.shape_cast %get3A_257 : vector<16xi32> to vector<16xi32>
      %mul3A_259 = arith.constant 128 : i32
      %mul3A_260 = vector.broadcast %mul3A_259 : i32 to vector<16xi32>
      %mul3A_261 = arith.muli %get3A_255, %mul3A_260 : vector<16xi32>
      %add3A_262 = arith.constant 0 : i32
      %add3A_263 = vector.broadcast %add3A_262 : i32 to vector<16xi32>
      %add3A_264 = arith.addi %get3A_258, %add3A_263 : vector<16xi32>
      %add3A_265 = arith.addi %mul3A_261, %add3A_264 : vector<16xi32>
      %lt3A_266 = arith.constant 128 : i32
      %lt3A_267 = vector.broadcast %lt3A_266 : i32 to vector<16xi32>
      %lt3A_268 = arith.cmpi slt, %get3A_258, %lt3A_267 : vector<16xi32>
      %jit3A_269 = arith.constant 1048576 : i32
      %broadcast_in_dim3A_270 = vector.broadcast %jit3A_269 : i32 to vector<16xi32>
      %select_n3A_271 = arith.select %lt3A_268, %add3A_265, %broadcast_in_dim3A_270 : vector<16xi1>, vector<16xi32>
      %swap3A_272 = arith.index_cast %scan3A_195 : i32 to index
      %swap3A_273 = arith.constant 32 : index
      %swap3A_274 = tpu.vector_load %arg20[%swap3A_272, %swap3A_273] {strides = array<i32>} : memref<16x128xi32, #tpu.memory_space<vmem>>, vector<1x16xi32>,
      %swap3A_275 = vector.shape_cast %swap3A_274 : vector<1x16xi32> to vector<16xi32>
      %swap3A_276 = vector.shape_cast %select_n3A_271 : vector<16xi32> to vector<1x16xi32>
      tpu.vector_store %arg20[%swap3A_272, %swap3A_273], %swap3A_276 {strides = array<i32>} : memref<16x128xi32, #tpu.memory_space<vmem>>, vector<1x16xi32>,
      %mul3A_277 = arith.constant 128 : i32
      %mul3A_278 = arith.muli %scan3A_195, %mul3A_277 : i32
      %add3A_279 = arith.constant 48 : i32
      %add3A_280 = arith.addi %mul3A_278, %add3A_279 : i32
      %get3A_281 = arith.index_cast %add3A_280 : i32 to index
      %get3A_282 = tpu.vector_load %arg18[%get3A_281] {strides = array<i32>} : memref<2048xi32, #tpu.memory_space<vmem>>, vector<16xi32>,
      %get3A_283 = vector.shape_cast %get3A_282 : vector<16xi32> to vector<16xi32>
      %get3A_284 = arith.index_cast %add3A_280 : i32 to index
      %get3A_285 = tpu.vector_load %arg19[%get3A_284] {strides = array<i32>} : memref<2048xi32, #tpu.memory_space<vmem>>, vector<16xi32>,
      %get3A_286 = vector.shape_cast %get3A_285 : vector<16xi32> to vector<16xi32>
      %mul3A_287 = arith.constant 128 : i32
      %mul3A_288 = vector.broadcast %mul3A_287 : i32 to vector<16xi32>
      %mul3A_289 = arith.muli %get3A_283, %mul3A_288 : vector<16xi32>
      %add3A_290 = arith.constant 0 : i32
      %add3A_291 = vector.broadcast %add3A_290 : i32 to vector<16xi32>
      %add3A_292 = arith.addi %get3A_286, %add3A_291 : vector<16xi32>
      %add3A_293 = arith.addi %mul3A_289, %add3A_292 : vector<16xi32>
      %lt3A_294 = arith.constant 128 : i32
      %lt3A_295 = vector.broadcast %lt3A_294 : i32 to vector<16xi32>
      %lt3A_296 = arith.cmpi slt, %get3A_286, %lt3A_295 : vector<16xi32>
      %jit3A_297 = arith.constant 1048576 : i32
      %broadcast_in_dim3A_298 = vector.broadcast %jit3A_297 : i32 to vector<16xi32>
      %select_n3A_299 = arith.select %lt3A_296, %add3A_293, %broadcast_in_dim3A_298 : vector<16xi1>, vector<16xi32>
      %swap3A_300 = arith.index_cast %scan3A_195 : i32 to index
      %swap3A_301 = arith.constant 48 : index
      %swap3A_302 = tpu.vector_load %arg20[%swap3A_300, %swap3A_301] {strides = array<i32>} : memref<16x128xi32, #tpu.memory_space<vmem>>, vector<1x16xi32>,
      %swap3A_303 = vector.shape_cast %swap3A_302 : vector<1x16xi32> to vector<16xi32>
      %swap3A_304 = vector.shape_cast %select_n3A_299 : vector<16xi32> to vector<1x16xi32>
      tpu.vector_store %arg20[%swap3A_300, %swap3A_301], %swap3A_304 {strides = array<i32>} : memref<16x128xi32, #tpu.memory_space<vmem>>, vector<1x16xi32>,
      %mul3A_305 = arith.constant 128 : i32
      %mul3A_306 = arith.muli %scan3A_195, %mul3A_305 : i32
      %add3A_307 = arith.constant 64 : i32
      %add3A_308 = arith.addi %mul3A_306, %add3A_307 : i32
      %get3A_309 = arith.index_cast %add3A_308 : i32 to index
      %get3A_310 = tpu.vector_load %arg18[%get3A_309] {strides = array<i32>} : memref<2048xi32, #tpu.memory_space<vmem>>, vector<16xi32>,
      %get3A_311 = vector.shape_cast %get3A_310 : vector<16xi32> to vector<16xi32>
      %get3A_312 = arith.index_cast %add3A_308 : i32 to index
      %get3A_313 = tpu.vector_load %arg19[%get3A_312] {strides = array<i32>} : memref<2048xi32, #tpu.memory_space<vmem>>, vector<16xi32>,
      %get3A_314 = vector.shape_cast %get3A_313 : vector<16xi32> to vector<16xi32>
      %mul3A_315 = arith.constant 128 : i32
      %mul3A_316 = vector.broadcast %mul3A_315 : i32 to vector<16xi32>
      %mul3A_317 = arith.muli %get3A_311, %mul3A_316 : vector<16xi32>
      %add3A_318 = arith.constant 0 : i32
      %add3A_319 = vector.broadcast %add3A_318 : i32 to vector<16xi32>
      %add3A_320 = arith.addi %get3A_314, %add3A_319 : vector<16xi32>
      %add3A_321 = arith.addi %mul3A_317, %add3A_320 : vector<16xi32>
      %lt3A_322 = arith.constant 128 : i32
      %lt3A_323 = vector.broadcast %lt3A_322 : i32 to vector<16xi32>
      %lt3A_324 = arith.cmpi slt, %get3A_314, %lt3A_323 : vector<16xi32>
      %jit3A_325 = arith.constant 1048576 : i32
      %broadcast_in_dim3A_326 = vector.broadcast %jit3A_325 : i32 to vector<16xi32>
      %select_n3A_327 = arith.select %lt3A_324, %add3A_321, %broadcast_in_dim3A_326 : vector<16xi1>, vector<16xi32>
      %swap3A_328 = arith.index_cast %scan3A_195 : i32 to index
      %swap3A_329 = arith.constant 64 : index
      %swap3A_330 = tpu.vector_load %arg20[%swap3A_328, %swap3A_329] {strides = array<i32>} : memref<16x128xi32, #tpu.memory_space<vmem>>, vector<1x16xi32>,
      %swap3A_331 = vector.shape_cast %swap3A_330 : vector<1x16xi32> to vector<16xi32>
      %swap3A_332 = vector.shape_cast %select_n3A_327 : vector<16xi32> to vector<1x16xi32>
      tpu.vector_store %arg20[%swap3A_328, %swap3A_329], %swap3A_332 {strides = array<i32>} : memref<16x128xi32, #tpu.memory_space<vmem>>, vector<1x16xi32>,
      %mul3A_333 = arith.constant 128 : i32
      %mul3A_334 = arith.muli %scan3A_195, %mul3A_333 : i32
      %add3A_335 = arith.constant 80 : i32
      %add3A_336 = arith.addi %mul3A_334, %add3A_335 : i32
      %get3A_337 = arith.index_cast %add3A_336 : i32 to index
      %get3A_338 = tpu.vector_load %arg18[%get3A_337] {strides = array<i32>} : memref<2048xi32, #tpu.memory_space<vmem>>, vector<16xi32>,
      %get3A_339 = vector.shape_cast %get3A_338 : vector<16xi32> to vector<16xi32>
      %get3A_340 = arith.index_cast %add3A_336 : i32 to index
      %get3A_341 = tpu.vector_load %arg19[%get3A_340] {strides = array<i32>} : memref<2048xi32, #tpu.memory_space<vmem>>, vector<16xi32>,
      %get3A_342 = vector.shape_cast %get3A_341 : vector<16xi32> to vector<16xi32>
      %mul3A_343 = arith.constant 128 : i32
      %mul3A_344 = vector.broadcast %mul3A_343 : i32 to vector<16xi32>
      %mul3A_345 = arith.muli %get3A_339, %mul3A_344 : vector<16xi32>
      %add3A_346 = arith.constant 0 : i32
      %add3A_347 = vector.broadcast %add3A_346 : i32 to vector<16xi32>
      %add3A_348 = arith.addi %get3A_342, %add3A_347 : vector<16xi32>
      %add3A_349 = arith.addi %mul3A_345, %add3A_348 : vector<16xi32>
      %lt3A_350 = arith.constant 128 : i32
      %lt3A_351 = vector.broadcast %lt3A_350 : i32 to vector<16xi32>
      %lt3A_352 = arith.cmpi slt, %get3A_342, %lt3A_351 : vector<16xi32>
      %jit3A_353 = arith.constant 1048576 : i32
      %broadcast_in_dim3A_354 = vector.broadcast %jit3A_353 : i32 to vector<16xi32>
      %select_n3A_355 = arith.select %lt3A_352, %add3A_349, %broadcast_in_dim3A_354 : vector<16xi1>, vector<16xi32>
      %swap3A_356 = arith.index_cast %scan3A_195 : i32 to index
      %swap3A_357 = arith.constant 80 : index
      %swap3A_358 = tpu.vector_load %arg20[%swap3A_356, %swap3A_357] {strides = array<i32>} : memref<16x128xi32, #tpu.memory_space<vmem>>, vector<1x16xi32>,
      %swap3A_359 = vector.shape_cast %swap3A_358 : vector<1x16xi32> to vector<16xi32>
      %swap3A_360 = vector.shape_cast %select_n3A_355 : vector<16xi32> to vector<1x16xi32>
      tpu.vector_store %arg20[%swap3A_356, %swap3A_357], %swap3A_360 {strides = array<i32>} : memref<16x128xi32, #tpu.memory_space<vmem>>, vector<1x16xi32>,
      %mul3A_361 = arith.constant 128 : i32
      %mul3A_362 = arith.muli %scan3A_195, %mul3A_361 : i32
      %add3A_363 = arith.constant 96 : i32
      %add3A_364 = arith.addi %mul3A_362, %add3A_363 : i32
      %get3A_365 = arith.index_cast %add3A_364 : i32 to index
      %get3A_366 = tpu.vector_load %arg18[%get3A_365] {strides = array<i32>} : memref<2048xi32, #tpu.memory_space<vmem>>, vector<16xi32>,
      %get3A_367 = vector.shape_cast %get3A_366 : vector<16xi32> to vector<16xi32>
      %get3A_368 = arith.index_cast %add3A_364 : i32 to index
      %get3A_369 = tpu.vector_load %arg19[%get3A_368] {strides = array<i32>} : memref<2048xi32, #tpu.memory_space<vmem>>, vector<16xi32>,
      %get3A_370 = vector.shape_cast %get3A_369 : vector<16xi32> to vector<16xi32>
      %mul3A_371 = arith.constant 128 : i32
      %mul3A_372 = vector.broadcast %mul3A_371 : i32 to vector<16xi32>
      %mul3A_373 = arith.muli %get3A_367, %mul3A_372 : vector<16xi32>
      %add3A_374 = arith.constant 0 : i32
      %add3A_375 = vector.broadcast %add3A_374 : i32 to vector<16xi32>
      %add3A_376 = arith.addi %get3A_370, %add3A_375 : vector<16xi32>
      %add3A_377 = arith.addi %mul3A_373, %add3A_376 : vector<16xi32>
      %lt3A_378 = arith.constant 128 : i32
      %lt3A_379 = vector.broadcast %lt3A_378 : i32 to vector<16xi32>
      %lt3A_380 = arith.cmpi slt, %get3A_370, %lt3A_379 : vector<16xi32>
      %jit3A_381 = arith.constant 1048576 : i32
      %broadcast_in_dim3A_382 = vector.broadcast %jit3A_381 : i32 to vector<16xi32>
      %select_n3A_383 = arith.select %lt3A_380, %add3A_377, %broadcast_in_dim3A_382 : vector<16xi1>, vector<16xi32>
      %swap3A_384 = arith.index_cast %scan3A_195 : i32 to index
      %swap3A_385 = arith.constant 96 : index
      %swap3A_386 = tpu.vector_load %arg20[%swap3A_384, %swap3A_385] {strides = array<i32>} : memref<16x128xi32, #tpu.memory_space<vmem>>, vector<1x16xi32>,
      %swap3A_387 = vector.shape_cast %swap3A_386 : vector<1x16xi32> to vector<16xi32>
      %swap3A_388 = vector.shape_cast %select_n3A_383 : vector<16xi32> to vector<1x16xi32>
      tpu.vector_store %arg20[%swap3A_384, %swap3A_385], %swap3A_388 {strides = array<i32>} : memref<16x128xi32, #tpu.memory_space<vmem>>, vector<1x16xi32>,
      %mul3A_389 = arith.constant 128 : i32
      %mul3A_390 = arith.muli %scan3A_195, %mul3A_389 : i32
      %add3A_391 = arith.constant 112 : i32
      %add3A_392 = arith.addi %mul3A_390, %add3A_391 : i32
      %get3A_393 = arith.index_cast %add3A_392 : i32 to index
      %get3A_394 = tpu.vector_load %arg18[%get3A_393] {strides = array<i32>} : memref<2048xi32, #tpu.memory_space<vmem>>, vector<16xi32>,
      %get3A_395 = vector.shape_cast %get3A_394 : vector<16xi32> to vector<16xi32>
      %get3A_396 = arith.index_cast %add3A_392 : i32 to index
      %get3A_397 = tpu.vector_load %arg19[%get3A_396] {strides = array<i32>} : memref<2048xi32, #tpu.memory_space<vmem>>, vector<16xi32>,
      %get3A_398 = vector.shape_cast %get3A_397 : vector<16xi32> to vector<16xi32>
      %mul3A_399 = arith.constant 128 : i32
      %mul3A_400 = vector.broadcast %mul3A_399 : i32 to vector<16xi32>
      %mul3A_401 = arith.muli %get3A_395, %mul3A_400 : vector<16xi32>
      %add3A_402 = arith.constant 0 : i32
      %add3A_403 = vector.broadcast %add3A_402 : i32 to vector<16xi32>
      %add3A_404 = arith.addi %get3A_398, %add3A_403 : vector<16xi32>
      %add3A_405 = arith.addi %mul3A_401, %add3A_404 : vector<16xi32>
      %lt3A_406 = arith.constant 128 : i32
      %lt3A_407 = vector.broadcast %lt3A_406 : i32 to vector<16xi32>
      %lt3A_408 = arith.cmpi slt, %get3A_398, %lt3A_407 : vector<16xi32>
      %jit3A_409 = arith.constant 1048576 : i32
      %broadcast_in_dim3A_410 = vector.broadcast %jit3A_409 : i32 to vector<16xi32>
      %select_n3A_411 = arith.select %lt3A_408, %add3A_405, %broadcast_in_dim3A_410 : vector<16xi1>, vector<16xi32>
      %swap3A_412 = arith.index_cast %scan3A_195 : i32 to index
      %swap3A_413 = arith.constant 112 : index
      %swap3A_414 = tpu.vector_load %arg20[%swap3A_412, %swap3A_413] {strides = array<i32>} : memref<16x128xi32, #tpu.memory_space<vmem>>, vector<1x16xi32>,
      %swap3A_415 = vector.shape_cast %swap3A_414 : vector<1x16xi32> to vector<16xi32>
      %swap3A_416 = vector.shape_cast %select_n3A_411 : vector<16xi32> to vector<1x16xi32>
      tpu.vector_store %arg20[%swap3A_412, %swap3A_413], %swap3A_416 {strides = array<i32>} : memref<16x128xi32, #tpu.memory_space<vmem>>, vector<1x16xi32>,
    }
    %scan3A_132 = arith.constant 16 : i32
    %scan3A_133 = arith.constant 0 : i32
    %scan3A_134 = arith.constant 0 : i32
    %scan3A_135 = arith.constant 16 : i32
    %scan3A_136 = arith.addi %scan3A_134, %scan3A_135 : i32
    %scan3A_137 = arith.constant 1 : i32
    scf.for %scan3A_195 = %scan3A_134 to %scan3A_136 step %scan3A_137  : i32 {
      "tpu.region"() ({
        %run_scoped3A = tpu.sem_alloc : memref<!tpu.dma_semaphore, #tpu.memory_space<semaphore_mem>>
        %dma_start3A = arith.constant 0 : i32
        %dma_start3A_196 = tpu.memref_slice %arg20[%scan3A_195, %dma_start3A] : memref<16x128xi32, #tpu.memory_space<vmem>> -> memref<1x128xi32, #tpu.memory_space<vmem>>
        %dma_start3A_197 = tpu.memref_squeeze %dma_start3A_196 : memref<1x128xi32, #tpu.memory_space<vmem>> -> memref<128xi32, #tpu.memory_space<vmem>>
        %dma_start3A_198 = arith.constant 0 : i32
        %dma_start3A_199 = tpu.memref_slice %arg17[%dma_start3A_198] : memref<1048704xf32, #tpu.memory_space<vmem_shared>> -> memref<1048704xf32, #tpu.memory_space<vmem_shared>>
        tpu.enqueue_indirect_dma source(%arg21 : memref<128xf32, #tpu.memory_space<vmem>>) target(%dma_start3A_199 : memref<1048704xf32, #tpu.memory_space<vmem_shared>>) offsets(%dma_start3A_197 : memref<128xi32, #tpu.memory_space<vmem>>) semaphore(%run_scoped3A : memref<!tpu.dma_semaphore, #tpu.memory_space<semaphore_mem>>) {add = true}
        %dma_wait3A = arith.constant 0 : i32
        %dma_wait3A_200 = tpu.memref_slice %arg20[%scan3A_195, %dma_wait3A] : memref<16x128xi32, #tpu.memory_space<vmem>> -> memref<1x128xi32, #tpu.memory_space<vmem>>
        %dma_wait3A_201 = tpu.memref_squeeze %dma_wait3A_200 : memref<1x128xi32, #tpu.memory_space<vmem>> -> memref<128xi32, #tpu.memory_space<vmem>>
        %dma_wait3A_202 = arith.constant 0 : i32
        %dma_wait3A_203 = tpu.memref_slice %arg17[%dma_wait3A_202] : memref<1048704xf32, #tpu.memory_space<vmem_shared>> -> memref<1048704xf32, #tpu.memory_space<vmem_shared>>
        tpu.wait_indirect_dma semaphore(%run_scoped3A : memref<!tpu.dma_semaphore, #tpu.memory_space<semaphore_mem>>) src(%arg21 : memref<128xf32, #tpu.memory_space<vmem>>) dst(%dma_wait3A_203 : memref<1048704xf32, #tpu.memory_space<vmem_shared>>)
        tpu.yield
      }) : () -> ()
    }
    %scan3A_138 = arith.constant 16 : i32
    %barrier3A_139 = arith.constant 0 : index
    tpu.barrier barrier_id(%barrier3A_139)
    %convert_element_type3A_140 = arith.extui %and3A : i1 to i32
    %cond3A_141 = arith.constant 0 : i32
    %cond3A_142 = arith.cmpi ne, %convert_element_type3A_140, %cond3A_141 : i32
    scf.if %cond3A_142 {
      %mul3A_195 = arith.constant 65536 : i32
      %mul3A_196 = arith.muli %arg1, %mul3A_195 : i32
      %mul3A_197 = arith.constant 1048576 : i32
      %mul3A_198 = arith.muli %arg0, %mul3A_197 : i32
      %mul3A_199 = arith.constant 65536 : i32
      %mul3A_200 = arith.muli %arg1, %mul3A_199 : i32
      %add3A_201 = arith.addi %mul3A_198, %mul3A_200 : i32
      "tpu.region"() ({
        %run_scoped3A = tpu.sem_alloc : memref<!tpu.dma_semaphore, #tpu.memory_space<semaphore_mem>>
        %dma_start3A = tpu.memref_slice %arg14[%add3A_201] : memref<2097152xf32, #tpu.memory_space<hbm>> -> memref<65536xf32, #tpu.memory_space<hbm>>
        %dma_start3A_202 = tpu.memref_slice %arg17[%mul3A_196] : memref<1048704xf32, #tpu.memory_space<vmem_shared>> -> memref<65536xf32, #tpu.memory_space<vmem_shared>>
        tpu.enqueue_dma source(%dma_start3A_202 : memref<65536xf32, #tpu.memory_space<vmem_shared>>) target(%dma_start3A : memref<65536xf32, #tpu.memory_space<hbm>>) target_semaphore(%run_scoped3A : memref<!tpu.dma_semaphore, #tpu.memory_space<semaphore_mem>>)
        %dma_wait3A = tpu.memref_slice %arg14[%add3A_201] : memref<2097152xf32, #tpu.memory_space<hbm>> -> memref<65536xf32, #tpu.memory_space<hbm>>
        %dma_wait3A_203 = tpu.memref_slice %arg17[%mul3A_196] : memref<1048704xf32, #tpu.memory_space<vmem_shared>> -> memref<65536xf32, #tpu.memory_space<vmem_shared>>
        tpu.wait_dma2 semaphore(%run_scoped3A : memref<!tpu.dma_semaphore, #tpu.memory_space<semaphore_mem>>) src(%dma_wait3A_203 : memref<65536xf32, #tpu.memory_space<vmem_shared>>) dst(%dma_wait3A : memref<65536xf32, #tpu.memory_space<hbm>>)
        tpu.yield
      }) : () -> ()
    } else {
    }
    %convert_element_type3A_143 = arith.extui %and3A : i1 to i32
    %cond3A_144 = arith.constant 0 : i32
    %cond3A_145 = arith.cmpi ne, %convert_element_type3A_143, %cond3A_144 : i32
    scf.if %cond3A_145 {
      %scan3A_195 = arith.constant 0 : i32
      %scan3A_196 = arith.constant 0 : i32
      %scan3A_197 = arith.constant 16 : i32
      %scan3A_198 = arith.addi %scan3A_196, %scan3A_197 : i32
      %scan3A_199 = arith.constant 1 : i32
      scf.for %scan3A_201 = %scan3A_196 to %scan3A_198 step %scan3A_199  : i32 {
        %mul3A_202 = arith.constant 65536 : i32
        %mul3A_203 = arith.muli %arg1, %mul3A_202 : i32
        %mul3A_204 = arith.constant 4096 : i32
        %mul3A_205 = arith.muli %scan3A_201, %mul3A_204 : i32
        %add3A_206 = arith.addi %mul3A_203, %mul3A_205 : i32
        "tpu.region"() ({
          %run_scoped3A = tpu.sem_alloc : memref<!tpu.dma_semaphore, #tpu.memory_space<semaphore_mem>>
          %dma_start3A = tpu.memref_slice %arg17[%add3A_206] : memref<1048704xf32, #tpu.memory_space<vmem_shared>> -> memref<4096xf32, #tpu.memory_space<vmem_shared>>
          %dma_start3A_207 = tpu.memref_slice %arg17[%add3A_206] : memref<1048704xf32, #tpu.memory_space<vmem_shared>> -> memref<4096xf32, #tpu.memory_space<vmem_shared>>
          tpu.enqueue_dma source(%arg22 : memref<4096xf32, #tpu.memory_space<vmem>>) target(%dma_start3A_207 : memref<4096xf32, #tpu.memory_space<vmem_shared>>) target_semaphore(%run_scoped3A : memref<!tpu.dma_semaphore, #tpu.memory_space<semaphore_mem>>)
          %dma_wait3A = tpu.memref_slice %arg17[%add3A_206] : memref<1048704xf32, #tpu.memory_space<vmem_shared>> -> memref<4096xf32, #tpu.memory_space<vmem_shared>>
          %dma_wait3A_208 = tpu.memref_slice %arg17[%add3A_206] : memref<1048704xf32, #tpu.memory_space<vmem_shared>> -> memref<4096xf32, #tpu.memory_space<vmem_shared>>
          tpu.wait_dma2 semaphore(%run_scoped3A : memref<!tpu.dma_semaphore, #tpu.memory_space<semaphore_mem>>) src(%arg22 : memref<4096xf32, #tpu.memory_space<vmem>>) dst(%dma_wait3A_208 : memref<4096xf32, #tpu.memory_space<vmem_shared>>)
          tpu.yield
        }) : () -> ()
      }
      %scan3A_200 = arith.constant 16 : i32
    } else {
    }
    %barrier3A_146 = arith.constant 0 : index
    tpu.barrier barrier_id(%barrier3A_146)
    "tpu.region"() ({
      %run_scoped3A = tpu.sem_alloc : memref<!tpu.dma_semaphore, #tpu.memory_space<semaphore_mem>>
      %dma_start3A = tpu.memref_slice %arg8[%mul3A_2] : memref<65536xi32, #tpu.memory_space<hbm>> -> memref<2048xi32, #tpu.memory_space<hbm>>
      %dma_start3A_195 = tpu.memref_slice %arg8[%mul3A_2] : memref<65536xi32, #tpu.memory_space<hbm>> -> memref<2048xi32, #tpu.memory_space<hbm>>
      tpu.enqueue_dma source(%dma_start3A_195 : memref<2048xi32, #tpu.memory_space<hbm>>) target(%arg19 : memref<2048xi32, #tpu.memory_space<vmem>>) target_semaphore(%run_scoped3A : memref<!tpu.dma_semaphore, #tpu.memory_space<semaphore_mem>>)
      %dma_wait3A = tpu.memref_slice %arg8[%mul3A_2] : memref<65536xi32, #tpu.memory_space<hbm>> -> memref<2048xi32, #tpu.memory_space<hbm>>
      %dma_wait3A_196 = tpu.memref_slice %arg8[%mul3A_2] : memref<65536xi32, #tpu.memory_space<hbm>> -> memref<2048xi32, #tpu.memory_space<hbm>>
      tpu.wait_dma2 semaphore(%run_scoped3A : memref<!tpu.dma_semaphore, #tpu.memory_space<semaphore_mem>>) src(%dma_wait3A_196 : memref<2048xi32, #tpu.memory_space<hbm>>) dst(%arg19 : memref<2048xi32, #tpu.memory_space<vmem>>)
      tpu.yield
    }) : () -> ()
    %scan3A_147 = arith.constant 0 : i32
    %scan3A_148 = arith.constant 0 : i32
    %scan3A_149 = arith.constant 16 : i32
    %scan3A_150 = arith.addi %scan3A_148, %scan3A_149 : i32
    %scan3A_151 = arith.constant 1 : i32
    scf.for %scan3A_195 = %scan3A_148 to %scan3A_150 step %scan3A_151  : i32 {
      %mul3A_196 = arith.constant 128 : i32
      %mul3A_197 = arith.muli %scan3A_195, %mul3A_196 : i32
      %add3A_198 = arith.constant 0 : i32
      %add3A_199 = arith.addi %mul3A_197, %add3A_198 : i32
      %get3A_200 = arith.index_cast %add3A_199 : i32 to index
      %get3A_201 = tpu.vector_load %arg18[%get3A_200] {strides = array<i32>} : memref<2048xi32, #tpu.memory_space<vmem>>, vector<16xi32>,
      %get3A_202 = vector.shape_cast %get3A_201 : vector<16xi32> to vector<16xi32>
      %get3A_203 = arith.index_cast %add3A_199 : i32 to index
      %get3A_204 = tpu.vector_load %arg19[%get3A_203] {strides = array<i32>} : memref<2048xi32, #tpu.memory_space<vmem>>, vector<16xi32>,
      %get3A_205 = vector.shape_cast %get3A_204 : vector<16xi32> to vector<16xi32>
      %mul3A_206 = arith.constant 128 : i32
      %mul3A_207 = vector.broadcast %mul3A_206 : i32 to vector<16xi32>
      %mul3A_208 = arith.muli %get3A_202, %mul3A_207 : vector<16xi32>
      %add3A_209 = arith.constant 0 : i32
      %add3A_210 = vector.broadcast %add3A_209 : i32 to vector<16xi32>
      %add3A_211 = arith.addi %get3A_205, %add3A_210 : vector<16xi32>
      %add3A_212 = arith.addi %mul3A_208, %add3A_211 : vector<16xi32>
      %swap3A_213 = arith.index_cast %scan3A_195 : i32 to index
      %swap3A_214 = arith.constant 0 : index
      %swap3A_215 = tpu.vector_load %arg20[%swap3A_213, %swap3A_214] {strides = array<i32>} : memref<16x128xi32, #tpu.memory_space<vmem>>, vector<1x16xi32>,
      %swap3A_216 = vector.shape_cast %swap3A_215 : vector<1x16xi32> to vector<16xi32>
      %swap3A_217 = vector.shape_cast %add3A_212 : vector<16xi32> to vector<1x16xi32>
      tpu.vector_store %arg20[%swap3A_213, %swap3A_214], %swap3A_217 {strides = array<i32>} : memref<16x128xi32, #tpu.memory_space<vmem>>, vector<1x16xi32>,
      %mul3A_218 = arith.constant 128 : i32
      %mul3A_219 = arith.muli %scan3A_195, %mul3A_218 : i32
      %add3A_220 = arith.constant 16 : i32
      %add3A_221 = arith.addi %mul3A_219, %add3A_220 : i32
      %get3A_222 = arith.index_cast %add3A_221 : i32 to index
      %get3A_223 = tpu.vector_load %arg18[%get3A_222] {strides = array<i32>} : memref<2048xi32, #tpu.memory_space<vmem>>, vector<16xi32>,
      %get3A_224 = vector.shape_cast %get3A_223 : vector<16xi32> to vector<16xi32>
      %get3A_225 = arith.index_cast %add3A_221 : i32 to index
      %get3A_226 = tpu.vector_load %arg19[%get3A_225] {strides = array<i32>} : memref<2048xi32, #tpu.memory_space<vmem>>, vector<16xi32>,
      %get3A_227 = vector.shape_cast %get3A_226 : vector<16xi32> to vector<16xi32>
      %mul3A_228 = arith.constant 128 : i32
      %mul3A_229 = vector.broadcast %mul3A_228 : i32 to vector<16xi32>
      %mul3A_230 = arith.muli %get3A_224, %mul3A_229 : vector<16xi32>
      %add3A_231 = arith.constant 0 : i32
      %add3A_232 = vector.broadcast %add3A_231 : i32 to vector<16xi32>
      %add3A_233 = arith.addi %get3A_227, %add3A_232 : vector<16xi32>
      %add3A_234 = arith.addi %mul3A_230, %add3A_233 : vector<16xi32>
      %swap3A_235 = arith.index_cast %scan3A_195 : i32 to index
      %swap3A_236 = arith.constant 16 : index
      %swap3A_237 = tpu.vector_load %arg20[%swap3A_235, %swap3A_236] {strides = array<i32>} : memref<16x128xi32, #tpu.memory_space<vmem>>, vector<1x16xi32>,
      %swap3A_238 = vector.shape_cast %swap3A_237 : vector<1x16xi32> to vector<16xi32>
      %swap3A_239 = vector.shape_cast %add3A_234 : vector<16xi32> to vector<1x16xi32>
      tpu.vector_store %arg20[%swap3A_235, %swap3A_236], %swap3A_239 {strides = array<i32>} : memref<16x128xi32, #tpu.memory_space<vmem>>, vector<1x16xi32>,
      %mul3A_240 = arith.constant 128 : i32
      %mul3A_241 = arith.muli %scan3A_195, %mul3A_240 : i32
      %add3A_242 = arith.constant 32 : i32
      %add3A_243 = arith.addi %mul3A_241, %add3A_242 : i32
      %get3A_244 = arith.index_cast %add3A_243 : i32 to index
      %get3A_245 = tpu.vector_load %arg18[%get3A_244] {strides = array<i32>} : memref<2048xi32, #tpu.memory_space<vmem>>, vector<16xi32>,
      %get3A_246 = vector.shape_cast %get3A_245 : vector<16xi32> to vector<16xi32>
      %get3A_247 = arith.index_cast %add3A_243 : i32 to index
      %get3A_248 = tpu.vector_load %arg19[%get3A_247] {strides = array<i32>} : memref<2048xi32, #tpu.memory_space<vmem>>, vector<16xi32>,
      %get3A_249 = vector.shape_cast %get3A_248 : vector<16xi32> to vector<16xi32>
      %mul3A_250 = arith.constant 128 : i32
      %mul3A_251 = vector.broadcast %mul3A_250 : i32 to vector<16xi32>
      %mul3A_252 = arith.muli %get3A_246, %mul3A_251 : vector<16xi32>
      %add3A_253 = arith.constant 0 : i32
      %add3A_254 = vector.broadcast %add3A_253 : i32 to vector<16xi32>
      %add3A_255 = arith.addi %get3A_249, %add3A_254 : vector<16xi32>
      %add3A_256 = arith.addi %mul3A_252, %add3A_255 : vector<16xi32>
      %swap3A_257 = arith.index_cast %scan3A_195 : i32 to index
      %swap3A_258 = arith.constant 32 : index
      %swap3A_259 = tpu.vector_load %arg20[%swap3A_257, %swap3A_258] {strides = array<i32>} : memref<16x128xi32, #tpu.memory_space<vmem>>, vector<1x16xi32>,
      %swap3A_260 = vector.shape_cast %swap3A_259 : vector<1x16xi32> to vector<16xi32>
      %swap3A_261 = vector.shape_cast %add3A_256 : vector<16xi32> to vector<1x16xi32>
      tpu.vector_store %arg20[%swap3A_257, %swap3A_258], %swap3A_261 {strides = array<i32>} : memref<16x128xi32, #tpu.memory_space<vmem>>, vector<1x16xi32>,
      %mul3A_262 = arith.constant 128 : i32
      %mul3A_263 = arith.muli %scan3A_195, %mul3A_262 : i32
      %add3A_264 = arith.constant 48 : i32
      %add3A_265 = arith.addi %mul3A_263, %add3A_264 : i32
      %get3A_266 = arith.index_cast %add3A_265 : i32 to index
      %get3A_267 = tpu.vector_load %arg18[%get3A_266] {strides = array<i32>} : memref<2048xi32, #tpu.memory_space<vmem>>, vector<16xi32>,
      %get3A_268 = vector.shape_cast %get3A_267 : vector<16xi32> to vector<16xi32>
      %get3A_269 = arith.index_cast %add3A_265 : i32 to index
      %get3A_270 = tpu.vector_load %arg19[%get3A_269] {strides = array<i32>} : memref<2048xi32, #tpu.memory_space<vmem>>, vector<16xi32>,
      %get3A_271 = vector.shape_cast %get3A_270 : vector<16xi32> to vector<16xi32>
      %mul3A_272 = arith.constant 128 : i32
      %mul3A_273 = vector.broadcast %mul3A_272 : i32 to vector<16xi32>
      %mul3A_274 = arith.muli %get3A_268, %mul3A_273 : vector<16xi32>
      %add3A_275 = arith.constant 0 : i32
      %add3A_276 = vector.broadcast %add3A_275 : i32 to vector<16xi32>
      %add3A_277 = arith.addi %get3A_271, %add3A_276 : vector<16xi32>
      %add3A_278 = arith.addi %mul3A_274, %add3A_277 : vector<16xi32>
      %swap3A_279 = arith.index_cast %scan3A_195 : i32 to index
      %swap3A_280 = arith.constant 48 : index
      %swap3A_281 = tpu.vector_load %arg20[%swap3A_279, %swap3A_280] {strides = array<i32>} : memref<16x128xi32, #tpu.memory_space<vmem>>, vector<1x16xi32>,
      %swap3A_282 = vector.shape_cast %swap3A_281 : vector<1x16xi32> to vector<16xi32>
      %swap3A_283 = vector.shape_cast %add3A_278 : vector<16xi32> to vector<1x16xi32>
      tpu.vector_store %arg20[%swap3A_279, %swap3A_280], %swap3A_283 {strides = array<i32>} : memref<16x128xi32, #tpu.memory_space<vmem>>, vector<1x16xi32>,
      %mul3A_284 = arith.constant 128 : i32
      %mul3A_285 = arith.muli %scan3A_195, %mul3A_284 : i32
      %add3A_286 = arith.constant 64 : i32
      %add3A_287 = arith.addi %mul3A_285, %add3A_286 : i32
      %get3A_288 = arith.index_cast %add3A_287 : i32 to index
      %get3A_289 = tpu.vector_load %arg18[%get3A_288] {strides = array<i32>} : memref<2048xi32, #tpu.memory_space<vmem>>, vector<16xi32>,
      %get3A_290 = vector.shape_cast %get3A_289 : vector<16xi32> to vector<16xi32>
      %get3A_291 = arith.index_cast %add3A_287 : i32 to index
      %get3A_292 = tpu.vector_load %arg19[%get3A_291] {strides = array<i32>} : memref<2048xi32, #tpu.memory_space<vmem>>, vector<16xi32>,
      %get3A_293 = vector.shape_cast %get3A_292 : vector<16xi32> to vector<16xi32>
      %mul3A_294 = arith.constant 128 : i32
      %mul3A_295 = vector.broadcast %mul3A_294 : i32 to vector<16xi32>
      %mul3A_296 = arith.muli %get3A_290, %mul3A_295 : vector<16xi32>
      %add3A_297 = arith.constant 0 : i32
      %add3A_298 = vector.broadcast %add3A_297 : i32 to vector<16xi32>
      %add3A_299 = arith.addi %get3A_293, %add3A_298 : vector<16xi32>
      %add3A_300 = arith.addi %mul3A_296, %add3A_299 : vector<16xi32>
      %swap3A_301 = arith.index_cast %scan3A_195 : i32 to index
      %swap3A_302 = arith.constant 64 : index
      %swap3A_303 = tpu.vector_load %arg20[%swap3A_301, %swap3A_302] {strides = array<i32>} : memref<16x128xi32, #tpu.memory_space<vmem>>, vector<1x16xi32>,
      %swap3A_304 = vector.shape_cast %swap3A_303 : vector<1x16xi32> to vector<16xi32>
      %swap3A_305 = vector.shape_cast %add3A_300 : vector<16xi32> to vector<1x16xi32>
      tpu.vector_store %arg20[%swap3A_301, %swap3A_302], %swap3A_305 {strides = array<i32>} : memref<16x128xi32, #tpu.memory_space<vmem>>, vector<1x16xi32>,
      %mul3A_306 = arith.constant 128 : i32
      %mul3A_307 = arith.muli %scan3A_195, %mul3A_306 : i32
      %add3A_308 = arith.constant 80 : i32
      %add3A_309 = arith.addi %mul3A_307, %add3A_308 : i32
      %get3A_310 = arith.index_cast %add3A_309 : i32 to index
      %get3A_311 = tpu.vector_load %arg18[%get3A_310] {strides = array<i32>} : memref<2048xi32, #tpu.memory_space<vmem>>, vector<16xi32>,
      %get3A_312 = vector.shape_cast %get3A_311 : vector<16xi32> to vector<16xi32>
      %get3A_313 = arith.index_cast %add3A_309 : i32 to index
      %get3A_314 = tpu.vector_load %arg19[%get3A_313] {strides = array<i32>} : memref<2048xi32, #tpu.memory_space<vmem>>, vector<16xi32>,
      %get3A_315 = vector.shape_cast %get3A_314 : vector<16xi32> to vector<16xi32>
      %mul3A_316 = arith.constant 128 : i32
      %mul3A_317 = vector.broadcast %mul3A_316 : i32 to vector<16xi32>
      %mul3A_318 = arith.muli %get3A_312, %mul3A_317 : vector<16xi32>
      %add3A_319 = arith.constant 0 : i32
      %add3A_320 = vector.broadcast %add3A_319 : i32 to vector<16xi32>
      %add3A_321 = arith.addi %get3A_315, %add3A_320 : vector<16xi32>
      %add3A_322 = arith.addi %mul3A_318, %add3A_321 : vector<16xi32>
      %swap3A_323 = arith.index_cast %scan3A_195 : i32 to index
      %swap3A_324 = arith.constant 80 : index
      %swap3A_325 = tpu.vector_load %arg20[%swap3A_323, %swap3A_324] {strides = array<i32>} : memref<16x128xi32, #tpu.memory_space<vmem>>, vector<1x16xi32>,
      %swap3A_326 = vector.shape_cast %swap3A_325 : vector<1x16xi32> to vector<16xi32>
      %swap3A_327 = vector.shape_cast %add3A_322 : vector<16xi32> to vector<1x16xi32>
      tpu.vector_store %arg20[%swap3A_323, %swap3A_324], %swap3A_327 {strides = array<i32>} : memref<16x128xi32, #tpu.memory_space<vmem>>, vector<1x16xi32>,
      %mul3A_328 = arith.constant 128 : i32
      %mul3A_329 = arith.muli %scan3A_195, %mul3A_328 : i32
      %add3A_330 = arith.constant 96 : i32
      %add3A_331 = arith.addi %mul3A_329, %add3A_330 : i32
      %get3A_332 = arith.index_cast %add3A_331 : i32 to index
      %get3A_333 = tpu.vector_load %arg18[%get3A_332] {strides = array<i32>} : memref<2048xi32, #tpu.memory_space<vmem>>, vector<16xi32>,
      %get3A_334 = vector.shape_cast %get3A_333 : vector<16xi32> to vector<16xi32>
      %get3A_335 = arith.index_cast %add3A_331 : i32 to index
      %get3A_336 = tpu.vector_load %arg19[%get3A_335] {strides = array<i32>} : memref<2048xi32, #tpu.memory_space<vmem>>, vector<16xi32>,
      %get3A_337 = vector.shape_cast %get3A_336 : vector<16xi32> to vector<16xi32>
      %mul3A_338 = arith.constant 128 : i32
      %mul3A_339 = vector.broadcast %mul3A_338 : i32 to vector<16xi32>
      %mul3A_340 = arith.muli %get3A_334, %mul3A_339 : vector<16xi32>
      %add3A_341 = arith.constant 0 : i32
      %add3A_342 = vector.broadcast %add3A_341 : i32 to vector<16xi32>
      %add3A_343 = arith.addi %get3A_337, %add3A_342 : vector<16xi32>
      %add3A_344 = arith.addi %mul3A_340, %add3A_343 : vector<16xi32>
      %swap3A_345 = arith.index_cast %scan3A_195 : i32 to index
      %swap3A_346 = arith.constant 96 : index
      %swap3A_347 = tpu.vector_load %arg20[%swap3A_345, %swap3A_346] {strides = array<i32>} : memref<16x128xi32, #tpu.memory_space<vmem>>, vector<1x16xi32>,
      %swap3A_348 = vector.shape_cast %swap3A_347 : vector<1x16xi32> to vector<16xi32>
      %swap3A_349 = vector.shape_cast %add3A_344 : vector<16xi32> to vector<1x16xi32>
      tpu.vector_store %arg20[%swap3A_345, %swap3A_346], %swap3A_349 {strides = array<i32>} : memref<16x128xi32, #tpu.memory_space<vmem>>, vector<1x16xi32>,
      %mul3A_350 = arith.constant 128 : i32
      %mul3A_351 = arith.muli %scan3A_195, %mul3A_350 : i32
      %add3A_352 = arith.constant 112 : i32
      %add3A_353 = arith.addi %mul3A_351, %add3A_352 : i32
      %get3A_354 = arith.index_cast %add3A_353 : i32 to index
      %get3A_355 = tpu.vector_load %arg18[%get3A_354] {strides = array<i32>} : memref<2048xi32, #tpu.memory_space<vmem>>, vector<16xi32>,
      %get3A_356 = vector.shape_cast %get3A_355 : vector<16xi32> to vector<16xi32>
      %get3A_357 = arith.index_cast %add3A_353 : i32 to index
      %get3A_358 = tpu.vector_load %arg19[%get3A_357] {strides = array<i32>} : memref<2048xi32, #tpu.memory_space<vmem>>, vector<16xi32>,
      %get3A_359 = vector.shape_cast %get3A_358 : vector<16xi32> to vector<16xi32>
      %mul3A_360 = arith.constant 128 : i32
      %mul3A_361 = vector.broadcast %mul3A_360 : i32 to vector<16xi32>
      %mul3A_362 = arith.muli %get3A_356, %mul3A_361 : vector<16xi32>
      %add3A_363 = arith.constant 0 : i32
      %add3A_364 = vector.broadcast %add3A_363 : i32 to vector<16xi32>
      %add3A_365 = arith.addi %get3A_359, %add3A_364 : vector<16xi32>
      %add3A_366 = arith.addi %mul3A_362, %add3A_365 : vector<16xi32>
      %swap3A_367 = arith.index_cast %scan3A_195 : i32 to index
      %swap3A_368 = arith.constant 112 : index
      %swap3A_369 = tpu.vector_load %arg20[%swap3A_367, %swap3A_368] {strides = array<i32>} : memref<16x128xi32, #tpu.memory_space<vmem>>, vector<1x16xi32>,
      %swap3A_370 = vector.shape_cast %swap3A_369 : vector<1x16xi32> to vector<16xi32>
      %swap3A_371 = vector.shape_cast %add3A_366 : vector<16xi32> to vector<1x16xi32>
      tpu.vector_store %arg20[%swap3A_367, %swap3A_368], %swap3A_371 {strides = array<i32>} : memref<16x128xi32, #tpu.memory_space<vmem>>, vector<1x16xi32>,
    }
    %scan3A_152 = arith.constant 16 : i32
    %scan3A_153 = arith.constant 0 : i32
    %scan3A_154 = arith.constant 0 : i32
    %scan3A_155 = arith.constant 16 : i32
    %scan3A_156 = arith.addi %scan3A_154, %scan3A_155 : i32
    %scan3A_157 = arith.constant 1 : i32
    scf.for %scan3A_195 = %scan3A_154 to %scan3A_156 step %scan3A_157  : i32 {
      "tpu.region"() ({
        %run_scoped3A = tpu.sem_alloc : memref<!tpu.dma_semaphore, #tpu.memory_space<semaphore_mem>>
        %dma_start3A = arith.constant 0 : i32
        %dma_start3A_196 = tpu.memref_slice %arg20[%scan3A_195, %dma_start3A] : memref<16x128xi32, #tpu.memory_space<vmem>> -> memref<1x128xi32, #tpu.memory_space<vmem>>
        %dma_start3A_197 = tpu.memref_squeeze %dma_start3A_196 : memref<1x128xi32, #tpu.memory_space<vmem>> -> memref<128xi32, #tpu.memory_space<vmem>>
        %dma_start3A_198 = arith.constant 0 : i32
        %dma_start3A_199 = tpu.memref_slice %arg17[%dma_start3A_198] : memref<1048704xf32, #tpu.memory_space<vmem_shared>> -> memref<1048704xf32, #tpu.memory_space<vmem_shared>>
        tpu.enqueue_indirect_dma source(%arg21 : memref<128xf32, #tpu.memory_space<vmem>>) target(%dma_start3A_199 : memref<1048704xf32, #tpu.memory_space<vmem_shared>>) offsets(%dma_start3A_197 : memref<128xi32, #tpu.memory_space<vmem>>) semaphore(%run_scoped3A : memref<!tpu.dma_semaphore, #tpu.memory_space<semaphore_mem>>) {add = true}
        %dma_wait3A = arith.constant 0 : i32
        %dma_wait3A_200 = tpu.memref_slice %arg20[%scan3A_195, %dma_wait3A] : memref<16x128xi32, #tpu.memory_space<vmem>> -> memref<1x128xi32, #tpu.memory_space<vmem>>
        %dma_wait3A_201 = tpu.memref_squeeze %dma_wait3A_200 : memref<1x128xi32, #tpu.memory_space<vmem>> -> memref<128xi32, #tpu.memory_space<vmem>>
        %dma_wait3A_202 = arith.constant 0 : i32
        %dma_wait3A_203 = tpu.memref_slice %arg17[%dma_wait3A_202] : memref<1048704xf32, #tpu.memory_space<vmem_shared>> -> memref<1048704xf32, #tpu.memory_space<vmem_shared>>
        tpu.wait_indirect_dma semaphore(%run_scoped3A : memref<!tpu.dma_semaphore, #tpu.memory_space<semaphore_mem>>) src(%arg21 : memref<128xf32, #tpu.memory_space<vmem>>) dst(%dma_wait3A_203 : memref<1048704xf32, #tpu.memory_space<vmem_shared>>)
        tpu.yield
      }) : () -> ()
    }
    %scan3A_158 = arith.constant 16 : i32
    "tpu.region"() ({
      %run_scoped3A = tpu.sem_alloc : memref<!tpu.dma_semaphore, #tpu.memory_space<semaphore_mem>>
      %dma_start3A = tpu.memref_slice %arg9[%mul3A_2] : memref<65536xi32, #tpu.memory_space<hbm>> -> memref<2048xi32, #tpu.memory_space<hbm>>
      %dma_start3A_195 = tpu.memref_slice %arg9[%mul3A_2] : memref<65536xi32, #tpu.memory_space<hbm>> -> memref<2048xi32, #tpu.memory_space<hbm>>
      tpu.enqueue_dma source(%dma_start3A_195 : memref<2048xi32, #tpu.memory_space<hbm>>) target(%arg19 : memref<2048xi32, #tpu.memory_space<vmem>>) target_semaphore(%run_scoped3A : memref<!tpu.dma_semaphore, #tpu.memory_space<semaphore_mem>>)
      %dma_wait3A = tpu.memref_slice %arg9[%mul3A_2] : memref<65536xi32, #tpu.memory_space<hbm>> -> memref<2048xi32, #tpu.memory_space<hbm>>
      %dma_wait3A_196 = tpu.memref_slice %arg9[%mul3A_2] : memref<65536xi32, #tpu.memory_space<hbm>> -> memref<2048xi32, #tpu.memory_space<hbm>>
      tpu.wait_dma2 semaphore(%run_scoped3A : memref<!tpu.dma_semaphore, #tpu.memory_space<semaphore_mem>>) src(%dma_wait3A_196 : memref<2048xi32, #tpu.memory_space<hbm>>) dst(%arg19 : memref<2048xi32, #tpu.memory_space<vmem>>)
      tpu.yield
    }) : () -> ()
    %scan3A_159 = arith.constant 0 : i32
    %scan3A_160 = arith.constant 0 : i32
    %scan3A_161 = arith.constant 16 : i32
    %scan3A_162 = arith.addi %scan3A_160, %scan3A_161 : i32
    %scan3A_163 = arith.constant 1 : i32
    scf.for %scan3A_195 = %scan3A_160 to %scan3A_162 step %scan3A_163  : i32 {
      %mul3A_196 = arith.constant 128 : i32
      %mul3A_197 = arith.muli %scan3A_195, %mul3A_196 : i32
      %add3A_198 = arith.constant 0 : i32
      %add3A_199 = arith.addi %mul3A_197, %add3A_198 : i32
      %get3A_200 = arith.index_cast %add3A_199 : i32 to index
      %get3A_201 = tpu.vector_load %arg18[%get3A_200] {strides = array<i32>} : memref<2048xi32, #tpu.memory_space<vmem>>, vector<16xi32>,
      %get3A_202 = vector.shape_cast %get3A_201 : vector<16xi32> to vector<16xi32>
      %get3A_203 = arith.index_cast %add3A_199 : i32 to index
      %get3A_204 = tpu.vector_load %arg19[%get3A_203] {strides = array<i32>} : memref<2048xi32, #tpu.memory_space<vmem>>, vector<16xi32>,
      %get3A_205 = vector.shape_cast %get3A_204 : vector<16xi32> to vector<16xi32>
      %mul3A_206 = arith.constant 128 : i32
      %mul3A_207 = vector.broadcast %mul3A_206 : i32 to vector<16xi32>
      %mul3A_208 = arith.muli %get3A_202, %mul3A_207 : vector<16xi32>
      %add3A_209 = arith.constant 65 : i32
      %add3A_210 = vector.broadcast %add3A_209 : i32 to vector<16xi32>
      %add3A_211 = arith.addi %get3A_205, %add3A_210 : vector<16xi32>
      %add3A_212 = arith.addi %mul3A_208, %add3A_211 : vector<16xi32>
      %swap3A_213 = arith.index_cast %scan3A_195 : i32 to index
      %swap3A_214 = arith.constant 0 : index
      %swap3A_215 = tpu.vector_load %arg20[%swap3A_213, %swap3A_214] {strides = array<i32>} : memref<16x128xi32, #tpu.memory_space<vmem>>, vector<1x16xi32>,
      %swap3A_216 = vector.shape_cast %swap3A_215 : vector<1x16xi32> to vector<16xi32>
      %swap3A_217 = vector.shape_cast %add3A_212 : vector<16xi32> to vector<1x16xi32>
      tpu.vector_store %arg20[%swap3A_213, %swap3A_214], %swap3A_217 {strides = array<i32>} : memref<16x128xi32, #tpu.memory_space<vmem>>, vector<1x16xi32>,
      %mul3A_218 = arith.constant 128 : i32
      %mul3A_219 = arith.muli %scan3A_195, %mul3A_218 : i32
      %add3A_220 = arith.constant 16 : i32
      %add3A_221 = arith.addi %mul3A_219, %add3A_220 : i32
      %get3A_222 = arith.index_cast %add3A_221 : i32 to index
      %get3A_223 = tpu.vector_load %arg18[%get3A_222] {strides = array<i32>} : memref<2048xi32, #tpu.memory_space<vmem>>, vector<16xi32>,
      %get3A_224 = vector.shape_cast %get3A_223 : vector<16xi32> to vector<16xi32>
      %get3A_225 = arith.index_cast %add3A_221 : i32 to index
      %get3A_226 = tpu.vector_load %arg19[%get3A_225] {strides = array<i32>} : memref<2048xi32, #tpu.memory_space<vmem>>, vector<16xi32>,
      %get3A_227 = vector.shape_cast %get3A_226 : vector<16xi32> to vector<16xi32>
      %mul3A_228 = arith.constant 128 : i32
      %mul3A_229 = vector.broadcast %mul3A_228 : i32 to vector<16xi32>
      %mul3A_230 = arith.muli %get3A_224, %mul3A_229 : vector<16xi32>
      %add3A_231 = arith.constant 65 : i32
      %add3A_232 = vector.broadcast %add3A_231 : i32 to vector<16xi32>
      %add3A_233 = arith.addi %get3A_227, %add3A_232 : vector<16xi32>
      %add3A_234 = arith.addi %mul3A_230, %add3A_233 : vector<16xi32>
      %swap3A_235 = arith.index_cast %scan3A_195 : i32 to index
      %swap3A_236 = arith.constant 16 : index
      %swap3A_237 = tpu.vector_load %arg20[%swap3A_235, %swap3A_236] {strides = array<i32>} : memref<16x128xi32, #tpu.memory_space<vmem>>, vector<1x16xi32>,
      %swap3A_238 = vector.shape_cast %swap3A_237 : vector<1x16xi32> to vector<16xi32>
      %swap3A_239 = vector.shape_cast %add3A_234 : vector<16xi32> to vector<1x16xi32>
      tpu.vector_store %arg20[%swap3A_235, %swap3A_236], %swap3A_239 {strides = array<i32>} : memref<16x128xi32, #tpu.memory_space<vmem>>, vector<1x16xi32>,
      %mul3A_240 = arith.constant 128 : i32
      %mul3A_241 = arith.muli %scan3A_195, %mul3A_240 : i32
      %add3A_242 = arith.constant 32 : i32
      %add3A_243 = arith.addi %mul3A_241, %add3A_242 : i32
      %get3A_244 = arith.index_cast %add3A_243 : i32 to index
      %get3A_245 = tpu.vector_load %arg18[%get3A_244] {strides = array<i32>} : memref<2048xi32, #tpu.memory_space<vmem>>, vector<16xi32>,
      %get3A_246 = vector.shape_cast %get3A_245 : vector<16xi32> to vector<16xi32>
      %get3A_247 = arith.index_cast %add3A_243 : i32 to index
      %get3A_248 = tpu.vector_load %arg19[%get3A_247] {strides = array<i32>} : memref<2048xi32, #tpu.memory_space<vmem>>, vector<16xi32>,
      %get3A_249 = vector.shape_cast %get3A_248 : vector<16xi32> to vector<16xi32>
      %mul3A_250 = arith.constant 128 : i32
      %mul3A_251 = vector.broadcast %mul3A_250 : i32 to vector<16xi32>
      %mul3A_252 = arith.muli %get3A_246, %mul3A_251 : vector<16xi32>
      %add3A_253 = arith.constant 65 : i32
      %add3A_254 = vector.broadcast %add3A_253 : i32 to vector<16xi32>
      %add3A_255 = arith.addi %get3A_249, %add3A_254 : vector<16xi32>
      %add3A_256 = arith.addi %mul3A_252, %add3A_255 : vector<16xi32>
      %swap3A_257 = arith.index_cast %scan3A_195 : i32 to index
      %swap3A_258 = arith.constant 32 : index
      %swap3A_259 = tpu.vector_load %arg20[%swap3A_257, %swap3A_258] {strides = array<i32>} : memref<16x128xi32, #tpu.memory_space<vmem>>, vector<1x16xi32>,
      %swap3A_260 = vector.shape_cast %swap3A_259 : vector<1x16xi32> to vector<16xi32>
      %swap3A_261 = vector.shape_cast %add3A_256 : vector<16xi32> to vector<1x16xi32>
      tpu.vector_store %arg20[%swap3A_257, %swap3A_258], %swap3A_261 {strides = array<i32>} : memref<16x128xi32, #tpu.memory_space<vmem>>, vector<1x16xi32>,
      %mul3A_262 = arith.constant 128 : i32
      %mul3A_263 = arith.muli %scan3A_195, %mul3A_262 : i32
      %add3A_264 = arith.constant 48 : i32
      %add3A_265 = arith.addi %mul3A_263, %add3A_264 : i32
      %get3A_266 = arith.index_cast %add3A_265 : i32 to index
      %get3A_267 = tpu.vector_load %arg18[%get3A_266] {strides = array<i32>} : memref<2048xi32, #tpu.memory_space<vmem>>, vector<16xi32>,
      %get3A_268 = vector.shape_cast %get3A_267 : vector<16xi32> to vector<16xi32>
      %get3A_269 = arith.index_cast %add3A_265 : i32 to index
      %get3A_270 = tpu.vector_load %arg19[%get3A_269] {strides = array<i32>} : memref<2048xi32, #tpu.memory_space<vmem>>, vector<16xi32>,
      %get3A_271 = vector.shape_cast %get3A_270 : vector<16xi32> to vector<16xi32>
      %mul3A_272 = arith.constant 128 : i32
      %mul3A_273 = vector.broadcast %mul3A_272 : i32 to vector<16xi32>
      %mul3A_274 = arith.muli %get3A_268, %mul3A_273 : vector<16xi32>
      %add3A_275 = arith.constant 65 : i32
      %add3A_276 = vector.broadcast %add3A_275 : i32 to vector<16xi32>
      %add3A_277 = arith.addi %get3A_271, %add3A_276 : vector<16xi32>
      %add3A_278 = arith.addi %mul3A_274, %add3A_277 : vector<16xi32>
      %swap3A_279 = arith.index_cast %scan3A_195 : i32 to index
      %swap3A_280 = arith.constant 48 : index
      %swap3A_281 = tpu.vector_load %arg20[%swap3A_279, %swap3A_280] {strides = array<i32>} : memref<16x128xi32, #tpu.memory_space<vmem>>, vector<1x16xi32>,
      %swap3A_282 = vector.shape_cast %swap3A_281 : vector<1x16xi32> to vector<16xi32>
      %swap3A_283 = vector.shape_cast %add3A_278 : vector<16xi32> to vector<1x16xi32>
      tpu.vector_store %arg20[%swap3A_279, %swap3A_280], %swap3A_283 {strides = array<i32>} : memref<16x128xi32, #tpu.memory_space<vmem>>, vector<1x16xi32>,
      %mul3A_284 = arith.constant 128 : i32
      %mul3A_285 = arith.muli %scan3A_195, %mul3A_284 : i32
      %add3A_286 = arith.constant 64 : i32
      %add3A_287 = arith.addi %mul3A_285, %add3A_286 : i32
      %get3A_288 = arith.index_cast %add3A_287 : i32 to index
      %get3A_289 = tpu.vector_load %arg18[%get3A_288] {strides = array<i32>} : memref<2048xi32, #tpu.memory_space<vmem>>, vector<16xi32>,
      %get3A_290 = vector.shape_cast %get3A_289 : vector<16xi32> to vector<16xi32>
      %get3A_291 = arith.index_cast %add3A_287 : i32 to index
      %get3A_292 = tpu.vector_load %arg19[%get3A_291] {strides = array<i32>} : memref<2048xi32, #tpu.memory_space<vmem>>, vector<16xi32>,
      %get3A_293 = vector.shape_cast %get3A_292 : vector<16xi32> to vector<16xi32>
      %mul3A_294 = arith.constant 128 : i32
      %mul3A_295 = vector.broadcast %mul3A_294 : i32 to vector<16xi32>
      %mul3A_296 = arith.muli %get3A_290, %mul3A_295 : vector<16xi32>
      %add3A_297 = arith.constant 65 : i32
      %add3A_298 = vector.broadcast %add3A_297 : i32 to vector<16xi32>
      %add3A_299 = arith.addi %get3A_293, %add3A_298 : vector<16xi32>
      %add3A_300 = arith.addi %mul3A_296, %add3A_299 : vector<16xi32>
      %swap3A_301 = arith.index_cast %scan3A_195 : i32 to index
      %swap3A_302 = arith.constant 64 : index
      %swap3A_303 = tpu.vector_load %arg20[%swap3A_301, %swap3A_302] {strides = array<i32>} : memref<16x128xi32, #tpu.memory_space<vmem>>, vector<1x16xi32>,
      %swap3A_304 = vector.shape_cast %swap3A_303 : vector<1x16xi32> to vector<16xi32>
      %swap3A_305 = vector.shape_cast %add3A_300 : vector<16xi32> to vector<1x16xi32>
      tpu.vector_store %arg20[%swap3A_301, %swap3A_302], %swap3A_305 {strides = array<i32>} : memref<16x128xi32, #tpu.memory_space<vmem>>, vector<1x16xi32>,
      %mul3A_306 = arith.constant 128 : i32
      %mul3A_307 = arith.muli %scan3A_195, %mul3A_306 : i32
      %add3A_308 = arith.constant 80 : i32
      %add3A_309 = arith.addi %mul3A_307, %add3A_308 : i32
      %get3A_310 = arith.index_cast %add3A_309 : i32 to index
      %get3A_311 = tpu.vector_load %arg18[%get3A_310] {strides = array<i32>} : memref<2048xi32, #tpu.memory_space<vmem>>, vector<16xi32>,
      %get3A_312 = vector.shape_cast %get3A_311 : vector<16xi32> to vector<16xi32>
      %get3A_313 = arith.index_cast %add3A_309 : i32 to index
      %get3A_314 = tpu.vector_load %arg19[%get3A_313] {strides = array<i32>} : memref<2048xi32, #tpu.memory_space<vmem>>, vector<16xi32>,
      %get3A_315 = vector.shape_cast %get3A_314 : vector<16xi32> to vector<16xi32>
      %mul3A_316 = arith.constant 128 : i32
      %mul3A_317 = vector.broadcast %mul3A_316 : i32 to vector<16xi32>
      %mul3A_318 = arith.muli %get3A_312, %mul3A_317 : vector<16xi32>
      %add3A_319 = arith.constant 65 : i32
      %add3A_320 = vector.broadcast %add3A_319 : i32 to vector<16xi32>
      %add3A_321 = arith.addi %get3A_315, %add3A_320 : vector<16xi32>
      %add3A_322 = arith.addi %mul3A_318, %add3A_321 : vector<16xi32>
      %swap3A_323 = arith.index_cast %scan3A_195 : i32 to index
      %swap3A_324 = arith.constant 80 : index
      %swap3A_325 = tpu.vector_load %arg20[%swap3A_323, %swap3A_324] {strides = array<i32>} : memref<16x128xi32, #tpu.memory_space<vmem>>, vector<1x16xi32>,
      %swap3A_326 = vector.shape_cast %swap3A_325 : vector<1x16xi32> to vector<16xi32>
      %swap3A_327 = vector.shape_cast %add3A_322 : vector<16xi32> to vector<1x16xi32>
      tpu.vector_store %arg20[%swap3A_323, %swap3A_324], %swap3A_327 {strides = array<i32>} : memref<16x128xi32, #tpu.memory_space<vmem>>, vector<1x16xi32>,
      %mul3A_328 = arith.constant 128 : i32
      %mul3A_329 = arith.muli %scan3A_195, %mul3A_328 : i32
      %add3A_330 = arith.constant 96 : i32
      %add3A_331 = arith.addi %mul3A_329, %add3A_330 : i32
      %get3A_332 = arith.index_cast %add3A_331 : i32 to index
      %get3A_333 = tpu.vector_load %arg18[%get3A_332] {strides = array<i32>} : memref<2048xi32, #tpu.memory_space<vmem>>, vector<16xi32>,
      %get3A_334 = vector.shape_cast %get3A_333 : vector<16xi32> to vector<16xi32>
      %get3A_335 = arith.index_cast %add3A_331 : i32 to index
      %get3A_336 = tpu.vector_load %arg19[%get3A_335] {strides = array<i32>} : memref<2048xi32, #tpu.memory_space<vmem>>, vector<16xi32>,
      %get3A_337 = vector.shape_cast %get3A_336 : vector<16xi32> to vector<16xi32>
      %mul3A_338 = arith.constant 128 : i32
      %mul3A_339 = vector.broadcast %mul3A_338 : i32 to vector<16xi32>
      %mul3A_340 = arith.muli %get3A_334, %mul3A_339 : vector<16xi32>
      %add3A_341 = arith.constant 65 : i32
      %add3A_342 = vector.broadcast %add3A_341 : i32 to vector<16xi32>
      %add3A_343 = arith.addi %get3A_337, %add3A_342 : vector<16xi32>
      %add3A_344 = arith.addi %mul3A_340, %add3A_343 : vector<16xi32>
      %swap3A_345 = arith.index_cast %scan3A_195 : i32 to index
      %swap3A_346 = arith.constant 96 : index
      %swap3A_347 = tpu.vector_load %arg20[%swap3A_345, %swap3A_346] {strides = array<i32>} : memref<16x128xi32, #tpu.memory_space<vmem>>, vector<1x16xi32>,
      %swap3A_348 = vector.shape_cast %swap3A_347 : vector<1x16xi32> to vector<16xi32>
      %swap3A_349 = vector.shape_cast %add3A_344 : vector<16xi32> to vector<1x16xi32>
      tpu.vector_store %arg20[%swap3A_345, %swap3A_346], %swap3A_349 {strides = array<i32>} : memref<16x128xi32, #tpu.memory_space<vmem>>, vector<1x16xi32>,
      %mul3A_350 = arith.constant 128 : i32
      %mul3A_351 = arith.muli %scan3A_195, %mul3A_350 : i32
      %add3A_352 = arith.constant 112 : i32
      %add3A_353 = arith.addi %mul3A_351, %add3A_352 : i32
      %get3A_354 = arith.index_cast %add3A_353 : i32 to index
      %get3A_355 = tpu.vector_load %arg18[%get3A_354] {strides = array<i32>} : memref<2048xi32, #tpu.memory_space<vmem>>, vector<16xi32>,
      %get3A_356 = vector.shape_cast %get3A_355 : vector<16xi32> to vector<16xi32>
      %get3A_357 = arith.index_cast %add3A_353 : i32 to index
      %get3A_358 = tpu.vector_load %arg19[%get3A_357] {strides = array<i32>} : memref<2048xi32, #tpu.memory_space<vmem>>, vector<16xi32>,
      %get3A_359 = vector.shape_cast %get3A_358 : vector<16xi32> to vector<16xi32>
      %mul3A_360 = arith.constant 128 : i32
      %mul3A_361 = vector.broadcast %mul3A_360 : i32 to vector<16xi32>
      %mul3A_362 = arith.muli %get3A_356, %mul3A_361 : vector<16xi32>
      %add3A_363 = arith.constant 65 : i32
      %add3A_364 = vector.broadcast %add3A_363 : i32 to vector<16xi32>
      %add3A_365 = arith.addi %get3A_359, %add3A_364 : vector<16xi32>
      %add3A_366 = arith.addi %mul3A_362, %add3A_365 : vector<16xi32>
      %swap3A_367 = arith.index_cast %scan3A_195 : i32 to index
      %swap3A_368 = arith.constant 112 : index
      %swap3A_369 = tpu.vector_load %arg20[%swap3A_367, %swap3A_368] {strides = array<i32>} : memref<16x128xi32, #tpu.memory_space<vmem>>, vector<1x16xi32>,
      %swap3A_370 = vector.shape_cast %swap3A_369 : vector<1x16xi32> to vector<16xi32>
      %swap3A_371 = vector.shape_cast %add3A_366 : vector<16xi32> to vector<1x16xi32>
      tpu.vector_store %arg20[%swap3A_367, %swap3A_368], %swap3A_371 {strides = array<i32>} : memref<16x128xi32, #tpu.memory_space<vmem>>, vector<1x16xi32>,
    }
    %scan3A_164 = arith.constant 16 : i32
    %scan3A_165 = arith.constant 0 : i32
    %scan3A_166 = arith.constant 0 : i32
    %scan3A_167 = arith.constant 16 : i32
    %scan3A_168 = arith.addi %scan3A_166, %scan3A_167 : i32
    %scan3A_169 = arith.constant 1 : i32
    scf.for %scan3A_195 = %scan3A_166 to %scan3A_168 step %scan3A_169  : i32 {
      "tpu.region"() ({
        %run_scoped3A = tpu.sem_alloc : memref<!tpu.dma_semaphore, #tpu.memory_space<semaphore_mem>>
        %dma_start3A = arith.constant 0 : i32
        %dma_start3A_196 = tpu.memref_slice %arg20[%scan3A_195, %dma_start3A] : memref<16x128xi32, #tpu.memory_space<vmem>> -> memref<1x128xi32, #tpu.memory_space<vmem>>
        %dma_start3A_197 = tpu.memref_squeeze %dma_start3A_196 : memref<1x128xi32, #tpu.memory_space<vmem>> -> memref<128xi32, #tpu.memory_space<vmem>>
        %dma_start3A_198 = arith.constant 0 : i32
        %dma_start3A_199 = tpu.memref_slice %arg17[%dma_start3A_198] : memref<1048704xf32, #tpu.memory_space<vmem_shared>> -> memref<1048704xf32, #tpu.memory_space<vmem_shared>>
        tpu.enqueue_indirect_dma source(%arg21 : memref<128xf32, #tpu.memory_space<vmem>>) target(%dma_start3A_199 : memref<1048704xf32, #tpu.memory_space<vmem_shared>>) offsets(%dma_start3A_197 : memref<128xi32, #tpu.memory_space<vmem>>) semaphore(%run_scoped3A : memref<!tpu.dma_semaphore, #tpu.memory_space<semaphore_mem>>) {add = true}
        %dma_wait3A = arith.constant 0 : i32
        %dma_wait3A_200 = tpu.memref_slice %arg20[%scan3A_195, %dma_wait3A] : memref<16x128xi32, #tpu.memory_space<vmem>> -> memref<1x128xi32, #tpu.memory_space<vmem>>
        %dma_wait3A_201 = tpu.memref_squeeze %dma_wait3A_200 : memref<1x128xi32, #tpu.memory_space<vmem>> -> memref<128xi32, #tpu.memory_space<vmem>>
        %dma_wait3A_202 = arith.constant 0 : i32
        %dma_wait3A_203 = tpu.memref_slice %arg17[%dma_wait3A_202] : memref<1048704xf32, #tpu.memory_space<vmem_shared>> -> memref<1048704xf32, #tpu.memory_space<vmem_shared>>
        tpu.wait_indirect_dma semaphore(%run_scoped3A : memref<!tpu.dma_semaphore, #tpu.memory_space<semaphore_mem>>) src(%arg21 : memref<128xf32, #tpu.memory_space<vmem>>) dst(%dma_wait3A_203 : memref<1048704xf32, #tpu.memory_space<vmem_shared>>)
        tpu.yield
      }) : () -> ()
    }
    %scan3A_170 = arith.constant 16 : i32
    %barrier3A_171 = arith.constant 0 : index
    tpu.barrier barrier_id(%barrier3A_171)
    %convert_element_type3A_172 = arith.extui %and3A : i1 to i32
    %cond3A_173 = arith.constant 0 : i32
    %cond3A_174 = arith.cmpi ne, %convert_element_type3A_172, %cond3A_173 : i32
    scf.if %cond3A_174 {
      %mul3A_195 = arith.constant 65536 : i32
      %mul3A_196 = arith.muli %arg1, %mul3A_195 : i32
      %mul3A_197 = arith.constant 1048576 : i32
      %mul3A_198 = arith.muli %arg0, %mul3A_197 : i32
      %mul3A_199 = arith.constant 65536 : i32
      %mul3A_200 = arith.muli %arg1, %mul3A_199 : i32
      %add3A_201 = arith.addi %mul3A_198, %mul3A_200 : i32
      "tpu.region"() ({
        %run_scoped3A = tpu.sem_alloc : memref<!tpu.dma_semaphore, #tpu.memory_space<semaphore_mem>>
        %dma_start3A = tpu.memref_slice %arg15[%add3A_201] : memref<2097152xf32, #tpu.memory_space<hbm>> -> memref<65536xf32, #tpu.memory_space<hbm>>
        %dma_start3A_202 = tpu.memref_slice %arg17[%mul3A_196] : memref<1048704xf32, #tpu.memory_space<vmem_shared>> -> memref<65536xf32, #tpu.memory_space<vmem_shared>>
        tpu.enqueue_dma source(%dma_start3A_202 : memref<65536xf32, #tpu.memory_space<vmem_shared>>) target(%dma_start3A : memref<65536xf32, #tpu.memory_space<hbm>>) target_semaphore(%run_scoped3A : memref<!tpu.dma_semaphore, #tpu.memory_space<semaphore_mem>>)
        %dma_wait3A = tpu.memref_slice %arg15[%add3A_201] : memref<2097152xf32, #tpu.memory_space<hbm>> -> memref<65536xf32, #tpu.memory_space<hbm>>
        %dma_wait3A_203 = tpu.memref_slice %arg17[%mul3A_196] : memref<1048704xf32, #tpu.memory_space<vmem_shared>> -> memref<65536xf32, #tpu.memory_space<vmem_shared>>
        tpu.wait_dma2 semaphore(%run_scoped3A : memref<!tpu.dma_semaphore, #tpu.memory_space<semaphore_mem>>) src(%dma_wait3A_203 : memref<65536xf32, #tpu.memory_space<vmem_shared>>) dst(%dma_wait3A : memref<65536xf32, #tpu.memory_space<hbm>>)
        tpu.yield
      }) : () -> ()
    } else {
    }
    %convert_element_type3A_175 = arith.extui %and3A : i1 to i32
    %cond3A_176 = arith.constant 0 : i32
    %cond3A_177 = arith.cmpi ne, %convert_element_type3A_175, %cond3A_176 : i32
    scf.if %cond3A_177 {
      %scan3A_195 = arith.constant 0 : i32
      %scan3A_196 = arith.constant 0 : i32
      %scan3A_197 = arith.constant 16 : i32
      %scan3A_198 = arith.addi %scan3A_196, %scan3A_197 : i32
      %scan3A_199 = arith.constant 1 : i32
      scf.for %scan3A_201 = %scan3A_196 to %scan3A_198 step %scan3A_199  : i32 {
        %mul3A_202 = arith.constant 65536 : i32
        %mul3A_203 = arith.muli %arg1, %mul3A_202 : i32
        %mul3A_204 = arith.constant 4096 : i32
        %mul3A_205 = arith.muli %scan3A_201, %mul3A_204 : i32
        %add3A_206 = arith.addi %mul3A_203, %mul3A_205 : i32
        "tpu.region"() ({
          %run_scoped3A = tpu.sem_alloc : memref<!tpu.dma_semaphore, #tpu.memory_space<semaphore_mem>>
          %dma_start3A = tpu.memref_slice %arg17[%add3A_206] : memref<1048704xf32, #tpu.memory_space<vmem_shared>> -> memref<4096xf32, #tpu.memory_space<vmem_shared>>
          %dma_start3A_207 = tpu.memref_slice %arg17[%add3A_206] : memref<1048704xf32, #tpu.memory_space<vmem_shared>> -> memref<4096xf32, #tpu.memory_space<vmem_shared>>
          tpu.enqueue_dma source(%arg22 : memref<4096xf32, #tpu.memory_space<vmem>>) target(%dma_start3A_207 : memref<4096xf32, #tpu.memory_space<vmem_shared>>) target_semaphore(%run_scoped3A : memref<!tpu.dma_semaphore, #tpu.memory_space<semaphore_mem>>)
          %dma_wait3A = tpu.memref_slice %arg17[%add3A_206] : memref<1048704xf32, #tpu.memory_space<vmem_shared>> -> memref<4096xf32, #tpu.memory_space<vmem_shared>>
          %dma_wait3A_208 = tpu.memref_slice %arg17[%add3A_206] : memref<1048704xf32, #tpu.memory_space<vmem_shared>> -> memref<4096xf32, #tpu.memory_space<vmem_shared>>
          tpu.wait_dma2 semaphore(%run_scoped3A : memref<!tpu.dma_semaphore, #tpu.memory_space<semaphore_mem>>) src(%arg22 : memref<4096xf32, #tpu.memory_space<vmem>>) dst(%dma_wait3A_208 : memref<4096xf32, #tpu.memory_space<vmem_shared>>)
          tpu.yield
        }) : () -> ()
      }
      %scan3A_200 = arith.constant 16 : i32
    } else {
    }
    %barrier3A_178 = arith.constant 0 : index
    tpu.barrier barrier_id(%barrier3A_178)
    "tpu.region"() ({
      %run_scoped3A = tpu.sem_alloc : memref<!tpu.dma_semaphore, #tpu.memory_space<semaphore_mem>>
      %dma_start3A = tpu.memref_slice %arg10[%mul3A_2] : memref<65536xi32, #tpu.memory_space<hbm>> -> memref<2048xi32, #tpu.memory_space<hbm>>
      %dma_start3A_195 = tpu.memref_slice %arg10[%mul3A_2] : memref<65536xi32, #tpu.memory_space<hbm>> -> memref<2048xi32, #tpu.memory_space<hbm>>
      tpu.enqueue_dma source(%dma_start3A_195 : memref<2048xi32, #tpu.memory_space<hbm>>) target(%arg19 : memref<2048xi32, #tpu.memory_space<vmem>>) target_semaphore(%run_scoped3A : memref<!tpu.dma_semaphore, #tpu.memory_space<semaphore_mem>>)
      %dma_wait3A = tpu.memref_slice %arg10[%mul3A_2] : memref<65536xi32, #tpu.memory_space<hbm>> -> memref<2048xi32, #tpu.memory_space<hbm>>
      %dma_wait3A_196 = tpu.memref_slice %arg10[%mul3A_2] : memref<65536xi32, #tpu.memory_space<hbm>> -> memref<2048xi32, #tpu.memory_space<hbm>>
      tpu.wait_dma2 semaphore(%run_scoped3A : memref<!tpu.dma_semaphore, #tpu.memory_space<semaphore_mem>>) src(%dma_wait3A_196 : memref<2048xi32, #tpu.memory_space<hbm>>) dst(%arg19 : memref<2048xi32, #tpu.memory_space<vmem>>)
      tpu.yield
    }) : () -> ()
    %scan3A_179 = arith.constant 0 : i32
    %scan3A_180 = arith.constant 0 : i32
    %scan3A_181 = arith.constant 16 : i32
    %scan3A_182 = arith.addi %scan3A_180, %scan3A_181 : i32
    %scan3A_183 = arith.constant 1 : i32
    scf.for %scan3A_195 = %scan3A_180 to %scan3A_182 step %scan3A_183  : i32 {
      %mul3A_196 = arith.constant 128 : i32
      %mul3A_197 = arith.muli %scan3A_195, %mul3A_196 : i32
      %add3A_198 = arith.constant 0 : i32
      %add3A_199 = arith.addi %mul3A_197, %add3A_198 : i32
      %get3A_200 = arith.index_cast %add3A_199 : i32 to index
      %get3A_201 = tpu.vector_load %arg18[%get3A_200] {strides = array<i32>} : memref<2048xi32, #tpu.memory_space<vmem>>, vector<16xi32>,
      %get3A_202 = vector.shape_cast %get3A_201 : vector<16xi32> to vector<16xi32>
      %get3A_203 = arith.index_cast %add3A_199 : i32 to index
      %get3A_204 = tpu.vector_load %arg19[%get3A_203] {strides = array<i32>} : memref<2048xi32, #tpu.memory_space<vmem>>, vector<16xi32>,
      %get3A_205 = vector.shape_cast %get3A_204 : vector<16xi32> to vector<16xi32>
      %mul3A_206 = arith.constant 128 : i32
      %mul3A_207 = vector.broadcast %mul3A_206 : i32 to vector<16xi32>
      %mul3A_208 = arith.muli %get3A_202, %mul3A_207 : vector<16xi32>
      %add3A_209 = arith.constant 0 : i32
      %add3A_210 = vector.broadcast %add3A_209 : i32 to vector<16xi32>
      %add3A_211 = arith.addi %get3A_205, %add3A_210 : vector<16xi32>
      %add3A_212 = arith.addi %mul3A_208, %add3A_211 : vector<16xi32>
      %swap3A_213 = arith.index_cast %scan3A_195 : i32 to index
      %swap3A_214 = arith.constant 0 : index
      %swap3A_215 = tpu.vector_load %arg20[%swap3A_213, %swap3A_214] {strides = array<i32>} : memref<16x128xi32, #tpu.memory_space<vmem>>, vector<1x16xi32>,
      %swap3A_216 = vector.shape_cast %swap3A_215 : vector<1x16xi32> to vector<16xi32>
      %swap3A_217 = vector.shape_cast %add3A_212 : vector<16xi32> to vector<1x16xi32>
      tpu.vector_store %arg20[%swap3A_213, %swap3A_214], %swap3A_217 {strides = array<i32>} : memref<16x128xi32, #tpu.memory_space<vmem>>, vector<1x16xi32>,
      %mul3A_218 = arith.constant 128 : i32
      %mul3A_219 = arith.muli %scan3A_195, %mul3A_218 : i32
      %add3A_220 = arith.constant 16 : i32
      %add3A_221 = arith.addi %mul3A_219, %add3A_220 : i32
      %get3A_222 = arith.index_cast %add3A_221 : i32 to index
      %get3A_223 = tpu.vector_load %arg18[%get3A_222] {strides = array<i32>} : memref<2048xi32, #tpu.memory_space<vmem>>, vector<16xi32>,
      %get3A_224 = vector.shape_cast %get3A_223 : vector<16xi32> to vector<16xi32>
      %get3A_225 = arith.index_cast %add3A_221 : i32 to index
      %get3A_226 = tpu.vector_load %arg19[%get3A_225] {strides = array<i32>} : memref<2048xi32, #tpu.memory_space<vmem>>, vector<16xi32>,
      %get3A_227 = vector.shape_cast %get3A_226 : vector<16xi32> to vector<16xi32>
      %mul3A_228 = arith.constant 128 : i32
      %mul3A_229 = vector.broadcast %mul3A_228 : i32 to vector<16xi32>
      %mul3A_230 = arith.muli %get3A_224, %mul3A_229 : vector<16xi32>
      %add3A_231 = arith.constant 0 : i32
      %add3A_232 = vector.broadcast %add3A_231 : i32 to vector<16xi32>
      %add3A_233 = arith.addi %get3A_227, %add3A_232 : vector<16xi32>
      %add3A_234 = arith.addi %mul3A_230, %add3A_233 : vector<16xi32>
      %swap3A_235 = arith.index_cast %scan3A_195 : i32 to index
      %swap3A_236 = arith.constant 16 : index
      %swap3A_237 = tpu.vector_load %arg20[%swap3A_235, %swap3A_236] {strides = array<i32>} : memref<16x128xi32, #tpu.memory_space<vmem>>, vector<1x16xi32>,
      %swap3A_238 = vector.shape_cast %swap3A_237 : vector<1x16xi32> to vector<16xi32>
      %swap3A_239 = vector.shape_cast %add3A_234 : vector<16xi32> to vector<1x16xi32>
      tpu.vector_store %arg20[%swap3A_235, %swap3A_236], %swap3A_239 {strides = array<i32>} : memref<16x128xi32, #tpu.memory_space<vmem>>, vector<1x16xi32>,
      %mul3A_240 = arith.constant 128 : i32
      %mul3A_241 = arith.muli %scan3A_195, %mul3A_240 : i32
      %add3A_242 = arith.constant 32 : i32
      %add3A_243 = arith.addi %mul3A_241, %add3A_242 : i32
      %get3A_244 = arith.index_cast %add3A_243 : i32 to index
      %get3A_245 = tpu.vector_load %arg18[%get3A_244] {strides = array<i32>} : memref<2048xi32, #tpu.memory_space<vmem>>, vector<16xi32>,
      %get3A_246 = vector.shape_cast %get3A_245 : vector<16xi32> to vector<16xi32>
      %get3A_247 = arith.index_cast %add3A_243 : i32 to index
      %get3A_248 = tpu.vector_load %arg19[%get3A_247] {strides = array<i32>} : memref<2048xi32, #tpu.memory_space<vmem>>, vector<16xi32>,
      %get3A_249 = vector.shape_cast %get3A_248 : vector<16xi32> to vector<16xi32>
      %mul3A_250 = arith.constant 128 : i32
      %mul3A_251 = vector.broadcast %mul3A_250 : i32 to vector<16xi32>
      %mul3A_252 = arith.muli %get3A_246, %mul3A_251 : vector<16xi32>
      %add3A_253 = arith.constant 0 : i32
      %add3A_254 = vector.broadcast %add3A_253 : i32 to vector<16xi32>
      %add3A_255 = arith.addi %get3A_249, %add3A_254 : vector<16xi32>
      %add3A_256 = arith.addi %mul3A_252, %add3A_255 : vector<16xi32>
      %swap3A_257 = arith.index_cast %scan3A_195 : i32 to index
      %swap3A_258 = arith.constant 32 : index
      %swap3A_259 = tpu.vector_load %arg20[%swap3A_257, %swap3A_258] {strides = array<i32>} : memref<16x128xi32, #tpu.memory_space<vmem>>, vector<1x16xi32>,
      %swap3A_260 = vector.shape_cast %swap3A_259 : vector<1x16xi32> to vector<16xi32>
      %swap3A_261 = vector.shape_cast %add3A_256 : vector<16xi32> to vector<1x16xi32>
      tpu.vector_store %arg20[%swap3A_257, %swap3A_258], %swap3A_261 {strides = array<i32>} : memref<16x128xi32, #tpu.memory_space<vmem>>, vector<1x16xi32>,
      %mul3A_262 = arith.constant 128 : i32
      %mul3A_263 = arith.muli %scan3A_195, %mul3A_262 : i32
      %add3A_264 = arith.constant 48 : i32
      %add3A_265 = arith.addi %mul3A_263, %add3A_264 : i32
      %get3A_266 = arith.index_cast %add3A_265 : i32 to index
      %get3A_267 = tpu.vector_load %arg18[%get3A_266] {strides = array<i32>} : memref<2048xi32, #tpu.memory_space<vmem>>, vector<16xi32>,
      %get3A_268 = vector.shape_cast %get3A_267 : vector<16xi32> to vector<16xi32>
      %get3A_269 = arith.index_cast %add3A_265 : i32 to index
      %get3A_270 = tpu.vector_load %arg19[%get3A_269] {strides = array<i32>} : memref<2048xi32, #tpu.memory_space<vmem>>, vector<16xi32>,
      %get3A_271 = vector.shape_cast %get3A_270 : vector<16xi32> to vector<16xi32>
      %mul3A_272 = arith.constant 128 : i32
      %mul3A_273 = vector.broadcast %mul3A_272 : i32 to vector<16xi32>
      %mul3A_274 = arith.muli %get3A_268, %mul3A_273 : vector<16xi32>
      %add3A_275 = arith.constant 0 : i32
      %add3A_276 = vector.broadcast %add3A_275 : i32 to vector<16xi32>
      %add3A_277 = arith.addi %get3A_271, %add3A_276 : vector<16xi32>
      %add3A_278 = arith.addi %mul3A_274, %add3A_277 : vector<16xi32>
      %swap3A_279 = arith.index_cast %scan3A_195 : i32 to index
      %swap3A_280 = arith.constant 48 : index
      %swap3A_281 = tpu.vector_load %arg20[%swap3A_279, %swap3A_280] {strides = array<i32>} : memref<16x128xi32, #tpu.memory_space<vmem>>, vector<1x16xi32>,
      %swap3A_282 = vector.shape_cast %swap3A_281 : vector<1x16xi32> to vector<16xi32>
      %swap3A_283 = vector.shape_cast %add3A_278 : vector<16xi32> to vector<1x16xi32>
      tpu.vector_store %arg20[%swap3A_279, %swap3A_280], %swap3A_283 {strides = array<i32>} : memref<16x128xi32, #tpu.memory_space<vmem>>, vector<1x16xi32>,
      %mul3A_284 = arith.constant 128 : i32
      %mul3A_285 = arith.muli %scan3A_195, %mul3A_284 : i32
      %add3A_286 = arith.constant 64 : i32
      %add3A_287 = arith.addi %mul3A_285, %add3A_286 : i32
      %get3A_288 = arith.index_cast %add3A_287 : i32 to index
      %get3A_289 = tpu.vector_load %arg18[%get3A_288] {strides = array<i32>} : memref<2048xi32, #tpu.memory_space<vmem>>, vector<16xi32>,
      %get3A_290 = vector.shape_cast %get3A_289 : vector<16xi32> to vector<16xi32>
      %get3A_291 = arith.index_cast %add3A_287 : i32 to index
      %get3A_292 = tpu.vector_load %arg19[%get3A_291] {strides = array<i32>} : memref<2048xi32, #tpu.memory_space<vmem>>, vector<16xi32>,
      %get3A_293 = vector.shape_cast %get3A_292 : vector<16xi32> to vector<16xi32>
      %mul3A_294 = arith.constant 128 : i32
      %mul3A_295 = vector.broadcast %mul3A_294 : i32 to vector<16xi32>
      %mul3A_296 = arith.muli %get3A_290, %mul3A_295 : vector<16xi32>
      %add3A_297 = arith.constant 0 : i32
      %add3A_298 = vector.broadcast %add3A_297 : i32 to vector<16xi32>
      %add3A_299 = arith.addi %get3A_293, %add3A_298 : vector<16xi32>
      %add3A_300 = arith.addi %mul3A_296, %add3A_299 : vector<16xi32>
      %swap3A_301 = arith.index_cast %scan3A_195 : i32 to index
      %swap3A_302 = arith.constant 64 : index
      %swap3A_303 = tpu.vector_load %arg20[%swap3A_301, %swap3A_302] {strides = array<i32>} : memref<16x128xi32, #tpu.memory_space<vmem>>, vector<1x16xi32>,
      %swap3A_304 = vector.shape_cast %swap3A_303 : vector<1x16xi32> to vector<16xi32>
      %swap3A_305 = vector.shape_cast %add3A_300 : vector<16xi32> to vector<1x16xi32>
      tpu.vector_store %arg20[%swap3A_301, %swap3A_302], %swap3A_305 {strides = array<i32>} : memref<16x128xi32, #tpu.memory_space<vmem>>, vector<1x16xi32>,
      %mul3A_306 = arith.constant 128 : i32
      %mul3A_307 = arith.muli %scan3A_195, %mul3A_306 : i32
      %add3A_308 = arith.constant 80 : i32
      %add3A_309 = arith.addi %mul3A_307, %add3A_308 : i32
      %get3A_310 = arith.index_cast %add3A_309 : i32 to index
      %get3A_311 = tpu.vector_load %arg18[%get3A_310] {strides = array<i32>} : memref<2048xi32, #tpu.memory_space<vmem>>, vector<16xi32>,
      %get3A_312 = vector.shape_cast %get3A_311 : vector<16xi32> to vector<16xi32>
      %get3A_313 = arith.index_cast %add3A_309 : i32 to index
      %get3A_314 = tpu.vector_load %arg19[%get3A_313] {strides = array<i32>} : memref<2048xi32, #tpu.memory_space<vmem>>, vector<16xi32>,
      %get3A_315 = vector.shape_cast %get3A_314 : vector<16xi32> to vector<16xi32>
      %mul3A_316 = arith.constant 128 : i32
      %mul3A_317 = vector.broadcast %mul3A_316 : i32 to vector<16xi32>
      %mul3A_318 = arith.muli %get3A_312, %mul3A_317 : vector<16xi32>
      %add3A_319 = arith.constant 0 : i32
      %add3A_320 = vector.broadcast %add3A_319 : i32 to vector<16xi32>
      %add3A_321 = arith.addi %get3A_315, %add3A_320 : vector<16xi32>
      %add3A_322 = arith.addi %mul3A_318, %add3A_321 : vector<16xi32>
      %swap3A_323 = arith.index_cast %scan3A_195 : i32 to index
      %swap3A_324 = arith.constant 80 : index
      %swap3A_325 = tpu.vector_load %arg20[%swap3A_323, %swap3A_324] {strides = array<i32>} : memref<16x128xi32, #tpu.memory_space<vmem>>, vector<1x16xi32>,
      %swap3A_326 = vector.shape_cast %swap3A_325 : vector<1x16xi32> to vector<16xi32>
      %swap3A_327 = vector.shape_cast %add3A_322 : vector<16xi32> to vector<1x16xi32>
      tpu.vector_store %arg20[%swap3A_323, %swap3A_324], %swap3A_327 {strides = array<i32>} : memref<16x128xi32, #tpu.memory_space<vmem>>, vector<1x16xi32>,
      %mul3A_328 = arith.constant 128 : i32
      %mul3A_329 = arith.muli %scan3A_195, %mul3A_328 : i32
      %add3A_330 = arith.constant 96 : i32
      %add3A_331 = arith.addi %mul3A_329, %add3A_330 : i32
      %get3A_332 = arith.index_cast %add3A_331 : i32 to index
      %get3A_333 = tpu.vector_load %arg18[%get3A_332] {strides = array<i32>} : memref<2048xi32, #tpu.memory_space<vmem>>, vector<16xi32>,
      %get3A_334 = vector.shape_cast %get3A_333 : vector<16xi32> to vector<16xi32>
      %get3A_335 = arith.index_cast %add3A_331 : i32 to index
      %get3A_336 = tpu.vector_load %arg19[%get3A_335] {strides = array<i32>} : memref<2048xi32, #tpu.memory_space<vmem>>, vector<16xi32>,
      %get3A_337 = vector.shape_cast %get3A_336 : vector<16xi32> to vector<16xi32>
      %mul3A_338 = arith.constant 128 : i32
      %mul3A_339 = vector.broadcast %mul3A_338 : i32 to vector<16xi32>
      %mul3A_340 = arith.muli %get3A_334, %mul3A_339 : vector<16xi32>
      %add3A_341 = arith.constant 0 : i32
      %add3A_342 = vector.broadcast %add3A_341 : i32 to vector<16xi32>
      %add3A_343 = arith.addi %get3A_337, %add3A_342 : vector<16xi32>
      %add3A_344 = arith.addi %mul3A_340, %add3A_343 : vector<16xi32>
      %swap3A_345 = arith.index_cast %scan3A_195 : i32 to index
      %swap3A_346 = arith.constant 96 : index
      %swap3A_347 = tpu.vector_load %arg20[%swap3A_345, %swap3A_346] {strides = array<i32>} : memref<16x128xi32, #tpu.memory_space<vmem>>, vector<1x16xi32>,
      %swap3A_348 = vector.shape_cast %swap3A_347 : vector<1x16xi32> to vector<16xi32>
      %swap3A_349 = vector.shape_cast %add3A_344 : vector<16xi32> to vector<1x16xi32>
      tpu.vector_store %arg20[%swap3A_345, %swap3A_346], %swap3A_349 {strides = array<i32>} : memref<16x128xi32, #tpu.memory_space<vmem>>, vector<1x16xi32>,
      %mul3A_350 = arith.constant 128 : i32
      %mul3A_351 = arith.muli %scan3A_195, %mul3A_350 : i32
      %add3A_352 = arith.constant 112 : i32
      %add3A_353 = arith.addi %mul3A_351, %add3A_352 : i32
      %get3A_354 = arith.index_cast %add3A_353 : i32 to index
      %get3A_355 = tpu.vector_load %arg18[%get3A_354] {strides = array<i32>} : memref<2048xi32, #tpu.memory_space<vmem>>, vector<16xi32>,
      %get3A_356 = vector.shape_cast %get3A_355 : vector<16xi32> to vector<16xi32>
      %get3A_357 = arith.index_cast %add3A_353 : i32 to index
      %get3A_358 = tpu.vector_load %arg19[%get3A_357] {strides = array<i32>} : memref<2048xi32, #tpu.memory_space<vmem>>, vector<16xi32>,
      %get3A_359 = vector.shape_cast %get3A_358 : vector<16xi32> to vector<16xi32>
      %mul3A_360 = arith.constant 128 : i32
      %mul3A_361 = vector.broadcast %mul3A_360 : i32 to vector<16xi32>
      %mul3A_362 = arith.muli %get3A_356, %mul3A_361 : vector<16xi32>
      %add3A_363 = arith.constant 0 : i32
      %add3A_364 = vector.broadcast %add3A_363 : i32 to vector<16xi32>
      %add3A_365 = arith.addi %get3A_359, %add3A_364 : vector<16xi32>
      %add3A_366 = arith.addi %mul3A_362, %add3A_365 : vector<16xi32>
      %swap3A_367 = arith.index_cast %scan3A_195 : i32 to index
      %swap3A_368 = arith.constant 112 : index
      %swap3A_369 = tpu.vector_load %arg20[%swap3A_367, %swap3A_368] {strides = array<i32>} : memref<16x128xi32, #tpu.memory_space<vmem>>, vector<1x16xi32>,
      %swap3A_370 = vector.shape_cast %swap3A_369 : vector<1x16xi32> to vector<16xi32>
      %swap3A_371 = vector.shape_cast %add3A_366 : vector<16xi32> to vector<1x16xi32>
      tpu.vector_store %arg20[%swap3A_367, %swap3A_368], %swap3A_371 {strides = array<i32>} : memref<16x128xi32, #tpu.memory_space<vmem>>, vector<1x16xi32>,
    }
    %scan3A_184 = arith.constant 16 : i32
    %scan3A_185 = arith.constant 0 : i32
    %scan3A_186 = arith.constant 0 : i32
    %scan3A_187 = arith.constant 16 : i32
    %scan3A_188 = arith.addi %scan3A_186, %scan3A_187 : i32
    %scan3A_189 = arith.constant 1 : i32
    scf.for %scan3A_195 = %scan3A_186 to %scan3A_188 step %scan3A_189  : i32 {
      "tpu.region"() ({
        %run_scoped3A = tpu.sem_alloc : memref<!tpu.dma_semaphore, #tpu.memory_space<semaphore_mem>>
        %dma_start3A = arith.constant 0 : i32
        %dma_start3A_196 = tpu.memref_slice %arg20[%scan3A_195, %dma_start3A] : memref<16x128xi32, #tpu.memory_space<vmem>> -> memref<1x128xi32, #tpu.memory_space<vmem>>
        %dma_start3A_197 = tpu.memref_squeeze %dma_start3A_196 : memref<1x128xi32, #tpu.memory_space<vmem>> -> memref<128xi32, #tpu.memory_space<vmem>>
        %dma_start3A_198 = arith.constant 0 : i32
        %dma_start3A_199 = tpu.memref_slice %arg17[%dma_start3A_198] : memref<1048704xf32, #tpu.memory_space<vmem_shared>> -> memref<1048704xf32, #tpu.memory_space<vmem_shared>>
        tpu.enqueue_indirect_dma source(%arg21 : memref<128xf32, #tpu.memory_space<vmem>>) target(%dma_start3A_199 : memref<1048704xf32, #tpu.memory_space<vmem_shared>>) offsets(%dma_start3A_197 : memref<128xi32, #tpu.memory_space<vmem>>) semaphore(%run_scoped3A : memref<!tpu.dma_semaphore, #tpu.memory_space<semaphore_mem>>) {add = true}
        %dma_wait3A = arith.constant 0 : i32
        %dma_wait3A_200 = tpu.memref_slice %arg20[%scan3A_195, %dma_wait3A] : memref<16x128xi32, #tpu.memory_space<vmem>> -> memref<1x128xi32, #tpu.memory_space<vmem>>
        %dma_wait3A_201 = tpu.memref_squeeze %dma_wait3A_200 : memref<1x128xi32, #tpu.memory_space<vmem>> -> memref<128xi32, #tpu.memory_space<vmem>>
        %dma_wait3A_202 = arith.constant 0 : i32
        %dma_wait3A_203 = tpu.memref_slice %arg17[%dma_wait3A_202] : memref<1048704xf32, #tpu.memory_space<vmem_shared>> -> memref<1048704xf32, #tpu.memory_space<vmem_shared>>
        tpu.wait_indirect_dma semaphore(%run_scoped3A : memref<!tpu.dma_semaphore, #tpu.memory_space<semaphore_mem>>) src(%arg21 : memref<128xf32, #tpu.memory_space<vmem>>) dst(%dma_wait3A_203 : memref<1048704xf32, #tpu.memory_space<vmem_shared>>)
        tpu.yield
      }) : () -> ()
    }
    %scan3A_190 = arith.constant 16 : i32
    %barrier3A_191 = arith.constant 0 : index
    tpu.barrier barrier_id(%barrier3A_191)
    %convert_element_type3A_192 = arith.extui %and3A : i1 to i32
    %cond3A_193 = arith.constant 0 : i32
    %cond3A_194 = arith.cmpi ne, %convert_element_type3A_192, %cond3A_193 : i32
    scf.if %cond3A_194 {
      %mul3A_195 = arith.constant 65536 : i32
      %mul3A_196 = arith.muli %arg1, %mul3A_195 : i32
      %mul3A_197 = arith.constant 1048576 : i32
      %mul3A_198 = arith.muli %arg0, %mul3A_197 : i32
      %mul3A_199 = arith.constant 65536 : i32
      %mul3A_200 = arith.muli %arg1, %mul3A_199 : i32
      %add3A_201 = arith.addi %mul3A_198, %mul3A_200 : i32
      "tpu.region"() ({
        %run_scoped3A = tpu.sem_alloc : memref<!tpu.dma_semaphore, #tpu.memory_space<semaphore_mem>>
        %dma_start3A = tpu.memref_slice %arg16[%add3A_201] : memref<2097152xf32, #tpu.memory_space<hbm>> -> memref<65536xf32, #tpu.memory_space<hbm>>
        %dma_start3A_202 = tpu.memref_slice %arg17[%mul3A_196] : memref<1048704xf32, #tpu.memory_space<vmem_shared>> -> memref<65536xf32, #tpu.memory_space<vmem_shared>>
        tpu.enqueue_dma source(%dma_start3A_202 : memref<65536xf32, #tpu.memory_space<vmem_shared>>) target(%dma_start3A : memref<65536xf32, #tpu.memory_space<hbm>>) target_semaphore(%run_scoped3A : memref<!tpu.dma_semaphore, #tpu.memory_space<semaphore_mem>>)
        %dma_wait3A = tpu.memref_slice %arg16[%add3A_201] : memref<2097152xf32, #tpu.memory_space<hbm>> -> memref<65536xf32, #tpu.memory_space<hbm>>
        %dma_wait3A_203 = tpu.memref_slice %arg17[%mul3A_196] : memref<1048704xf32, #tpu.memory_space<vmem_shared>> -> memref<65536xf32, #tpu.memory_space<vmem_shared>>
        tpu.wait_dma2 semaphore(%run_scoped3A : memref<!tpu.dma_semaphore, #tpu.memory_space<semaphore_mem>>) src(%dma_wait3A_203 : memref<65536xf32, #tpu.memory_space<vmem_shared>>) dst(%dma_wait3A : memref<65536xf32, #tpu.memory_space<hbm>>)
        tpu.yield
      }) : () -> ()
    } else {
    }
    return
  }
}

</mosaic_0001>

<sc_bundles>
// kernel: _sc_hist.3.cloned.1.call-start
scs
__scs_entry_jumppad:
0x0: {  	(pc) =	sbr.rel $0x88, $3  }
0x1: {  	(tag) =	ssettag $0x0;
	lr =	simm.s32 $0x1  }
0x2: {  	[smem:$0x3F98] =	sst lr;
	_ =	strace $0xD0000000  }
0x3: {  	_ = 	snop  }
0x4: {  	_ = 	snop  }
0x5: {  	_ = 	snop  }
0x6: {  	_ = 	snop  }
0x7: {  	_ = 	snop  }
__scs_overlays_trampoline_lowered:
0x8: {  	[smem:$0x3FA7] =	sst s0  }
0x9: {  	[smem:$0x3FA8] =	sst s1  }
0xa: {  	[smem:$0x3FA9] =	sst s2  }
0xb: {  	[smem:$0x3FAA] =	sst s3  }
0xc: {  	[smem:$0x3FAB] =	sst s4  }
0xd: {  	[smem:$0x3FAC] =	sst s5  }
0xe: {  	[smem:$0x3FAD] =	sst s6  }
0xf: {  	[smem:$0x3FAE] =	sst s7  }
0x10: {  	[smem:$0x3FAF] =	sst s8  }
0x11: {  	[smem:$0x3FB0] =	sst s9;
	s0 =	simm.s32 @!p0 $0x0  }
0x12: {  	s1 =	sld [smem:$0x3F96];
	s0 =	simm.s32 @p0 $0x1  }
0x13: {  	[smem:$0x3FB1] =	sst s0;
	s0 =	simm.s32 @!p1 $0x0  }
0x14: {  	s2 =	sld [smem:$0x3F95];
	s0 =	simm.s32 @p1 $0x1  }
0x15: {  	[smem:$0x3FB2] =	sst s0;
	s0 =	simm.s32 @!p2 $0x0  }
0x16: {  	s3 =	sld [smem:$0x3FDB];
	s0 =	simm.s32 @p2 $0x1  }
0x17: {  	s4 =	simm.s32 $0x1BF5;
	[smem:$0x3FB4] =	sst s0  }
0x18: {  	s0 =	sld [smem:$0x3F97];
	_ =	swait.ge [sflag:s4], $0x0  }
0x19: {  	s7 =	sld [smem:$0x3F98]  }
0x1a: {  	s8 =	sadd.s32 $0xFFFFE003, lr  }
0x1b: {  	s9 =	sadd.s32 $0xFFFFFEF7, lr;
	s5 =	simm.s32 $0xFFFFFFFF;
	p2 =	slt.u32 s8, $0xFFFFF086  }
0x1c: {  	p1 =	slt.u32 s9, $0xF7A;
	s5 =	simm.s32 @!p2 $0x0  }
0x1d: {  	s5 =	simm.s32 @p1 $0x1;
	p0 =	seq.s32 s7, s2  }
0x1e: {  	s7 =	smul.u32 @!p0 $0xF7A, s2;
	p2 =	seq.s32 @!p0 s5, $0x0  }
0x1f: {  	s9 =	smul.u32 $0xF7A, s1;
	s8 =	simm.s32 @!p0 $0x1BF5;
	p2 =	por !p2, p0  }
0x20: {  	[sflag:s8] =	ssyncset.s32 @!p0 $0xFFFFF086;
	s6 =	sadd.s32 @!p0 s3, s7;
	s7 =	simm.s32 @!p0 $0x108  }
0x21: {  	s3 =	sadd.s32 s3, s9;
	s6 =	sadd.s32 @!p0 $0x88, s6;
	s7 =	simm.s32 @p2 $0x1082  }
0x22: {  	[simem:s7], [sflag:s8] =	dma.local @!p0 [hbm:s6], $0xF7A  }
0x23: {  	s9 =	sor.u32 $0xD0000000, s2;
	s6 =	simm.s32 $0x108;
	_ =	swait.ge @!p0 [sflag:s8], $0x0  }
0x24: {  	s3 =	sadd.s32 $0x88, s3;
	s6 =	simm.s32 @!p1 $0x1082;
	[sflag:s4] =	ssyncset.s32 $0xFFFFF086  }
0x25: {  	[simem:s6], [sflag:s4] =	dma.local [hbm:s3], $0xF7A  }
0x26: {  	[smem:$0x3F98] =	sst s1;
	(tag) =	ssettag s2;
	_ =	strace s9  }
0x27: {  	s1 =	sld [smem:$0x3FA8]  }
0x28: {  	s2 =	sld [smem:$0x3FA9]  }
0x29: {  	s4 =	sld [smem:$0x3FAB]  }
0x2a: {  	p0 =	seq.s32 s5, $0x0;
	s5 =	sld [smem:$0x3FAC]  }
0x2b: {  	s6 =	sld [smem:$0x3FAD]  }
0x2c: {  	s7 =	sld [smem:$0x3FAE]  }
0x2d: {  	s3 =	simm.s32 $0x108;
	s8 =	sld [smem:$0x3FAF]  }
0x2e: {  	s3 =	simm.s32 @!p0 $0x1082;
	s9 =	sld [smem:$0x3FB0]  }
0x2f: {  	lr =	sadd.s32 s0, s3;
	s0 =	sld [smem:$0x3FA7]  }
0x30: {  	s3 =	sld [smem:$0x3FAA]  }
0x31: {  	[smem:$0x3FB3] =	sst s10  }
0x32: {  	s10 =	sld [smem:$0x3FB1];
	_ =	sdelay $0x3  }
0x33: {  	p0 =	seq.s32 s10, $0x1;
	s10 =	sld [smem:$0x3FB3];
	_ =	sdelay $0x3  }
0x34: {  	[smem:$0x3FB3] =	sst s10  }
0x35: {  	s10 =	sld [smem:$0x3FB2];
	_ =	sdelay $0x3  }
0x36: {  	p1 =	seq.s32 s10, $0x1;
	s10 =	sld [smem:$0x3FB3];
	_ =	sdelay $0x3  }
0x37: {  	[smem:$0x3FB3] =	sst s10  }
0x38: {  	s10 =	sld [smem:$0x3FB4]  }
0x39: {  	_ = 	snop;
	(pc) =	sbr.ind lr, $3  }
0x3a: {  	_ = 	snop  }
0x3b: {  	_ = 	snop  }
0x3c: {  	p2 =	seq.s32 s10, $0x1;
	s10 =	sld [smem:$0x3FB3]  }
0x3d: {  	_ =	shalt  }
0x3e: {  	_ =	shalt  }
0x3f: {  	_ =	shalt  }
0x40: {  	_ =	shalt  }
0x41: {  	_ =	shalt  }
0x42: {  	_ =	shalt  }
0x43: {  	_ =	shalt  }
0x44: {  	_ =	shalt  }
0x45: {  	_ =	shalt  }
0x46: {  	_ =	shalt  }
0x47: {  	_ =	shalt  }
0x48: {  	_ =	shalt  }
0x49: {  	_ =	shalt  }
0x4a: {  	_ =	shalt  }
0x4b: {  	_ =	shalt  }
0x4c: {  	_ =	shalt  }
0x4d: {  	_ =	shalt  }
0x4e: {  	_ =	shalt  }
0x4f: {  	_ =	shalt  }
0x50: {  	_ =	shalt  }
0x51: {  	_ =	shalt  }
0x52: {  	_ =	shalt  }
0x53: {  	_ =	shalt  }
0x54: {  	_ =	shalt  }
0x55: {  	_ =	shalt  }
0x56: {  	_ =	shalt  }
0x57: {  	_ =	shalt  }
0x58: {  	_ =	shalt  }
0x59: {  	_ =	shalt  }
0x5a: {  	_ =	shalt  }
0x5b: {  	_ =	shalt  }
0x5c: {  	_ =	shalt  }
0x5d: {  	_ =	shalt  }
0x5e: {  	_ =	shalt  }
0x5f: {  	_ =	shalt  }
0x60: {  	_ =	shalt  }
0x61: {  	_ =	shalt  }
0x62: {  	_ =	shalt  }
0x63: {  	_ =	shalt  }
0x64: {  	_ =	shalt  }
0x65: {  	_ =	shalt  }
0x66: {  	_ =	shalt  }
0x67: {  	_ =	shalt  }
0x68: {  	_ =	shalt  }
0x69: {  	_ =	shalt  }
0x6a: {  	_ =	shalt  }
0x6b: {  	_ =	shalt  }
0x6c: {  	_ =	shalt  }
0x6d: {  	_ =	shalt  }
0x6e: {  	_ =	shalt  }
0x6f: {  	_ =	shalt  }
0x70: {  	_ =	shalt  }
0x71: {  	_ =	shalt  }
0x72: {  	_ =	shalt  }
0x73: {  	_ =	shalt  }
0x74: {  	_ =	shalt  }
0x75: {  	_ =	shalt  }
0x76: {  	_ =	shalt  }
0x77: {  	_ =	shalt  }
0x78: {  	_ =	shalt  }
0x79: {  	_ =	shalt  }
0x7a: {  	_ =	shalt  }
0x7b: {  	_ =	shalt  }
0x7c: {  	_ =	shalt  }
0x7d: {  	_ =	shalt  }
0x7e: {  	_ =	shalt  }
0x7f: {  	_ =	shalt  }
0x80: {  	_ =	shalt  }
0x81: {  	_ =	shalt  }
0x82: {  	_ =	shalt  }
0x83: {  	_ =	shalt  }
0x84: {  	_ =	shalt  }
0x85: {  	_ =	shalt  }
0x86: {  	_ =	shalt  }
0x87: {  	_ =	shalt  }
.Lfunc_end0:
.L_simem_size_0:
called_computation_lowered:
.L_overlay_start_0:
0x88: {  	s2 =	sld [smem:$0x3FD9]  }
0x89: {  	s3 =	sld [smem:$0x3FFE];
	_ =	sdelay $0x1  }
0x8a: {  	s1 =	srdreg.scid  }
0x8b: {  	s0 =	sand.u32 $0x1, s1  }
0x8c: {  	s23 =	sshll.u32 s0, $0xA;
	s2 =	sadd.s32 s3, s2  }
0x8d: {  	s2 =	sadd.s32 s2, s23  }
0x8e: {  	[smem:$0x3FBF] =	sst s2  }
0x8f: {  	_ = 	snop  }
0x90: {  	s2 =	sld [smem:$0x3FC9]  }
0x91: {  	s3 =	sld [smem:$0x3FC8]  }
0x92: {  	s4 =	sld [smem:$0x3FC7]  }
0x93: {  	s5 =	sld [smem:$0x3FC6]  }
0x94: {  	s6 =	sld [smem:$0x3FC5]  }
0x95: {  	s7 =	sld [smem:$0x3FC4]  }
0x96: {  	s11 =	sld [smem:$0x3FD0]  }
0x97: {  	s8 =	sld [smem:$0x3FC3]  }
0x98: {  	s9 =	sld [smem:$0x3FC2]  }
0x99: {  	s16 =	simm.s32 $0xA;
	s12 =	simm.s32 $0x10;
	s10 =	sld [smem:$0x3FC1]  }
0x9a: {  	[smem:s12], [sflag:s16] =	dma.local [hbm:s11], $0x1  }
0x9b: {  	_ =	swait.eq [sflag:s16], $0x1  }
0x9c: {  	s11 =	sld [smem:$0x10]  }
0x9d: {  	s12 =	sld [smem:$0x11]  }
0x9e: {  	s13 =	sld [smem:$0x12]  }
0x9f: {  	s14 =	sld [smem:$0x13];
	[sflag:s16] =	ssyncset.done $0x0  }
0xa0: {  	s15 =	sld [smem:$0x14];
	[sflag:s16] =	ssyncadd.s32 $0xFFFFFFFF  }
0xa1: {  	s17 =	sld [smem:$0x15];
	(tm) =	ssettm $0x1  }
0xa2: {  	s24 =	sld [smem:$0x3FFB];
	_ =	sdelay $0x3  }
0xa3: {  	_ =	strace s24  }
0xa4: {  	s16 =	sld [smem:$0x3FFC];
	_ =	sdelay $0x3  }
0xa5: {  	_ =	strace s16  }
0xa6: {  	s16 =	sld [smem:$0x3FFD];
	_ =	sdelay $0x3  }
0xa7: {  	_ =	strace s16  }
0xa8: {  	_ =	strace $0x8FFFFFFF  }
0xa9: {  	s25 =	sld [smem:$0x3FDB];
	_ =	sdelay $0x1  }
0xaa: {  	s18 =	simm.s32 $_scs_section_size  }
0xab: {  	s19 =	simm.s32 $_size__tile_task_arg_handler_lowered;
	s20 =	simm.s32 $_tile_task_arg_handler_lowered  }
0xac: {  	s29 =	simm.s32 $0x1BFF;
	s28 =	sshll.u32 s20, $0x1;
	s18 =	sadd.s32 s18, s25  }
0xad: {  	s21 =	simm.s32 $0x60;
	s26 =	sshll.u32 s19, $0x1;
	s19 =	sadd.s32 s28, s18  }
0xae: {  	[timem:s21], [sflag:s29] =	dma.local [hbm:s19], s26  }
0xaf: {  	_ =	swait.ge [sflag:s29], s26  }
0xb0: {  	s30 =	simm.s32 $_tile_overlayer_lowered;
	s16 =	ssub.s32 $0x0, s26;
	[sflag:s29] =	ssyncset.done $0x0  }
0xb1: {  	s31 =	simm.s32 $_size__tile_overlayer_lowered;
	s19 =	sshll.u32 s30, $0x1;
	[sflag:s29] =	ssyncadd.s32 s16  }
0xb2: {  	s22 =	simm.s32 $0x0;
	s19 =	sadd.s32 s19, s18;
	s16 =	sshll.u32 s31, $0x1  }
0xb3: {  	[timem:s22], [sflag:s29] =	dma.local [hbm:s19], s16  }
0xb4: {  	_ =	swait.ge [sflag:s29], s16  }
0xb5: {  	s23 =	ssub.s32 $0x0, s16;
	[sflag:s29] =	ssyncset.done $0x0  }
0xb6: {  	[sflag:s29] =	ssyncadd.s32 s23;
	_ =	sdelay $0x1  }
0xb7: {  	s24 =	simm.s32 $0x1B8B  }
0xb8: {  	_ =	swait.ge [sflag:s24], $0x1  }
0xb9: {  	[sflag:s24] =	ssyncset.done $0x0  }
0xba: {  	s25 =	simm.s32 $0x1B8E;
	[sflag:s24] =	ssyncadd.s32 $0xFFFFFFFF  }
0xbb: {  	s26 =	simm.s32 $execute0_lowered;
	[smem:$0x3FD2] =	sst s25  }
0xbc: {  	s19 =	sshll.u32 s26, $0x1;
	_ =	strace $0x80000046;
	[dreg:$0x1] =	wrdreg $0xFFFFFFFF  }
0xbd: {  	s28 =	simm.s32 $_size_execute0_lowered;
	s18 =	sadd.s32 s18, s19;
	[dreg:$0x0] =	wrdreg $0x0  }
0xbe: {  	s19 =	sshll.u32 s28, $0x1;
	[dreg:$0x2] =	wrdreg s18  }
0xbf: {  	[dreg:$0x3] =	wrdreg s19  }
0xc0: {  	[dreg:$0x4] =	wrdreg $0xC0  }
0xc1: {  	_ =	task [dreg:s22], $0x5FFFF  }
0xc2: {  	[dreg:$0x1] =	wrdreg $0xFFFFFFFF  }
0xc3: {  	[dreg:$0x0] =	wrdreg $0x30  }
0xc4: {  	[dreg:$0x2] =	wrdreg $0x0  }
0xc5: {  	[dreg:$0x3] =	wrdreg s17  }
0xc6: {  	[dreg:$0x4] =	wrdreg $0x0  }
0xc7: {  	[dreg:$0x5] =	wrdreg $0x9  }
0xc8: {  	_ =	task [dreg:s22], $0x6FFFF  }
0xc9: {  	[dreg:$0x1] =	wrdreg $0xFFFFFFFF  }
0xca: {  	[dreg:$0x0] =	wrdreg $0x60  }
0xcb: {  	[dreg:$0x2] =	wrdreg s2  }
0xcc: {  	[dreg:$0x3] =	wrdreg s3  }
0xcd: {  	[dreg:$0x4] =	wrdreg s4  }
0xce: {  	[dreg:$0x5] =	wrdreg s5  }
0xcf: {  	[dreg:$0x6] =	wrdreg s6  }
0xd0: {  	[dreg:$0x7] =	wrdreg s7  }
0xd1: {  	[dreg:$0x8] =	wrdreg s8  }
0xd2: {  	[dreg:$0x9] =	wrdreg s9  }
0xd3: {  	[dreg:$0xa] =	wrdreg s10  }
0xd4: {  	[dreg:$0xb] =	wrdreg s11  }
0xd5: {  	[dreg:$0xc] =	wrdreg s12  }
0xd6: {  	[dreg:$0xd] =	wrdreg s13  }
0xd7: {  	[dreg:$0xe] =	wrdreg s14  }
0xd8: {  	[dreg:$0xf] =	wrdreg s15  }
0xd9: {  	_ =	task.clear_ibuf [dreg:s22], $0x10FFFF;
	_ =	strace $0x90000046  }
0xda: {  	s29 =	simm.s32 $0x9;
	_ =	strace $0x80000048  }
0xdb: {  	_ =	swait.ge [sflag:s29], $0x1  }
0xdc: {  	[sflag:s29] =	ssyncadd.s32 $0xFFFFFFFF  }
0xdd: {  	_ =	strace $0x90000048  }
0xde: {  	_ =	sfence  }
0xdf: {  	s30 =	sld [smem:$0x0];
	_ =	sdelay $0x2  }
0xe0: {  	s31 =	sshll.u32 s1, $0xD;
	s1 =	sshrl.u32 s1, $0x2  }
0xe1: {  	s3 =	sand.u32 $0x4000, s31;
	s1 =	sadd.s32 s1, s30  }
0xe2: {  	s0 =	sor.u32 s3, s0;
	s1 =	sshll.u32 s1, $0x11  }
0xe3: {  	s0 =	sor.u32 s1, s0  }
0xe4: {  	s0 =	sadd.s32 $0x8F2B, s0  }
0xe5: {  	[sflag:s0] =	ssyncadd.remote.s32 $0x1  }
0xe6: {  	_ =	sfence.sel $0xFFFF  }
0xe7: {  	[dreg:$0x0] =	wrdreg $0xFFFFFFFF;
	(pc) =	sbr.abs _section_cstart, $3  }
0xe8: {  	[dreg:$0x1] =	wrdreg $0xFFFFFFFF  }
0xe9: {  	_ =	task.clear_ibuf [dreg:s22], $0x2FFFF;
	_ =	strace $0x9FFFFFFF  }
0xea: {  	(tm) =	ssettm $0x7FFFFFFF  }
0xeb: {  	_ =	shalt  }
tec
_tile_task_arg_handler_lowered:
.L_overlay_start_1:
0x0: {  	(tag) =	ssettag $0x1  }
0x1: {  	s0 =	rddreg [dreg:$0x0]  }
0x2: {  	s1 =	rddreg [dreg:$0x1]  }
0x3: {  	s2 =	rddreg [dreg:$0x2]  }
0x4: {  	s3 =	rddreg [dreg:$0x3]  }
0x5: {  	s4 =	rddreg [dreg:$0x4]  }
0x6: {  	s5 =	rddreg [dreg:$0x5]  }
0x7: {  	s6 =	rddreg [dreg:$0x6]  }
0x8: {  	s7 =	rddreg [dreg:$0x7]  }
0x9: {  	s8 =	rddreg [dreg:$0x8]  }
0xa: {  	s9 =	rddreg [dreg:$0x9]  }
0xb: {  	s10 =	rddreg [dreg:$0xa]  }
0xc: {  	s11 =	rddreg [dreg:$0xb]  }
0xd: {  	s12 =	rddreg [dreg:$0xc]  }
0xe: {  	s13 =	rddreg [dreg:$0xd]  }
0xf: {  	[smem:s0] =	sst s1  }
0x10: {  	[smem:s0+$0x1] =	sst s2  }
0x11: {  	[smem:s0+$0x2] =	sst s3  }
0x12: {  	[smem:s0+$0x3] =	sst s4  }
0x13: {  	[smem:s0+$0x4] =	sst s5  }
0x14: {  	[smem:s0+$0x5] =	sst s6  }
0x15: {  	[smem:s0+$0x6] =	sst s7  }
0x16: {  	[smem:s0+$0x7] =	sst s8  }
0x17: {  	[smem:s0+$0x8] =	sst s9  }
0x18: {  	[smem:s0+$0x9] =	sst s10  }
0x19: {  	[smem:s0+$0xA] =	sst s11  }
0x1a: {  	[smem:s0+$0xB] =	sst s12  }
0x1b: {  	[smem:s0+$0xC] =	sst s13;
	_ =	shalt  }
.Lfunc_end2:
execute0_lowered:
.L_overlay_start_2:
0x1c: {  	(tag) =	ssettag $0x2  }
0x1d: {  	s0 =	rddreg [dreg:$0x0]  }
0x1e: {  	s1 =	rddreg [dreg:$0x1]  }
0x1f: {  	s2 =	rddreg [dreg:$0x2]  }
0x20: {  	s4 =	rddreg [dreg:$0x3]  }
0x21: {  	s5 =	rddreg [dreg:$0x4]  }
0x22: {  	s6 =	rddreg [dreg:$0x5]  }
0x23: {  	s7 =	rddreg [dreg:$0x6]  }
0x24: {  	s9 =	rddreg [dreg:$0x7]  }
0x25: {  	s10 =	rddreg [dreg:$0x8]  }
0x26: {  	s11 =	rddreg [dreg:$0x9]  }
0x27: {  	s12 =	rddreg [dreg:$0xa]  }
0x28: {  	s13 =	rddreg [dreg:$0xb]  }
0x29: {  	s14 =	rddreg [dreg:$0xc]  }
0x2a: {  	s15 =	rddreg [dreg:$0xd];
	s3 =	simm.s32 $0x0  }
0x2b: {  	s8 =	srdreg.scid;
	[smem:$0x7FF] =	sst s3  }
0x2c: {  	s21 =	stileid.u32;
	s8 =	sand.u32 $0x1, s8;
	s16 =	sld [smem:$0x0]  }
0x2d: {  	s20 =	sshll.u32 s21, $0x8;
	s24 =	sshll.u32 s21, $0x10;
	s17 =	sld [smem:$0x2]  }
0x2e: {  	s26 =	sshll.u32 s21, $0x9;
	s3 =	sld [smem:$0x1];
	s23 =	ssub.s32 $0x2, s8  }
0x2f: {  	s19 =	sshll.u32 s8, $0xC;
	s25 =	sshll.u32 s8, $0x14;
	s8 =	sshll.u32 s8, $0x1  }
0x30: {  	s21 =	sadd.s32 $0x200, s26;
	s0 =	sadd.s32 s0, s8;
	[dreg:$0xe] =	wrdreg s17  }
0x31: {  	s18 =	sshrl.u32 s23, $0x1;
	_ =	strace $0x80000047;
	[dreg:$0x11] =	wrdreg s0  }
0x32: {  	s17 =	ssub.s32 s23, s18;
	s18 =	sor.u32 s20, s19;
	[dreg:$0x10] =	wrdreg s26  }
0x33: {  	s1 =	sadd.s32 s1, s18;
	[dreg:$0x12] =	wrdreg s21  }
0x34: {  	s23 =	sadd.s32 s2, s18;
	[dreg:$0xf] =	wrdreg s1  }
0x35: {  	s19 =	sor.u32 s24, s25;
	s25 =	sadd.s32 s4, s18;
	[dreg:$0x13] =	wrdreg s23  }
0x36: {  	s2 =	sadd.s32 s5, s18;
	[dreg:$0x15] =	wrdreg s25  }
0x37: {  	s5 =	sadd.s32 s6, s18;
	[dreg:$0x17] =	wrdreg s2  }
0x38: {  	s7 =	sadd.s32 s7, s18;
	[dreg:$0x19] =	wrdreg s5  }
0x39: {  	s8 =	sadd.s32 s24, s3;
	s9 =	sadd.s32 s9, s18;
	[dreg:$0x1b] =	wrdreg s7  }
0x3a: {  	s22 =	sshrl.u32 s19, $0x3;
	s19 =	sadd.s32 $0x6000, s8;
	[dreg:$0x1c] =	wrdreg s9  }
0x3b: {  	s20 =	sadd.s32 $0x7000, s8;
	[smem:$0x7F6] =	sst s19  }
0x3c: {  	s21 =	sadd.s32 $0x8000, s8;
	[smem:$0x7F7] =	sst s20  }
0x3d: {  	s24 =	sadd.s32 s11, s22;
	[smem:$0x7F8] =	sst s21  }
0x3e: {  	s26 =	sadd.s32 s12, s22;
	[dreg:$0x14] =	wrdreg s24  }
0x3f: {  	s4 =	sadd.s32 s13, s22;
	[dreg:$0x16] =	wrdreg s26  }
0x40: {  	s6 =	sadd.s32 s14, s22;
	[dreg:$0x18] =	wrdreg s4  }
0x41: {  	s11 =	sadd.s32 s15, s22;
	[dreg:$0x1a] =	wrdreg s6  }
0x42: {  	s28 =	simm.s32 $0x11688;
	s12 =	sadd.s32 s10, s18;
	[dreg:$0x1d] =	wrdreg s11  }
0x43: {  	s29 =	simm.s32 $0x11708;
	s0 =	sadd.s32 s16, s22;
	[dreg:$0x1e] =	wrdreg s12  }
0x44: {  	s30 =	simm.s32 $0x11788;
	s13 =	smax.u32 s17, $0x1;
	[dreg:$0x1f] =	wrdreg s0  }
0x45: {  	s31 =	simm.s32 $0x0;
	s14 =	sadd.s32 $0x1000, s8;
	[smem:$0x7F0] =	sst s13  }
0x46: {  	s15 =	sadd.s32 $0x2000, s8;
	s16 =	sadd.s32 $0x3000, s8;
	[smem:$0x7F1] =	sst s14  }
0x47: {  	s17 =	sadd.s32 $0x4000, s8;
	s18 =	sadd.s32 $0x5000, s8;
	[smem:$0x7F2] =	sst s15  }
0x48: {  	s22 =	sadd.s32 $0x9000, s8;
	s23 =	sadd.s32 $0xA000, s8;
	[smem:$0x7F3] =	sst s16  }
0x49: {  	s25 =	sadd.s32 $0xC000, s8;
	s19 =	sadd.s32 $0xE000, s8;
	[smem:$0x7F4] =	sst s17  }
0x4a: {  	s1 =	sadd.s32 $0xF000, s8;
	s7 =	simm.s32 $0x10808;
	[smem:$0x7F5] =	sst s18  }
0x4b: {  	s9 =	simm.s32 $0x80;
	s20 =	simm.s32 $0x11208;
	[smem:$0x7F9] =	sst s22  }
0x4c: {  	s21 =	simm.s32 $0x11288;
	s5 =	simm.s32 $0x11388;
	[smem:$0x7FA] =	sst s23  }
0x4d: {  	s2 =	simm.s32 $0x11408;
	s24 =	sadd.s32 $0xB000, s8;
	[smem:$0x7FC] =	sst s25  }
0x4e: {  	s26 =	sadd.s32 $0xD000, s8;
	s4 =	simm.s32 $0x1;
	s6 =	simm.s32 $0x11888  }
0x4f: {  	s11 =	simm.s32 $0x11008;
	s13 =	simm.s32 $0x11808;
	s15 =	simm.s32 $0x11088  }
0x50: {  	s17 =	simm.s32 $0x11108;
	s18 =	simm.s32 $0x11188;
	s22 =	simm.s32 $0x11308  }
0x51: {  	s23 =	simm.s32 $0x11488;
	s25 =	simm.s32 $0x11588;
	[smem:$0x7FB] =	sst s24  }
0x52: {  	v0 =	vimm.f32 $0.0e+00;
	v1 =	vimm.f32 $1.000000000e+00;
	[smem:$0x7FD] =	sst s26;
	s24 =	simm.s32 $0x11508;
	s26 =	simm.s32 $0x11608  }
.LBB3_1:
0x53: {  	s0 =	simm.s32 $0x40;
	s10 =	simm.s32 $0x0  }
.LBB3_2:
0x54: {  	p0 =	sne.s32 s0, $0x3FC0;
	[tilespmem:s10+$0x11888] =	vst v0;
	s10 =	smov.u32 s0;
	s0 =	sadd.s32 $0x40, s0  }
.Ltmp0:
0x55: {  	(pc) =	sbr.rel @p0 .LBB3_2-.Ltmp0, $2  }
0x56: {  	_ =	sdelay $0x2  }
0x57: {  	s10 =	sshra.s32 s10, $0x2  }
0x58: {  	[tilespmem:s10+$0x11888] =	vst v0  }
0x59: {  	[tilespmem:$0x11808] =	vst v1  }
0x5a: {  	[tilespmem:$0x11818] =	vst v1  }
0x5b: {  	[tilespmem:$0x11828] =	vst v1  }
0x5c: {  	[tilespmem:$0x11838] =	vst v1  }
0x5d: {  	[tilespmem:$0x11848] =	vst v1  }
0x5e: {  	[tilespmem:$0x11858] =	vst v1  }
0x5f: {  	[tilespmem:$0x11868] =	vst v1  }
0x60: {  	s0 =	simm.s32 $0x0;
	s16 =	rddreg [dreg:$0xf];
	s12 =	simm.s32 $0x10008;
	[tilespmem:$0x11878] =	vst v1  }
0x61: {  	[tilespmem:s12], [sflag:$0x1] =	stream.linear.gather [hbm4b:s16+s0], $0x800, $0x38;
	[tilespmem:$0x12908] =	vst v63  }
0x62: {  	_ =	swait.ge [sflag:s4], $0x800  }
0x63: {  	[sflag:s4] =	ssyncset.done $0x0  }
0x64: {  	s16 =	simm.s32 $0x12888;
	s14 =	rddreg [dreg:$0x11];
	[sflag:s4] =	ssyncadd.s32 $0xFFFFF800  }
0x65: {  	[tilespmem:s16], [sflag:$0x1] =	stream.linear.gather [hbm4b:s14+s0], $0x10, $0x38;
	[tilespmem:$0x12908] =	vst v63  }
0x66: {  	_ =	swait.ge [sflag:s4], $0x10  }
0x67: {  	[sflag:s4] =	ssyncset.done $0x0  }
0x68: {  	[sflag:s4] =	ssyncadd.s32 $0xFFFFFFF0  }
0x69: {  	v2 =	vld [tilespmem:$0x12888];
	_ =	sdelay $0x4  }
0x6a: {  	(v2sf) =	vpush v2, $0x0  }
0x6b: {  	(v2sf) =	vpush v2, $0x1;
	_ =	sdelay $0xd  }
0x6c: {  	s14 =	rddreg [dreg:$0x10];
	s0 =	spop (v2sf)  }
0x6d: {  	s16 =	rddreg [dreg:$0x12];
	s12 =	spop (v2sf)  }
0x6e: {  	p1 =	sgt.s32 s16, s0;
	p0 =	sle.s32 s14, s12  }
0x6f: {  	p0 =	por !p0, !p1  }
0x70: {  	p0 =	por !p0, !p0  }
.Ltmp1:
0x71: {  	_ = 	snop;
	(pc) =	sbr.rel @!p0 .LBB3_5-.Ltmp1, $1  }
0x72: {  	_ =	sdelay $0x3  }
0x73: {  	[spmem:s8] =	stream.linear.scatter [tilespmem:s6], [sflag:$0x1], $0x1000, $0x38;
	[tilespmem:$0x12908] =	vst v63  }
0x74: {  	_ =	swait.ge [sflag:s4], $0x1000  }
0x75: {  	s0 =	sld [smem:$0x7F1]  }
0x76: {  	[sflag:s4] =	ssyncset.done $0x0  }
0x77: {  	[sflag:s4] =	ssyncadd.s32 $0xFFFFF000  }
0x78: {  	[spmem:s0] =	stream.linear.scatter [tilespmem:s6], [sflag:$0x1], $0x1000, $0x38;
	[tilespmem:$0x12908] =	vst v63  }
0x79: {  	_ =	swait.ge [sflag:s4], $0x1000  }
0x7a: {  	s10 =	sld [smem:$0x7F2]  }
0x7b: {  	[sflag:s4] =	ssyncset.done $0x0  }
0x7c: {  	[sflag:s4] =	ssyncadd.s32 $0xFFFFF000  }
0x7d: {  	[spmem:s10] =	stream.linear.scatter [tilespmem:s6], [sflag:$0x1], $0x1000, $0x38;
	[tilespmem:$0x12908] =	vst v63  }
0x7e: {  	_ =	swait.ge [sflag:s4], $0x1000  }
0x7f: {  	s12 =	sld [smem:$0x7F3]  }
0x80: {  	[sflag:s4] =	ssyncset.done $0x0  }
0x81: {  	[sflag:s4] =	ssyncadd.s32 $0xFFFFF000  }
0x82: {  	[spmem:s12] =	stream.linear.scatter [tilespmem:s6], [sflag:$0x1], $0x1000, $0x38;
	[tilespmem:$0x12908] =	vst v63  }
0x83: {  	_ =	swait.ge [sflag:s4], $0x1000  }
0x84: {  	s14 =	sld [smem:$0x7F4]  }
0x85: {  	[sflag:s4] =	ssyncset.done $0x0  }
0x86: {  	[sflag:s4] =	ssyncadd.s32 $0xFFFFF000  }
0x87: {  	[spmem:s14] =	stream.linear.scatter [tilespmem:s6], [sflag:$0x1], $0x1000, $0x38;
	[tilespmem:$0x12908] =	vst v63  }
0x88: {  	_ =	swait.ge [sflag:s4], $0x1000  }
0x89: {  	s16 =	sld [smem:$0x7F5]  }
0x8a: {  	[sflag:s4] =	ssyncset.done $0x0  }
0x8b: {  	[sflag:s4] =	ssyncadd.s32 $0xFFFFF000  }
0x8c: {  	[spmem:s16] =	stream.linear.scatter [tilespmem:s6], [sflag:$0x1], $0x1000, $0x38;
	[tilespmem:$0x12908] =	vst v63  }
0x8d: {  	_ =	swait.ge [sflag:s4], $0x1000  }
0x8e: {  	s10 =	sld [smem:$0x7F6]  }
0x8f: {  	[sflag:s4] =	ssyncset.done $0x0  }
0x90: {  	[sflag:s4] =	ssyncadd.s32 $0xFFFFF000  }
0x91: {  	[spmem:s10] =	stream.linear.scatter [tilespmem:s6], [sflag:$0x1], $0x1000, $0x38;
	[tilespmem:$0x12908] =	vst v63  }
0x92: {  	_ =	swait.ge [sflag:s4], $0x1000  }
0x93: {  	s12 =	sld [smem:$0x7F7]  }
0x94: {  	[sflag:s4] =	ssyncset.done $0x0  }
0x95: {  	[sflag:s4] =	ssyncadd.s32 $0xFFFFF000  }
0x96: {  	[spmem:s12] =	stream.linear.scatter [tilespmem:s6], [sflag:$0x1], $0x1000, $0x38;
	[tilespmem:$0x12908] =	vst v63  }
0x97: {  	_ =	swait.ge [sflag:s4], $0x1000  }
0x98: {  	s14 =	sld [smem:$0x7F8]  }
0x99: {  	[sflag:s4] =	ssyncset.done $0x0  }
0x9a: {  	[sflag:s4] =	ssyncadd.s32 $0xFFFFF000  }
0x9b: {  	[spmem:s14] =	stream.linear.scatter [tilespmem:s6], [sflag:$0x1], $0x1000, $0x38;
	[tilespmem:$0x12908] =	vst v63  }
0x9c: {  	_ =	swait.ge [sflag:s4], $0x1000  }
0x9d: {  	s16 =	sld [smem:$0x7F9]  }
0x9e: {  	[sflag:s4] =	ssyncset.done $0x0  }
0x9f: {  	[sflag:s4] =	ssyncadd.s32 $0xFFFFF000  }
0xa0: {  	[spmem:s16] =	stream.linear.scatter [tilespmem:s6], [sflag:$0x1], $0x1000, $0x38;
	[tilespmem:$0x12908] =	vst v63  }
0xa1: {  	_ =	swait.ge [sflag:s4], $0x1000  }
0xa2: {  	s10 =	sld [smem:$0x7FA]  }
0xa3: {  	[sflag:s4] =	ssyncset.done $0x0  }
0xa4: {  	[sflag:s4] =	ssyncadd.s32 $0xFFFFF000  }
0xa5: {  	[spmem:s10] =	stream.linear.scatter [tilespmem:s6], [sflag:$0x1], $0x1000, $0x38;
	[tilespmem:$0x12908] =	vst v63  }
0xa6: {  	_ =	swait.ge [sflag:s4], $0x1000  }
0xa7: {  	s12 =	sld [smem:$0x7FB]  }
0xa8: {  	[sflag:s4] =	ssyncset.done $0x0  }
0xa9: {  	[sflag:s4] =	ssyncadd.s32 $0xFFFFF000  }
0xaa: {  	[spmem:s12] =	stream.linear.scatter [tilespmem:s6], [sflag:$0x1], $0x1000, $0x38;
	[tilespmem:$0x12908] =	vst v63  }
0xab: {  	_ =	swait.ge [sflag:s4], $0x1000  }
0xac: {  	s14 =	sld [smem:$0x7FC]  }
0xad: {  	[sflag:s4] =	ssyncset.done $0x0  }
0xae: {  	[sflag:s4] =	ssyncadd.s32 $0xFFFFF000  }
0xaf: {  	[spmem:s14] =	stream.linear.scatter [tilespmem:s6], [sflag:$0x1], $0x1000, $0x38;
	[tilespmem:$0x12908] =	vst v63  }
0xb0: {  	_ =	swait.ge [sflag:s4], $0x1000  }
0xb1: {  	s16 =	sld [smem:$0x7FD]  }
0xb2: {  	[sflag:s4] =	ssyncset.done $0x0  }
0xb3: {  	[sflag:s4] =	ssyncadd.s32 $0xFFFFF000  }
0xb4: {  	[spmem:s16] =	stream.linear.scatter [tilespmem:s6], [sflag:$0x1], $0x1000, $0x38;
	[tilespmem:$0x12908] =	vst v63  }
0xb5: {  	_ =	swait.ge [sflag:s4], $0x1000  }
0xb6: {  	[sflag:s4] =	ssyncset.done $0x0  }
0xb7: {  	[sflag:s4] =	ssyncadd.s32 $0xFFFFF000  }
0xb8: {  	[spmem:s19] =	stream.linear.scatter [tilespmem:s6], [sflag:$0x1], $0x1000, $0x38;
	[tilespmem:$0x12908] =	vst v63  }
0xb9: {  	_ =	swait.ge [sflag:s4], $0x1000  }
0xba: {  	[sflag:s4] =	ssyncset.done $0x0  }
0xbb: {  	[sflag:s4] =	ssyncadd.s32 $0xFFFFF000  }
0xbc: {  	[spmem:s1] =	stream.linear.scatter [tilespmem:s6], [sflag:$0x1], $0x1000, $0x38;
	[tilespmem:$0x12908] =	vst v63  }
0xbd: {  	_ =	swait.ge [sflag:s4], $0x1000  }
0xbe: {  	[sflag:s4] =	ssyncset.done $0x0  }
0xbf: {  	[sflag:s4] =	ssyncadd.s32 $0xFFFFF000  }
.LBB3_5:
0xc0: {  	[bflag:$0x0] =	sbarrier.arrive $0xFFFF  }
0xc1: {  	s0 =	simm.s32 $0x0;
	s10 =	rddreg [dreg:$0x13]  }
0xc2: {  	[tilespmem:s7], [sflag:$0x1] =	stream.linear.gather [hbm4b:s10+s0], $0x800, $0x38;
	[tilespmem:$0x12908] =	vst v63  }
0xc3: {  	_ =	swait.ge [sflag:s4], $0x800  }
0xc4: {  	[sflag:s4] =	ssyncset.done $0x0  }
0xc5: {  	s0 =	simm.s32 $0x0;
	[sflag:s4] =	ssyncadd.s32 $0xFFFFF800  }
0xc6: {  	v2 =	vld [tilespmem:s0+$0x10078]  }
0xc7: {  	v3 =	vld [tilespmem:s0+$0x10878]  }
0xc8: {  	v4 =	vld [tilespmem:s0+$0x10008]  }
0xc9: {  	v5 =	vld [tilespmem:s0+$0x10018]  }
0xca: {  	v6 =	vld [tilespmem:s0+$0x10028]  }
0xcb: {  	v7 =	vld [tilespmem:s0+$0x10038]  }
0xcc: {  	v12 =	vld [tilespmem:s0+$0x10048]  }
0xcd: {  	v13 =	vld [tilespmem:s0+$0x10068]  }
0xce: {  	v14 =	vld [tilespmem:s0+$0x10808]  }
0xcf: {  	v15 =	vld [tilespmem:s0+$0x10818];
	v2 =	vshll.u32 v2, $0x7  }
0xd0: {  	vm0 =	vlt.s32 v3, $0x80;
	v2 =	vadd.s32 v3, v2;
	v3 =	vld [tilespmem:s0+$0x10058]  }
0xd1: {  	v11 =	vld [tilespmem:s0+$0x10828];
	v16 =	vshll.u32 v4, $0x7  }
0xd2: {  	v9 =	vld [tilespmem:s0+$0x10838];
	v17 =	vshll.u32 v5, $0x7;
	v10 =	vshll.u32 v6, $0x7;
	v8 =	vshll.u32 v7, $0x7  }
0xd3: {  	v6 =	vld [tilespmem:s0+$0x10848];
	v7 =	vadd.s32 v14, v16;
	v2 =	vnsel vm0, $0x100000, v2;
	vm0 =	vlt.s32 v14, $0x80  }
0xd4: {  	v4 =	vshll.u32 v12, $0x7;
	v5 =	vld [tilespmem:s0+$0x10858];
	[tilespmem:s0+$0x11078] =	vst v2;
	v2 =	vshll.u32 v13, $0x7;
	v12 =	vnsel vm0, $0x100000, v7  }
0xd5: {  	s12 =	simm.s32 $0x400;
	s10 =	simm.s32 $0x80;
	v13 =	vadd.s32 v15, v17;
	vm0 =	vlt.s32 v15, $0x80;
	v7 =	vld [tilespmem:s0+$0x10868];
	v3 =	vshll.u32 v3, $0x7  }
.LBB3_6:
0xd6: {  	p1 =	sne.s32 s12, $0x1E00;
	v14 =	vld [tilespmem:s10+$0x10078];
	[tilespmem:s0+$0x11008] =	vst v12;
	v12 =	vnsel vm0, $0x100000, v13;
	v10 =	vadd.s32 v11, v10;
	vm0 =	vlt.s32 v11, $0x80  }
0xd7: {  	v11 =	vld [tilespmem:s10+$0x10878];
	[tilespmem:s0+$0x11018] =	vst v12;
	v10 =	vnsel vm0, $0x100000, v10;
	v8 =	vadd.s32 v9, v8;
	vm0 =	vlt.s32 v9, $0x80  }
0xd8: {  	v9 =	vld [tilespmem:s10+$0x10008];
	[tilespmem:s0+$0x11028] =	vst v10;
	v8 =	vnsel vm0, $0x100000, v8;
	v4 =	vadd.s32 v6, v4;
	vm0 =	vlt.s32 v6, $0x80  }
0xd9: {  	v6 =	vld [tilespmem:s10+$0x10018];
	[tilespmem:s0+$0x11038] =	vst v8;
	v4 =	vnsel vm0, $0x100000, v4;
	v3 =	vadd.s32 v5, v3;
	vm0 =	vlt.s32 v5, $0x80  }
0xda: {  	v5 =	vld [tilespmem:s10+$0x10028];
	[tilespmem:s0+$0x11048] =	vst v4;
	v3 =	vnsel vm0, $0x100000, v3;
	v2 =	vadd.s32 v7, v2;
	vm0 =	vlt.s32 v7, $0x80  }
0xdb: {  	v4 =	vld [tilespmem:s10+$0x10038];
	v7 =	vshll.u32 v14, $0x7;
	[tilespmem:s0+$0x11058] =	vst v3;
	v2 =	vnsel vm0, $0x100000, v2  }
0xdc: {  	v3 =	vld [tilespmem:s10+$0x10048];
	v7 =	vadd.s32 v11, v7;
	vm0 =	vlt.s32 v11, $0x80;
	[tilespmem:s0+$0x11068] =	vst v2;
	s0 =	smov.u32 s10  }
0xdd: {  	v12 =	vshll.u32 v9, $0x7;
	v2 =	vld [tilespmem:s0+$0x10058];
	v7 =	vnsel vm0, $0x100000, v7  }
0xde: {  	v13 =	vshll.u32 v6, $0x7;
	v14 =	vld [tilespmem:s0+$0x10068];
	[tilespmem:s0+$0x11078] =	vst v7  }
0xdf: {  	v7 =	vld [tilespmem:s0+$0x10808];
	v10 =	vshll.u32 v5, $0x7  }
0xe0: {  	v15 =	vld [tilespmem:s0+$0x10818];
	v8 =	vshll.u32 v4, $0x7  }
.Ltmp2:
0xe1: {  	v11 =	vld [tilespmem:s0+$0x10828];
	v4 =	vshll.u32 v3, $0x7;
	(pc) =	sbr.rel @p1 .LBB3_6-.Ltmp2, $4  }
0xe2: {  	v9 =	vld [tilespmem:s0+$0x10838];
	v3 =	vshll.u32 v2, $0x7  }
0xe3: {  	v6 =	vld [tilespmem:s0+$0x10848];
	v2 =	vshll.u32 v14, $0x7  }
0xe4: {  	v12 =	vadd.s32 v7, v12;
	vm0 =	vlt.s32 v7, $0x80;
	v5 =	vld [tilespmem:s0+$0x10858]  }
0xe5: {  	s10 =	sshra.s32 s12, $0x2;
	s12 =	sadd.s32 $0x200, s12;
	v12 =	vnsel vm0, $0x100000, v12;
	v13 =	vadd.s32 v15, v13;
	vm0 =	vlt.s32 v15, $0x80;
	v7 =	vld [tilespmem:s0+$0x10868]  }
0xe6: {  	v14 =	vld [tilespmem:s10+$0x10078];
	[tilespmem:s0+$0x11008] =	vst v12;
	v53 =	vnsel vm0, $0x100000, v13;
	v10 =	vadd.s32 v11, v10;
	vm15 =	vlt.s32 v11, $0x80  }
0xe7: {  	v54 =	vld [tilespmem:s10+$0x10878];
	[tilespmem:s0+$0x11018] =	vst v53;
	v10 =	vnsel vm15, $0x100000, v10;
	v8 =	vadd.s32 v9, v8;
	vm4 =	vlt.s32 v9, $0x80  }
0xe8: {  	v55 =	vld [tilespmem:s10+$0x10008];
	[tilespmem:s0+$0x11028] =	vst v10;
	v8 =	vnsel vm4, $0x100000, v8;
	v4 =	vadd.s32 v6, v4;
	vm5 =	vlt.s32 v6, $0x80  }
0xe9: {  	v56 =	vld [tilespmem:s10+$0x10018];
	[tilespmem:s0+$0x11038] =	vst v8;
	v4 =	vnsel vm5, $0x100000, v4;
	v3 =	vadd.s32 v5, v3;
	vm6 =	vlt.s32 v5, $0x80  }
0xea: {  	v57 =	vld [tilespmem:s10+$0x10028];
	[tilespmem:s0+$0x11048] =	vst v4;
	v3 =	vnsel vm6, $0x100000, v3;
	v2 =	vadd.s32 v7, v2;
	vm7 =	vlt.s32 v7, $0x80  }
0xeb: {  	v4 =	vld [tilespmem:s10+$0x10038];
	[tilespmem:s0+$0x11058] =	vst v3;
	v2 =	vnsel vm7, $0x100000, v2  }
0xec: {  	v58 =	vshll.u32 v14, $0x7;
	v3 =	vld [tilespmem:s10+$0x10048];
	[tilespmem:s0+$0x11068] =	vst v2  }
0xed: {  	v2 =	vadd.s32 v54, v58;
	vm8 =	vlt.s32 v54, $0x80;
	v59 =	vld [tilespmem:s10+$0x10058]  }
0xee: {  	v2 =	vnsel vm8, $0x100000, v2;
	v8 =	vld [tilespmem:s10+$0x10818]  }
0xef: {  	[tilespmem:s10+$0x11078] =	vst v2;
	v2 =	vld [tilespmem:s10+$0x10808]  }
0xf0: {  	v10 =	vld [tilespmem:s10+$0x10828]  }
0xf1: {  	v12 =	vld [tilespmem:s10+$0x10838]  }
0xf2: {  	v11 =	vshll.u32 v55, $0x7;
	v61 =	vld [tilespmem:s10+$0x10848];
	v9 =	vshll.u32 v56, $0x7;
	v6 =	vshll.u32 v57, $0x7  }
0xf3: {  	v60 =	vld [tilespmem:s10+$0x10068];
	v4 =	vshll.u32 v4, $0x7;
	v3 =	vshll.u32 v3, $0x7;
	v9 =	vadd.s32 v8, v9  }
0xf4: {  	vm10 =	vlt.s32 v8, $0x80;
	v11 =	vadd.s32 v2, v11;
	vm9 =	vlt.s32 v2, $0x80;
	v2 =	vld [tilespmem:s10+$0x10858]  }
0xf5: {  	v62 =	vld [tilespmem:s10+$0x10868];
	v6 =	vadd.s32 v10, v6;
	vm11 =	vlt.s32 v10, $0x80;
	v9 =	vnsel vm10, $0x100000, v9  }
0xf6: {  	v4 =	vadd.s32 v12, v4;
	vm12 =	vlt.s32 v12, $0x80;
	v6 =	vnsel vm11, $0x100000, v6;
	[tilespmem:s10+$0x11018] =	vst v9  }
0xf7: {  	v3 =	vadd.s32 v61, v3;
	vm13 =	vlt.s32 v61, $0x80;
	v4 =	vnsel vm12, $0x100000, v4;
	[tilespmem:s10+$0x11028] =	vst v6  }
0xf8: {  	v5 =	vshll.u32 v59, $0x7;
	v7 =	vshll.u32 v60, $0x7;
	v3 =	vnsel vm13, $0x100000, v3;
	[tilespmem:s10+$0x11038] =	vst v4  }
0xf9: {  	v11 =	vnsel vm9, $0x100000, v11;
	[tilespmem:s10+$0x11048] =	vst v3;
	v63 =	vadd.s32 v2, v5;
	vm14 =	vlt.s32 v2, $0x80  }
0xfa: {  	vm15 =	vlt.s32 v62, $0x80;
	v3 =	vadd.s32 v62, v7;
	[tilespmem:s10+$0x11008] =	vst v11;
	v2 =	vnsel vm14, $0x100000, v63  }
0xfb: {  	[tilespmem:s10+$0x11058] =	vst v2;
	v2 =	vnsel vm15, $0x100000, v3  }
0xfc: {  	[tilespmem:s10+$0x11068] =	vst v2  }
0xfd: {  	[spmem:s3] =	stream.indirect.scatter.add.f32 [tilespmem:s13], [sflag:$0x1], $0x1, s11, s9, $0xb8;
	[tilespmem:$0x12908] =	vst v63  }
0xfe: {  	_ =	swait.ge [sflag:s4], $0x80  }
0xff: {  	[sflag:s4] =	ssyncset.done $0x0  }
0x100: {  	[sflag:s4] =	ssyncadd.s32 $0xFFFFFF80  }
0x101: {  	[spmem:s3] =	stream.indirect.scatter.add.f32 [tilespmem:s13], [sflag:$0x1], $0x1, s15, s9, $0xb8;
	[tilespmem:$0x12908] =	vst v63  }
0x102: {  	_ =	swait.ge [sflag:s4], $0x80  }
0x103: {  	[sflag:s4] =	ssyncset.done $0x0  }
0x104: {  	[sflag:s4] =	ssyncadd.s32 $0xFFFFFF80  }
0x105: {  	[spmem:s3] =	stream.indirect.scatter.add.f32 [tilespmem:s13], [sflag:$0x1], $0x1, s17, s9, $0xb8;
	[tilespmem:$0x12908] =	vst v63  }
0x106: {  	_ =	swait.ge [sflag:s4], $0x80  }
0x107: {  	[sflag:s4] =	ssyncset.done $0x0  }
0x108: {  	[sflag:s4] =	ssyncadd.s32 $0xFFFFFF80  }
0x109: {  	[spmem:s3] =	stream.indirect.scatter.add.f32 [tilespmem:s13], [sflag:$0x1], $0x1, s18, s9, $0xb8;
	[tilespmem:$0x12908] =	vst v63  }
0x10a: {  	_ =	swait.ge [sflag:s4], $0x80  }
0x10b: {  	[sflag:s4] =	ssyncset.done $0x0  }
0x10c: {  	[sflag:s4] =	ssyncadd.s32 $0xFFFFFF80  }
0x10d: {  	[spmem:s3] =	stream.indirect.scatter.add.f32 [tilespmem:s13], [sflag:$0x1], $0x1, s20, s9, $0xb8;
	[tilespmem:$0x12908] =	vst v63  }
0x10e: {  	_ =	swait.ge [sflag:s4], $0x80  }
0x10f: {  	[sflag:s4] =	ssyncset.done $0x0  }
0x110: {  	[sflag:s4] =	ssyncadd.s32 $0xFFFFFF80  }
0x111: {  	[spmem:s3] =	stream.indirect.scatter.add.f32 [tilespmem:s13], [sflag:$0x1], $0x1, s21, s9, $0xb8;
	[tilespmem:$0x12908] =	vst v63  }
0x112: {  	_ =	swait.ge [sflag:s4], $0x80  }
0x113: {  	[sflag:s4] =	ssyncset.done $0x0  }
0x114: {  	[sflag:s4] =	ssyncadd.s32 $0xFFFFFF80  }
0x115: {  	[spmem:s3] =	stream.indirect.scatter.add.f32 [tilespmem:s13], [sflag:$0x1], $0x1, s22, s9, $0xb8;
	[tilespmem:$0x12908] =	vst v63  }
0x116: {  	_ =	swait.ge [sflag:s4], $0x80  }
0x117: {  	[sflag:s4] =	ssyncset.done $0x0  }
0x118: {  	[sflag:s4] =	ssyncadd.s32 $0xFFFFFF80  }
0x119: {  	[spmem:s3] =	stream.indirect.scatter.add.f32 [tilespmem:s13], [sflag:$0x1], $0x1, s5, s9, $0xb8;
	[tilespmem:$0x12908] =	vst v63  }
0x11a: {  	_ =	swait.ge [sflag:s4], $0x80  }
0x11b: {  	[sflag:s4] =	ssyncset.done $0x0  }
0x11c: {  	[sflag:s4] =	ssyncadd.s32 $0xFFFFFF80  }
0x11d: {  	[spmem:s3] =	stream.indirect.scatter.add.f32 [tilespmem:s13], [sflag:$0x1], $0x1, s2, s9, $0xb8;
	[tilespmem:$0x12908] =	vst v63  }
0x11e: {  	_ =	swait.ge [sflag:s4], $0x80  }
0x11f: {  	[sflag:s4] =	ssyncset.done $0x0  }
0x120: {  	[sflag:s4] =	ssyncadd.s32 $0xFFFFFF80  }
0x121: {  	[spmem:s3] =	stream.indirect.scatter.add.f32 [tilespmem:s13], [sflag:$0x1], $0x1, s23, s9, $0xb8;
	[tilespmem:$0x12908] =	vst v63  }
0x122: {  	_ =	swait.ge [sflag:s4], $0x80  }
0x123: {  	[sflag:s4] =	ssyncset.done $0x0  }
0x124: {  	[sflag:s4] =	ssyncadd.s32 $0xFFFFFF80  }
0x125: {  	[spmem:s3] =	stream.indirect.scatter.add.f32 [tilespmem:s13], [sflag:$0x1], $0x1, s24, s9, $0xb8;
	[tilespmem:$0x12908] =	vst v63  }
0x126: {  	_ =	swait.ge [sflag:s4], $0x80  }
0x127: {  	[sflag:s4] =	ssyncset.done $0x0  }
0x128: {  	[sflag:s4] =	ssyncadd.s32 $0xFFFFFF80  }
0x129: {  	[spmem:s3] =	stream.indirect.scatter.add.f32 [tilespmem:s13], [sflag:$0x1], $0x1, s25, s9, $0xb8;
	[tilespmem:$0x12908] =	vst v63  }
0x12a: {  	_ =	swait.ge [sflag:s4], $0x80  }
0x12b: {  	[sflag:s4] =	ssyncset.done $0x0  }
0x12c: {  	[sflag:s4] =	ssyncadd.s32 $0xFFFFFF80  }
0x12d: {  	[spmem:s3] =	stream.indirect.scatter.add.f32 [tilespmem:s13], [sflag:$0x1], $0x1, s26, s9, $0xb8;
	[tilespmem:$0x12908] =	vst v63  }
0x12e: {  	_ =	swait.ge [sflag:s4], $0x80  }
0x12f: {  	[sflag:s4] =	ssyncset.done $0x0  }
0x130: {  	[sflag:s4] =	ssyncadd.s32 $0xFFFFFF80  }
0x131: {  	[spmem:s3] =	stream.indirect.scatter.add.f32 [tilespmem:s13], [sflag:$0x1], $0x1, s28, s9, $0xb8;
	[tilespmem:$0x12908] =	vst v63  }
0x132: {  	_ =	swait.ge [sflag:s4], $0x80  }
0x133: {  	[sflag:s4] =	ssyncset.done $0x0  }
0x134: {  	[sflag:s4] =	ssyncadd.s32 $0xFFFFFF80  }
0x135: {  	[spmem:s3] =	stream.indirect.scatter.add.f32 [tilespmem:s13], [sflag:$0x1], $0x1, s29, s9, $0xb8;
	[tilespmem:$0x12908] =	vst v63  }
0x136: {  	_ =	swait.ge [sflag:s4], $0x80  }
0x137: {  	[sflag:s4] =	ssyncset.done $0x0  }
0x138: {  	[sflag:s4] =	ssyncadd.s32 $0xFFFFFF80  }
0x139: {  	[spmem:s3] =	stream.indirect.scatter.add.f32 [tilespmem:s13], [sflag:$0x1], $0x1, s30, s9, $0xb8;
	[tilespmem:$0x12908] =	vst v63  }
.Ltmp3:
0x13a: {  	_ =	swait.ge [sflag:s4], $0x80;
	(pc) =	sbr.rel @!p0 .LBB3_9-.Ltmp3, $4  }
0x13b: {  	[sflag:s4] =	ssyncset.done $0x0  }
0x13c: {  	s14 =	stileid.u32;
	[sflag:s4] =	ssyncadd.s32 $0xFFFFFF80  }
0x13d: {  	s16 =	sshll.u32 s14, $0x6;
	[bflag:$0x0] =	sbarrier.arrive $0xFFFF  }
0x13e: {  	s0 =	sshrl.u32 s8, $0x3;
	s10 =	sor.u32 $0x1C01, s16  }
0x13f: {  	s12 =	rddreg [dreg:$0x14]  }
0x140: {  	[hbm:s12], [sflag:s10] =	dma.local [spmem:s0], $0x2000  }
0x141: {  	_ =	swait.ge [sflag:s4], $0x2000  }
0x142: {  	[sflag:s4] =	ssyncset.done $0x0  }
0x143: {  	[sflag:s4] =	ssyncadd.s32 $0xFFFFE000  }
0x144: {  	[spmem:s8] =	stream.linear.scatter [tilespmem:s6], [sflag:$0x1], $0x1000, $0x38;
	[tilespmem:$0x12908] =	vst v63  }
0x145: {  	_ =	swait.ge [sflag:s4], $0x1000  }
0x146: {  	s16 =	sld [smem:$0x7F1]  }
0x147: {  	[sflag:s4] =	ssyncset.done $0x0  }
0x148: {  	[sflag:s4] =	ssyncadd.s32 $0xFFFFF000  }
0x149: {  	[spmem:s16] =	stream.linear.scatter [tilespmem:s6], [sflag:$0x1], $0x1000, $0x38;
	[tilespmem:$0x12908] =	vst v63  }
0x14a: {  	_ =	swait.ge [sflag:s4], $0x1000  }
0x14b: {  	s14 =	sld [smem:$0x7F2]  }
0x14c: {  	[sflag:s4] =	ssyncset.done $0x0  }
0x14d: {  	[sflag:s4] =	ssyncadd.s32 $0xFFFFF000  }
0x14e: {  	[spmem:s14] =	stream.linear.scatter [tilespmem:s6], [sflag:$0x1], $0x1000, $0x38;
	[tilespmem:$0x12908] =	vst v63  }
0x14f: {  	_ =	swait.ge [sflag:s4], $0x1000  }
0x150: {  	s16 =	sld [smem:$0x7F3]  }
0x151: {  	[sflag:s4] =	ssyncset.done $0x0  }
0x152: {  	[sflag:s4] =	ssyncadd.s32 $0xFFFFF000  }
0x153: {  	[spmem:s16] =	stream.linear.scatter [tilespmem:s6], [sflag:$0x1], $0x1000, $0x38;
	[tilespmem:$0x12908] =	vst v63  }
0x154: {  	_ =	swait.ge [sflag:s4], $0x1000  }
0x155: {  	s14 =	sld [smem:$0x7F4]  }
0x156: {  	[sflag:s4] =	ssyncset.done $0x0  }
0x157: {  	[sflag:s4] =	ssyncadd.s32 $0xFFFFF000  }
0x158: {  	[spmem:s14] =	stream.linear.scatter [tilespmem:s6], [sflag:$0x1], $0x1000, $0x38;
	[tilespmem:$0x12908] =	vst v63  }
0x159: {  	_ =	swait.ge [sflag:s4], $0x1000  }
0x15a: {  	s16 =	sld [smem:$0x7F5]  }
0x15b: {  	[sflag:s4] =	ssyncset.done $0x0  }
0x15c: {  	[sflag:s4] =	ssyncadd.s32 $0xFFFFF000  }
0x15d: {  	[spmem:s16] =	stream.linear.scatter [tilespmem:s6], [sflag:$0x1], $0x1000, $0x38;
	[tilespmem:$0x12908] =	vst v63  }
0x15e: {  	_ =	swait.ge [sflag:s4], $0x1000  }
0x15f: {  	s14 =	sld [smem:$0x7F6]  }
0x160: {  	[sflag:s4] =	ssyncset.done $0x0  }
0x161: {  	[sflag:s4] =	ssyncadd.s32 $0xFFFFF000  }
0x162: {  	[spmem:s14] =	stream.linear.scatter [tilespmem:s6], [sflag:$0x1], $0x1000, $0x38;
	[tilespmem:$0x12908] =	vst v63  }
0x163: {  	_ =	swait.ge [sflag:s4], $0x1000  }
0x164: {  	s16 =	sld [smem:$0x7F7]  }
0x165: {  	[sflag:s4] =	ssyncset.done $0x0  }
0x166: {  	[sflag:s4] =	ssyncadd.s32 $0xFFFFF000  }
0x167: {  	[spmem:s16] =	stream.linear.scatter [tilespmem:s6], [sflag:$0x1], $0x1000, $0x38;
	[tilespmem:$0x12908] =	vst v63  }
0x168: {  	_ =	swait.ge [sflag:s4], $0x1000  }
0x169: {  	s14 =	sld [smem:$0x7F8]  }
0x16a: {  	[sflag:s4] =	ssyncset.done $0x0  }
0x16b: {  	[sflag:s4] =	ssyncadd.s32 $0xFFFFF000  }
0x16c: {  	[spmem:s14] =	stream.linear.scatter [tilespmem:s6], [sflag:$0x1], $0x1000, $0x38;
	[tilespmem:$0x12908] =	vst v63  }
0x16d: {  	_ =	swait.ge [sflag:s4], $0x1000  }
0x16e: {  	s16 =	sld [smem:$0x7F9]  }
0x16f: {  	[sflag:s4] =	ssyncset.done $0x0  }
0x170: {  	[sflag:s4] =	ssyncadd.s32 $0xFFFFF000  }
0x171: {  	[spmem:s16] =	stream.linear.scatter [tilespmem:s6], [sflag:$0x1], $0x1000, $0x38;
	[tilespmem:$0x12908] =	vst v63  }
0x172: {  	_ =	swait.ge [sflag:s4], $0x1000  }
0x173: {  	s14 =	sld [smem:$0x7FA]  }
0x174: {  	[sflag:s4] =	ssyncset.done $0x0  }
0x175: {  	[sflag:s4] =	ssyncadd.s32 $0xFFFFF000  }
0x176: {  	[spmem:s14] =	stream.linear.scatter [tilespmem:s6], [sflag:$0x1], $0x1000, $0x38;
	[tilespmem:$0x12908] =	vst v63  }
0x177: {  	_ =	swait.ge [sflag:s4], $0x1000  }
0x178: {  	s16 =	sld [smem:$0x7FB]  }
0x179: {  	[sflag:s4] =	ssyncset.done $0x0  }
0x17a: {  	[sflag:s4] =	ssyncadd.s32 $0xFFFFF000  }
0x17b: {  	[spmem:s16] =	stream.linear.scatter [tilespmem:s6], [sflag:$0x1], $0x1000, $0x38;
	[tilespmem:$0x12908] =	vst v63  }
0x17c: {  	_ =	swait.ge [sflag:s4], $0x1000  }
0x17d: {  	s14 =	sld [smem:$0x7FC]  }
0x17e: {  	[sflag:s4] =	ssyncset.done $0x0  }
0x17f: {  	[sflag:s4] =	ssyncadd.s32 $0xFFFFF000  }
0x180: {  	[spmem:s14] =	stream.linear.scatter [tilespmem:s6], [sflag:$0x1], $0x1000, $0x38;
	[tilespmem:$0x12908] =	vst v63  }
0x181: {  	_ =	swait.ge [sflag:s4], $0x1000  }
0x182: {  	s16 =	sld [smem:$0x7FD]  }
0x183: {  	[sflag:s4] =	ssyncset.done $0x0  }
0x184: {  	[sflag:s4] =	ssyncadd.s32 $0xFFFFF000  }
0x185: {  	[spmem:s16] =	stream.linear.scatter [tilespmem:s6], [sflag:$0x1], $0x1000, $0x38;
	[tilespmem:$0x12908] =	vst v63  }
0x186: {  	_ =	swait.ge [sflag:s4], $0x1000  }
0x187: {  	[sflag:s4] =	ssyncset.done $0x0  }
0x188: {  	[sflag:s4] =	ssyncadd.s32 $0xFFFFF000  }
0x189: {  	[spmem:s19] =	stream.linear.scatter [tilespmem:s6], [sflag:$0x1], $0x1000, $0x38;
	[tilespmem:$0x12908] =	vst v63  }
0x18a: {  	_ =	swait.ge [sflag:s4], $0x1000  }
0x18b: {  	[sflag:s4] =	ssyncset.done $0x0  }
0x18c: {  	[sflag:s4] =	ssyncadd.s32 $0xFFFFF000  }
0x18d: {  	[spmem:s1] =	stream.linear.scatter [tilespmem:s6], [sflag:$0x1], $0x1000, $0x38;
	[tilespmem:$0x12908] =	vst v63  }
0x18e: {  	_ =	swait.ge [sflag:s4], $0x1000  }
0x18f: {  	[sflag:s4] =	ssyncset.done $0x0  }
0x190: {  	[sflag:s4] =	ssyncadd.s32 $0xFFFFF000  }
.LBB3_9:
0x191: {  	[bflag:$0x0] =	sbarrier.arrive $0xFFFF  }
0x192: {  	s12 =	simm.s32 $0x0;
	s14 =	rddreg [dreg:$0x15]  }
0x193: {  	[tilespmem:s7], [sflag:$0x1] =	stream.linear.gather [hbm4b:s14+s12], $0x800, $0x38;
	[tilespmem:$0x12908] =	vst v63  }
0x194: {  	_ =	swait.ge [sflag:s4], $0x800  }
0x195: {  	[sflag:s4] =	ssyncset.done $0x0  }
0x196: {  	s12 =	simm.s32 $0x0;
	[sflag:s4] =	ssyncadd.s32 $0xFFFFF800  }
0x197: {  	v2 =	vld [tilespmem:s12+$0x10078]  }
0x198: {  	v3 =	vld [tilespmem:s12+$0x10878]  }
0x199: {  	v4 =	vld [tilespmem:s12+$0x10008]  }
0x19a: {  	v5 =	vld [tilespmem:s12+$0x10018]  }
0x19b: {  	v6 =	vld [tilespmem:s12+$0x10028]  }
0x19c: {  	v7 =	vld [tilespmem:s12+$0x10038]  }
0x19d: {  	v12 =	vld [tilespmem:s12+$0x10048]  }
0x19e: {  	v13 =	vld [tilespmem:s12+$0x10068]  }
0x19f: {  	v14 =	vld [tilespmem:s12+$0x10808]  }
0x1a0: {  	v15 =	vld [tilespmem:s12+$0x10818];
	v2 =	vshll.u32 v2, $0x7  }
0x1a1: {  	vm0 =	vlt.s32 v3, $0x80;
	v2 =	vadd.s32 v3, v2;
	v3 =	vld [tilespmem:s12+$0x10058]  }
0x1a2: {  	v11 =	vld [tilespmem:s12+$0x10828];
	v16 =	vshll.u32 v4, $0x7  }
0x1a3: {  	v9 =	vld [tilespmem:s12+$0x10838];
	v17 =	vshll.u32 v5, $0x7;
	v10 =	vshll.u32 v6, $0x7;
	v8 =	vshll.u32 v7, $0x7  }
0x1a4: {  	v6 =	vld [tilespmem:s12+$0x10848];
	v7 =	vadd.s32 v14, v16;
	v2 =	vnsel vm0, $0x100000, v2;
	vm0 =	vlt.s32 v14, $0x80  }
0x1a5: {  	v4 =	vshll.u32 v12, $0x7;
	v5 =	vld [tilespmem:s12+$0x10858];
	[tilespmem:s12+$0x11078] =	vst v2;
	v2 =	vshll.u32 v13, $0x7;
	v12 =	vnsel vm0, $0x100000, v7  }
0x1a6: {  	s16 =	simm.s32 $0x400;
	s14 =	simm.s32 $0x80;
	v13 =	vadd.s32 v15, v17;
	vm0 =	vlt.s32 v15, $0x80;
	v7 =	vld [tilespmem:s12+$0x10868];
	v3 =	vshll.u32 v3, $0x7  }
.LBB3_10:
0x1a7: {  	p1 =	sne.s32 s16, $0x1E00;
	v14 =	vld [tilespmem:s14+$0x10078];
	[tilespmem:s12+$0x11008] =	vst v12;
	v12 =	vnsel vm0, $0x100000, v13;
	v10 =	vadd.s32 v11, v10;
	vm0 =	vlt.s32 v11, $0x80  }
0x1a8: {  	v11 =	vld [tilespmem:s14+$0x10878];
	[tilespmem:s12+$0x11018] =	vst v12;
	v10 =	vnsel vm0, $0x100000, v10;
	v8 =	vadd.s32 v9, v8;
	vm0 =	vlt.s32 v9, $0x80  }
0x1a9: {  	v9 =	vld [tilespmem:s14+$0x10008];
	[tilespmem:s12+$0x11028] =	vst v10;
	v8 =	vnsel vm0, $0x100000, v8;
	v4 =	vadd.s32 v6, v4;
	vm0 =	vlt.s32 v6, $0x80  }
0x1aa: {  	v6 =	vld [tilespmem:s14+$0x10018];
	[tilespmem:s12+$0x11038] =	vst v8;
	v4 =	vnsel vm0, $0x100000, v4;
	v3 =	vadd.s32 v5, v3;
	vm0 =	vlt.s32 v5, $0x80  }
0x1ab: {  	v5 =	vld [tilespmem:s14+$0x10028];
	[tilespmem:s12+$0x11048] =	vst v4;
	v3 =	vnsel vm0, $0x100000, v3;
	v2 =	vadd.s32 v7, v2;
	vm0 =	vlt.s32 v7, $0x80  }
0x1ac: {  	v4 =	vld [tilespmem:s14+$0x10038];
	v7 =	vshll.u32 v14, $0x7;
	[tilespmem:s12+$0x11058] =	vst v3;
	v2 =	vnsel vm0, $0x100000, v2  }
0x1ad: {  	v3 =	vld [tilespmem:s14+$0x10048];
	v7 =	vadd.s32 v11, v7;
	vm0 =	vlt.s32 v11, $0x80;
	[tilespmem:s12+$0x11068] =	vst v2;
	s12 =	smov.u32 s14  }
0x1ae: {  	v12 =	vshll.u32 v9, $0x7;
	v2 =	vld [tilespmem:s12+$0x10058];
	v7 =	vnsel vm0, $0x100000, v7  }
0x1af: {  	v13 =	vshll.u32 v6, $0x7;
	v14 =	vld [tilespmem:s12+$0x10068];
	[tilespmem:s12+$0x11078] =	vst v7  }
0x1b0: {  	v7 =	vld [tilespmem:s12+$0x10808];
	v10 =	vshll.u32 v5, $0x7  }
0x1b1: {  	v15 =	vld [tilespmem:s12+$0x10818];
	v8 =	vshll.u32 v4, $0x7  }
.Ltmp4:
0x1b2: {  	v11 =	vld [tilespmem:s12+$0x10828];
	v4 =	vshll.u32 v3, $0x7;
	(pc) =	sbr.rel @p1 .LBB3_10-.Ltmp4, $4  }
0x1b3: {  	v9 =	vld [tilespmem:s12+$0x10838];
	v3 =	vshll.u32 v2, $0x7  }
0x1b4: {  	v6 =	vld [tilespmem:s12+$0x10848];
	v2 =	vshll.u32 v14, $0x7  }
0x1b5: {  	v12 =	vadd.s32 v7, v12;
	vm0 =	vlt.s32 v7, $0x80;
	v5 =	vld [tilespmem:s12+$0x10858]  }
0x1b6: {  	s14 =	sshra.s32 s16, $0x2;
	s16 =	sadd.s32 $0x200, s16;
	v12 =	vnsel vm0, $0x100000, v12;
	v13 =	vadd.s32 v15, v13;
	vm0 =	vlt.s32 v15, $0x80;
	v7 =	vld [tilespmem:s12+$0x10868]  }
0x1b7: {  	v14 =	vld [tilespmem:s14+$0x10078];
	[tilespmem:s12+$0x11008] =	vst v12;
	v53 =	vnsel vm0, $0x100000, v13;
	v10 =	vadd.s32 v11, v10;
	vm15 =	vlt.s32 v11, $0x80  }
0x1b8: {  	v54 =	vld [tilespmem:s14+$0x10878];
	[tilespmem:s12+$0x11018] =	vst v53;
	v10 =	vnsel vm15, $0x100000, v10;
	v8 =	vadd.s32 v9, v8;
	vm4 =	vlt.s32 v9, $0x80  }
0x1b9: {  	v55 =	vld [tilespmem:s14+$0x10008];
	[tilespmem:s12+$0x11028] =	vst v10;
	v8 =	vnsel vm4, $0x100000, v8;
	v4 =	vadd.s32 v6, v4;
	vm5 =	vlt.s32 v6, $0x80  }
0x1ba: {  	v56 =	vld [tilespmem:s14+$0x10018];
	[tilespmem:s12+$0x11038] =	vst v8;
	v4 =	vnsel vm5, $0x100000, v4;
	v3 =	vadd.s32 v5, v3;
	vm6 =	vlt.s32 v5, $0x80  }
0x1bb: {  	v57 =	vld [tilespmem:s14+$0x10028];
	[tilespmem:s12+$0x11048] =	vst v4;
	v3 =	vnsel vm6, $0x100000, v3;
	v2 =	vadd.s32 v7, v2;
	vm7 =	vlt.s32 v7, $0x80  }
0x1bc: {  	v4 =	vld [tilespmem:s14+$0x10038];
	[tilespmem:s12+$0x11058] =	vst v3;
	v2 =	vnsel vm7, $0x100000, v2  }
0x1bd: {  	v58 =	vshll.u32 v14, $0x7;
	v3 =	vld [tilespmem:s14+$0x10048];
	[tilespmem:s12+$0x11068] =	vst v2  }
0x1be: {  	v2 =	vadd.s32 v54, v58;
	vm8 =	vlt.s32 v54, $0x80;
	v59 =	vld [tilespmem:s14+$0x10058]  }
0x1bf: {  	v2 =	vnsel vm8, $0x100000, v2;
	v8 =	vld [tilespmem:s14+$0x10818]  }
0x1c0: {  	[tilespmem:s14+$0x11078] =	vst v2;
	v2 =	vld [tilespmem:s14+$0x10808]  }
0x1c1: {  	v10 =	vld [tilespmem:s14+$0x10828]  }
0x1c2: {  	v12 =	vld [tilespmem:s14+$0x10838]  }
0x1c3: {  	v11 =	vshll.u32 v55, $0x7;
	v61 =	vld [tilespmem:s14+$0x10848];
	v9 =	vshll.u32 v56, $0x7;
	v6 =	vshll.u32 v57, $0x7  }
0x1c4: {  	v60 =	vld [tilespmem:s14+$0x10068];
	v4 =	vshll.u32 v4, $0x7;
	v3 =	vshll.u32 v3, $0x7;
	v9 =	vadd.s32 v8, v9  }
0x1c5: {  	vm10 =	vlt.s32 v8, $0x80;
	v11 =	vadd.s32 v2, v11;
	vm9 =	vlt.s32 v2, $0x80;
	v2 =	vld [tilespmem:s14+$0x10858]  }
0x1c6: {  	v62 =	vld [tilespmem:s14+$0x10868];
	v6 =	vadd.s32 v10, v6;
	vm11 =	vlt.s32 v10, $0x80;
	v9 =	vnsel vm10, $0x100000, v9  }
0x1c7: {  	v4 =	vadd.s32 v12, v4;
	vm12 =	vlt.s32 v12, $0x80;
	v6 =	vnsel vm11, $0x100000, v6;
	[tilespmem:s14+$0x11018] =	vst v9  }
0x1c8: {  	v3 =	vadd.s32 v61, v3;
	vm13 =	vlt.s32 v61, $0x80;
	v4 =	vnsel vm12, $0x100000, v4;
	[tilespmem:s14+$0x11028] =	vst v6  }
0x1c9: {  	v5 =	vshll.u32 v59, $0x7;
	v7 =	vshll.u32 v60, $0x7;
	v3 =	vnsel vm13, $0x100000, v3;
	[tilespmem:s14+$0x11038] =	vst v4  }
0x1ca: {  	v11 =	vnsel vm9, $0x100000, v11;
	[tilespmem:s14+$0x11048] =	vst v3;
	v63 =	vadd.s32 v2, v5;
	vm14 =	vlt.s32 v2, $0x80  }
0x1cb: {  	vm15 =	vlt.s32 v62, $0x80;
	v3 =	vadd.s32 v62, v7;
	[tilespmem:s14+$0x11008] =	vst v11;
	v2 =	vnsel vm14, $0x100000, v63  }
0x1cc: {  	[tilespmem:s14+$0x11058] =	vst v2;
	v2 =	vnsel vm15, $0x100000, v3  }
0x1cd: {  	[tilespmem:s14+$0x11068] =	vst v2  }
0x1ce: {  	[spmem:s3] =	stream.indirect.scatter.add.f32 [tilespmem:s13], [sflag:$0x1], $0x1, s11, s9, $0xb8;
	[tilespmem:$0x12908] =	vst v63  }
0x1cf: {  	_ =	swait.ge [sflag:s4], $0x80  }
0x1d0: {  	[sflag:s4] =	ssyncset.done $0x0  }
0x1d1: {  	[sflag:s4] =	ssyncadd.s32 $0xFFFFFF80  }
0x1d2: {  	[spmem:s3] =	stream.indirect.scatter.add.f32 [tilespmem:s13], [sflag:$0x1], $0x1, s15, s9, $0xb8;
	[tilespmem:$0x12908] =	vst v63  }
0x1d3: {  	_ =	swait.ge [sflag:s4], $0x80  }
0x1d4: {  	[sflag:s4] =	ssyncset.done $0x0  }
0x1d5: {  	[sflag:s4] =	ssyncadd.s32 $0xFFFFFF80  }
0x1d6: {  	[spmem:s3] =	stream.indirect.scatter.add.f32 [tilespmem:s13], [sflag:$0x1], $0x1, s17, s9, $0xb8;
	[tilespmem:$0x12908] =	vst v63  }
0x1d7: {  	_ =	swait.ge [sflag:s4], $0x80  }
0x1d8: {  	[sflag:s4] =	ssyncset.done $0x0  }
0x1d9: {  	[sflag:s4] =	ssyncadd.s32 $0xFFFFFF80  }
0x1da: {  	[spmem:s3] =	stream.indirect.scatter.add.f32 [tilespmem:s13], [sflag:$0x1], $0x1, s18, s9, $0xb8;
	[tilespmem:$0x12908] =	vst v63  }
0x1db: {  	_ =	swait.ge [sflag:s4], $0x80  }
0x1dc: {  	[sflag:s4] =	ssyncset.done $0x0  }
0x1dd: {  	[sflag:s4] =	ssyncadd.s32 $0xFFFFFF80  }
0x1de: {  	[spmem:s3] =	stream.indirect.scatter.add.f32 [tilespmem:s13], [sflag:$0x1], $0x1, s20, s9, $0xb8;
	[tilespmem:$0x12908] =	vst v63  }
0x1df: {  	_ =	swait.ge [sflag:s4], $0x80  }
0x1e0: {  	[sflag:s4] =	ssyncset.done $0x0  }
0x1e1: {  	[sflag:s4] =	ssyncadd.s32 $0xFFFFFF80  }
0x1e2: {  	[spmem:s3] =	stream.indirect.scatter.add.f32 [tilespmem:s13], [sflag:$0x1], $0x1, s21, s9, $0xb8;
	[tilespmem:$0x12908] =	vst v63  }
0x1e3: {  	_ =	swait.ge [sflag:s4], $0x80  }
0x1e4: {  	[sflag:s4] =	ssyncset.done $0x0  }
0x1e5: {  	[sflag:s4] =	ssyncadd.s32 $0xFFFFFF80  }
0x1e6: {  	[spmem:s3] =	stream.indirect.scatter.add.f32 [tilespmem:s13], [sflag:$0x1], $0x1, s22, s9, $0xb8;
	[tilespmem:$0x12908] =	vst v63  }
0x1e7: {  	_ =	swait.ge [sflag:s4], $0x80  }
0x1e8: {  	[sflag:s4] =	ssyncset.done $0x0  }
0x1e9: {  	[sflag:s4] =	ssyncadd.s32 $0xFFFFFF80  }
0x1ea: {  	[spmem:s3] =	stream.indirect.scatter.add.f32 [tilespmem:s13], [sflag:$0x1], $0x1, s5, s9, $0xb8;
	[tilespmem:$0x12908] =	vst v63  }
0x1eb: {  	_ =	swait.ge [sflag:s4], $0x80  }
0x1ec: {  	[sflag:s4] =	ssyncset.done $0x0  }
0x1ed: {  	[sflag:s4] =	ssyncadd.s32 $0xFFFFFF80  }
0x1ee: {  	[spmem:s3] =	stream.indirect.scatter.add.f32 [tilespmem:s13], [sflag:$0x1], $0x1, s2, s9, $0xb8;
	[tilespmem:$0x12908] =	vst v63  }
0x1ef: {  	_ =	swait.ge [sflag:s4], $0x80  }
0x1f0: {  	[sflag:s4] =	ssyncset.done $0x0  }
0x1f1: {  	[sflag:s4] =	ssyncadd.s32 $0xFFFFFF80  }
0x1f2: {  	[spmem:s3] =	stream.indirect.scatter.add.f32 [tilespmem:s13], [sflag:$0x1], $0x1, s23, s9, $0xb8;
	[tilespmem:$0x12908] =	vst v63  }
0x1f3: {  	_ =	swait.ge [sflag:s4], $0x80  }
0x1f4: {  	[sflag:s4] =	ssyncset.done $0x0  }
0x1f5: {  	[sflag:s4] =	ssyncadd.s32 $0xFFFFFF80  }
0x1f6: {  	[spmem:s3] =	stream.indirect.scatter.add.f32 [tilespmem:s13], [sflag:$0x1], $0x1, s24, s9, $0xb8;
	[tilespmem:$0x12908] =	vst v63  }
0x1f7: {  	_ =	swait.ge [sflag:s4], $0x80  }
0x1f8: {  	[sflag:s4] =	ssyncset.done $0x0  }
0x1f9: {  	[sflag:s4] =	ssyncadd.s32 $0xFFFFFF80  }
0x1fa: {  	[spmem:s3] =	stream.indirect.scatter.add.f32 [tilespmem:s13], [sflag:$0x1], $0x1, s25, s9, $0xb8;
	[tilespmem:$0x12908] =	vst v63  }
0x1fb: {  	_ =	swait.ge [sflag:s4], $0x80  }
0x1fc: {  	[sflag:s4] =	ssyncset.done $0x0  }
0x1fd: {  	[sflag:s4] =	ssyncadd.s32 $0xFFFFFF80  }
0x1fe: {  	[spmem:s3] =	stream.indirect.scatter.add.f32 [tilespmem:s13], [sflag:$0x1], $0x1, s26, s9, $0xb8;
	[tilespmem:$0x12908] =	vst v63  }
0x1ff: {  	_ =	swait.ge [sflag:s4], $0x80  }
0x200: {  	[sflag:s4] =	ssyncset.done $0x0  }
0x201: {  	[sflag:s4] =	ssyncadd.s32 $0xFFFFFF80  }
0x202: {  	[spmem:s3] =	stream.indirect.scatter.add.f32 [tilespmem:s13], [sflag:$0x1], $0x1, s28, s9, $0xb8;
	[tilespmem:$0x12908] =	vst v63  }
0x203: {  	_ =	swait.ge [sflag:s4], $0x80  }
0x204: {  	[sflag:s4] =	ssyncset.done $0x0  }
0x205: {  	[sflag:s4] =	ssyncadd.s32 $0xFFFFFF80  }
0x206: {  	[spmem:s3] =	stream.indirect.scatter.add.f32 [tilespmem:s13], [sflag:$0x1], $0x1, s29, s9, $0xb8;
	[tilespmem:$0x12908] =	vst v63  }
0x207: {  	_ =	swait.ge [sflag:s4], $0x80  }
0x208: {  	[sflag:s4] =	ssyncset.done $0x0  }
0x209: {  	[sflag:s4] =	ssyncadd.s32 $0xFFFFFF80  }
0x20a: {  	[spmem:s3] =	stream.indirect.scatter.add.f32 [tilespmem:s13], [sflag:$0x1], $0x1, s30, s9, $0xb8;
	[tilespmem:$0x12908] =	vst v63  }
.Ltmp5:
0x20b: {  	_ =	swait.ge [sflag:s4], $0x80;
	(pc) =	sbr.rel @!p0 .LBB3_13-.Ltmp5, $3  }
0x20c: {  	[sflag:s4] =	ssyncset.done $0x0  }
0x20d: {  	[sflag:s4] =	ssyncadd.s32 $0xFFFFFF80  }
0x20e: {  	[bflag:$0x0] =	sbarrier.arrive $0xFFFF;
	_ =	sdelay $0x1  }
0x20f: {  	s12 =	rddreg [dreg:$0x16]  }
0x210: {  	[hbm:s12], [sflag:s10] =	dma.local [spmem:s0], $0x2000  }
0x211: {  	_ =	swait.ge [sflag:s4], $0x2000  }
0x212: {  	[sflag:s4] =	ssyncset.done $0x0  }
0x213: {  	[sflag:s4] =	ssyncadd.s32 $0xFFFFE000  }
0x214: {  	[spmem:s8] =	stream.linear.scatter [tilespmem:s6], [sflag:$0x1], $0x1000, $0x38;
	[tilespmem:$0x12908] =	vst v63  }
0x215: {  	_ =	swait.ge [sflag:s4], $0x1000  }
0x216: {  	s16 =	sld [smem:$0x7F1]  }
0x217: {  	[sflag:s4] =	ssyncset.done $0x0  }
0x218: {  	[sflag:s4] =	ssyncadd.s32 $0xFFFFF000  }
0x219: {  	[spmem:s16] =	stream.linear.scatter [tilespmem:s6], [sflag:$0x1], $0x1000, $0x38;
	[tilespmem:$0x12908] =	vst v63  }
0x21a: {  	_ =	swait.ge [sflag:s4], $0x1000  }
0x21b: {  	s14 =	sld [smem:$0x7F2]  }
0x21c: {  	[sflag:s4] =	ssyncset.done $0x0  }
0x21d: {  	[sflag:s4] =	ssyncadd.s32 $0xFFFFF000  }
0x21e: {  	[spmem:s14] =	stream.linear.scatter [tilespmem:s6], [sflag:$0x1], $0x1000, $0x38;
	[tilespmem:$0x12908] =	vst v63  }
0x21f: {  	_ =	swait.ge [sflag:s4], $0x1000  }
0x220: {  	s16 =	sld [smem:$0x7F3]  }
0x221: {  	[sflag:s4] =	ssyncset.done $0x0  }
0x222: {  	[sflag:s4] =	ssyncadd.s32 $0xFFFFF000  }
0x223: {  	[spmem:s16] =	stream.linear.scatter [tilespmem:s6], [sflag:$0x1], $0x1000, $0x38;
	[tilespmem:$0x12908] =	vst v63  }
0x224: {  	_ =	swait.ge [sflag:s4], $0x1000  }
0x225: {  	s14 =	sld [smem:$0x7F4]  }
0x226: {  	[sflag:s4] =	ssyncset.done $0x0  }
0x227: {  	[sflag:s4] =	ssyncadd.s32 $0xFFFFF000  }
0x228: {  	[spmem:s14] =	stream.linear.scatter [tilespmem:s6], [sflag:$0x1], $0x1000, $0x38;
	[tilespmem:$0x12908] =	vst v63  }
0x229: {  	_ =	swait.ge [sflag:s4], $0x1000  }
0x22a: {  	s16 =	sld [smem:$0x7F5]  }
0x22b: {  	[sflag:s4] =	ssyncset.done $0x0  }
0x22c: {  	[sflag:s4] =	ssyncadd.s32 $0xFFFFF000  }
0x22d: {  	[spmem:s16] =	stream.linear.scatter [tilespmem:s6], [sflag:$0x1], $0x1000, $0x38;
	[tilespmem:$0x12908] =	vst v63  }
0x22e: {  	_ =	swait.ge [sflag:s4], $0x1000  }
0x22f: {  	s14 =	sld [smem:$0x7F6]  }
0x230: {  	[sflag:s4] =	ssyncset.done $0x0  }
0x231: {  	[sflag:s4] =	ssyncadd.s32 $0xFFFFF000  }
0x232: {  	[spmem:s14] =	stream.linear.scatter [tilespmem:s6], [sflag:$0x1], $0x1000, $0x38;
	[tilespmem:$0x12908] =	vst v63  }
0x233: {  	_ =	swait.ge [sflag:s4], $0x1000  }
0x234: {  	s16 =	sld [smem:$0x7F7]  }
0x235: {  	[sflag:s4] =	ssyncset.done $0x0  }
0x236: {  	[sflag:s4] =	ssyncadd.s32 $0xFFFFF000  }
0x237: {  	[spmem:s16] =	stream.linear.scatter [tilespmem:s6], [sflag:$0x1], $0x1000, $0x38;
	[tilespmem:$0x12908] =	vst v63  }
0x238: {  	_ =	swait.ge [sflag:s4], $0x1000  }
0x239: {  	s14 =	sld [smem:$0x7F8]  }
0x23a: {  	[sflag:s4] =	ssyncset.done $0x0  }
0x23b: {  	[sflag:s4] =	ssyncadd.s32 $0xFFFFF000  }
0x23c: {  	[spmem:s14] =	stream.linear.scatter [tilespmem:s6], [sflag:$0x1], $0x1000, $0x38;
	[tilespmem:$0x12908] =	vst v63  }
0x23d: {  	_ =	swait.ge [sflag:s4], $0x1000  }
0x23e: {  	s16 =	sld [smem:$0x7F9]  }
0x23f: {  	[sflag:s4] =	ssyncset.done $0x0  }
0x240: {  	[sflag:s4] =	ssyncadd.s32 $0xFFFFF000  }
0x241: {  	[spmem:s16] =	stream.linear.scatter [tilespmem:s6], [sflag:$0x1], $0x1000, $0x38;
	[tilespmem:$0x12908] =	vst v63  }
0x242: {  	_ =	swait.ge [sflag:s4], $0x1000  }
0x243: {  	s14 =	sld [smem:$0x7FA]  }
0x244: {  	[sflag:s4] =	ssyncset.done $0x0  }
0x245: {  	[sflag:s4] =	ssyncadd.s32 $0xFFFFF000  }
0x246: {  	[spmem:s14] =	stream.linear.scatter [tilespmem:s6], [sflag:$0x1], $0x1000, $0x38;
	[tilespmem:$0x12908] =	vst v63  }
0x247: {  	_ =	swait.ge [sflag:s4], $0x1000  }
0x248: {  	s16 =	sld [smem:$0x7FB]  }
0x249: {  	[sflag:s4] =	ssyncset.done $0x0  }
0x24a: {  	[sflag:s4] =	ssyncadd.s32 $0xFFFFF000  }
0x24b: {  	[spmem:s16] =	stream.linear.scatter [tilespmem:s6], [sflag:$0x1], $0x1000, $0x38;
	[tilespmem:$0x12908] =	vst v63  }
0x24c: {  	_ =	swait.ge [sflag:s4], $0x1000  }
0x24d: {  	s14 =	sld [smem:$0x7FC]  }
0x24e: {  	[sflag:s4] =	ssyncset.done $0x0  }
0x24f: {  	[sflag:s4] =	ssyncadd.s32 $0xFFFFF000  }
0x250: {  	[spmem:s14] =	stream.linear.scatter [tilespmem:s6], [sflag:$0x1], $0x1000, $0x38;
	[tilespmem:$0x12908] =	vst v63  }
0x251: {  	_ =	swait.ge [sflag:s4], $0x1000  }
0x252: {  	s16 =	sld [smem:$0x7FD]  }
0x253: {  	[sflag:s4] =	ssyncset.done $0x0  }
0x254: {  	[sflag:s4] =	ssyncadd.s32 $0xFFFFF000  }
0x255: {  	[spmem:s16] =	stream.linear.scatter [tilespmem:s6], [sflag:$0x1], $0x1000, $0x38;
	[tilespmem:$0x12908] =	vst v63  }
0x256: {  	_ =	swait.ge [sflag:s4], $0x1000  }
0x257: {  	[sflag:s4] =	ssyncset.done $0x0  }
0x258: {  	[sflag:s4] =	ssyncadd.s32 $0xFFFFF000  }
0x259: {  	[spmem:s19] =	stream.linear.scatter [tilespmem:s6], [sflag:$0x1], $0x1000, $0x38;
	[tilespmem:$0x12908] =	vst v63  }
0x25a: {  	_ =	swait.ge [sflag:s4], $0x1000  }
0x25b: {  	[sflag:s4] =	ssyncset.done $0x0  }
0x25c: {  	[sflag:s4] =	ssyncadd.s32 $0xFFFFF000  }
0x25d: {  	[spmem:s1] =	stream.linear.scatter [tilespmem:s6], [sflag:$0x1], $0x1000, $0x38;
	[tilespmem:$0x12908] =	vst v63  }
0x25e: {  	_ =	swait.ge [sflag:s4], $0x1000  }
0x25f: {  	[sflag:s4] =	ssyncset.done $0x0  }
0x260: {  	[sflag:s4] =	ssyncadd.s32 $0xFFFFF000  }
.LBB3_13:
0x261: {  	[bflag:$0x0] =	sbarrier.arrive $0xFFFF  }
0x262: {  	s12 =	simm.s32 $0x0;
	s14 =	rddreg [dreg:$0x17]  }
0x263: {  	[tilespmem:s7], [sflag:$0x1] =	stream.linear.gather [hbm4b:s14+s12], $0x800, $0x38;
	[tilespmem:$0x12908] =	vst v63  }
0x264: {  	_ =	swait.ge [sflag:s4], $0x800  }
0x265: {  	[sflag:s4] =	ssyncset.done $0x0  }
0x266: {  	s12 =	simm.s32 $0x0;
	[sflag:s4] =	ssyncadd.s32 $0xFFFFF800  }
0x267: {  	v2 =	vld [tilespmem:s12+$0x10078]  }
0x268: {  	v3 =	vld [tilespmem:s12+$0x10878]  }
0x269: {  	v4 =	vld [tilespmem:s12+$0x10008]  }
0x26a: {  	v5 =	vld [tilespmem:s12+$0x10018]  }
0x26b: {  	v6 =	vld [tilespmem:s12+$0x10028]  }
0x26c: {  	v7 =	vld [tilespmem:s12+$0x10038]  }
0x26d: {  	v12 =	vld [tilespmem:s12+$0x10048]  }
0x26e: {  	v13 =	vld [tilespmem:s12+$0x10068]  }
0x26f: {  	v14 =	vld [tilespmem:s12+$0x10808]  }
0x270: {  	v15 =	vld [tilespmem:s12+$0x10818];
	v2 =	vshll.u32 v2, $0x7  }
0x271: {  	vm0 =	vlt.s32 v3, $0x80;
	v2 =	vadd.s32 v3, v2;
	v3 =	vld [tilespmem:s12+$0x10058]  }
0x272: {  	v11 =	vld [tilespmem:s12+$0x10828];
	v16 =	vshll.u32 v4, $0x7  }
0x273: {  	v9 =	vld [tilespmem:s12+$0x10838];
	v17 =	vshll.u32 v5, $0x7;
	v10 =	vshll.u32 v6, $0x7;
	v8 =	vshll.u32 v7, $0x7  }
0x274: {  	v6 =	vld [tilespmem:s12+$0x10848];
	v7 =	vadd.s32 v14, v16;
	v2 =	vnsel vm0, $0x100000, v2;
	vm0 =	vlt.s32 v14, $0x80  }
0x275: {  	v4 =	vshll.u32 v12, $0x7;
	v5 =	vld [tilespmem:s12+$0x10858];
	[tilespmem:s12+$0x11078] =	vst v2;
	v2 =	vshll.u32 v13, $0x7;
	v12 =	vnsel vm0, $0x100000, v7  }
0x276: {  	s16 =	simm.s32 $0x400;
	s14 =	simm.s32 $0x80;
	v13 =	vadd.s32 v15, v17;
	vm0 =	vlt.s32 v15, $0x80;
	v7 =	vld [tilespmem:s12+$0x10868];
	v3 =	vshll.u32 v3, $0x7  }
.LBB3_14:
0x277: {  	p1 =	sne.s32 s16, $0x1E00;
	v14 =	vld [tilespmem:s14+$0x10078];
	[tilespmem:s12+$0x11008] =	vst v12;
	v12 =	vnsel vm0, $0x100000, v13;
	v10 =	vadd.s32 v11, v10;
	vm0 =	vlt.s32 v11, $0x80  }
0x278: {  	v11 =	vld [tilespmem:s14+$0x10878];
	[tilespmem:s12+$0x11018] =	vst v12;
	v10 =	vnsel vm0, $0x100000, v10;
	v8 =	vadd.s32 v9, v8;
	vm0 =	vlt.s32 v9, $0x80  }
0x279: {  	v9 =	vld [tilespmem:s14+$0x10008];
	[tilespmem:s12+$0x11028] =	vst v10;
	v8 =	vnsel vm0, $0x100000, v8;
	v4 =	vadd.s32 v6, v4;
	vm0 =	vlt.s32 v6, $0x80  }
0x27a: {  	v6 =	vld [tilespmem:s14+$0x10018];
	[tilespmem:s12+$0x11038] =	vst v8;
	v4 =	vnsel vm0, $0x100000, v4;
	v3 =	vadd.s32 v5, v3;
	vm0 =	vlt.s32 v5, $0x80  }
0x27b: {  	v5 =	vld [tilespmem:s14+$0x10028];
	[tilespmem:s12+$0x11048] =	vst v4;
	v3 =	vnsel vm0, $0x100000, v3;
	v2 =	vadd.s32 v7, v2;
	vm0 =	vlt.s32 v7, $0x80  }
0x27c: {  	v4 =	vld [tilespmem:s14+$0x10038];
	v7 =	vshll.u32 v14, $0x7;
	[tilespmem:s12+$0x11058] =	vst v3;
	v2 =	vnsel vm0, $0x100000, v2  }
0x27d: {  	v3 =	vld [tilespmem:s14+$0x10048];
	v7 =	vadd.s32 v11, v7;
	vm0 =	vlt.s32 v11, $0x80;
	[tilespmem:s12+$0x11068] =	vst v2;
	s12 =	smov.u32 s14  }
0x27e: {  	v12 =	vshll.u32 v9, $0x7;
	v2 =	vld [tilespmem:s12+$0x10058];
	v7 =	vnsel vm0, $0x100000, v7  }
0x27f: {  	v13 =	vshll.u32 v6, $0x7;
	v14 =	vld [tilespmem:s12+$0x10068];
	[tilespmem:s12+$0x11078] =	vst v7  }
0x280: {  	v7 =	vld [tilespmem:s12+$0x10808];
	v10 =	vshll.u32 v5, $0x7  }
0x281: {  	v15 =	vld [tilespmem:s12+$0x10818];
	v8 =	vshll.u32 v4, $0x7  }
.Ltmp6:
0x282: {  	v11 =	vld [tilespmem:s12+$0x10828];
	v4 =	vshll.u32 v3, $0x7;
	(pc) =	sbr.rel @p1 .LBB3_14-.Ltmp6, $4  }
0x283: {  	v9 =	vld [tilespmem:s12+$0x10838];
	v3 =	vshll.u32 v2, $0x7  }
0x284: {  	v6 =	vld [tilespmem:s12+$0x10848];
	v2 =	vshll.u32 v14, $0x7  }
0x285: {  	v12 =	vadd.s32 v7, v12;
	vm0 =	vlt.s32 v7, $0x80;
	v5 =	vld [tilespmem:s12+$0x10858]  }
0x286: {  	s14 =	sshra.s32 s16, $0x2;
	s16 =	sadd.s32 $0x200, s16;
	v12 =	vnsel vm0, $0x100000, v12;
	v13 =	vadd.s32 v15, v13;
	vm0 =	vlt.s32 v15, $0x80;
	v7 =	vld [tilespmem:s12+$0x10868]  }
0x287: {  	v14 =	vld [tilespmem:s14+$0x10078];
	[tilespmem:s12+$0x11008] =	vst v12;
	v53 =	vnsel vm0, $0x100000, v13;
	v10 =	vadd.s32 v11, v10;
	vm15 =	vlt.s32 v11, $0x80  }
0x288: {  	v54 =	vld [tilespmem:s14+$0x10878];
	[tilespmem:s12+$0x11018] =	vst v53;
	v10 =	vnsel vm15, $0x100000, v10;
	v8 =	vadd.s32 v9, v8;
	vm4 =	vlt.s32 v9, $0x80  }
0x289: {  	v55 =	vld [tilespmem:s14+$0x10008];
	[tilespmem:s12+$0x11028] =	vst v10;
	v8 =	vnsel vm4, $0x100000, v8;
	v4 =	vadd.s32 v6, v4;
	vm5 =	vlt.s32 v6, $0x80  }
0x28a: {  	v56 =	vld [tilespmem:s14+$0x10018];
	[tilespmem:s12+$0x11038] =	vst v8;
	v4 =	vnsel vm5, $0x100000, v4;
	v3 =	vadd.s32 v5, v3;
	vm6 =	vlt.s32 v5, $0x80  }
0x28b: {  	v57 =	vld [tilespmem:s14+$0x10028];
	[tilespmem:s12+$0x11048] =	vst v4;
	v3 =	vnsel vm6, $0x100000, v3;
	v2 =	vadd.s32 v7, v2;
	vm7 =	vlt.s32 v7, $0x80  }
0x28c: {  	v4 =	vld [tilespmem:s14+$0x10038];
	[tilespmem:s12+$0x11058] =	vst v3;
	v2 =	vnsel vm7, $0x100000, v2  }
0x28d: {  	v58 =	vshll.u32 v14, $0x7;
	v3 =	vld [tilespmem:s14+$0x10048];
	[tilespmem:s12+$0x11068] =	vst v2  }
0x28e: {  	v2 =	vadd.s32 v54, v58;
	vm8 =	vlt.s32 v54, $0x80;
	v59 =	vld [tilespmem:s14+$0x10058]  }
0x28f: {  	v2 =	vnsel vm8, $0x100000, v2;
	v8 =	vld [tilespmem:s14+$0x10818]  }
0x290: {  	[tilespmem:s14+$0x11078] =	vst v2;
	v2 =	vld [tilespmem:s14+$0x10808]  }
0x291: {  	v10 =	vld [tilespmem:s14+$0x10828]  }
0x292: {  	v12 =	vld [tilespmem:s14+$0x10838]  }
0x293: {  	v11 =	vshll.u32 v55, $0x7;
	v61 =	vld [tilespmem:s14+$0x10848];
	v9 =	vshll.u32 v56, $0x7;
	v6 =	vshll.u32 v57, $0x7  }
0x294: {  	v60 =	vld [tilespmem:s14+$0x10068];
	v4 =	vshll.u32 v4, $0x7;
	v3 =	vshll.u32 v3, $0x7;
	v9 =	vadd.s32 v8, v9  }
0x295: {  	vm10 =	vlt.s32 v8, $0x80;
	v11 =	vadd.s32 v2, v11;
	vm9 =	vlt.s32 v2, $0x80;
	v2 =	vld [tilespmem:s14+$0x10858]  }
0x296: {  	v62 =	vld [tilespmem:s14+$0x10868];
	v6 =	vadd.s32 v10, v6;
	vm11 =	vlt.s32 v10, $0x80;
	v9 =	vnsel vm10, $0x100000, v9  }
0x297: {  	v4 =	vadd.s32 v12, v4;
	vm12 =	vlt.s32 v12, $0x80;
	v6 =	vnsel vm11, $0x100000, v6;
	[tilespmem:s14+$0x11018] =	vst v9  }
0x298: {  	v3 =	vadd.s32 v61, v3;
	vm13 =	vlt.s32 v61, $0x80;
	v4 =	vnsel vm12, $0x100000, v4;
	[tilespmem:s14+$0x11028] =	vst v6  }
0x299: {  	v5 =	vshll.u32 v59, $0x7;
	v7 =	vshll.u32 v60, $0x7;
	v3 =	vnsel vm13, $0x100000, v3;
	[tilespmem:s14+$0x11038] =	vst v4  }
0x29a: {  	v11 =	vnsel vm9, $0x100000, v11;
	[tilespmem:s14+$0x11048] =	vst v3;
	v63 =	vadd.s32 v2, v5;
	vm14 =	vlt.s32 v2, $0x80  }
0x29b: {  	vm15 =	vlt.s32 v62, $0x80;
	v3 =	vadd.s32 v62, v7;
	[tilespmem:s14+$0x11008] =	vst v11;
	v2 =	vnsel vm14, $0x100000, v63  }
0x29c: {  	[tilespmem:s14+$0x11058] =	vst v2;
	v2 =	vnsel vm15, $0x100000, v3  }
0x29d: {  	[tilespmem:s14+$0x11068] =	vst v2  }
0x29e: {  	[spmem:s3] =	stream.indirect.scatter.add.f32 [tilespmem:s13], [sflag:$0x1], $0x1, s11, s9, $0xb8;
	[tilespmem:$0x12908] =	vst v63  }
0x29f: {  	_ =	swait.ge [sflag:s4], $0x80  }
0x2a0: {  	[sflag:s4] =	ssyncset.done $0x0  }
0x2a1: {  	[sflag:s4] =	ssyncadd.s32 $0xFFFFFF80  }
0x2a2: {  	[spmem:s3] =	stream.indirect.scatter.add.f32 [tilespmem:s13], [sflag:$0x1], $0x1, s15, s9, $0xb8;
	[tilespmem:$0x12908] =	vst v63  }
0x2a3: {  	_ =	swait.ge [sflag:s4], $0x80  }
0x2a4: {  	[sflag:s4] =	ssyncset.done $0x0  }
0x2a5: {  	[sflag:s4] =	ssyncadd.s32 $0xFFFFFF80  }
0x2a6: {  	[spmem:s3] =	stream.indirect.scatter.add.f32 [tilespmem:s13], [sflag:$0x1], $0x1, s17, s9, $0xb8;
	[tilespmem:$0x12908] =	vst v63  }
0x2a7: {  	_ =	swait.ge [sflag:s4], $0x80  }
0x2a8: {  	[sflag:s4] =	ssyncset.done $0x0  }
0x2a9: {  	[sflag:s4] =	ssyncadd.s32 $0xFFFFFF80  }
0x2aa: {  	[spmem:s3] =	stream.indirect.scatter.add.f32 [tilespmem:s13], [sflag:$0x1], $0x1, s18, s9, $0xb8;
	[tilespmem:$0x12908] =	vst v63  }
0x2ab: {  	_ =	swait.ge [sflag:s4], $0x80  }
0x2ac: {  	[sflag:s4] =	ssyncset.done $0x0  }
0x2ad: {  	[sflag:s4] =	ssyncadd.s32 $0xFFFFFF80  }
0x2ae: {  	[spmem:s3] =	stream.indirect.scatter.add.f32 [tilespmem:s13], [sflag:$0x1], $0x1, s20, s9, $0xb8;
	[tilespmem:$0x12908] =	vst v63  }
0x2af: {  	_ =	swait.ge [sflag:s4], $0x80  }
0x2b0: {  	[sflag:s4] =	ssyncset.done $0x0  }
0x2b1: {  	[sflag:s4] =	ssyncadd.s32 $0xFFFFFF80  }
0x2b2: {  	[spmem:s3] =	stream.indirect.scatter.add.f32 [tilespmem:s13], [sflag:$0x1], $0x1, s21, s9, $0xb8;
	[tilespmem:$0x12908] =	vst v63  }
0x2b3: {  	_ =	swait.ge [sflag:s4], $0x80  }
0x2b4: {  	[sflag:s4] =	ssyncset.done $0x0  }
0x2b5: {  	[sflag:s4] =	ssyncadd.s32 $0xFFFFFF80  }
0x2b6: {  	[spmem:s3] =	stream.indirect.scatter.add.f32 [tilespmem:s13], [sflag:$0x1], $0x1, s22, s9, $0xb8;
	[tilespmem:$0x12908] =	vst v63  }
0x2b7: {  	_ =	swait.ge [sflag:s4], $0x80  }
0x2b8: {  	[sflag:s4] =	ssyncset.done $0x0  }
0x2b9: {  	[sflag:s4] =	ssyncadd.s32 $0xFFFFFF80  }
0x2ba: {  	[spmem:s3] =	stream.indirect.scatter.add.f32 [tilespmem:s13], [sflag:$0x1], $0x1, s5, s9, $0xb8;
	[tilespmem:$0x12908] =	vst v63  }
0x2bb: {  	_ =	swait.ge [sflag:s4], $0x80  }
0x2bc: {  	[sflag:s4] =	ssyncset.done $0x0  }
0x2bd: {  	[sflag:s4] =	ssyncadd.s32 $0xFFFFFF80  }
0x2be: {  	[spmem:s3] =	stream.indirect.scatter.add.f32 [tilespmem:s13], [sflag:$0x1], $0x1, s2, s9, $0xb8;
	[tilespmem:$0x12908] =	vst v63  }
0x2bf: {  	_ =	swait.ge [sflag:s4], $0x80  }
0x2c0: {  	[sflag:s4] =	ssyncset.done $0x0  }
0x2c1: {  	[sflag:s4] =	ssyncadd.s32 $0xFFFFFF80  }
0x2c2: {  	[spmem:s3] =	stream.indirect.scatter.add.f32 [tilespmem:s13], [sflag:$0x1], $0x1, s23, s9, $0xb8;
	[tilespmem:$0x12908] =	vst v63  }
0x2c3: {  	_ =	swait.ge [sflag:s4], $0x80  }
0x2c4: {  	[sflag:s4] =	ssyncset.done $0x0  }
0x2c5: {  	[sflag:s4] =	ssyncadd.s32 $0xFFFFFF80  }
0x2c6: {  	[spmem:s3] =	stream.indirect.scatter.add.f32 [tilespmem:s13], [sflag:$0x1], $0x1, s24, s9, $0xb8;
	[tilespmem:$0x12908] =	vst v63  }
0x2c7: {  	_ =	swait.ge [sflag:s4], $0x80  }
0x2c8: {  	[sflag:s4] =	ssyncset.done $0x0  }
0x2c9: {  	[sflag:s4] =	ssyncadd.s32 $0xFFFFFF80  }
0x2ca: {  	[spmem:s3] =	stream.indirect.scatter.add.f32 [tilespmem:s13], [sflag:$0x1], $0x1, s25, s9, $0xb8;
	[tilespmem:$0x12908] =	vst v63  }
0x2cb: {  	_ =	swait.ge [sflag:s4], $0x80  }
0x2cc: {  	[sflag:s4] =	ssyncset.done $0x0  }
0x2cd: {  	[sflag:s4] =	ssyncadd.s32 $0xFFFFFF80  }
0x2ce: {  	[spmem:s3] =	stream.indirect.scatter.add.f32 [tilespmem:s13], [sflag:$0x1], $0x1, s26, s9, $0xb8;
	[tilespmem:$0x12908] =	vst v63  }
0x2cf: {  	_ =	swait.ge [sflag:s4], $0x80  }
0x2d0: {  	[sflag:s4] =	ssyncset.done $0x0  }
0x2d1: {  	[sflag:s4] =	ssyncadd.s32 $0xFFFFFF80  }
0x2d2: {  	[spmem:s3] =	stream.indirect.scatter.add.f32 [tilespmem:s13], [sflag:$0x1], $0x1, s28, s9, $0xb8;
	[tilespmem:$0x12908] =	vst v63  }
0x2d3: {  	_ =	swait.ge [sflag:s4], $0x80  }
0x2d4: {  	[sflag:s4] =	ssyncset.done $0x0  }
0x2d5: {  	[sflag:s4] =	ssyncadd.s32 $0xFFFFFF80  }
0x2d6: {  	[spmem:s3] =	stream.indirect.scatter.add.f32 [tilespmem:s13], [sflag:$0x1], $0x1, s29, s9, $0xb8;
	[tilespmem:$0x12908] =	vst v63  }
0x2d7: {  	_ =	swait.ge [sflag:s4], $0x80  }
0x2d8: {  	[sflag:s4] =	ssyncset.done $0x0  }
0x2d9: {  	[sflag:s4] =	ssyncadd.s32 $0xFFFFFF80  }
0x2da: {  	[spmem:s3] =	stream.indirect.scatter.add.f32 [tilespmem:s13], [sflag:$0x1], $0x1, s30, s9, $0xb8;
	[tilespmem:$0x12908] =	vst v63  }
.Ltmp7:
0x2db: {  	_ =	swait.ge [sflag:s4], $0x80;
	(pc) =	sbr.rel @!p0 .LBB3_17-.Ltmp7, $3  }
0x2dc: {  	[sflag:s4] =	ssyncset.done $0x0  }
0x2dd: {  	[sflag:s4] =	ssyncadd.s32 $0xFFFFFF80  }
0x2de: {  	[bflag:$0x0] =	sbarrier.arrive $0xFFFF;
	_ =	sdelay $0x1  }
0x2df: {  	s12 =	rddreg [dreg:$0x18]  }
0x2e0: {  	[hbm:s12], [sflag:s10] =	dma.local [spmem:s0], $0x2000  }
0x2e1: {  	_ =	swait.ge [sflag:s4], $0x2000  }
0x2e2: {  	[sflag:s4] =	ssyncset.done $0x0  }
0x2e3: {  	[sflag:s4] =	ssyncadd.s32 $0xFFFFE000  }
0x2e4: {  	[spmem:s8] =	stream.linear.scatter [tilespmem:s6], [sflag:$0x1], $0x1000, $0x38;
	[tilespmem:$0x12908] =	vst v63  }
0x2e5: {  	_ =	swait.ge [sflag:s4], $0x1000  }
0x2e6: {  	s16 =	sld [smem:$0x7F1]  }
0x2e7: {  	[sflag:s4] =	ssyncset.done $0x0  }
0x2e8: {  	[sflag:s4] =	ssyncadd.s32 $0xFFFFF000  }
0x2e9: {  	[spmem:s16] =	stream.linear.scatter [tilespmem:s6], [sflag:$0x1], $0x1000, $0x38;
	[tilespmem:$0x12908] =	vst v63  }
0x2ea: {  	_ =	swait.ge [sflag:s4], $0x1000  }
0x2eb: {  	s14 =	sld [smem:$0x7F2]  }
0x2ec: {  	[sflag:s4] =	ssyncset.done $0x0  }
0x2ed: {  	[sflag:s4] =	ssyncadd.s32 $0xFFFFF000  }
0x2ee: {  	[spmem:s14] =	stream.linear.scatter [tilespmem:s6], [sflag:$0x1], $0x1000, $0x38;
	[tilespmem:$0x12908] =	vst v63  }
0x2ef: {  	_ =	swait.ge [sflag:s4], $0x1000  }
0x2f0: {  	s16 =	sld [smem:$0x7F3]  }
0x2f1: {  	[sflag:s4] =	ssyncset.done $0x0  }
0x2f2: {  	[sflag:s4] =	ssyncadd.s32 $0xFFFFF000  }
0x2f3: {  	[spmem:s16] =	stream.linear.scatter [tilespmem:s6], [sflag:$0x1], $0x1000, $0x38;
	[tilespmem:$0x12908] =	vst v63  }
0x2f4: {  	_ =	swait.ge [sflag:s4], $0x1000  }
0x2f5: {  	s14 =	sld [smem:$0x7F4]  }
0x2f6: {  	[sflag:s4] =	ssyncset.done $0x0  }
0x2f7: {  	[sflag:s4] =	ssyncadd.s32 $0xFFFFF000  }
0x2f8: {  	[spmem:s14] =	stream.linear.scatter [tilespmem:s6], [sflag:$0x1], $0x1000, $0x38;
	[tilespmem:$0x12908] =	vst v63  }
0x2f9: {  	_ =	swait.ge [sflag:s4], $0x1000  }
0x2fa: {  	s16 =	sld [smem:$0x7F5]  }
0x2fb: {  	[sflag:s4] =	ssyncset.done $0x0  }
0x2fc: {  	[sflag:s4] =	ssyncadd.s32 $0xFFFFF000  }
0x2fd: {  	[spmem:s16] =	stream.linear.scatter [tilespmem:s6], [sflag:$0x1], $0x1000, $0x38;
	[tilespmem:$0x12908] =	vst v63  }
0x2fe: {  	_ =	swait.ge [sflag:s4], $0x1000  }
0x2ff: {  	s14 =	sld [smem:$0x7F6]  }
0x300: {  	[sflag:s4] =	ssyncset.done $0x0  }
0x301: {  	[sflag:s4] =	ssyncadd.s32 $0xFFFFF000  }
0x302: {  	[spmem:s14] =	stream.linear.scatter [tilespmem:s6], [sflag:$0x1], $0x1000, $0x38;
	[tilespmem:$0x12908] =	vst v63  }
0x303: {  	_ =	swait.ge [sflag:s4], $0x1000  }
0x304: {  	s16 =	sld [smem:$0x7F7]  }
0x305: {  	[sflag:s4] =	ssyncset.done $0x0  }
0x306: {  	[sflag:s4] =	ssyncadd.s32 $0xFFFFF000  }
0x307: {  	[spmem:s16] =	stream.linear.scatter [tilespmem:s6], [sflag:$0x1], $0x1000, $0x38;
	[tilespmem:$0x12908] =	vst v63  }
0x308: {  	_ =	swait.ge [sflag:s4], $0x1000  }
0x309: {  	s14 =	sld [smem:$0x7F8]  }
0x30a: {  	[sflag:s4] =	ssyncset.done $0x0  }
0x30b: {  	[sflag:s4] =	ssyncadd.s32 $0xFFFFF000  }
0x30c: {  	[spmem:s14] =	stream.linear.scatter [tilespmem:s6], [sflag:$0x1], $0x1000, $0x38;
	[tilespmem:$0x12908] =	vst v63  }
0x30d: {  	_ =	swait.ge [sflag:s4], $0x1000  }
0x30e: {  	s16 =	sld [smem:$0x7F9]  }
0x30f: {  	[sflag:s4] =	ssyncset.done $0x0  }
0x310: {  	[sflag:s4] =	ssyncadd.s32 $0xFFFFF000  }
0x311: {  	[spmem:s16] =	stream.linear.scatter [tilespmem:s6], [sflag:$0x1], $0x1000, $0x38;
	[tilespmem:$0x12908] =	vst v63  }
0x312: {  	_ =	swait.ge [sflag:s4], $0x1000  }
0x313: {  	s14 =	sld [smem:$0x7FA]  }
0x314: {  	[sflag:s4] =	ssyncset.done $0x0  }
0x315: {  	[sflag:s4] =	ssyncadd.s32 $0xFFFFF000  }
0x316: {  	[spmem:s14] =	stream.linear.scatter [tilespmem:s6], [sflag:$0x1], $0x1000, $0x38;
	[tilespmem:$0x12908] =	vst v63  }
0x317: {  	_ =	swait.ge [sflag:s4], $0x1000  }
0x318: {  	s16 =	sld [smem:$0x7FB]  }
0x319: {  	[sflag:s4] =	ssyncset.done $0x0  }
0x31a: {  	[sflag:s4] =	ssyncadd.s32 $0xFFFFF000  }
0x31b: {  	[spmem:s16] =	stream.linear.scatter [tilespmem:s6], [sflag:$0x1], $0x1000, $0x38;
	[tilespmem:$0x12908] =	vst v63  }
0x31c: {  	_ =	swait.ge [sflag:s4], $0x1000  }
0x31d: {  	s14 =	sld [smem:$0x7FC]  }
0x31e: {  	[sflag:s4] =	ssyncset.done $0x0  }
0x31f: {  	[sflag:s4] =	ssyncadd.s32 $0xFFFFF000  }
0x320: {  	[spmem:s14] =	stream.linear.scatter [tilespmem:s6], [sflag:$0x1], $0x1000, $0x38;
	[tilespmem:$0x12908] =	vst v63  }
0x321: {  	_ =	swait.ge [sflag:s4], $0x1000  }
0x322: {  	s16 =	sld [smem:$0x7FD]  }
0x323: {  	[sflag:s4] =	ssyncset.done $0x0  }
0x324: {  	[sflag:s4] =	ssyncadd.s32 $0xFFFFF000  }
0x325: {  	[spmem:s16] =	stream.linear.scatter [tilespmem:s6], [sflag:$0x1], $0x1000, $0x38;
	[tilespmem:$0x12908] =	vst v63  }
0x326: {  	_ =	swait.ge [sflag:s4], $0x1000  }
0x327: {  	[sflag:s4] =	ssyncset.done $0x0  }
0x328: {  	[sflag:s4] =	ssyncadd.s32 $0xFFFFF000  }
0x329: {  	[spmem:s19] =	stream.linear.scatter [tilespmem:s6], [sflag:$0x1], $0x1000, $0x38;
	[tilespmem:$0x12908] =	vst v63  }
0x32a: {  	_ =	swait.ge [sflag:s4], $0x1000  }
0x32b: {  	[sflag:s4] =	ssyncset.done $0x0  }
0x32c: {  	[sflag:s4] =	ssyncadd.s32 $0xFFFFF000  }
0x32d: {  	[spmem:s1] =	stream.linear.scatter [tilespmem:s6], [sflag:$0x1], $0x1000, $0x38;
	[tilespmem:$0x12908] =	vst v63  }
0x32e: {  	_ =	swait.ge [sflag:s4], $0x1000  }
0x32f: {  	[sflag:s4] =	ssyncset.done $0x0  }
0x330: {  	[sflag:s4] =	ssyncadd.s32 $0xFFFFF000  }
.LBB3_17:
0x331: {  	[bflag:$0x0] =	sbarrier.arrive $0xFFFF  }
0x332: {  	s12 =	simm.s32 $0x0;
	s14 =	rddreg [dreg:$0x19]  }
0x333: {  	[tilespmem:s7], [sflag:$0x1] =	stream.linear.gather [hbm4b:s14+s12], $0x800, $0x38;
	[tilespmem:$0x12908] =	vst v63  }
0x334: {  	_ =	swait.ge [sflag:s4], $0x800  }
0x335: {  	[sflag:s4] =	ssyncset.done $0x0  }
0x336: {  	s12 =	simm.s32 $0x0;
	[sflag:s4] =	ssyncadd.s32 $0xFFFFF800  }
0x337: {  	v2 =	vld [tilespmem:s12+$0x10078]  }
0x338: {  	v3 =	vld [tilespmem:s12+$0x10878]  }
0x339: {  	v4 =	vld [tilespmem:s12+$0x10008]  }
0x33a: {  	v5 =	vld [tilespmem:s12+$0x10018]  }
0x33b: {  	v6 =	vld [tilespmem:s12+$0x10028]  }
0x33c: {  	v7 =	vld [tilespmem:s12+$0x10038]  }
0x33d: {  	v12 =	vld [tilespmem:s12+$0x10048]  }
0x33e: {  	v13 =	vld [tilespmem:s12+$0x10068]  }
0x33f: {  	v14 =	vld [tilespmem:s12+$0x10808]  }
0x340: {  	v15 =	vld [tilespmem:s12+$0x10818];
	v2 =	vshll.u32 v2, $0x7  }
0x341: {  	vm0 =	vlt.s32 v3, $0x80;
	v2 =	vadd.s32 v3, v2;
	v3 =	vld [tilespmem:s12+$0x10058]  }
0x342: {  	v11 =	vld [tilespmem:s12+$0x10828];
	v16 =	vshll.u32 v4, $0x7  }
0x343: {  	v9 =	vld [tilespmem:s12+$0x10838];
	v17 =	vshll.u32 v5, $0x7;
	v10 =	vshll.u32 v6, $0x7;
	v8 =	vshll.u32 v7, $0x7  }
0x344: {  	v6 =	vld [tilespmem:s12+$0x10848];
	v7 =	vadd.s32 v14, v16;
	v2 =	vnsel vm0, $0x100000, v2;
	vm0 =	vlt.s32 v14, $0x80  }
0x345: {  	v4 =	vshll.u32 v12, $0x7;
	v5 =	vld [tilespmem:s12+$0x10858];
	[tilespmem:s12+$0x11078] =	vst v2;
	v2 =	vshll.u32 v13, $0x7;
	v12 =	vnsel vm0, $0x100000, v7  }
0x346: {  	s16 =	simm.s32 $0x400;
	s14 =	simm.s32 $0x80;
	v13 =	vadd.s32 v15, v17;
	vm0 =	vlt.s32 v15, $0x80;
	v7 =	vld [tilespmem:s12+$0x10868];
	v3 =	vshll.u32 v3, $0x7  }
.LBB3_18:
0x347: {  	p1 =	sne.s32 s16, $0x1E00;
	v14 =	vld [tilespmem:s14+$0x10078];
	[tilespmem:s12+$0x11008] =	vst v12;
	v12 =	vnsel vm0, $0x100000, v13;
	v10 =	vadd.s32 v11, v10;
	vm0 =	vlt.s32 v11, $0x80  }
0x348: {  	v11 =	vld [tilespmem:s14+$0x10878];
	[tilespmem:s12+$0x11018] =	vst v12;
	v10 =	vnsel vm0, $0x100000, v10;
	v8 =	vadd.s32 v9, v8;
	vm0 =	vlt.s32 v9, $0x80  }
0x349: {  	v9 =	vld [tilespmem:s14+$0x10008];
	[tilespmem:s12+$0x11028] =	vst v10;
	v8 =	vnsel vm0, $0x100000, v8;
	v4 =	vadd.s32 v6, v4;
	vm0 =	vlt.s32 v6, $0x80  }
0x34a: {  	v6 =	vld [tilespmem:s14+$0x10018];
	[tilespmem:s12+$0x11038] =	vst v8;
	v4 =	vnsel vm0, $0x100000, v4;
	v3 =	vadd.s32 v5, v3;
	vm0 =	vlt.s32 v5, $0x80  }
0x34b: {  	v5 =	vld [tilespmem:s14+$0x10028];
	[tilespmem:s12+$0x11048] =	vst v4;
	v3 =	vnsel vm0, $0x100000, v3;
	v2 =	vadd.s32 v7, v2;
	vm0 =	vlt.s32 v7, $0x80  }
0x34c: {  	v4 =	vld [tilespmem:s14+$0x10038];
	v7 =	vshll.u32 v14, $0x7;
	[tilespmem:s12+$0x11058] =	vst v3;
	v2 =	vnsel vm0, $0x100000, v2  }
0x34d: {  	v3 =	vld [tilespmem:s14+$0x10048];
	v7 =	vadd.s32 v11, v7;
	vm0 =	vlt.s32 v11, $0x80;
	[tilespmem:s12+$0x11068] =	vst v2;
	s12 =	smov.u32 s14  }
0x34e: {  	v12 =	vshll.u32 v9, $0x7;
	v2 =	vld [tilespmem:s12+$0x10058];
	v7 =	vnsel vm0, $0x100000, v7  }
0x34f: {  	v13 =	vshll.u32 v6, $0x7;
	v14 =	vld [tilespmem:s12+$0x10068];
	[tilespmem:s12+$0x11078] =	vst v7  }
0x350: {  	v7 =	vld [tilespmem:s12+$0x10808];
	v10 =	vshll.u32 v5, $0x7  }
0x351: {  	v15 =	vld [tilespmem:s12+$0x10818];
	v8 =	vshll.u32 v4, $0x7  }
.Ltmp8:
0x352: {  	v11 =	vld [tilespmem:s12+$0x10828];
	v4 =	vshll.u32 v3, $0x7;
	(pc) =	sbr.rel @p1 .LBB3_18-.Ltmp8, $4  }
0x353: {  	v9 =	vld [tilespmem:s12+$0x10838];
	v3 =	vshll.u32 v2, $0x7  }
0x354: {  	v6 =	vld [tilespmem:s12+$0x10848];
	v2 =	vshll.u32 v14, $0x7  }
0x355: {  	v12 =	vadd.s32 v7, v12;
	vm0 =	vlt.s32 v7, $0x80;
	v5 =	vld [tilespmem:s12+$0x10858]  }
0x356: {  	s14 =	sshra.s32 s16, $0x2;
	s16 =	sadd.s32 $0x200, s16;
	v12 =	vnsel vm0, $0x100000, v12;
	v13 =	vadd.s32 v15, v13;
	vm0 =	vlt.s32 v15, $0x80;
	v7 =	vld [tilespmem:s12+$0x10868]  }
0x357: {  	v14 =	vld [tilespmem:s14+$0x10078];
	[tilespmem:s12+$0x11008] =	vst v12;
	v53 =	vnsel vm0, $0x100000, v13;
	v10 =	vadd.s32 v11, v10;
	vm15 =	vlt.s32 v11, $0x80  }
0x358: {  	v54 =	vld [tilespmem:s14+$0x10878];
	[tilespmem:s12+$0x11018] =	vst v53;
	v10 =	vnsel vm15, $0x100000, v10;
	v8 =	vadd.s32 v9, v8;
	vm4 =	vlt.s32 v9, $0x80  }
0x359: {  	v55 =	vld [tilespmem:s14+$0x10008];
	[tilespmem:s12+$0x11028] =	vst v10;
	v8 =	vnsel vm4, $0x100000, v8;
	v4 =	vadd.s32 v6, v4;
	vm5 =	vlt.s32 v6, $0x80  }
0x35a: {  	v56 =	vld [tilespmem:s14+$0x10018];
	[tilespmem:s12+$0x11038] =	vst v8;
	v4 =	vnsel vm5, $0x100000, v4;
	v3 =	vadd.s32 v5, v3;
	vm6 =	vlt.s32 v5, $0x80  }
0x35b: {  	v57 =	vld [tilespmem:s14+$0x10028];
	[tilespmem:s12+$0x11048] =	vst v4;
	v3 =	vnsel vm6, $0x100000, v3;
	v2 =	vadd.s32 v7, v2;
	vm7 =	vlt.s32 v7, $0x80  }
0x35c: {  	v4 =	vld [tilespmem:s14+$0x10038];
	[tilespmem:s12+$0x11058] =	vst v3;
	v2 =	vnsel vm7, $0x100000, v2  }
0x35d: {  	v58 =	vshll.u32 v14, $0x7;
	v3 =	vld [tilespmem:s14+$0x10048];
	[tilespmem:s12+$0x11068] =	vst v2  }
0x35e: {  	v2 =	vadd.s32 v54, v58;
	vm8 =	vlt.s32 v54, $0x80;
	v59 =	vld [tilespmem:s14+$0x10058]  }
0x35f: {  	v2 =	vnsel vm8, $0x100000, v2;
	v8 =	vld [tilespmem:s14+$0x10818]  }
0x360: {  	[tilespmem:s14+$0x11078] =	vst v2;
	v2 =	vld [tilespmem:s14+$0x10808]  }
0x361: {  	v10 =	vld [tilespmem:s14+$0x10828]  }
0x362: {  	v12 =	vld [tilespmem:s14+$0x10838]  }
0x363: {  	v11 =	vshll.u32 v55, $0x7;
	v61 =	vld [tilespmem:s14+$0x10848];
	v9 =	vshll.u32 v56, $0x7;
	v6 =	vshll.u32 v57, $0x7  }
0x364: {  	v60 =	vld [tilespmem:s14+$0x10068];
	v4 =	vshll.u32 v4, $0x7;
	v3 =	vshll.u32 v3, $0x7;
	v9 =	vadd.s32 v8, v9  }
0x365: {  	vm10 =	vlt.s32 v8, $0x80;
	v11 =	vadd.s32 v2, v11;
	vm9 =	vlt.s32 v2, $0x80;
	v2 =	vld [tilespmem:s14+$0x10858]  }
0x366: {  	v62 =	vld [tilespmem:s14+$0x10868];
	v6 =	vadd.s32 v10, v6;
	vm11 =	vlt.s32 v10, $0x80;
	v9 =	vnsel vm10, $0x100000, v9  }
0x367: {  	v4 =	vadd.s32 v12, v4;
	vm12 =	vlt.s32 v12, $0x80;
	v6 =	vnsel vm11, $0x100000, v6;
	[tilespmem:s14+$0x11018] =	vst v9  }
0x368: {  	v3 =	vadd.s32 v61, v3;
	vm13 =	vlt.s32 v61, $0x80;
	v4 =	vnsel vm12, $0x100000, v4;
	[tilespmem:s14+$0x11028] =	vst v6  }
0x369: {  	v5 =	vshll.u32 v59, $0x7;
	v7 =	vshll.u32 v60, $0x7;
	v3 =	vnsel vm13, $0x100000, v3;
	[tilespmem:s14+$0x11038] =	vst v4  }
0x36a: {  	v11 =	vnsel vm9, $0x100000, v11;
	[tilespmem:s14+$0x11048] =	vst v3;
	v63 =	vadd.s32 v2, v5;
	vm14 =	vlt.s32 v2, $0x80  }
0x36b: {  	vm15 =	vlt.s32 v62, $0x80;
	v3 =	vadd.s32 v62, v7;
	[tilespmem:s14+$0x11008] =	vst v11;
	v2 =	vnsel vm14, $0x100000, v63  }
0x36c: {  	[tilespmem:s14+$0x11058] =	vst v2;
	v2 =	vnsel vm15, $0x100000, v3  }
0x36d: {  	[tilespmem:s14+$0x11068] =	vst v2  }
0x36e: {  	[spmem:s3] =	stream.indirect.scatter.add.f32 [tilespmem:s13], [sflag:$0x1], $0x1, s11, s9, $0xb8;
	[tilespmem:$0x12908] =	vst v63  }
0x36f: {  	_ =	swait.ge [sflag:s4], $0x80  }
0x370: {  	[sflag:s4] =	ssyncset.done $0x0  }
0x371: {  	[sflag:s4] =	ssyncadd.s32 $0xFFFFFF80  }
0x372: {  	[spmem:s3] =	stream.indirect.scatter.add.f32 [tilespmem:s13], [sflag:$0x1], $0x1, s15, s9, $0xb8;
	[tilespmem:$0x12908] =	vst v63  }
0x373: {  	_ =	swait.ge [sflag:s4], $0x80  }
0x374: {  	[sflag:s4] =	ssyncset.done $0x0  }
0x375: {  	[sflag:s4] =	ssyncadd.s32 $0xFFFFFF80  }
0x376: {  	[spmem:s3] =	stream.indirect.scatter.add.f32 [tilespmem:s13], [sflag:$0x1], $0x1, s17, s9, $0xb8;
	[tilespmem:$0x12908] =	vst v63  }
0x377: {  	_ =	swait.ge [sflag:s4], $0x80  }
0x378: {  	[sflag:s4] =	ssyncset.done $0x0  }
0x379: {  	[sflag:s4] =	ssyncadd.s32 $0xFFFFFF80  }
0x37a: {  	[spmem:s3] =	stream.indirect.scatter.add.f32 [tilespmem:s13], [sflag:$0x1], $0x1, s18, s9, $0xb8;
	[tilespmem:$0x12908] =	vst v63  }
0x37b: {  	_ =	swait.ge [sflag:s4], $0x80  }
0x37c: {  	[sflag:s4] =	ssyncset.done $0x0  }
0x37d: {  	[sflag:s4] =	ssyncadd.s32 $0xFFFFFF80  }
0x37e: {  	[spmem:s3] =	stream.indirect.scatter.add.f32 [tilespmem:s13], [sflag:$0x1], $0x1, s20, s9, $0xb8;
	[tilespmem:$0x12908] =	vst v63  }
0x37f: {  	_ =	swait.ge [sflag:s4], $0x80  }
0x380: {  	[sflag:s4] =	ssyncset.done $0x0  }
0x381: {  	[sflag:s4] =	ssyncadd.s32 $0xFFFFFF80  }
0x382: {  	[spmem:s3] =	stream.indirect.scatter.add.f32 [tilespmem:s13], [sflag:$0x1], $0x1, s21, s9, $0xb8;
	[tilespmem:$0x12908] =	vst v63  }
0x383: {  	_ =	swait.ge [sflag:s4], $0x80  }
0x384: {  	[sflag:s4] =	ssyncset.done $0x0  }
0x385: {  	[sflag:s4] =	ssyncadd.s32 $0xFFFFFF80  }
0x386: {  	[spmem:s3] =	stream.indirect.scatter.add.f32 [tilespmem:s13], [sflag:$0x1], $0x1, s22, s9, $0xb8;
	[tilespmem:$0x12908] =	vst v63  }
0x387: {  	_ =	swait.ge [sflag:s4], $0x80  }
0x388: {  	[sflag:s4] =	ssyncset.done $0x0  }
0x389: {  	[sflag:s4] =	ssyncadd.s32 $0xFFFFFF80  }
0x38a: {  	[spmem:s3] =	stream.indirect.scatter.add.f32 [tilespmem:s13], [sflag:$0x1], $0x1, s5, s9, $0xb8;
	[tilespmem:$0x12908] =	vst v63  }
0x38b: {  	_ =	swait.ge [sflag:s4], $0x80  }
0x38c: {  	[sflag:s4] =	ssyncset.done $0x0  }
0x38d: {  	[sflag:s4] =	ssyncadd.s32 $0xFFFFFF80  }
0x38e: {  	[spmem:s3] =	stream.indirect.scatter.add.f32 [tilespmem:s13], [sflag:$0x1], $0x1, s2, s9, $0xb8;
	[tilespmem:$0x12908] =	vst v63  }
0x38f: {  	_ =	swait.ge [sflag:s4], $0x80  }
0x390: {  	[sflag:s4] =	ssyncset.done $0x0  }
0x391: {  	[sflag:s4] =	ssyncadd.s32 $0xFFFFFF80  }
0x392: {  	[spmem:s3] =	stream.indirect.scatter.add.f32 [tilespmem:s13], [sflag:$0x1], $0x1, s23, s9, $0xb8;
	[tilespmem:$0x12908] =	vst v63  }
0x393: {  	_ =	swait.ge [sflag:s4], $0x80  }
0x394: {  	[sflag:s4] =	ssyncset.done $0x0  }
0x395: {  	[sflag:s4] =	ssyncadd.s32 $0xFFFFFF80  }
0x396: {  	[spmem:s3] =	stream.indirect.scatter.add.f32 [tilespmem:s13], [sflag:$0x1], $0x1, s24, s9, $0xb8;
	[tilespmem:$0x12908] =	vst v63  }
0x397: {  	_ =	swait.ge [sflag:s4], $0x80  }
0x398: {  	[sflag:s4] =	ssyncset.done $0x0  }
0x399: {  	[sflag:s4] =	ssyncadd.s32 $0xFFFFFF80  }
0x39a: {  	[spmem:s3] =	stream.indirect.scatter.add.f32 [tilespmem:s13], [sflag:$0x1], $0x1, s25, s9, $0xb8;
	[tilespmem:$0x12908] =	vst v63  }
0x39b: {  	_ =	swait.ge [sflag:s4], $0x80  }
0x39c: {  	[sflag:s4] =	ssyncset.done $0x0  }
0x39d: {  	[sflag:s4] =	ssyncadd.s32 $0xFFFFFF80  }
0x39e: {  	[spmem:s3] =	stream.indirect.scatter.add.f32 [tilespmem:s13], [sflag:$0x1], $0x1, s26, s9, $0xb8;
	[tilespmem:$0x12908] =	vst v63  }
0x39f: {  	_ =	swait.ge [sflag:s4], $0x80  }
0x3a0: {  	[sflag:s4] =	ssyncset.done $0x0  }
0x3a1: {  	[sflag:s4] =	ssyncadd.s32 $0xFFFFFF80  }
0x3a2: {  	[spmem:s3] =	stream.indirect.scatter.add.f32 [tilespmem:s13], [sflag:$0x1], $0x1, s28, s9, $0xb8;
	[tilespmem:$0x12908] =	vst v63  }
0x3a3: {  	_ =	swait.ge [sflag:s4], $0x80  }
0x3a4: {  	[sflag:s4] =	ssyncset.done $0x0  }
0x3a5: {  	[sflag:s4] =	ssyncadd.s32 $0xFFFFFF80  }
0x3a6: {  	[spmem:s3] =	stream.indirect.scatter.add.f32 [tilespmem:s13], [sflag:$0x1], $0x1, s29, s9, $0xb8;
	[tilespmem:$0x12908] =	vst v63  }
0x3a7: {  	_ =	swait.ge [sflag:s4], $0x80  }
0x3a8: {  	[sflag:s4] =	ssyncset.done $0x0  }
0x3a9: {  	[sflag:s4] =	ssyncadd.s32 $0xFFFFFF80  }
0x3aa: {  	[spmem:s3] =	stream.indirect.scatter.add.f32 [tilespmem:s13], [sflag:$0x1], $0x1, s30, s9, $0xb8;
	[tilespmem:$0x12908] =	vst v63  }
.Ltmp9:
0x3ab: {  	_ =	swait.ge [sflag:s4], $0x80;
	(pc) =	sbr.rel @!p0 .LBB3_21-.Ltmp9, $3  }
0x3ac: {  	[sflag:s4] =	ssyncset.done $0x0  }
0x3ad: {  	[sflag:s4] =	ssyncadd.s32 $0xFFFFFF80  }
0x3ae: {  	[bflag:$0x0] =	sbarrier.arrive $0xFFFF;
	_ =	sdelay $0x1  }
0x3af: {  	s12 =	rddreg [dreg:$0x1a]  }
0x3b0: {  	[hbm:s12], [sflag:s10] =	dma.local [spmem:s0], $0x2000  }
0x3b1: {  	_ =	swait.ge [sflag:s4], $0x2000  }
0x3b2: {  	[sflag:s4] =	ssyncset.done $0x0  }
0x3b3: {  	[sflag:s4] =	ssyncadd.s32 $0xFFFFE000  }
0x3b4: {  	[spmem:s8] =	stream.linear.scatter [tilespmem:s6], [sflag:$0x1], $0x1000, $0x38;
	[tilespmem:$0x12908] =	vst v63  }
0x3b5: {  	_ =	swait.ge [sflag:s4], $0x1000  }
0x3b6: {  	s16 =	sld [smem:$0x7F1]  }
0x3b7: {  	[sflag:s4] =	ssyncset.done $0x0  }
0x3b8: {  	[sflag:s4] =	ssyncadd.s32 $0xFFFFF000  }
0x3b9: {  	[spmem:s16] =	stream.linear.scatter [tilespmem:s6], [sflag:$0x1], $0x1000, $0x38;
	[tilespmem:$0x12908] =	vst v63  }
0x3ba: {  	_ =	swait.ge [sflag:s4], $0x1000  }
0x3bb: {  	s14 =	sld [smem:$0x7F2]  }
0x3bc: {  	[sflag:s4] =	ssyncset.done $0x0  }
0x3bd: {  	[sflag:s4] =	ssyncadd.s32 $0xFFFFF000  }
0x3be: {  	[spmem:s14] =	stream.linear.scatter [tilespmem:s6], [sflag:$0x1], $0x1000, $0x38;
	[tilespmem:$0x12908] =	vst v63  }
0x3bf: {  	_ =	swait.ge [sflag:s4], $0x1000  }
0x3c0: {  	s16 =	sld [smem:$0x7F3]  }
0x3c1: {  	[sflag:s4] =	ssyncset.done $0x0  }
0x3c2: {  	[sflag:s4] =	ssyncadd.s32 $0xFFFFF000  }
0x3c3: {  	[spmem:s16] =	stream.linear.scatter [tilespmem:s6], [sflag:$0x1], $0x1000, $0x38;
	[tilespmem:$0x12908] =	vst v63  }
0x3c4: {  	_ =	swait.ge [sflag:s4], $0x1000  }
0x3c5: {  	s14 =	sld [smem:$0x7F4]  }
0x3c6: {  	[sflag:s4] =	ssyncset.done $0x0  }
0x3c7: {  	[sflag:s4] =	ssyncadd.s32 $0xFFFFF000  }
0x3c8: {  	[spmem:s14] =	stream.linear.scatter [tilespmem:s6], [sflag:$0x1], $0x1000, $0x38;
	[tilespmem:$0x12908] =	vst v63  }
0x3c9: {  	_ =	swait.ge [sflag:s4], $0x1000  }
0x3ca: {  	s16 =	sld [smem:$0x7F5]  }
0x3cb: {  	[sflag:s4] =	ssyncset.done $0x0  }
0x3cc: {  	[sflag:s4] =	ssyncadd.s32 $0xFFFFF000  }
0x3cd: {  	[spmem:s16] =	stream.linear.scatter [tilespmem:s6], [sflag:$0x1], $0x1000, $0x38;
	[tilespmem:$0x12908] =	vst v63  }
0x3ce: {  	_ =	swait.ge [sflag:s4], $0x1000  }
0x3cf: {  	s14 =	sld [smem:$0x7F6]  }
0x3d0: {  	[sflag:s4] =	ssyncset.done $0x0  }
0x3d1: {  	[sflag:s4] =	ssyncadd.s32 $0xFFFFF000  }
0x3d2: {  	[spmem:s14] =	stream.linear.scatter [tilespmem:s6], [sflag:$0x1], $0x1000, $0x38;
	[tilespmem:$0x12908] =	vst v63  }
0x3d3: {  	_ =	swait.ge [sflag:s4], $0x1000  }
0x3d4: {  	s16 =	sld [smem:$0x7F7]  }
0x3d5: {  	[sflag:s4] =	ssyncset.done $0x0  }
0x3d6: {  	[sflag:s4] =	ssyncadd.s32 $0xFFFFF000  }
0x3d7: {  	[spmem:s16] =	stream.linear.scatter [tilespmem:s6], [sflag:$0x1], $0x1000, $0x38;
	[tilespmem:$0x12908] =	vst v63  }
0x3d8: {  	_ =	swait.ge [sflag:s4], $0x1000  }
0x3d9: {  	s14 =	sld [smem:$0x7F8]  }
0x3da: {  	[sflag:s4] =	ssyncset.done $0x0  }
0x3db: {  	[sflag:s4] =	ssyncadd.s32 $0xFFFFF000  }
0x3dc: {  	[spmem:s14] =	stream.linear.scatter [tilespmem:s6], [sflag:$0x1], $0x1000, $0x38;
	[tilespmem:$0x12908] =	vst v63  }
0x3dd: {  	_ =	swait.ge [sflag:s4], $0x1000  }
0x3de: {  	s16 =	sld [smem:$0x7F9]  }
0x3df: {  	[sflag:s4] =	ssyncset.done $0x0  }
0x3e0: {  	[sflag:s4] =	ssyncadd.s32 $0xFFFFF000  }
0x3e1: {  	[spmem:s16] =	stream.linear.scatter [tilespmem:s6], [sflag:$0x1], $0x1000, $0x38;
	[tilespmem:$0x12908] =	vst v63  }
0x3e2: {  	_ =	swait.ge [sflag:s4], $0x1000  }
0x3e3: {  	s14 =	sld [smem:$0x7FA]  }
0x3e4: {  	[sflag:s4] =	ssyncset.done $0x0  }
0x3e5: {  	[sflag:s4] =	ssyncadd.s32 $0xFFFFF000  }
0x3e6: {  	[spmem:s14] =	stream.linear.scatter [tilespmem:s6], [sflag:$0x1], $0x1000, $0x38;
	[tilespmem:$0x12908] =	vst v63  }
0x3e7: {  	_ =	swait.ge [sflag:s4], $0x1000  }
0x3e8: {  	s16 =	sld [smem:$0x7FB]  }
0x3e9: {  	[sflag:s4] =	ssyncset.done $0x0  }
0x3ea: {  	[sflag:s4] =	ssyncadd.s32 $0xFFFFF000  }
0x3eb: {  	[spmem:s16] =	stream.linear.scatter [tilespmem:s6], [sflag:$0x1], $0x1000, $0x38;
	[tilespmem:$0x12908] =	vst v63  }
0x3ec: {  	_ =	swait.ge [sflag:s4], $0x1000  }
0x3ed: {  	s14 =	sld [smem:$0x7FC]  }
0x3ee: {  	[sflag:s4] =	ssyncset.done $0x0  }
0x3ef: {  	[sflag:s4] =	ssyncadd.s32 $0xFFFFF000  }
0x3f0: {  	[spmem:s14] =	stream.linear.scatter [tilespmem:s6], [sflag:$0x1], $0x1000, $0x38;
	[tilespmem:$0x12908] =	vst v63  }
0x3f1: {  	_ =	swait.ge [sflag:s4], $0x1000  }
0x3f2: {  	s16 =	sld [smem:$0x7FD]  }
0x3f3: {  	[sflag:s4] =	ssyncset.done $0x0  }
0x3f4: {  	[sflag:s4] =	ssyncadd.s32 $0xFFFFF000  }
0x3f5: {  	[spmem:s16] =	stream.linear.scatter [tilespmem:s6], [sflag:$0x1], $0x1000, $0x38;
	[tilespmem:$0x12908] =	vst v63  }
0x3f6: {  	_ =	swait.ge [sflag:s4], $0x1000  }
0x3f7: {  	[sflag:s4] =	ssyncset.done $0x0  }
0x3f8: {  	[sflag:s4] =	ssyncadd.s32 $0xFFFFF000  }
0x3f9: {  	[spmem:s19] =	stream.linear.scatter [tilespmem:s6], [sflag:$0x1], $0x1000, $0x38;
	[tilespmem:$0x12908] =	vst v63  }
0x3fa: {  	_ =	swait.ge [sflag:s4], $0x1000  }
0x3fb: {  	[sflag:s4] =	ssyncset.done $0x0  }
0x3fc: {  	[sflag:s4] =	ssyncadd.s32 $0xFFFFF000  }
0x3fd: {  	[spmem:s1] =	stream.linear.scatter [tilespmem:s6], [sflag:$0x1], $0x1000, $0x38;
	[tilespmem:$0x12908] =	vst v63  }
0x3fe: {  	_ =	swait.ge [sflag:s4], $0x1000  }
0x3ff: {  	[sflag:s4] =	ssyncset.done $0x0  }
0x400: {  	[sflag:s4] =	ssyncadd.s32 $0xFFFFF000  }
.LBB3_21:
0x401: {  	[bflag:$0x0] =	sbarrier.arrive $0xFFFF  }
0x402: {  	s12 =	simm.s32 $0x0;
	s14 =	rddreg [dreg:$0x1b]  }
0x403: {  	[tilespmem:s7], [sflag:$0x1] =	stream.linear.gather [hbm4b:s14+s12], $0x800, $0x38;
	[tilespmem:$0x12908] =	vst v63  }
0x404: {  	_ =	swait.ge [sflag:s4], $0x800  }
0x405: {  	[sflag:s4] =	ssyncset.done $0x0  }
0x406: {  	s12 =	simm.s32 $0x0;
	[sflag:s4] =	ssyncadd.s32 $0xFFFFF800  }
0x407: {  	v2 =	vld [tilespmem:s12+$0x10078]  }
0x408: {  	v3 =	vld [tilespmem:s12+$0x10878]  }
0x409: {  	v4 =	vld [tilespmem:s12+$0x10008]  }
0x40a: {  	v5 =	vld [tilespmem:s12+$0x10018]  }
0x40b: {  	v6 =	vld [tilespmem:s12+$0x10028]  }
0x40c: {  	v8 =	vld [tilespmem:s12+$0x10038]  }
0x40d: {  	v11 =	vld [tilespmem:s12+$0x10048]  }
0x40e: {  	v10 =	vld [tilespmem:s12+$0x10808]  }
0x40f: {  	v12 =	vld [tilespmem:s12+$0x10818];
	v2 =	vshll.u32 v2, $0x7  }
0x410: {  	v2 =	vadd.s32 v3, v2;
	v3 =	vld [tilespmem:s12+$0x10058]  }
0x411: {  	[tilespmem:s12+$0x11078] =	vst v2;
	v2 =	vld [tilespmem:s12+$0x10068]  }
0x412: {  	v9 =	vld [tilespmem:s12+$0x10828]  }
0x413: {  	v7 =	vld [tilespmem:s12+$0x10838]  }
0x414: {  	v13 =	vshll.u32 v4, $0x7;
	v4 =	vld [tilespmem:s12+$0x10848];
	v14 =	vshll.u32 v5, $0x7;
	v8 =	vshll.u32 v8, $0x7  }
0x415: {  	v5 =	vld [tilespmem:s12+$0x10858];
	v13 =	vadd.s32 v10, v13;
	v10 =	vshll.u32 v6, $0x7;
	v6 =	vshll.u32 v11, $0x7  }
0x416: {  	s16 =	simm.s32 $0x400;
	s14 =	simm.s32 $0x80;
	v12 =	vadd.s32 v12, v14;
	v11 =	vld [tilespmem:s12+$0x10868];
	[tilespmem:s12+$0x11008] =	vst v13;
	v3 =	vshll.u32 v3, $0x7;
	v2 =	vshll.u32 v2, $0x7  }
.LBB3_22:
0x417: {  	p1 =	sne.s32 s16, $0x1E00;
	v13 =	vld [tilespmem:s14+$0x10078];
	[tilespmem:s12+$0x11018] =	vst v12;
	v9 =	vadd.s32 v9, v10  }
0x418: {  	v10 =	vld [tilespmem:s14+$0x10878];
	[tilespmem:s12+$0x11028] =	vst v9;
	v7 =	vadd.s32 v7, v8  }
0x419: {  	v8 =	vld [tilespmem:s14+$0x10008];
	[tilespmem:s12+$0x11038] =	vst v7;
	v4 =	vadd.s32 v4, v6  }
0x41a: {  	v6 =	vld [tilespmem:s14+$0x10018];
	[tilespmem:s12+$0x11048] =	vst v4;
	v3 =	vadd.s32 v5, v3  }
0x41b: {  	v4 =	vld [tilespmem:s14+$0x10028];
	[tilespmem:s12+$0x11058] =	vst v3;
	v2 =	vadd.s32 v11, v2  }
0x41c: {  	v3 =	vld [tilespmem:s14+$0x10038];
	v5 =	vshll.u32 v13, $0x7;
	[tilespmem:s12+$0x11068] =	vst v2;
	s12 =	smov.u32 s14  }
0x41d: {  	v2 =	vld [tilespmem:s12+$0x10048];
	v5 =	vadd.s32 v10, v5  }
0x41e: {  	v11 =	vshll.u32 v8, $0x7;
	v12 =	vld [tilespmem:s12+$0x10058];
	[tilespmem:s12+$0x11078] =	vst v5  }
0x41f: {  	v13 =	vshll.u32 v6, $0x7;
	v5 =	vld [tilespmem:s12+$0x10068]  }
0x420: {  	v14 =	vld [tilespmem:s12+$0x10808];
	v10 =	vshll.u32 v4, $0x7  }
0x421: {  	v15 =	vld [tilespmem:s12+$0x10818];
	v8 =	vshll.u32 v3, $0x7  }
.Ltmp10:
0x422: {  	v9 =	vld [tilespmem:s12+$0x10828];
	v6 =	vshll.u32 v2, $0x7;
	(pc) =	sbr.rel @p1 .LBB3_22-.Ltmp10, $4  }
0x423: {  	v7 =	vld [tilespmem:s12+$0x10838];
	v3 =	vshll.u32 v12, $0x7  }
0x424: {  	v4 =	vld [tilespmem:s12+$0x10848];
	v2 =	vshll.u32 v5, $0x7  }
0x425: {  	v11 =	vadd.s32 v14, v11;
	v5 =	vld [tilespmem:s12+$0x10858]  }
0x426: {  	s14 =	sshra.s32 s16, $0x2;
	s16 =	sadd.s32 $0x200, s16;
	[tilespmem:s12+$0x11008] =	vst v11;
	v12 =	vadd.s32 v15, v13;
	v11 =	vld [tilespmem:s12+$0x10868]  }
0x427: {  	v13 =	vld [tilespmem:s14+$0x10078];
	[tilespmem:s12+$0x11018] =	vst v12;
	v9 =	vadd.s32 v9, v10  }
0x428: {  	v10 =	vld [tilespmem:s14+$0x10878];
	[tilespmem:s12+$0x11028] =	vst v9;
	v7 =	vadd.s32 v7, v8  }
0x429: {  	v8 =	vld [tilespmem:s14+$0x10008];
	[tilespmem:s12+$0x11038] =	vst v7;
	v4 =	vadd.s32 v4, v6  }
0x42a: {  	v6 =	vld [tilespmem:s14+$0x10018];
	[tilespmem:s12+$0x11048] =	vst v4;
	v3 =	vadd.s32 v5, v3  }
0x42b: {  	v4 =	vld [tilespmem:s14+$0x10028];
	[tilespmem:s12+$0x11058] =	vst v3;
	v2 =	vadd.s32 v11, v2  }
0x42c: {  	v3 =	vld [tilespmem:s14+$0x10038];
	[tilespmem:s12+$0x11068] =	vst v2  }
0x42d: {  	v5 =	vld [tilespmem:s14+$0x10048]  }
0x42e: {  	v7 =	vld [tilespmem:s14+$0x10058]  }
0x42f: {  	v2 =	vshll.u32 v13, $0x7;
	v9 =	vld [tilespmem:s14+$0x10808]  }
0x430: {  	v2 =	vadd.s32 v10, v2;
	v10 =	vld [tilespmem:s14+$0x10818]  }
0x431: {  	v11 =	vld [tilespmem:s14+$0x10828]  }
0x432: {  	v12 =	vld [tilespmem:s14+$0x10838]  }
0x433: {  	v13 =	vld [tilespmem:s14+$0x10848]  }
0x434: {  	[tilespmem:s14+$0x11078] =	vst v2;
	v2 =	vld [tilespmem:s14+$0x10068];
	v8 =	vshll.u32 v8, $0x7  }
0x435: {  	v6 =	vshll.u32 v6, $0x7;
	v8 =	vadd.s32 v9, v8;
	v9 =	vld [tilespmem:s14+$0x10858]  }
0x436: {  	v4 =	vshll.u32 v4, $0x7;
	v6 =	vadd.s32 v10, v6;
	[tilespmem:s14+$0x11008] =	vst v8;
	v8 =	vld [tilespmem:s14+$0x10868]  }
0x437: {  	v3 =	vshll.u32 v3, $0x7;
	v4 =	vadd.s32 v11, v4;
	[tilespmem:s14+$0x11018] =	vst v6  }
0x438: {  	v5 =	vshll.u32 v5, $0x7;
	v3 =	vadd.s32 v12, v3;
	[tilespmem:s14+$0x11028] =	vst v4  }
0x439: {  	v4 =	vshll.u32 v7, $0x7;
	[tilespmem:s14+$0x11038] =	vst v3;
	v3 =	vadd.s32 v13, v5  }
0x43a: {  	v2 =	vshll.u32 v2, $0x7;
	[tilespmem:s14+$0x11048] =	vst v3;
	v3 =	vadd.s32 v9, v4  }
0x43b: {  	[tilespmem:s14+$0x11058] =	vst v3;
	v2 =	vadd.s32 v8, v2  }
0x43c: {  	[tilespmem:s14+$0x11068] =	vst v2  }
0x43d: {  	[spmem:s3] =	stream.indirect.scatter.add.f32 [tilespmem:s13], [sflag:$0x1], $0x1, s11, s9, $0xb8;
	[tilespmem:$0x12908] =	vst v63  }
0x43e: {  	_ =	swait.ge [sflag:s4], $0x80  }
0x43f: {  	[sflag:s4] =	ssyncset.done $0x0  }
0x440: {  	[sflag:s4] =	ssyncadd.s32 $0xFFFFFF80  }
0x441: {  	[spmem:s3] =	stream.indirect.scatter.add.f32 [tilespmem:s13], [sflag:$0x1], $0x1, s15, s9, $0xb8;
	[tilespmem:$0x12908] =	vst v63  }
0x442: {  	_ =	swait.ge [sflag:s4], $0x80  }
0x443: {  	[sflag:s4] =	ssyncset.done $0x0  }
0x444: {  	[sflag:s4] =	ssyncadd.s32 $0xFFFFFF80  }
0x445: {  	[spmem:s3] =	stream.indirect.scatter.add.f32 [tilespmem:s13], [sflag:$0x1], $0x1, s17, s9, $0xb8;
	[tilespmem:$0x12908] =	vst v63  }
0x446: {  	_ =	swait.ge [sflag:s4], $0x80  }
0x447: {  	[sflag:s4] =	ssyncset.done $0x0  }
0x448: {  	[sflag:s4] =	ssyncadd.s32 $0xFFFFFF80  }
0x449: {  	[spmem:s3] =	stream.indirect.scatter.add.f32 [tilespmem:s13], [sflag:$0x1], $0x1, s18, s9, $0xb8;
	[tilespmem:$0x12908] =	vst v63  }
0x44a: {  	_ =	swait.ge [sflag:s4], $0x80  }
0x44b: {  	[sflag:s4] =	ssyncset.done $0x0  }
0x44c: {  	[sflag:s4] =	ssyncadd.s32 $0xFFFFFF80  }
0x44d: {  	[spmem:s3] =	stream.indirect.scatter.add.f32 [tilespmem:s13], [sflag:$0x1], $0x1, s20, s9, $0xb8;
	[tilespmem:$0x12908] =	vst v63  }
0x44e: {  	_ =	swait.ge [sflag:s4], $0x80  }
0x44f: {  	[sflag:s4] =	ssyncset.done $0x0  }
0x450: {  	[sflag:s4] =	ssyncadd.s32 $0xFFFFFF80  }
0x451: {  	[spmem:s3] =	stream.indirect.scatter.add.f32 [tilespmem:s13], [sflag:$0x1], $0x1, s21, s9, $0xb8;
	[tilespmem:$0x12908] =	vst v63  }
0x452: {  	_ =	swait.ge [sflag:s4], $0x80  }
0x453: {  	[sflag:s4] =	ssyncset.done $0x0  }
0x454: {  	[sflag:s4] =	ssyncadd.s32 $0xFFFFFF80  }
0x455: {  	[spmem:s3] =	stream.indirect.scatter.add.f32 [tilespmem:s13], [sflag:$0x1], $0x1, s22, s9, $0xb8;
	[tilespmem:$0x12908] =	vst v63  }
0x456: {  	_ =	swait.ge [sflag:s4], $0x80  }
0x457: {  	[sflag:s4] =	ssyncset.done $0x0  }
0x458: {  	[sflag:s4] =	ssyncadd.s32 $0xFFFFFF80  }
0x459: {  	[spmem:s3] =	stream.indirect.scatter.add.f32 [tilespmem:s13], [sflag:$0x1], $0x1, s5, s9, $0xb8;
	[tilespmem:$0x12908] =	vst v63  }
0x45a: {  	_ =	swait.ge [sflag:s4], $0x80  }
0x45b: {  	[sflag:s4] =	ssyncset.done $0x0  }
0x45c: {  	[sflag:s4] =	ssyncadd.s32 $0xFFFFFF80  }
0x45d: {  	[spmem:s3] =	stream.indirect.scatter.add.f32 [tilespmem:s13], [sflag:$0x1], $0x1, s2, s9, $0xb8;
	[tilespmem:$0x12908] =	vst v63  }
0x45e: {  	_ =	swait.ge [sflag:s4], $0x80  }
0x45f: {  	[sflag:s4] =	ssyncset.done $0x0  }
0x460: {  	[sflag:s4] =	ssyncadd.s32 $0xFFFFFF80  }
0x461: {  	[spmem:s3] =	stream.indirect.scatter.add.f32 [tilespmem:s13], [sflag:$0x1], $0x1, s23, s9, $0xb8;
	[tilespmem:$0x12908] =	vst v63  }
0x462: {  	_ =	swait.ge [sflag:s4], $0x80  }
0x463: {  	[sflag:s4] =	ssyncset.done $0x0  }
0x464: {  	[sflag:s4] =	ssyncadd.s32 $0xFFFFFF80  }
0x465: {  	[spmem:s3] =	stream.indirect.scatter.add.f32 [tilespmem:s13], [sflag:$0x1], $0x1, s24, s9, $0xb8;
	[tilespmem:$0x12908] =	vst v63  }
0x466: {  	_ =	swait.ge [sflag:s4], $0x80  }
0x467: {  	[sflag:s4] =	ssyncset.done $0x0  }
0x468: {  	[sflag:s4] =	ssyncadd.s32 $0xFFFFFF80  }
0x469: {  	[spmem:s3] =	stream.indirect.scatter.add.f32 [tilespmem:s13], [sflag:$0x1], $0x1, s25, s9, $0xb8;
	[tilespmem:$0x12908] =	vst v63  }
0x46a: {  	_ =	swait.ge [sflag:s4], $0x80  }
0x46b: {  	[sflag:s4] =	ssyncset.done $0x0  }
0x46c: {  	[sflag:s4] =	ssyncadd.s32 $0xFFFFFF80  }
0x46d: {  	[spmem:s3] =	stream.indirect.scatter.add.f32 [tilespmem:s13], [sflag:$0x1], $0x1, s26, s9, $0xb8;
	[tilespmem:$0x12908] =	vst v63  }
0x46e: {  	_ =	swait.ge [sflag:s4], $0x80  }
0x46f: {  	[sflag:s4] =	ssyncset.done $0x0  }
0x470: {  	[sflag:s4] =	ssyncadd.s32 $0xFFFFFF80  }
0x471: {  	[spmem:s3] =	stream.indirect.scatter.add.f32 [tilespmem:s13], [sflag:$0x1], $0x1, s28, s9, $0xb8;
	[tilespmem:$0x12908] =	vst v63  }
0x472: {  	_ =	swait.ge [sflag:s4], $0x80  }
0x473: {  	[sflag:s4] =	ssyncset.done $0x0  }
0x474: {  	[sflag:s4] =	ssyncadd.s32 $0xFFFFFF80  }
0x475: {  	[spmem:s3] =	stream.indirect.scatter.add.f32 [tilespmem:s13], [sflag:$0x1], $0x1, s29, s9, $0xb8;
	[tilespmem:$0x12908] =	vst v63  }
0x476: {  	_ =	swait.ge [sflag:s4], $0x80  }
0x477: {  	[sflag:s4] =	ssyncset.done $0x0  }
0x478: {  	[sflag:s4] =	ssyncadd.s32 $0xFFFFFF80  }
0x479: {  	[spmem:s3] =	stream.indirect.scatter.add.f32 [tilespmem:s13], [sflag:$0x1], $0x1, s30, s9, $0xb8;
	[tilespmem:$0x12908] =	vst v63  }
0x47a: {  	_ =	swait.ge [sflag:s4], $0x80  }
0x47b: {  	[sflag:s4] =	ssyncset.done $0x0  }
0x47c: {  	s14 =	simm.s32 $0x0;
	s16 =	rddreg [dreg:$0x1c];
	[sflag:s4] =	ssyncadd.s32 $0xFFFFFF80  }
0x47d: {  	[tilespmem:s7], [sflag:$0x1] =	stream.linear.gather [hbm4b:s16+s14], $0x800, $0x38;
	[tilespmem:$0x12908] =	vst v63  }
0x47e: {  	_ =	swait.ge [sflag:s4], $0x800  }
0x47f: {  	[sflag:s4] =	ssyncset.done $0x0  }
0x480: {  	s12 =	simm.s32 $0x0;
	[sflag:s4] =	ssyncadd.s32 $0xFFFFF800  }
0x481: {  	v2 =	vld [tilespmem:s12+$0x10078]  }
0x482: {  	v3 =	vld [tilespmem:s12+$0x10878]  }
0x483: {  	v4 =	vld [tilespmem:s12+$0x10008]  }
0x484: {  	v5 =	vld [tilespmem:s12+$0x10018]  }
0x485: {  	v6 =	vld [tilespmem:s12+$0x10028]  }
0x486: {  	v7 =	vld [tilespmem:s12+$0x10038]  }
0x487: {  	v9 =	vld [tilespmem:s12+$0x10048];
	v2 =	vshll.u32 v2, $0x7  }
0x488: {  	v12 =	vld [tilespmem:s12+$0x10068];
	v2 =	vadd.s32 v2, v3  }
0x489: {  	v13 =	vld [tilespmem:s12+$0x10818];
	v2 =	vadd.s32 $0x41, v2  }
0x48a: {  	[tilespmem:s12+$0x11078] =	vst v2;
	v2 =	vld [tilespmem:s12+$0x10808]  }
0x48b: {  	v3 =	vld [tilespmem:s12+$0x10058]  }
0x48c: {  	v11 =	vld [tilespmem:s12+$0x10828]  }
0x48d: {  	v8 =	vld [tilespmem:s12+$0x10838];
	v14 =	vshll.u32 v4, $0x7  }
0x48e: {  	v15 =	vshll.u32 v5, $0x7;
	v10 =	vshll.u32 v6, $0x7;
	v6 =	vshll.u32 v7, $0x7;
	v7 =	vld [tilespmem:s12+$0x10848]  }
0x48f: {  	v4 =	vshll.u32 v9, $0x7;
	v5 =	vld [tilespmem:s12+$0x10858];
	v13 =	vadd.s32 v15, v13;
	v9 =	vadd.s32 v14, v2  }
0x490: {  	s14 =	simm.s32 $0x80;
	s16 =	simm.s32 $0x400;
	v3 =	vshll.u32 v3, $0x7;
	v2 =	vshll.u32 v12, $0x7;
	v12 =	vadd.s32 $0x41, v9;
	v9 =	vld [tilespmem:s12+$0x10868]  }
.LBB3_24:
0x491: {  	p1 =	sne.s32 s16, $0x1E00;
	v14 =	vld [tilespmem:s14+$0x10078];
	[tilespmem:s12+$0x11008] =	vst v12;
	v12 =	vadd.s32 $0x41, v13;
	v10 =	vadd.s32 v10, v11  }
0x492: {  	v11 =	vld [tilespmem:s14+$0x10878];
	[tilespmem:s12+$0x11018] =	vst v12;
	v10 =	vadd.s32 $0x41, v10;
	v6 =	vadd.s32 v6, v8  }
0x493: {  	v8 =	vld [tilespmem:s14+$0x10008];
	[tilespmem:s12+$0x11028] =	vst v10;
	v6 =	vadd.s32 $0x41, v6;
	v4 =	vadd.s32 v4, v7  }
0x494: {  	v7 =	vld [tilespmem:s14+$0x10018];
	[tilespmem:s12+$0x11038] =	vst v6;
	v4 =	vadd.s32 $0x41, v4;
	v3 =	vadd.s32 v3, v5  }
0x495: {  	v5 =	vld [tilespmem:s14+$0x10028];
	[tilespmem:s12+$0x11048] =	vst v4;
	v3 =	vadd.s32 $0x41, v3;
	v2 =	vadd.s32 v2, v9  }
0x496: {  	v4 =	vld [tilespmem:s14+$0x10038];
	v6 =	vshll.u32 v14, $0x7;
	[tilespmem:s12+$0x11058] =	vst v3;
	v2 =	vadd.s32 $0x41, v2  }
0x497: {  	v3 =	vld [tilespmem:s14+$0x10048];
	v6 =	vadd.s32 v6, v11;
	[tilespmem:s12+$0x11068] =	vst v2;
	s12 =	smov.u32 s14  }
0x498: {  	v9 =	vshll.u32 v8, $0x7;
	v2 =	vld [tilespmem:s12+$0x10058];
	v6 =	vadd.s32 $0x41, v6  }
0x499: {  	v13 =	vshll.u32 v7, $0x7;
	v12 =	vld [tilespmem:s12+$0x10068];
	[tilespmem:s12+$0x11078] =	vst v6  }
0x49a: {  	v14 =	vld [tilespmem:s12+$0x10808];
	v10 =	vshll.u32 v5, $0x7  }
0x49b: {  	v15 =	vld [tilespmem:s12+$0x10818];
	v6 =	vshll.u32 v4, $0x7  }
.Ltmp11:
0x49c: {  	v11 =	vld [tilespmem:s12+$0x10828];
	v4 =	vshll.u32 v3, $0x7;
	(pc) =	sbr.rel @p1 .LBB3_24-.Ltmp11, $4  }
0x49d: {  	v8 =	vld [tilespmem:s12+$0x10838];
	v3 =	vshll.u32 v2, $0x7  }
0x49e: {  	v7 =	vld [tilespmem:s12+$0x10848];
	v2 =	vshll.u32 v12, $0x7  }
0x49f: {  	v9 =	vadd.s32 v9, v14;
	v5 =	vld [tilespmem:s12+$0x10858]  }
0x4a0: {  	s14 =	sshra.s32 s16, $0x2;
	s16 =	sadd.s32 $0x200, s16;
	v12 =	vadd.s32 $0x41, v9;
	v13 =	vadd.s32 v13, v15;
	v9 =	vld [tilespmem:s12+$0x10868]  }
0x4a1: {  	v14 =	vld [tilespmem:s14+$0x10078];
	[tilespmem:s12+$0x11008] =	vst v12;
	v52 =	vadd.s32 $0x41, v13;
	v10 =	vadd.s32 v10, v11  }
0x4a2: {  	v53 =	vld [tilespmem:s14+$0x10878];
	[tilespmem:s12+$0x11018] =	vst v52;
	v10 =	vadd.s32 $0x41, v10;
	v6 =	vadd.s32 v6, v8  }
0x4a3: {  	v54 =	vld [tilespmem:s14+$0x10008];
	[tilespmem:s12+$0x11028] =	vst v10;
	v6 =	vadd.s32 $0x41, v6;
	v4 =	vadd.s32 v4, v7  }
0x4a4: {  	v55 =	vld [tilespmem:s14+$0x10018];
	[tilespmem:s12+$0x11038] =	vst v6;
	v4 =	vadd.s32 $0x41, v4;
	v3 =	vadd.s32 v3, v5  }
0x4a5: {  	v6 =	vld [tilespmem:s14+$0x10028];
	[tilespmem:s12+$0x11048] =	vst v4;
	v3 =	vadd.s32 $0x41, v3;
	v2 =	vadd.s32 v2, v9  }
0x4a6: {  	v4 =	vld [tilespmem:s14+$0x10038];
	[tilespmem:s12+$0x11058] =	vst v3;
	v2 =	vadd.s32 $0x41, v2  }
0x4a7: {  	v56 =	vshll.u32 v14, $0x7;
	v3 =	vld [tilespmem:s14+$0x10048];
	[tilespmem:s12+$0x11068] =	vst v2  }
0x4a8: {  	v2 =	vadd.s32 v56, v53;
	v57 =	vld [tilespmem:s14+$0x10058]  }
0x4a9: {  	v2 =	vadd.s32 $0x41, v2;
	v58 =	vld [tilespmem:s14+$0x10068]  }
0x4aa: {  	[tilespmem:s14+$0x11078] =	vst v2;
	v2 =	vld [tilespmem:s14+$0x10808]  }
0x4ab: {  	v59 =	vld [tilespmem:s14+$0x10818]  }
0x4ac: {  	v10 =	vld [tilespmem:s14+$0x10828]  }
0x4ad: {  	v12 =	vld [tilespmem:s14+$0x10838]  }
0x4ae: {  	v11 =	vshll.u32 v54, $0x7;
	v60 =	vld [tilespmem:s14+$0x10848]  }
0x4af: {  	v61 =	vld [tilespmem:s14+$0x10858];
	v8 =	vshll.u32 v55, $0x7;
	v2 =	vadd.s32 v11, v2  }
0x4b0: {  	v62 =	vld [tilespmem:s14+$0x10868];
	v6 =	vshll.u32 v6, $0x7;
	v8 =	vadd.s32 v8, v59;
	v2 =	vadd.s32 $0x41, v2  }
0x4b1: {  	v4 =	vshll.u32 v4, $0x7;
	v6 =	vadd.s32 v6, v10;
	[tilespmem:s14+$0x11008] =	vst v2;
	v2 =	vadd.s32 $0x41, v8  }
0x4b2: {  	v3 =	vshll.u32 v3, $0x7;
	v4 =	vadd.s32 v4, v12;
	[tilespmem:s14+$0x11018] =	vst v2;
	v2 =	vadd.s32 $0x41, v6  }
0x4b3: {  	v5 =	vshll.u32 v57, $0x7;
	v3 =	vadd.s32 v3, v60;
	[tilespmem:s14+$0x11028] =	vst v2;
	v2 =	vadd.s32 $0x41, v4  }
0x4b4: {  	v63 =	vshll.u32 v58, $0x7;
	[tilespmem:s14+$0x11038] =	vst v2;
	v2 =	vadd.s32 $0x41, v3;
	v3 =	vadd.s32 v5, v61  }
0x4b5: {  	[tilespmem:s14+$0x11048] =	vst v2;
	v2 =	vadd.s32 $0x41, v3;
	v3 =	vadd.s32 v63, v62  }
0x4b6: {  	[tilespmem:s14+$0x11058] =	vst v2;
	v2 =	vadd.s32 $0x41, v3  }
0x4b7: {  	[tilespmem:s14+$0x11068] =	vst v2  }
0x4b8: {  	[spmem:s3] =	stream.indirect.scatter.add.f32 [tilespmem:s13], [sflag:$0x1], $0x1, s11, s9, $0xb8;
	[tilespmem:$0x12908] =	vst v63  }
0x4b9: {  	_ =	swait.ge [sflag:s4], $0x80  }
0x4ba: {  	[sflag:s4] =	ssyncset.done $0x0  }
0x4bb: {  	[sflag:s4] =	ssyncadd.s32 $0xFFFFFF80  }
0x4bc: {  	[spmem:s3] =	stream.indirect.scatter.add.f32 [tilespmem:s13], [sflag:$0x1], $0x1, s15, s9, $0xb8;
	[tilespmem:$0x12908] =	vst v63  }
0x4bd: {  	_ =	swait.ge [sflag:s4], $0x80  }
0x4be: {  	[sflag:s4] =	ssyncset.done $0x0  }
0x4bf: {  	[sflag:s4] =	ssyncadd.s32 $0xFFFFFF80  }
0x4c0: {  	[spmem:s3] =	stream.indirect.scatter.add.f32 [tilespmem:s13], [sflag:$0x1], $0x1, s17, s9, $0xb8;
	[tilespmem:$0x12908] =	vst v63  }
0x4c1: {  	_ =	swait.ge [sflag:s4], $0x80  }
0x4c2: {  	[sflag:s4] =	ssyncset.done $0x0  }
0x4c3: {  	[sflag:s4] =	ssyncadd.s32 $0xFFFFFF80  }
0x4c4: {  	[spmem:s3] =	stream.indirect.scatter.add.f32 [tilespmem:s13], [sflag:$0x1], $0x1, s18, s9, $0xb8;
	[tilespmem:$0x12908] =	vst v63  }
0x4c5: {  	_ =	swait.ge [sflag:s4], $0x80  }
0x4c6: {  	[sflag:s4] =	ssyncset.done $0x0  }
0x4c7: {  	[sflag:s4] =	ssyncadd.s32 $0xFFFFFF80  }
0x4c8: {  	[spmem:s3] =	stream.indirect.scatter.add.f32 [tilespmem:s13], [sflag:$0x1], $0x1, s20, s9, $0xb8;
	[tilespmem:$0x12908] =	vst v63  }
0x4c9: {  	_ =	swait.ge [sflag:s4], $0x80  }
0x4ca: {  	[sflag:s4] =	ssyncset.done $0x0  }
0x4cb: {  	[sflag:s4] =	ssyncadd.s32 $0xFFFFFF80  }
0x4cc: {  	[spmem:s3] =	stream.indirect.scatter.add.f32 [tilespmem:s13], [sflag:$0x1], $0x1, s21, s9, $0xb8;
	[tilespmem:$0x12908] =	vst v63  }
0x4cd: {  	_ =	swait.ge [sflag:s4], $0x80  }
0x4ce: {  	[sflag:s4] =	ssyncset.done $0x0  }
0x4cf: {  	[sflag:s4] =	ssyncadd.s32 $0xFFFFFF80  }
0x4d0: {  	[spmem:s3] =	stream.indirect.scatter.add.f32 [tilespmem:s13], [sflag:$0x1], $0x1, s22, s9, $0xb8;
	[tilespmem:$0x12908] =	vst v63  }
0x4d1: {  	_ =	swait.ge [sflag:s4], $0x80  }
0x4d2: {  	[sflag:s4] =	ssyncset.done $0x0  }
0x4d3: {  	[sflag:s4] =	ssyncadd.s32 $0xFFFFFF80  }
0x4d4: {  	[spmem:s3] =	stream.indirect.scatter.add.f32 [tilespmem:s13], [sflag:$0x1], $0x1, s5, s9, $0xb8;
	[tilespmem:$0x12908] =	vst v63  }
0x4d5: {  	_ =	swait.ge [sflag:s4], $0x80  }
0x4d6: {  	[sflag:s4] =	ssyncset.done $0x0  }
0x4d7: {  	[sflag:s4] =	ssyncadd.s32 $0xFFFFFF80  }
0x4d8: {  	[spmem:s3] =	stream.indirect.scatter.add.f32 [tilespmem:s13], [sflag:$0x1], $0x1, s2, s9, $0xb8;
	[tilespmem:$0x12908] =	vst v63  }
0x4d9: {  	_ =	swait.ge [sflag:s4], $0x80  }
0x4da: {  	[sflag:s4] =	ssyncset.done $0x0  }
0x4db: {  	[sflag:s4] =	ssyncadd.s32 $0xFFFFFF80  }
0x4dc: {  	[spmem:s3] =	stream.indirect.scatter.add.f32 [tilespmem:s13], [sflag:$0x1], $0x1, s23, s9, $0xb8;
	[tilespmem:$0x12908] =	vst v63  }
0x4dd: {  	_ =	swait.ge [sflag:s4], $0x80  }
0x4de: {  	[sflag:s4] =	ssyncset.done $0x0  }
0x4df: {  	[sflag:s4] =	ssyncadd.s32 $0xFFFFFF80  }
0x4e0: {  	[spmem:s3] =	stream.indirect.scatter.add.f32 [tilespmem:s13], [sflag:$0x1], $0x1, s24, s9, $0xb8;
	[tilespmem:$0x12908] =	vst v63  }
0x4e1: {  	_ =	swait.ge [sflag:s4], $0x80  }
0x4e2: {  	[sflag:s4] =	ssyncset.done $0x0  }
0x4e3: {  	[sflag:s4] =	ssyncadd.s32 $0xFFFFFF80  }
0x4e4: {  	[spmem:s3] =	stream.indirect.scatter.add.f32 [tilespmem:s13], [sflag:$0x1], $0x1, s25, s9, $0xb8;
	[tilespmem:$0x12908] =	vst v63  }
0x4e5: {  	_ =	swait.ge [sflag:s4], $0x80  }
0x4e6: {  	[sflag:s4] =	ssyncset.done $0x0  }
0x4e7: {  	[sflag:s4] =	ssyncadd.s32 $0xFFFFFF80  }
0x4e8: {  	[spmem:s3] =	stream.indirect.scatter.add.f32 [tilespmem:s13], [sflag:$0x1], $0x1, s26, s9, $0xb8;
	[tilespmem:$0x12908] =	vst v63  }
0x4e9: {  	_ =	swait.ge [sflag:s4], $0x80  }
0x4ea: {  	[sflag:s4] =	ssyncset.done $0x0  }
0x4eb: {  	[sflag:s4] =	ssyncadd.s32 $0xFFFFFF80  }
0x4ec: {  	[spmem:s3] =	stream.indirect.scatter.add.f32 [tilespmem:s13], [sflag:$0x1], $0x1, s28, s9, $0xb8;
	[tilespmem:$0x12908] =	vst v63  }
0x4ed: {  	_ =	swait.ge [sflag:s4], $0x80  }
0x4ee: {  	[sflag:s4] =	ssyncset.done $0x0  }
0x4ef: {  	[sflag:s4] =	ssyncadd.s32 $0xFFFFFF80  }
0x4f0: {  	[spmem:s3] =	stream.indirect.scatter.add.f32 [tilespmem:s13], [sflag:$0x1], $0x1, s29, s9, $0xb8;
	[tilespmem:$0x12908] =	vst v63  }
0x4f1: {  	_ =	swait.ge [sflag:s4], $0x80  }
0x4f2: {  	[sflag:s4] =	ssyncset.done $0x0  }
0x4f3: {  	[sflag:s4] =	ssyncadd.s32 $0xFFFFFF80  }
0x4f4: {  	[spmem:s3] =	stream.indirect.scatter.add.f32 [tilespmem:s13], [sflag:$0x1], $0x1, s30, s9, $0xb8;
	[tilespmem:$0x12908] =	vst v63  }
.Ltmp12:
0x4f5: {  	_ =	swait.ge [sflag:s4], $0x80;
	(pc) =	sbr.rel @!p0 .LBB3_27-.Ltmp12, $3  }
0x4f6: {  	[sflag:s4] =	ssyncset.done $0x0  }
0x4f7: {  	[sflag:s4] =	ssyncadd.s32 $0xFFFFFF80  }
0x4f8: {  	[bflag:$0x0] =	sbarrier.arrive $0xFFFF;
	_ =	sdelay $0x1  }
0x4f9: {  	s12 =	rddreg [dreg:$0x1d]  }
0x4fa: {  	[hbm:s12], [sflag:s10] =	dma.local [spmem:s0], $0x2000  }
0x4fb: {  	_ =	swait.ge [sflag:s4], $0x2000  }
0x4fc: {  	[sflag:s4] =	ssyncset.done $0x0  }
0x4fd: {  	[sflag:s4] =	ssyncadd.s32 $0xFFFFE000  }
0x4fe: {  	[spmem:s8] =	stream.linear.scatter [tilespmem:s6], [sflag:$0x1], $0x1000, $0x38;
	[tilespmem:$0x12908] =	vst v63  }
0x4ff: {  	_ =	swait.ge [sflag:s4], $0x1000  }
0x500: {  	s16 =	sld [smem:$0x7F1]  }
0x501: {  	[sflag:s4] =	ssyncset.done $0x0  }
0x502: {  	[sflag:s4] =	ssyncadd.s32 $0xFFFFF000  }
0x503: {  	[spmem:s16] =	stream.linear.scatter [tilespmem:s6], [sflag:$0x1], $0x1000, $0x38;
	[tilespmem:$0x12908] =	vst v63  }
0x504: {  	_ =	swait.ge [sflag:s4], $0x1000  }
0x505: {  	s10 =	sld [smem:$0x7F2]  }
0x506: {  	[sflag:s4] =	ssyncset.done $0x0  }
0x507: {  	[sflag:s4] =	ssyncadd.s32 $0xFFFFF000  }
0x508: {  	[spmem:s10] =	stream.linear.scatter [tilespmem:s6], [sflag:$0x1], $0x1000, $0x38;
	[tilespmem:$0x12908] =	vst v63  }
0x509: {  	_ =	swait.ge [sflag:s4], $0x1000  }
0x50a: {  	s12 =	sld [smem:$0x7F3]  }
0x50b: {  	[sflag:s4] =	ssyncset.done $0x0  }
0x50c: {  	[sflag:s4] =	ssyncadd.s32 $0xFFFFF000  }
0x50d: {  	[spmem:s12] =	stream.linear.scatter [tilespmem:s6], [sflag:$0x1], $0x1000, $0x38;
	[tilespmem:$0x12908] =	vst v63  }
0x50e: {  	_ =	swait.ge [sflag:s4], $0x1000  }
0x50f: {  	s14 =	sld [smem:$0x7F4]  }
0x510: {  	[sflag:s4] =	ssyncset.done $0x0  }
0x511: {  	[sflag:s4] =	ssyncadd.s32 $0xFFFFF000  }
0x512: {  	[spmem:s14] =	stream.linear.scatter [tilespmem:s6], [sflag:$0x1], $0x1000, $0x38;
	[tilespmem:$0x12908] =	vst v63  }
0x513: {  	_ =	swait.ge [sflag:s4], $0x1000  }
0x514: {  	s16 =	sld [smem:$0x7F5]  }
0x515: {  	[sflag:s4] =	ssyncset.done $0x0  }
0x516: {  	[sflag:s4] =	ssyncadd.s32 $0xFFFFF000  }
0x517: {  	[spmem:s16] =	stream.linear.scatter [tilespmem:s6], [sflag:$0x1], $0x1000, $0x38;
	[tilespmem:$0x12908] =	vst v63  }
0x518: {  	_ =	swait.ge [sflag:s4], $0x1000  }
0x519: {  	s10 =	sld [smem:$0x7F6]  }
0x51a: {  	[sflag:s4] =	ssyncset.done $0x0  }
0x51b: {  	[sflag:s4] =	ssyncadd.s32 $0xFFFFF000  }
0x51c: {  	[spmem:s10] =	stream.linear.scatter [tilespmem:s6], [sflag:$0x1], $0x1000, $0x38;
	[tilespmem:$0x12908] =	vst v63  }
0x51d: {  	_ =	swait.ge [sflag:s4], $0x1000  }
0x51e: {  	s12 =	sld [smem:$0x7F7]  }
0x51f: {  	[sflag:s4] =	ssyncset.done $0x0  }
0x520: {  	[sflag:s4] =	ssyncadd.s32 $0xFFFFF000  }
0x521: {  	[spmem:s12] =	stream.linear.scatter [tilespmem:s6], [sflag:$0x1], $0x1000, $0x38;
	[tilespmem:$0x12908] =	vst v63  }
0x522: {  	_ =	swait.ge [sflag:s4], $0x1000  }
0x523: {  	s14 =	sld [smem:$0x7F8]  }
0x524: {  	[sflag:s4] =	ssyncset.done $0x0  }
0x525: {  	[sflag:s4] =	ssyncadd.s32 $0xFFFFF000  }
0x526: {  	[spmem:s14] =	stream.linear.scatter [tilespmem:s6], [sflag:$0x1], $0x1000, $0x38;
	[tilespmem:$0x12908] =	vst v63  }
0x527: {  	_ =	swait.ge [sflag:s4], $0x1000  }
0x528: {  	s16 =	sld [smem:$0x7F9]  }
0x529: {  	[sflag:s4] =	ssyncset.done $0x0  }
0x52a: {  	[sflag:s4] =	ssyncadd.s32 $0xFFFFF000  }
0x52b: {  	[spmem:s16] =	stream.linear.scatter [tilespmem:s6], [sflag:$0x1], $0x1000, $0x38;
	[tilespmem:$0x12908] =	vst v63  }
0x52c: {  	_ =	swait.ge [sflag:s4], $0x1000  }
0x52d: {  	s10 =	sld [smem:$0x7FA]  }
0x52e: {  	[sflag:s4] =	ssyncset.done $0x0  }
0x52f: {  	[sflag:s4] =	ssyncadd.s32 $0xFFFFF000  }
0x530: {  	[spmem:s10] =	stream.linear.scatter [tilespmem:s6], [sflag:$0x1], $0x1000, $0x38;
	[tilespmem:$0x12908] =	vst v63  }
0x531: {  	_ =	swait.ge [sflag:s4], $0x1000  }
0x532: {  	s12 =	sld [smem:$0x7FB]  }
0x533: {  	[sflag:s4] =	ssyncset.done $0x0  }
0x534: {  	[sflag:s4] =	ssyncadd.s32 $0xFFFFF000  }
0x535: {  	[spmem:s12] =	stream.linear.scatter [tilespmem:s6], [sflag:$0x1], $0x1000, $0x38;
	[tilespmem:$0x12908] =	vst v63  }
0x536: {  	_ =	swait.ge [sflag:s4], $0x1000  }
0x537: {  	s14 =	sld [smem:$0x7FC]  }
0x538: {  	[sflag:s4] =	ssyncset.done $0x0  }
0x539: {  	[sflag:s4] =	ssyncadd.s32 $0xFFFFF000  }
0x53a: {  	[spmem:s14] =	stream.linear.scatter [tilespmem:s6], [sflag:$0x1], $0x1000, $0x38;
	[tilespmem:$0x12908] =	vst v63  }
0x53b: {  	_ =	swait.ge [sflag:s4], $0x1000  }
0x53c: {  	s16 =	sld [smem:$0x7FD]  }
0x53d: {  	[sflag:s4] =	ssyncset.done $0x0  }
0x53e: {  	[sflag:s4] =	ssyncadd.s32 $0xFFFFF000  }
0x53f: {  	[spmem:s16] =	stream.linear.scatter [tilespmem:s6], [sflag:$0x1], $0x1000, $0x38;
	[tilespmem:$0x12908] =	vst v63  }
0x540: {  	_ =	swait.ge [sflag:s4], $0x1000  }
0x541: {  	[sflag:s4] =	ssyncset.done $0x0  }
0x542: {  	[sflag:s4] =	ssyncadd.s32 $0xFFFFF000  }
0x543: {  	[spmem:s19] =	stream.linear.scatter [tilespmem:s6], [sflag:$0x1], $0x1000, $0x38;
	[tilespmem:$0x12908] =	vst v63  }
0x544: {  	_ =	swait.ge [sflag:s4], $0x1000  }
0x545: {  	[sflag:s4] =	ssyncset.done $0x0  }
0x546: {  	[sflag:s4] =	ssyncadd.s32 $0xFFFFF000  }
0x547: {  	[spmem:s1] =	stream.linear.scatter [tilespmem:s6], [sflag:$0x1], $0x1000, $0x38;
	[tilespmem:$0x12908] =	vst v63  }
0x548: {  	_ =	swait.ge [sflag:s4], $0x1000  }
0x549: {  	[sflag:s4] =	ssyncset.done $0x0  }
0x54a: {  	[sflag:s4] =	ssyncadd.s32 $0xFFFFF000  }
.LBB3_27:
0x54b: {  	[bflag:$0x0] =	sbarrier.arrive $0xFFFF  }
0x54c: {  	s0 =	simm.s32 $0x0;
	s10 =	rddreg [dreg:$0x1e]  }
0x54d: {  	[tilespmem:s7], [sflag:$0x1] =	stream.linear.gather [hbm4b:s10+s0], $0x800, $0x38;
	[tilespmem:$0x12908] =	vst v63  }
0x54e: {  	_ =	swait.ge [sflag:s4], $0x800  }
0x54f: {  	[sflag:s4] =	ssyncset.done $0x0  }
0x550: {  	s0 =	simm.s32 $0x0;
	[sflag:s4] =	ssyncadd.s32 $0xFFFFF800  }
0x551: {  	v2 =	vld [tilespmem:s0+$0x10078]  }
0x552: {  	v3 =	vld [tilespmem:s0+$0x10878]  }
0x553: {  	v4 =	vld [tilespmem:s0+$0x10008]  }
0x554: {  	v5 =	vld [tilespmem:s0+$0x10018]  }
0x555: {  	v6 =	vld [tilespmem:s0+$0x10028]  }
0x556: {  	v8 =	vld [tilespmem:s0+$0x10038]  }
0x557: {  	v11 =	vld [tilespmem:s0+$0x10048]  }
0x558: {  	v10 =	vld [tilespmem:s0+$0x10808]  }
0x559: {  	v12 =	vld [tilespmem:s0+$0x10818];
	v2 =	vshll.u32 v2, $0x7  }
0x55a: {  	v2 =	vadd.s32 v3, v2;
	v3 =	vld [tilespmem:s0+$0x10058]  }
0x55b: {  	[tilespmem:s0+$0x11078] =	vst v2;
	v2 =	vld [tilespmem:s0+$0x10068]  }
0x55c: {  	v9 =	vld [tilespmem:s0+$0x10828]  }
0x55d: {  	v7 =	vld [tilespmem:s0+$0x10838]  }
0x55e: {  	v13 =	vshll.u32 v4, $0x7;
	v4 =	vld [tilespmem:s0+$0x10848];
	v14 =	vshll.u32 v5, $0x7;
	v8 =	vshll.u32 v8, $0x7  }
0x55f: {  	v5 =	vld [tilespmem:s0+$0x10858];
	v13 =	vadd.s32 v10, v13;
	v10 =	vshll.u32 v6, $0x7;
	v6 =	vshll.u32 v11, $0x7  }
0x560: {  	s12 =	simm.s32 $0x400;
	s10 =	simm.s32 $0x80;
	v12 =	vadd.s32 v12, v14;
	v11 =	vld [tilespmem:s0+$0x10868];
	[tilespmem:s0+$0x11008] =	vst v13;
	v3 =	vshll.u32 v3, $0x7;
	v2 =	vshll.u32 v2, $0x7  }
.LBB3_28:
0x561: {  	p1 =	sne.s32 s12, $0x1E00;
	v13 =	vld [tilespmem:s10+$0x10078];
	[tilespmem:s0+$0x11018] =	vst v12;
	v9 =	vadd.s32 v9, v10  }
0x562: {  	v10 =	vld [tilespmem:s10+$0x10878];
	[tilespmem:s0+$0x11028] =	vst v9;
	v7 =	vadd.s32 v7, v8  }
0x563: {  	v8 =	vld [tilespmem:s10+$0x10008];
	[tilespmem:s0+$0x11038] =	vst v7;
	v4 =	vadd.s32 v4, v6  }
0x564: {  	v6 =	vld [tilespmem:s10+$0x10018];
	[tilespmem:s0+$0x11048] =	vst v4;
	v3 =	vadd.s32 v5, v3  }
0x565: {  	v4 =	vld [tilespmem:s10+$0x10028];
	[tilespmem:s0+$0x11058] =	vst v3;
	v2 =	vadd.s32 v11, v2  }
0x566: {  	v3 =	vld [tilespmem:s10+$0x10038];
	v5 =	vshll.u32 v13, $0x7;
	[tilespmem:s0+$0x11068] =	vst v2;
	s0 =	smov.u32 s10  }
0x567: {  	v2 =	vld [tilespmem:s0+$0x10048];
	v5 =	vadd.s32 v10, v5  }
0x568: {  	v11 =	vshll.u32 v8, $0x7;
	v12 =	vld [tilespmem:s0+$0x10058];
	[tilespmem:s0+$0x11078] =	vst v5  }
0x569: {  	v13 =	vshll.u32 v6, $0x7;
	v5 =	vld [tilespmem:s0+$0x10068]  }
0x56a: {  	v14 =	vld [tilespmem:s0+$0x10808];
	v10 =	vshll.u32 v4, $0x7  }
0x56b: {  	v15 =	vld [tilespmem:s0+$0x10818];
	v8 =	vshll.u32 v3, $0x7  }
.Ltmp13:
0x56c: {  	v9 =	vld [tilespmem:s0+$0x10828];
	v6 =	vshll.u32 v2, $0x7;
	(pc) =	sbr.rel @p1 .LBB3_28-.Ltmp13, $4  }
0x56d: {  	v7 =	vld [tilespmem:s0+$0x10838];
	v3 =	vshll.u32 v12, $0x7  }
0x56e: {  	v4 =	vld [tilespmem:s0+$0x10848];
	v2 =	vshll.u32 v5, $0x7  }
0x56f: {  	v11 =	vadd.s32 v14, v11;
	v5 =	vld [tilespmem:s0+$0x10858]  }
0x570: {  	s10 =	sshra.s32 s12, $0x2;
	s12 =	sadd.s32 $0x200, s12;
	[tilespmem:s0+$0x11008] =	vst v11;
	v12 =	vadd.s32 v15, v13;
	v11 =	vld [tilespmem:s0+$0x10868]  }
0x571: {  	v13 =	vld [tilespmem:s10+$0x10078];
	[tilespmem:s0+$0x11018] =	vst v12;
	v9 =	vadd.s32 v9, v10  }
0x572: {  	v54 =	vld [tilespmem:s10+$0x10878];
	[tilespmem:s0+$0x11028] =	vst v9;
	v7 =	vadd.s32 v7, v8  }
0x573: {  	v55 =	vld [tilespmem:s10+$0x10008];
	[tilespmem:s0+$0x11038] =	vst v7;
	v4 =	vadd.s32 v4, v6  }
0x574: {  	v56 =	vld [tilespmem:s10+$0x10018];
	[tilespmem:s0+$0x11048] =	vst v4;
	v3 =	vadd.s32 v5, v3  }
0x575: {  	v4 =	vld [tilespmem:s10+$0x10028];
	[tilespmem:s0+$0x11058] =	vst v3;
	v2 =	vadd.s32 v11, v2  }
0x576: {  	v3 =	vld [tilespmem:s10+$0x10038];
	[tilespmem:s0+$0x11068] =	vst v2  }
0x577: {  	v57 =	vld [tilespmem:s10+$0x10048]  }
0x578: {  	v7 =	vld [tilespmem:s10+$0x10058]  }
0x579: {  	v9 =	vld [tilespmem:s10+$0x10808]  }
0x57a: {  	v58 =	vld [tilespmem:s10+$0x10818]  }
0x57b: {  	v59 =	vld [tilespmem:s10+$0x10828]  }
0x57c: {  	v12 =	vld [tilespmem:s10+$0x10838]  }
0x57d: {  	v2 =	vshll.u32 v13, $0x7;
	v60 =	vld [tilespmem:s10+$0x10848]  }
0x57e: {  	v2 =	vadd.s32 v54, v2;
	v61 =	vld [tilespmem:s10+$0x10858];
	v8 =	vshll.u32 v55, $0x7  }
0x57f: {  	[tilespmem:s10+$0x11078] =	vst v2;
	v2 =	vld [tilespmem:s10+$0x10068];
	v6 =	vshll.u32 v56, $0x7;
	v8 =	vadd.s32 v9, v8  }
0x580: {  	v62 =	vld [tilespmem:s10+$0x10868];
	v4 =	vshll.u32 v4, $0x7;
	v6 =	vadd.s32 v58, v6;
	[tilespmem:s10+$0x11008] =	vst v8  }
0x581: {  	v3 =	vshll.u32 v3, $0x7;
	v4 =	vadd.s32 v59, v4;
	[tilespmem:s10+$0x11018] =	vst v6  }
0x582: {  	v5 =	vshll.u32 v57, $0x7;
	v3 =	vadd.s32 v12, v3;
	[tilespmem:s10+$0x11028] =	vst v4  }
0x583: {  	v63 =	vshll.u32 v7, $0x7;
	[tilespmem:s10+$0x11038] =	vst v3;
	v3 =	vadd.s32 v60, v5  }
0x584: {  	v2 =	vshll.u32 v2, $0x7;
	[tilespmem:s10+$0x11048] =	vst v3;
	v3 =	vadd.s32 v61, v63  }
0x585: {  	v2 =	vadd.s32 v62, v2;
	[tilespmem:s10+$0x11058] =	vst v3  }
0x586: {  	[tilespmem:s10+$0x11068] =	vst v2  }
0x587: {  	[spmem:s3] =	stream.indirect.scatter.add.f32 [tilespmem:s13], [sflag:$0x1], $0x1, s11, s9, $0xb8;
	[tilespmem:$0x12908] =	vst v63  }
0x588: {  	_ =	swait.ge [sflag:s4], $0x80  }
0x589: {  	[sflag:s4] =	ssyncset.done $0x0  }
0x58a: {  	[sflag:s4] =	ssyncadd.s32 $0xFFFFFF80  }
0x58b: {  	[spmem:s3] =	stream.indirect.scatter.add.f32 [tilespmem:s13], [sflag:$0x1], $0x1, s15, s9, $0xb8;
	[tilespmem:$0x12908] =	vst v63  }
0x58c: {  	_ =	swait.ge [sflag:s4], $0x80  }
0x58d: {  	[sflag:s4] =	ssyncset.done $0x0  }
0x58e: {  	[sflag:s4] =	ssyncadd.s32 $0xFFFFFF80  }
0x58f: {  	[spmem:s3] =	stream.indirect.scatter.add.f32 [tilespmem:s13], [sflag:$0x1], $0x1, s17, s9, $0xb8;
	[tilespmem:$0x12908] =	vst v63  }
0x590: {  	_ =	swait.ge [sflag:s4], $0x80  }
0x591: {  	[sflag:s4] =	ssyncset.done $0x0  }
0x592: {  	[sflag:s4] =	ssyncadd.s32 $0xFFFFFF80  }
0x593: {  	[spmem:s3] =	stream.indirect.scatter.add.f32 [tilespmem:s13], [sflag:$0x1], $0x1, s18, s9, $0xb8;
	[tilespmem:$0x12908] =	vst v63  }
0x594: {  	_ =	swait.ge [sflag:s4], $0x80  }
0x595: {  	[sflag:s4] =	ssyncset.done $0x0  }
0x596: {  	[sflag:s4] =	ssyncadd.s32 $0xFFFFFF80  }
0x597: {  	[spmem:s3] =	stream.indirect.scatter.add.f32 [tilespmem:s13], [sflag:$0x1], $0x1, s20, s9, $0xb8;
	[tilespmem:$0x12908] =	vst v63  }
0x598: {  	_ =	swait.ge [sflag:s4], $0x80  }
0x599: {  	[sflag:s4] =	ssyncset.done $0x0  }
0x59a: {  	[sflag:s4] =	ssyncadd.s32 $0xFFFFFF80  }
0x59b: {  	[spmem:s3] =	stream.indirect.scatter.add.f32 [tilespmem:s13], [sflag:$0x1], $0x1, s21, s9, $0xb8;
	[tilespmem:$0x12908] =	vst v63  }
0x59c: {  	_ =	swait.ge [sflag:s4], $0x80  }
0x59d: {  	[sflag:s4] =	ssyncset.done $0x0  }
0x59e: {  	[sflag:s4] =	ssyncadd.s32 $0xFFFFFF80  }
0x59f: {  	[spmem:s3] =	stream.indirect.scatter.add.f32 [tilespmem:s13], [sflag:$0x1], $0x1, s22, s9, $0xb8;
	[tilespmem:$0x12908] =	vst v63  }
0x5a0: {  	_ =	swait.ge [sflag:s4], $0x80  }
0x5a1: {  	[sflag:s4] =	ssyncset.done $0x0  }
0x5a2: {  	[sflag:s4] =	ssyncadd.s32 $0xFFFFFF80  }
0x5a3: {  	[spmem:s3] =	stream.indirect.scatter.add.f32 [tilespmem:s13], [sflag:$0x1], $0x1, s5, s9, $0xb8;
	[tilespmem:$0x12908] =	vst v63  }
0x5a4: {  	_ =	swait.ge [sflag:s4], $0x80  }
0x5a5: {  	[sflag:s4] =	ssyncset.done $0x0  }
0x5a6: {  	[sflag:s4] =	ssyncadd.s32 $0xFFFFFF80  }
0x5a7: {  	[spmem:s3] =	stream.indirect.scatter.add.f32 [tilespmem:s13], [sflag:$0x1], $0x1, s2, s9, $0xb8;
	[tilespmem:$0x12908] =	vst v63  }
0x5a8: {  	_ =	swait.ge [sflag:s4], $0x80  }
0x5a9: {  	[sflag:s4] =	ssyncset.done $0x0  }
0x5aa: {  	[sflag:s4] =	ssyncadd.s32 $0xFFFFFF80  }
0x5ab: {  	[spmem:s3] =	stream.indirect.scatter.add.f32 [tilespmem:s13], [sflag:$0x1], $0x1, s23, s9, $0xb8;
	[tilespmem:$0x12908] =	vst v63  }
0x5ac: {  	_ =	swait.ge [sflag:s4], $0x80  }
0x5ad: {  	[sflag:s4] =	ssyncset.done $0x0  }
0x5ae: {  	[sflag:s4] =	ssyncadd.s32 $0xFFFFFF80  }
0x5af: {  	[spmem:s3] =	stream.indirect.scatter.add.f32 [tilespmem:s13], [sflag:$0x1], $0x1, s24, s9, $0xb8;
	[tilespmem:$0x12908] =	vst v63  }
0x5b0: {  	_ =	swait.ge [sflag:s4], $0x80  }
0x5b1: {  	[sflag:s4] =	ssyncset.done $0x0  }
0x5b2: {  	[sflag:s4] =	ssyncadd.s32 $0xFFFFFF80  }
0x5b3: {  	[spmem:s3] =	stream.indirect.scatter.add.f32 [tilespmem:s13], [sflag:$0x1], $0x1, s25, s9, $0xb8;
	[tilespmem:$0x12908] =	vst v63  }
0x5b4: {  	_ =	swait.ge [sflag:s4], $0x80  }
0x5b5: {  	[sflag:s4] =	ssyncset.done $0x0  }
0x5b6: {  	[sflag:s4] =	ssyncadd.s32 $0xFFFFFF80  }
0x5b7: {  	[spmem:s3] =	stream.indirect.scatter.add.f32 [tilespmem:s13], [sflag:$0x1], $0x1, s26, s9, $0xb8;
	[tilespmem:$0x12908] =	vst v63  }
0x5b8: {  	_ =	swait.ge [sflag:s4], $0x80  }
0x5b9: {  	[sflag:s4] =	ssyncset.done $0x0  }
0x5ba: {  	[sflag:s4] =	ssyncadd.s32 $0xFFFFFF80  }
0x5bb: {  	[spmem:s3] =	stream.indirect.scatter.add.f32 [tilespmem:s13], [sflag:$0x1], $0x1, s28, s9, $0xb8;
	[tilespmem:$0x12908] =	vst v63  }
0x5bc: {  	_ =	swait.ge [sflag:s4], $0x80  }
0x5bd: {  	[sflag:s4] =	ssyncset.done $0x0  }
0x5be: {  	[sflag:s4] =	ssyncadd.s32 $0xFFFFFF80  }
0x5bf: {  	[spmem:s3] =	stream.indirect.scatter.add.f32 [tilespmem:s13], [sflag:$0x1], $0x1, s29, s9, $0xb8;
	[tilespmem:$0x12908] =	vst v63  }
0x5c0: {  	_ =	swait.ge [sflag:s4], $0x80  }
0x5c1: {  	[sflag:s4] =	ssyncset.done $0x0  }
0x5c2: {  	[sflag:s4] =	ssyncadd.s32 $0xFFFFFF80  }
0x5c3: {  	[spmem:s3] =	stream.indirect.scatter.add.f32 [tilespmem:s13], [sflag:$0x1], $0x1, s30, s9, $0xb8;
	[tilespmem:$0x12908] =	vst v63  }
0x5c4: {  	_ =	swait.ge [sflag:s4], $0x80  }
0x5c5: {  	[sflag:s4] =	ssyncset.done $0x0  }
0x5c6: {  	s0 =	stileid.u32;
	[sflag:s4] =	ssyncadd.s32 $0xFFFFFF80  }
0x5c7: {  	s0 =	sshll.u32 @p0 s0, $0x6;
	[bflag:$0x0] =	sbarrier.arrive $0xFFFF  }
0x5c8: {  	s0 =	sor.u32 @p0 $0x1C01, s0;
	s10 =	sshrl.u32 @p0 s8, $0x3;
	s12 =	rddreg [dreg:$0x1f]  }
0x5c9: {  	[hbm:s12], [sflag:s0] =	dma.local @p0 [spmem:s10], $0x2000  }
0x5ca: {  	s0 =	simm.s32 @p0 $0x1  }
0x5cb: {  	_ =	swait.ge @p0 [sflag:s0], $0x2000  }
0x5cc: {  	s16 =	sld [smem:$0x7F0];
	_ =	sdelay $0x1  }
0x5cd: {  	s31 =	sadd.s32 $0x1, s31  }
0x5ce: {  	p1 =	sne.s32 s31, s16  }
.Ltmp14:
0x5cf: {  	_ = 	snop;
	(pc) =	sbr.rel @p1 .LBB3_1-.Ltmp14, $3  }
0x5d0: {  	_ =	sdelay $0x1  }
0x5d1: {  	[sflag:s0] =	ssyncset.done @p0 $0x0  }
0x5d2: {  	[sflag:s0] =	ssyncadd.s32 @p0 $0xFFFFE000  }
0x5d3: {  	_ =	sfence.sel $0x180000  }
0x5d4: {  	[bflag:$0x0] =	sbarrier.arrive $0xFFFF  }
0x5d5: {  	_ =	strace $0x90000047  }
0x5d6: {  	s0 =	stileid.u32;
	[bflag:$0x2] =	sbarrier.arrive $0xFFFF  }
0x5d7: {  	p0 =	sne.s32 s0, $0x0;
	s0 =	rddreg [dreg:$0xe]  }
0x5d8: {  	s0 =	sadd.s32 @!p0 $0x100000, s0  }
0x5d9: {  	[sflag:s0] =	ssyncadd.tile.s32 @!p0 $0x1;
	_ =	shalt  }
.Lfunc_end3:
_tile_overlayer_lowered:
.L_overlay_start_3:
0x5da: {  	(tag) =	ssettag $0x3  }
0x5db: {  	s0 =	rddreg [dreg:$0x0];
	s2 =	stileid.u32  }
0x5dc: {  	s1 =	rddreg [dreg:$0x1];
	p0 =	sne.s32 s2, $0x0  }
0x5dd: {  	s3 =	rddreg [dreg:$0x2];
	[bflag:$0x3] =	sbarrier.arrive $0xFFFF;
	s2 =	simm.s32 @!p0 $0x1C01  }
0x5de: {  	[timem:s3], [sflag:s2] =	dma.local @!p0 [hbm:s0], s1  }
0x5df: {  	s0 =	simm.s32 @!p0 $0x1  }
0x5e0: {  	_ =	swait.ge @!p0 [sflag:s0], s1  }
0x5e1: {  	s1 =	ssub.s32 @!p0 $0x0, s1;
	[sflag:s0] =	ssyncset.done @!p0 $0x0  }
0x5e2: {  	[sflag:s0] =	ssyncadd.s32 @!p0 s1  }
0x5e3: {  	[bflag:$0x3] =	sbarrier.arrive $0xFFFF  }
0x5e4: {  	_ =	shalt  }

</sc_bundles>
